<compile_context>
chip_gen: v7x
topology: tpu7x:2x2x1
jax: 0.10.2.dev20260603
libtpu: 0.0.44.dev20260713+nightly
codegen_flags: <defaults>
</compile_context>

<pallas_src>
import functools

import jax
import jax.numpy as jnp
from jax import lax
from jax.experimental import pallas as pl
from jax.experimental.pallas import tpu as pltpu
from jax.experimental.pallas import tpu_sc as plsc

_K = 50
_N = 200
_W = 64
_B = 1024
_NW = 32
_NG = _N // 8
_MINKEY = -2147483648
_TC_B = 0


def _treemax(vs):
    vs = list(vs)
    while len(vs) > 1:
        nxt = [jnp.maximum(vs[i], vs[i + 1]) for i in range(0, len(vs) - 1, 2)]
        if len(vs) % 2:
            nxt.append(vs[-1])
        vs = nxt
    return vs[0]


def _sc_body(slabs, x_hbm, o_hbm, xv0, xv1, ov, *scr):
    wid = lax.axis_index("s") * 2 + lax.axis_index("c")
    iota = lax.iota(jnp.int32, 16)
    minkey = jnp.full((16,), _MINKEY, jnp.int32)

    ncg = _W // 16
    kvs = scr[0:ncg]
    gvs = scr[ncg:2 * ncg]
    sem0, sem1 = scr[2 * ncg], scr[2 * ncg + 1]
    sl = _N * _W

    def boff(s):
        return (_TC_B + wid * slabs + s) * sl

    def compute(s, xv):
        def build(g, _):
            for cg in range(ncg):
                ks = []
                for j in range(8):
                    n = g * 8 + j
                    v = xv[pl.ds(n * _W + cg * 16, 16)]
                    b = lax.bitcast_convert_type(v, jnp.int32)
                    t = b ^ (jnp.right_shift(b, 31) & 0x7FFFFFFF)
                    key = (t & -256) | (255 - n)
                    kvs[cg][pl.ds(n * 16, 16)] = key
                    ks.append(key)
                gvs[cg][pl.ds(g * 16, 16)] = _treemax(ks)
            return _

        lax.fori_loop(0, _NG, build, None)

        l2init = []
        for cg in range(ncg):
            for g in range(_NG, 32):
                gvs[cg][pl.ds(g * 16, 16)] = minkey
            l2init.append(tuple(
                _treemax([gvs[cg][pl.ds((sg * 8 + j) * 16, 16)]
                          for j in range(8)])
                for sg in range(4)))

        def extract(i, l2s):
            out = []
            for cg in range(ncg):
                l2 = l2s[cg]
                m = _treemax(l2)
                nn = 255 - (m & 255)
                val = plsc.load_gather(xv, [nn * _W + cg * 16 + iota])
                ov[pl.ds(i * _W + cg * 16, 16)] = val
                plsc.store_scatter(kvs[cg], [nn * 16 + iota], minkey)
                g = jnp.right_shift(nn, 3)
                sg = jnp.right_shift(nn, 6)
                b0 = g * 128 + iota
                ks = [plsc.load_gather(kvs[cg], [b0 + j * 16]) for j in range(8)]
                plsc.store_scatter(gvs[cg], [g * 16 + iota], _treemax(ks))
                b1 = sg * 128 + iota
                g1 = [plsc.load_gather(gvs[cg], [b1 + j * 16]) for j in range(8)]
                t2 = _treemax(g1)
                out.append(tuple(
                    jnp.where(sg == j, t2, l2[j]) for j in range(4)))
            return tuple(out)

        lax.fori_loop(0, _K, extract, tuple(l2init))
        pltpu.sync_copy(ov, o_hbm.at[pl.ds((wid * slabs + s) * (_K * _W), _K * _W)])

    pltpu.async_copy(x_hbm.at[pl.ds(boff(0), sl)], xv0, sem0)
    npairs = slabs // 2

    def pair(t, _):
        s0 = 2 * t
        pltpu.make_async_copy(x_hbm.at[pl.ds(boff(s0), sl)], xv0, sem0).wait()
        pltpu.async_copy(x_hbm.at[pl.ds(boff(s0 + 1), sl)], xv1, sem1)
        compute(s0, xv0)
        pltpu.make_async_copy(x_hbm.at[pl.ds(boff(s0 + 1), sl)], xv1, sem1).wait()

        @pl.when(t != npairs - 1)
        def _prefetch():
            pltpu.async_copy(x_hbm.at[pl.ds(boff(s0 + 2), sl)], xv0, sem0)

        compute(s0 + 1, xv1)
        return _

    lax.fori_loop(0, npairs, pair, None)


def _make_sc_topk(nb):
    return functools.partial(
        pl.kernel,
        out_type=jax.ShapeDtypeStruct((nb * _K * _W,), jnp.float32),
        mesh=plsc.VectorSubcoreMesh(core_axis_name="c", subcore_axis_name="s"),
        compiler_params=pltpu.CompilerParams(needs_layout_passes=False),
        scratch_types=(
            [
                pltpu.VMEM((_N * _W,), jnp.float32),
                pltpu.VMEM((_N * _W,), jnp.float32),
                pltpu.VMEM((_K * _W,), jnp.float32),
            ]
            + [pltpu.VMEM((_N * 16,), jnp.int32) for _ in range(4)]
            + [pltpu.VMEM((32 * 16,), jnp.int32) for _ in range(4)]
            + [pltpu.SemaphoreType.DMA, pltpu.SemaphoreType.DMA]
        ),
    )(functools.partial(_sc_body, nb // _NW))


_sc_topk = _make_sc_topk(_B - _TC_B)


def _tc_block(x_ref, o_ref):
    x = x_ref[...]
    g2 = x.shape[0]
    g = g2 // 2
    x = x.reshape(g, 2, _N, _W)
    y = jnp.concatenate([x[:, 0], x[:, 1]], axis=2)
    iota = jax.lax.broadcasted_iota(jnp.int32, y.shape, 1).astype(jnp.float32)
    neg = jnp.float32(-jnp.inf)
    big = jnp.float32(_N)
    outs = []
    for i in range(_K):
        m = jnp.max(y, axis=1, keepdims=True)
        outs.append(m)
        if i < _K - 1:
            idx = jnp.min(jnp.where(y == m, iota, big), axis=1, keepdims=True)
            y = jnp.where(iota == idx, neg, y)
    s = jnp.concatenate(outs, axis=1)
    s = jnp.stack([s[:, :, :_W], s[:, :, _W:]], axis=1)
    o_ref[...] = s.reshape(g2, _K, _W)


def _tc_topk(x, b):
    g2 = 8
    return pl.pallas_call(
        _tc_block,
        grid=(b // g2,),
        in_specs=[pl.BlockSpec((g2, _N, _W), lambda i: (i, 0, 0))],
        out_specs=pl.BlockSpec((g2, _K, _W), lambda i: (i, 0, 0)),
        out_shape=jax.ShapeDtypeStruct((b, _K, _W), jnp.float32),
        compiler_params=pltpu.CompilerParams(
            dimension_semantics=("arbitrary",),
        ),
    )(x)


def kernel(inputs):
    x = inputs.reshape(_B, _N, _W)
    out_sc = _sc_topk(x.reshape(-1)).reshape(_B - _TC_B, _K, _W)
    if _TC_B:
        out_tc = _tc_topk(x, _TC_B)
        out_sc = jnp.concatenate([out_tc, out_sc], axis=0)
    return out_sc.reshape(_B, _K, _W, 1)

# --- scband reference (transcript-rebuilt; emitter-appended) ---
"""Pipeline reference for scband-kmax-pooling-65429531787436 (READ-ONLY COPY).

The authoritative reference and input builder live on the scoring server;
editing this copy changes nothing except your own understanding.
"""

import jax, jax.numpy as jnp
import numpy as np

K = 50

def setup_inputs(seed: int = 0) -> dict:
    key = jax.random.key(seed)
    inputs = jax.random.normal(key, (1024, 200, 64, 1), dtype=jnp.float32)
    return {"inputs": inputs}

def reference(inputs):
    # KMaxPooling: transpose (0,3,2,1) -> top_k over last axis -> transpose back
    x = jnp.transpose(inputs, (0, 3, 2, 1))          # [B, C, W, N]
    x = jax.lax.top_k(x, K)[0]                        # [B, C, W, k] (sorted descending)
    x = jnp.transpose(x, (0, 3, 2, 1))                # [B, k, W, C]
    return x

if __name__ == "__main__":
    import jax
    _d = setup_inputs()
    print(jax.jit(kernel)(*tuple(_d.values())))

</pallas_src>

<mosaic_0001>
#map = affine_map<(d0, d1) -> (0)>
module attributes {stable_mosaic.version = 14 : i64} {
  func.func @_sc_body(%arg0: i32, %arg1: i32, %arg2: memref<13107200xf32, #tpu.memory_space<hbm>>, %arg3: memref<3276800xf32, #tpu.memory_space<hbm>>, %arg4: memref<12800xf32, #tpu.memory_space<vmem>>, %arg5: memref<12800xf32, #tpu.memory_space<vmem>>, %arg6: memref<3200xf32, #tpu.memory_space<vmem>>, %arg7: memref<3200xi32, #tpu.memory_space<vmem>>, %arg8: memref<3200xi32, #tpu.memory_space<vmem>>, %arg9: memref<3200xi32, #tpu.memory_space<vmem>>, %arg10: memref<3200xi32, #tpu.memory_space<vmem>>, %arg11: memref<512xi32, #tpu.memory_space<vmem>>, %arg12: memref<512xi32, #tpu.memory_space<vmem>>, %arg13: memref<512xi32, #tpu.memory_space<vmem>>, %arg14: memref<512xi32, #tpu.memory_space<vmem>>, %arg15: memref<!tpu.dma_semaphore, #tpu.memory_space<semaphore_mem>>, %arg16: memref<!tpu.dma_semaphore, #tpu.memory_space<semaphore_mem>>) attributes {dimension_semantics = [#tpu.dimension_semantics<core_parallel>, #tpu.dimension_semantics<subcore_parallel>], iteration_bounds = array<i64: 2, 16>, scalar_prefetch = 0 : i64, scratch_operands = 13 : i64, tpu.core_type = #tpu.core_type<sc_vector_subcore>, window_params = [{transform_indices = #map}, {transform_indices = #map}]} {
    %mul3A = arith.constant 2 : i32
    %mul3A_0 = arith.muli %arg1, %mul3A : i32
    %add3A = arith.addi %mul3A_0, %arg0 : i32
    %iota3A = tpu.iota {dimensions = array<i32: 0>} : vector<16xi32>
    %broadcast_in_dim3A = arith.constant -2147483648 : i32
    %broadcast_in_dim3A_1 = vector.broadcast %broadcast_in_dim3A : i32 to vector<16xi32>
    %mul3A_2 = arith.constant 32 : i32
    %mul3A_3 = arith.muli %add3A, %mul3A_2 : i32
    %add3A_4 = arith.constant 0 : i32
    %add3A_5 = arith.addi %add3A_4, %mul3A_3 : i32
    %add3A_6 = arith.constant 0 : i32
    %add3A_7 = arith.addi %add3A_5, %add3A_6 : i32
    %mul3A_8 = arith.constant 12800 : i32
    %mul3A_9 = arith.muli %add3A_7, %mul3A_8 : i32
    %dma_start3A = tpu.memref_slice %arg2[%mul3A_9] : memref<13107200xf32, #tpu.memory_space<hbm>> -> memref<12800xf32, #tpu.memory_space<hbm>>
    %dma_start3A_10 = tpu.memref_slice %arg2[%mul3A_9] : memref<13107200xf32, #tpu.memory_space<hbm>> -> memref<12800xf32, #tpu.memory_space<hbm>>
    tpu.enqueue_dma source(%dma_start3A_10 : memref<12800xf32, #tpu.memory_space<hbm>>) target(%arg4 : memref<12800xf32, #tpu.memory_space<vmem>>) target_semaphore(%arg15 : memref<!tpu.dma_semaphore, #tpu.memory_space<semaphore_mem>>)
    %scan3A = arith.constant 0 : i32
    %scan3A_11 = arith.constant 16 : i32
    %scan3A_12 = arith.addi %scan3A, %scan3A_11 : i32
    %scan3A_13 = arith.constant 1 : i32
    scf.for %scan3A_15 = %scan3A to %scan3A_12 step %scan3A_13  : i32 {
      %mul3A_16 = arith.constant 2 : i32
      %mul3A_17 = arith.muli %mul3A_16, %scan3A_15 : i32
      %mul3A_18 = arith.constant 32 : i32
      %mul3A_19 = arith.muli %add3A, %mul3A_18 : i32
      %add3A_20 = arith.constant 0 : i32
      %add3A_21 = arith.addi %add3A_20, %mul3A_19 : i32
      %add3A_22 = arith.addi %add3A_21, %mul3A_17 : i32
      %mul3A_23 = arith.constant 12800 : i32
      %mul3A_24 = arith.muli %add3A_22, %mul3A_23 : i32
      %dma_wait3A = tpu.memref_slice %arg2[%mul3A_24] : memref<13107200xf32, #tpu.memory_space<hbm>> -> memref<12800xf32, #tpu.memory_space<hbm>>
      %dma_wait3A_25 = tpu.memref_slice %arg2[%mul3A_24] : memref<13107200xf32, #tpu.memory_space<hbm>> -> memref<12800xf32, #tpu.memory_space<hbm>>
      tpu.wait_dma2 semaphore(%arg15 : memref<!tpu.dma_semaphore, #tpu.memory_space<semaphore_mem>>) src(%dma_wait3A_25 : memref<12800xf32, #tpu.memory_space<hbm>>) dst(%arg4 : memref<12800xf32, #tpu.memory_space<vmem>>)
      %add3A_26 = arith.constant 1 : i32
      %add3A_27 = arith.addi %mul3A_17, %add3A_26 : i32
      %mul3A_28 = arith.constant 32 : i32
      %mul3A_29 = arith.muli %add3A, %mul3A_28 : i32
      %add3A_30 = arith.constant 0 : i32
      %add3A_31 = arith.addi %add3A_30, %mul3A_29 : i32
      %add3A_32 = arith.addi %add3A_31, %add3A_27 : i32
      %mul3A_33 = arith.constant 12800 : i32
      %mul3A_34 = arith.muli %add3A_32, %mul3A_33 : i32
      %dma_start3A_35 = tpu.memref_slice %arg2[%mul3A_34] : memref<13107200xf32, #tpu.memory_space<hbm>> -> memref<12800xf32, #tpu.memory_space<hbm>>
      %dma_start3A_36 = tpu.memref_slice %arg2[%mul3A_34] : memref<13107200xf32, #tpu.memory_space<hbm>> -> memref<12800xf32, #tpu.memory_space<hbm>>
      tpu.enqueue_dma source(%dma_start3A_36 : memref<12800xf32, #tpu.memory_space<hbm>>) target(%arg5 : memref<12800xf32, #tpu.memory_space<vmem>>) target_semaphore(%arg16 : memref<!tpu.dma_semaphore, #tpu.memory_space<semaphore_mem>>)
      %scan3A_37 = arith.constant 0 : i32
      %scan3A_38 = arith.constant 25 : i32
      %scan3A_39 = arith.addi %scan3A_37, %scan3A_38 : i32
      %scan3A_40 = arith.constant 1 : i32
      scf.for %scan3A_929 = %scan3A_37 to %scan3A_39 step %scan3A_40  : i32 {
        %mul3A_930 = arith.constant 8 : i32
        %mul3A_931 = arith.muli %scan3A_929, %mul3A_930 : i32
        %add3A_932 = arith.constant 0 : i32
        %add3A_933 = arith.addi %mul3A_931, %add3A_932 : i32
        %mul3A_934 = arith.constant 64 : i32
        %mul3A_935 = arith.muli %add3A_933, %mul3A_934 : i32
        %add3A_936 = arith.constant 0 : i32
        %add3A_937 = arith.addi %mul3A_935, %add3A_936 : i32
        %get3A_938 = arith.index_cast %add3A_937 : i32 to index
        %get3A_939 = tpu.vector_load %arg4[%get3A_938] {strides = array<i32>} : memref<12800xf32, #tpu.memory_space<vmem>>, vector<16xf32>,
        %bitcast_convert_type3A = tpu.bitcast %get3A_939 : vector<16xf32> -> vector<16xi32>
        %shift_right_arithmetic3A = arith.constant 31 : i32
        %shift_right_arithmetic3A_940 = vector.broadcast %shift_right_arithmetic3A : i32 to vector<16xi32>
        %shift_right_arithmetic3A_941 = arith.shrsi %bitcast_convert_type3A, %shift_right_arithmetic3A_940 : vector<16xi32>
        %and3A = arith.constant 2147483647 : i32
        %and3A_942 = vector.broadcast %and3A : i32 to vector<16xi32>
        %and3A_943 = arith.andi %shift_right_arithmetic3A_941, %and3A_942 : vector<16xi32>
        %xor3A = arith.xori %bitcast_convert_type3A, %and3A_943 : vector<16xi32>
        %and3A_944 = arith.constant -256 : i32
        %and3A_945 = vector.broadcast %and3A_944 : i32 to vector<16xi32>
        %and3A_946 = arith.andi %xor3A, %and3A_945 : vector<16xi32>
        %sub3A = arith.constant 255 : i32
        %sub3A_947 = arith.subi %sub3A, %add3A_933 : i32
        %or3A = vector.broadcast %sub3A_947 : i32 to vector<16xi32>
        %or3A_948 = arith.ori %and3A_946, %or3A : vector<16xi32>
        %mul3A_949 = arith.constant 16 : i32
        %mul3A_950 = arith.muli %add3A_933, %mul3A_949 : i32
        %swap3A_951 = arith.index_cast %mul3A_950 : i32 to index
        %swap3A_952 = tpu.vector_load %arg7[%swap3A_951] {strides = array<i32>} : memref<3200xi32, #tpu.memory_space<vmem>>, vector<16xi32>,
        tpu.vector_store %arg7[%swap3A_951], %or3A_948 {strides = array<i32>} : memref<3200xi32, #tpu.memory_space<vmem>>, vector<16xi32>,
        %mul3A_953 = arith.constant 8 : i32
        %mul3A_954 = arith.muli %scan3A_929, %mul3A_953 : i32
        %add3A_955 = arith.constant 1 : i32
        %add3A_956 = arith.addi %mul3A_954, %add3A_955 : i32
        %mul3A_957 = arith.constant 64 : i32
        %mul3A_958 = arith.muli %add3A_956, %mul3A_957 : i32
        %add3A_959 = arith.constant 0 : i32
        %add3A_960 = arith.addi %mul3A_958, %add3A_959 : i32
        %get3A_961 = arith.index_cast %add3A_960 : i32 to index
        %get3A_962 = tpu.vector_load %arg4[%get3A_961] {strides = array<i32>} : memref<12800xf32, #tpu.memory_space<vmem>>, vector<16xf32>,
        %bitcast_convert_type3A_963 = tpu.bitcast %get3A_962 : vector<16xf32> -> vector<16xi32>
        %shift_right_arithmetic3A_964 = arith.constant 31 : i32
        %shift_right_arithmetic3A_965 = vector.broadcast %shift_right_arithmetic3A_964 : i32 to vector<16xi32>
        %shift_right_arithmetic3A_966 = arith.shrsi %bitcast_convert_type3A_963, %shift_right_arithmetic3A_965 : vector<16xi32>
        %and3A_967 = arith.constant 2147483647 : i32
        %and3A_968 = vector.broadcast %and3A_967 : i32 to vector<16xi32>
        %and3A_969 = arith.andi %shift_right_arithmetic3A_966, %and3A_968 : vector<16xi32>
        %xor3A_970 = arith.xori %bitcast_convert_type3A_963, %and3A_969 : vector<16xi32>
        %and3A_971 = arith.constant -256 : i32
        %and3A_972 = vector.broadcast %and3A_971 : i32 to vector<16xi32>
        %and3A_973 = arith.andi %xor3A_970, %and3A_972 : vector<16xi32>
        %sub3A_974 = arith.constant 255 : i32
        %sub3A_975 = arith.subi %sub3A_974, %add3A_956 : i32
        %or3A_976 = vector.broadcast %sub3A_975 : i32 to vector<16xi32>
        %or3A_977 = arith.ori %and3A_973, %or3A_976 : vector<16xi32>
        %mul3A_978 = arith.constant 16 : i32
        %mul3A_979 = arith.muli %add3A_956, %mul3A_978 : i32
        %swap3A_980 = arith.index_cast %mul3A_979 : i32 to index
        %swap3A_981 = tpu.vector_load %arg7[%swap3A_980] {strides = array<i32>} : memref<3200xi32, #tpu.memory_space<vmem>>, vector<16xi32>,
        tpu.vector_store %arg7[%swap3A_980], %or3A_977 {strides = array<i32>} : memref<3200xi32, #tpu.memory_space<vmem>>, vector<16xi32>,
        %mul3A_982 = arith.constant 8 : i32
        %mul3A_983 = arith.muli %scan3A_929, %mul3A_982 : i32
        %add3A_984 = arith.constant 2 : i32
        %add3A_985 = arith.addi %mul3A_983, %add3A_984 : i32
        %mul3A_986 = arith.constant 64 : i32
        %mul3A_987 = arith.muli %add3A_985, %mul3A_986 : i32
        %add3A_988 = arith.constant 0 : i32
        %add3A_989 = arith.addi %mul3A_987, %add3A_988 : i32
        %get3A_990 = arith.index_cast %add3A_989 : i32 to index
        %get3A_991 = tpu.vector_load %arg4[%get3A_990] {strides = array<i32>} : memref<12800xf32, #tpu.memory_space<vmem>>, vector<16xf32>,
        %bitcast_convert_type3A_992 = tpu.bitcast %get3A_991 : vector<16xf32> -> vector<16xi32>
        %shift_right_arithmetic3A_993 = arith.constant 31 : i32
        %shift_right_arithmetic3A_994 = vector.broadcast %shift_right_arithmetic3A_993 : i32 to vector<16xi32>
        %shift_right_arithmetic3A_995 = arith.shrsi %bitcast_convert_type3A_992, %shift_right_arithmetic3A_994 : vector<16xi32>
        %and3A_996 = arith.constant 2147483647 : i32
        %and3A_997 = vector.broadcast %and3A_996 : i32 to vector<16xi32>
        %and3A_998 = arith.andi %shift_right_arithmetic3A_995, %and3A_997 : vector<16xi32>
        %xor3A_999 = arith.xori %bitcast_convert_type3A_992, %and3A_998 : vector<16xi32>
        %and3A_1000 = arith.constant -256 : i32
        %and3A_1001 = vector.broadcast %and3A_1000 : i32 to vector<16xi32>
        %and3A_1002 = arith.andi %xor3A_999, %and3A_1001 : vector<16xi32>
        %sub3A_1003 = arith.constant 255 : i32
        %sub3A_1004 = arith.subi %sub3A_1003, %add3A_985 : i32
        %or3A_1005 = vector.broadcast %sub3A_1004 : i32 to vector<16xi32>
        %or3A_1006 = arith.ori %and3A_1002, %or3A_1005 : vector<16xi32>
        %mul3A_1007 = arith.constant 16 : i32
        %mul3A_1008 = arith.muli %add3A_985, %mul3A_1007 : i32
        %swap3A_1009 = arith.index_cast %mul3A_1008 : i32 to index
        %swap3A_1010 = tpu.vector_load %arg7[%swap3A_1009] {strides = array<i32>} : memref<3200xi32, #tpu.memory_space<vmem>>, vector<16xi32>,
        tpu.vector_store %arg7[%swap3A_1009], %or3A_1006 {strides = array<i32>} : memref<3200xi32, #tpu.memory_space<vmem>>, vector<16xi32>,
        %mul3A_1011 = arith.constant 8 : i32
        %mul3A_1012 = arith.muli %scan3A_929, %mul3A_1011 : i32
        %add3A_1013 = arith.constant 3 : i32
        %add3A_1014 = arith.addi %mul3A_1012, %add3A_1013 : i32
        %mul3A_1015 = arith.constant 64 : i32
        %mul3A_1016 = arith.muli %add3A_1014, %mul3A_1015 : i32
        %add3A_1017 = arith.constant 0 : i32
        %add3A_1018 = arith.addi %mul3A_1016, %add3A_1017 : i32
        %get3A_1019 = arith.index_cast %add3A_1018 : i32 to index
        %get3A_1020 = tpu.vector_load %arg4[%get3A_1019] {strides = array<i32>} : memref<12800xf32, #tpu.memory_space<vmem>>, vector<16xf32>,
        %bitcast_convert_type3A_1021 = tpu.bitcast %get3A_1020 : vector<16xf32> -> vector<16xi32>
        %shift_right_arithmetic3A_1022 = arith.constant 31 : i32
        %shift_right_arithmetic3A_1023 = vector.broadcast %shift_right_arithmetic3A_1022 : i32 to vector<16xi32>
        %shift_right_arithmetic3A_1024 = arith.shrsi %bitcast_convert_type3A_1021, %shift_right_arithmetic3A_1023 : vector<16xi32>
        %and3A_1025 = arith.constant 2147483647 : i32
        %and3A_1026 = vector.broadcast %and3A_1025 : i32 to vector<16xi32>
        %and3A_1027 = arith.andi %shift_right_arithmetic3A_1024, %and3A_1026 : vector<16xi32>
        %xor3A_1028 = arith.xori %bitcast_convert_type3A_1021, %and3A_1027 : vector<16xi32>
        %and3A_1029 = arith.constant -256 : i32
        %and3A_1030 = vector.broadcast %and3A_1029 : i32 to vector<16xi32>
        %and3A_1031 = arith.andi %xor3A_1028, %and3A_1030 : vector<16xi32>
        %sub3A_1032 = arith.constant 255 : i32
        %sub3A_1033 = arith.subi %sub3A_1032, %add3A_1014 : i32
        %or3A_1034 = vector.broadcast %sub3A_1033 : i32 to vector<16xi32>
        %or3A_1035 = arith.ori %and3A_1031, %or3A_1034 : vector<16xi32>
        %mul3A_1036 = arith.constant 16 : i32
        %mul3A_1037 = arith.muli %add3A_1014, %mul3A_1036 : i32
        %swap3A_1038 = arith.index_cast %mul3A_1037 : i32 to index
        %swap3A_1039 = tpu.vector_load %arg7[%swap3A_1038] {strides = array<i32>} : memref<3200xi32, #tpu.memory_space<vmem>>, vector<16xi32>,
        tpu.vector_store %arg7[%swap3A_1038], %or3A_1035 {strides = array<i32>} : memref<3200xi32, #tpu.memory_space<vmem>>, vector<16xi32>,
        %mul3A_1040 = arith.constant 8 : i32
        %mul3A_1041 = arith.muli %scan3A_929, %mul3A_1040 : i32
        %add3A_1042 = arith.constant 4 : i32
        %add3A_1043 = arith.addi %mul3A_1041, %add3A_1042 : i32
        %mul3A_1044 = arith.constant 64 : i32
        %mul3A_1045 = arith.muli %add3A_1043, %mul3A_1044 : i32
        %add3A_1046 = arith.constant 0 : i32
        %add3A_1047 = arith.addi %mul3A_1045, %add3A_1046 : i32
        %get3A_1048 = arith.index_cast %add3A_1047 : i32 to index
        %get3A_1049 = tpu.vector_load %arg4[%get3A_1048] {strides = array<i32>} : memref<12800xf32, #tpu.memory_space<vmem>>, vector<16xf32>,
        %bitcast_convert_type3A_1050 = tpu.bitcast %get3A_1049 : vector<16xf32> -> vector<16xi32>
        %shift_right_arithmetic3A_1051 = arith.constant 31 : i32
        %shift_right_arithmetic3A_1052 = vector.broadcast %shift_right_arithmetic3A_1051 : i32 to vector<16xi32>
        %shift_right_arithmetic3A_1053 = arith.shrsi %bitcast_convert_type3A_1050, %shift_right_arithmetic3A_1052 : vector<16xi32>
        %and3A_1054 = arith.constant 2147483647 : i32
        %and3A_1055 = vector.broadcast %and3A_1054 : i32 to vector<16xi32>
        %and3A_1056 = arith.andi %shift_right_arithmetic3A_1053, %and3A_1055 : vector<16xi32>
        %xor3A_1057 = arith.xori %bitcast_convert_type3A_1050, %and3A_1056 : vector<16xi32>
        %and3A_1058 = arith.constant -256 : i32
        %and3A_1059 = vector.broadcast %and3A_1058 : i32 to vector<16xi32>
        %and3A_1060 = arith.andi %xor3A_1057, %and3A_1059 : vector<16xi32>
        %sub3A_1061 = arith.constant 255 : i32
        %sub3A_1062 = arith.subi %sub3A_1061, %add3A_1043 : i32
        %or3A_1063 = vector.broadcast %sub3A_1062 : i32 to vector<16xi32>
        %or3A_1064 = arith.ori %and3A_1060, %or3A_1063 : vector<16xi32>
        %mul3A_1065 = arith.constant 16 : i32
        %mul3A_1066 = arith.muli %add3A_1043, %mul3A_1065 : i32
        %swap3A_1067 = arith.index_cast %mul3A_1066 : i32 to index
        %swap3A_1068 = tpu.vector_load %arg7[%swap3A_1067] {strides = array<i32>} : memref<3200xi32, #tpu.memory_space<vmem>>, vector<16xi32>,
        tpu.vector_store %arg7[%swap3A_1067], %or3A_1064 {strides = array<i32>} : memref<3200xi32, #tpu.memory_space<vmem>>, vector<16xi32>,
        %mul3A_1069 = arith.constant 8 : i32
        %mul3A_1070 = arith.muli %scan3A_929, %mul3A_1069 : i32
        %add3A_1071 = arith.constant 5 : i32
        %add3A_1072 = arith.addi %mul3A_1070, %add3A_1071 : i32
        %mul3A_1073 = arith.constant 64 : i32
        %mul3A_1074 = arith.muli %add3A_1072, %mul3A_1073 : i32
        %add3A_1075 = arith.constant 0 : i32
        %add3A_1076 = arith.addi %mul3A_1074, %add3A_1075 : i32
        %get3A_1077 = arith.index_cast %add3A_1076 : i32 to index
        %get3A_1078 = tpu.vector_load %arg4[%get3A_1077] {strides = array<i32>} : memref<12800xf32, #tpu.memory_space<vmem>>, vector<16xf32>,
        %bitcast_convert_type3A_1079 = tpu.bitcast %get3A_1078 : vector<16xf32> -> vector<16xi32>
        %shift_right_arithmetic3A_1080 = arith.constant 31 : i32
        %shift_right_arithmetic3A_1081 = vector.broadcast %shift_right_arithmetic3A_1080 : i32 to vector<16xi32>
        %shift_right_arithmetic3A_1082 = arith.shrsi %bitcast_convert_type3A_1079, %shift_right_arithmetic3A_1081 : vector<16xi32>
        %and3A_1083 = arith.constant 2147483647 : i32
        %and3A_1084 = vector.broadcast %and3A_1083 : i32 to vector<16xi32>
        %and3A_1085 = arith.andi %shift_right_arithmetic3A_1082, %and3A_1084 : vector<16xi32>
        %xor3A_1086 = arith.xori %bitcast_convert_type3A_1079, %and3A_1085 : vector<16xi32>
        %and3A_1087 = arith.constant -256 : i32
        %and3A_1088 = vector.broadcast %and3A_1087 : i32 to vector<16xi32>
        %and3A_1089 = arith.andi %xor3A_1086, %and3A_1088 : vector<16xi32>
        %sub3A_1090 = arith.constant 255 : i32
        %sub3A_1091 = arith.subi %sub3A_1090, %add3A_1072 : i32
        %or3A_1092 = vector.broadcast %sub3A_1091 : i32 to vector<16xi32>
        %or3A_1093 = arith.ori %and3A_1089, %or3A_1092 : vector<16xi32>
        %mul3A_1094 = arith.constant 16 : i32
        %mul3A_1095 = arith.muli %add3A_1072, %mul3A_1094 : i32
        %swap3A_1096 = arith.index_cast %mul3A_1095 : i32 to index
        %swap3A_1097 = tpu.vector_load %arg7[%swap3A_1096] {strides = array<i32>} : memref<3200xi32, #tpu.memory_space<vmem>>, vector<16xi32>,
        tpu.vector_store %arg7[%swap3A_1096], %or3A_1093 {strides = array<i32>} : memref<3200xi32, #tpu.memory_space<vmem>>, vector<16xi32>,
        %mul3A_1098 = arith.constant 8 : i32
        %mul3A_1099 = arith.muli %scan3A_929, %mul3A_1098 : i32
        %add3A_1100 = arith.constant 6 : i32
        %add3A_1101 = arith.addi %mul3A_1099, %add3A_1100 : i32
        %mul3A_1102 = arith.constant 64 : i32
        %mul3A_1103 = arith.muli %add3A_1101, %mul3A_1102 : i32
        %add3A_1104 = arith.constant 0 : i32
        %add3A_1105 = arith.addi %mul3A_1103, %add3A_1104 : i32
        %get3A_1106 = arith.index_cast %add3A_1105 : i32 to index
        %get3A_1107 = tpu.vector_load %arg4[%get3A_1106] {strides = array<i32>} : memref<12800xf32, #tpu.memory_space<vmem>>, vector<16xf32>,
        %bitcast_convert_type3A_1108 = tpu.bitcast %get3A_1107 : vector<16xf32> -> vector<16xi32>
        %shift_right_arithmetic3A_1109 = arith.constant 31 : i32
        %shift_right_arithmetic3A_1110 = vector.broadcast %shift_right_arithmetic3A_1109 : i32 to vector<16xi32>
        %shift_right_arithmetic3A_1111 = arith.shrsi %bitcast_convert_type3A_1108, %shift_right_arithmetic3A_1110 : vector<16xi32>
        %and3A_1112 = arith.constant 2147483647 : i32
        %and3A_1113 = vector.broadcast %and3A_1112 : i32 to vector<16xi32>
        %and3A_1114 = arith.andi %shift_right_arithmetic3A_1111, %and3A_1113 : vector<16xi32>
        %xor3A_1115 = arith.xori %bitcast_convert_type3A_1108, %and3A_1114 : vector<16xi32>
        %and3A_1116 = arith.constant -256 : i32
        %and3A_1117 = vector.broadcast %and3A_1116 : i32 to vector<16xi32>
        %and3A_1118 = arith.andi %xor3A_1115, %and3A_1117 : vector<16xi32>
        %sub3A_1119 = arith.constant 255 : i32
        %sub3A_1120 = arith.subi %sub3A_1119, %add3A_1101 : i32
        %or3A_1121 = vector.broadcast %sub3A_1120 : i32 to vector<16xi32>
        %or3A_1122 = arith.ori %and3A_1118, %or3A_1121 : vector<16xi32>
        %mul3A_1123 = arith.constant 16 : i32
        %mul3A_1124 = arith.muli %add3A_1101, %mul3A_1123 : i32
        %swap3A_1125 = arith.index_cast %mul3A_1124 : i32 to index
        %swap3A_1126 = tpu.vector_load %arg7[%swap3A_1125] {strides = array<i32>} : memref<3200xi32, #tpu.memory_space<vmem>>, vector<16xi32>,
        tpu.vector_store %arg7[%swap3A_1125], %or3A_1122 {strides = array<i32>} : memref<3200xi32, #tpu.memory_space<vmem>>, vector<16xi32>,
        %mul3A_1127 = arith.constant 8 : i32
        %mul3A_1128 = arith.muli %scan3A_929, %mul3A_1127 : i32
        %add3A_1129 = arith.constant 7 : i32
        %add3A_1130 = arith.addi %mul3A_1128, %add3A_1129 : i32
        %mul3A_1131 = arith.constant 64 : i32
        %mul3A_1132 = arith.muli %add3A_1130, %mul3A_1131 : i32
        %add3A_1133 = arith.constant 0 : i32
        %add3A_1134 = arith.addi %mul3A_1132, %add3A_1133 : i32
        %get3A_1135 = arith.index_cast %add3A_1134 : i32 to index
        %get3A_1136 = tpu.vector_load %arg4[%get3A_1135] {strides = array<i32>} : memref<12800xf32, #tpu.memory_space<vmem>>, vector<16xf32>,
        %bitcast_convert_type3A_1137 = tpu.bitcast %get3A_1136 : vector<16xf32> -> vector<16xi32>
        %shift_right_arithmetic3A_1138 = arith.constant 31 : i32
        %shift_right_arithmetic3A_1139 = vector.broadcast %shift_right_arithmetic3A_1138 : i32 to vector<16xi32>
        %shift_right_arithmetic3A_1140 = arith.shrsi %bitcast_convert_type3A_1137, %shift_right_arithmetic3A_1139 : vector<16xi32>
        %and3A_1141 = arith.constant 2147483647 : i32
        %and3A_1142 = vector.broadcast %and3A_1141 : i32 to vector<16xi32>
        %and3A_1143 = arith.andi %shift_right_arithmetic3A_1140, %and3A_1142 : vector<16xi32>
        %xor3A_1144 = arith.xori %bitcast_convert_type3A_1137, %and3A_1143 : vector<16xi32>
        %and3A_1145 = arith.constant -256 : i32
        %and3A_1146 = vector.broadcast %and3A_1145 : i32 to vector<16xi32>
        %and3A_1147 = arith.andi %xor3A_1144, %and3A_1146 : vector<16xi32>
        %sub3A_1148 = arith.constant 255 : i32
        %sub3A_1149 = arith.subi %sub3A_1148, %add3A_1130 : i32
        %or3A_1150 = vector.broadcast %sub3A_1149 : i32 to vector<16xi32>
        %or3A_1151 = arith.ori %and3A_1147, %or3A_1150 : vector<16xi32>
        %mul3A_1152 = arith.constant 16 : i32
        %mul3A_1153 = arith.muli %add3A_1130, %mul3A_1152 : i32
        %swap3A_1154 = arith.index_cast %mul3A_1153 : i32 to index
        %swap3A_1155 = tpu.vector_load %arg7[%swap3A_1154] {strides = array<i32>} : memref<3200xi32, #tpu.memory_space<vmem>>, vector<16xi32>,
        tpu.vector_store %arg7[%swap3A_1154], %or3A_1151 {strides = array<i32>} : memref<3200xi32, #tpu.memory_space<vmem>>, vector<16xi32>,
        %max3A_1156 = arith.maxsi %or3A_948, %or3A_977 : vector<16xi32>
        %max3A_1157 = arith.maxsi %or3A_1006, %or3A_1035 : vector<16xi32>
        %max3A_1158 = arith.maxsi %or3A_1064, %or3A_1093 : vector<16xi32>
        %max3A_1159 = arith.maxsi %or3A_1122, %or3A_1151 : vector<16xi32>
        %max3A_1160 = arith.maxsi %max3A_1156, %max3A_1157 : vector<16xi32>
        %max3A_1161 = arith.maxsi %max3A_1158, %max3A_1159 : vector<16xi32>
        %max3A_1162 = arith.maxsi %max3A_1160, %max3A_1161 : vector<16xi32>
        %mul3A_1163 = arith.constant 16 : i32
        %mul3A_1164 = arith.muli %scan3A_929, %mul3A_1163 : i32
        %swap3A_1165 = arith.index_cast %mul3A_1164 : i32 to index
        %swap3A_1166 = tpu.vector_load %arg11[%swap3A_1165] {strides = array<i32>} : memref<512xi32, #tpu.memory_space<vmem>>, vector<16xi32>,
        tpu.vector_store %arg11[%swap3A_1165], %max3A_1162 {strides = array<i32>} : memref<512xi32, #tpu.memory_space<vmem>>, vector<16xi32>,
        %mul3A_1167 = arith.constant 8 : i32
        %mul3A_1168 = arith.muli %scan3A_929, %mul3A_1167 : i32
        %add3A_1169 = arith.constant 0 : i32
        %add3A_1170 = arith.addi %mul3A_1168, %add3A_1169 : i32
        %mul3A_1171 = arith.constant 64 : i32
        %mul3A_1172 = arith.muli %add3A_1170, %mul3A_1171 : i32
        %add3A_1173 = arith.constant 16 : i32
        %add3A_1174 = arith.addi %mul3A_1172, %add3A_1173 : i32
        %get3A_1175 = arith.index_cast %add3A_1174 : i32 to index
        %get3A_1176 = tpu.vector_load %arg4[%get3A_1175] {strides = array<i32>} : memref<12800xf32, #tpu.memory_space<vmem>>, vector<16xf32>,
        %bitcast_convert_type3A_1177 = tpu.bitcast %get3A_1176 : vector<16xf32> -> vector<16xi32>
        %shift_right_arithmetic3A_1178 = arith.constant 31 : i32
        %shift_right_arithmetic3A_1179 = vector.broadcast %shift_right_arithmetic3A_1178 : i32 to vector<16xi32>
        %shift_right_arithmetic3A_1180 = arith.shrsi %bitcast_convert_type3A_1177, %shift_right_arithmetic3A_1179 : vector<16xi32>
        %and3A_1181 = arith.constant 2147483647 : i32
        %and3A_1182 = vector.broadcast %and3A_1181 : i32 to vector<16xi32>
        %and3A_1183 = arith.andi %shift_right_arithmetic3A_1180, %and3A_1182 : vector<16xi32>
        %xor3A_1184 = arith.xori %bitcast_convert_type3A_1177, %and3A_1183 : vector<16xi32>
        %and3A_1185 = arith.constant -256 : i32
        %and3A_1186 = vector.broadcast %and3A_1185 : i32 to vector<16xi32>
        %and3A_1187 = arith.andi %xor3A_1184, %and3A_1186 : vector<16xi32>
        %sub3A_1188 = arith.constant 255 : i32
        %sub3A_1189 = arith.subi %sub3A_1188, %add3A_1170 : i32
        %or3A_1190 = vector.broadcast %sub3A_1189 : i32 to vector<16xi32>
        %or3A_1191 = arith.ori %and3A_1187, %or3A_1190 : vector<16xi32>
        %mul3A_1192 = arith.constant 16 : i32
        %mul3A_1193 = arith.muli %add3A_1170, %mul3A_1192 : i32
        %swap3A_1194 = arith.index_cast %mul3A_1193 : i32 to index
        %swap3A_1195 = tpu.vector_load %arg8[%swap3A_1194] {strides = array<i32>} : memref<3200xi32, #tpu.memory_space<vmem>>, vector<16xi32>,
        tpu.vector_store %arg8[%swap3A_1194], %or3A_1191 {strides = array<i32>} : memref<3200xi32, #tpu.memory_space<vmem>>, vector<16xi32>,
        %mul3A_1196 = arith.constant 8 : i32
        %mul3A_1197 = arith.muli %scan3A_929, %mul3A_1196 : i32
        %add3A_1198 = arith.constant 1 : i32
        %add3A_1199 = arith.addi %mul3A_1197, %add3A_1198 : i32
        %mul3A_1200 = arith.constant 64 : i32
        %mul3A_1201 = arith.muli %add3A_1199, %mul3A_1200 : i32
        %add3A_1202 = arith.constant 16 : i32
        %add3A_1203 = arith.addi %mul3A_1201, %add3A_1202 : i32
        %get3A_1204 = arith.index_cast %add3A_1203 : i32 to index
        %get3A_1205 = tpu.vector_load %arg4[%get3A_1204] {strides = array<i32>} : memref<12800xf32, #tpu.memory_space<vmem>>, vector<16xf32>,
        %bitcast_convert_type3A_1206 = tpu.bitcast %get3A_1205 : vector<16xf32> -> vector<16xi32>
        %shift_right_arithmetic3A_1207 = arith.constant 31 : i32
        %shift_right_arithmetic3A_1208 = vector.broadcast %shift_right_arithmetic3A_1207 : i32 to vector<16xi32>
        %shift_right_arithmetic3A_1209 = arith.shrsi %bitcast_convert_type3A_1206, %shift_right_arithmetic3A_1208 : vector<16xi32>
        %and3A_1210 = arith.constant 2147483647 : i32
        %and3A_1211 = vector.broadcast %and3A_1210 : i32 to vector<16xi32>
        %and3A_1212 = arith.andi %shift_right_arithmetic3A_1209, %and3A_1211 : vector<16xi32>
        %xor3A_1213 = arith.xori %bitcast_convert_type3A_1206, %and3A_1212 : vector<16xi32>
        %and3A_1214 = arith.constant -256 : i32
        %and3A_1215 = vector.broadcast %and3A_1214 : i32 to vector<16xi32>
        %and3A_1216 = arith.andi %xor3A_1213, %and3A_1215 : vector<16xi32>
        %sub3A_1217 = arith.constant 255 : i32
        %sub3A_1218 = arith.subi %sub3A_1217, %add3A_1199 : i32
        %or3A_1219 = vector.broadcast %sub3A_1218 : i32 to vector<16xi32>
        %or3A_1220 = arith.ori %and3A_1216, %or3A_1219 : vector<16xi32>
        %mul3A_1221 = arith.constant 16 : i32
        %mul3A_1222 = arith.muli %add3A_1199, %mul3A_1221 : i32
        %swap3A_1223 = arith.index_cast %mul3A_1222 : i32 to index
        %swap3A_1224 = tpu.vector_load %arg8[%swap3A_1223] {strides = array<i32>} : memref<3200xi32, #tpu.memory_space<vmem>>, vector<16xi32>,
        tpu.vector_store %arg8[%swap3A_1223], %or3A_1220 {strides = array<i32>} : memref<3200xi32, #tpu.memory_space<vmem>>, vector<16xi32>,
        %mul3A_1225 = arith.constant 8 : i32
        %mul3A_1226 = arith.muli %scan3A_929, %mul3A_1225 : i32
        %add3A_1227 = arith.constant 2 : i32
        %add3A_1228 = arith.addi %mul3A_1226, %add3A_1227 : i32
        %mul3A_1229 = arith.constant 64 : i32
        %mul3A_1230 = arith.muli %add3A_1228, %mul3A_1229 : i32
        %add3A_1231 = arith.constant 16 : i32
        %add3A_1232 = arith.addi %mul3A_1230, %add3A_1231 : i32
        %get3A_1233 = arith.index_cast %add3A_1232 : i32 to index
        %get3A_1234 = tpu.vector_load %arg4[%get3A_1233] {strides = array<i32>} : memref<12800xf32, #tpu.memory_space<vmem>>, vector<16xf32>,
        %bitcast_convert_type3A_1235 = tpu.bitcast %get3A_1234 : vector<16xf32> -> vector<16xi32>
        %shift_right_arithmetic3A_1236 = arith.constant 31 : i32
        %shift_right_arithmetic3A_1237 = vector.broadcast %shift_right_arithmetic3A_1236 : i32 to vector<16xi32>
        %shift_right_arithmetic3A_1238 = arith.shrsi %bitcast_convert_type3A_1235, %shift_right_arithmetic3A_1237 : vector<16xi32>
        %and3A_1239 = arith.constant 2147483647 : i32
        %and3A_1240 = vector.broadcast %and3A_1239 : i32 to vector<16xi32>
        %and3A_1241 = arith.andi %shift_right_arithmetic3A_1238, %and3A_1240 : vector<16xi32>
        %xor3A_1242 = arith.xori %bitcast_convert_type3A_1235, %and3A_1241 : vector<16xi32>
        %and3A_1243 = arith.constant -256 : i32
        %and3A_1244 = vector.broadcast %and3A_1243 : i32 to vector<16xi32>
        %and3A_1245 = arith.andi %xor3A_1242, %and3A_1244 : vector<16xi32>
        %sub3A_1246 = arith.constant 255 : i32
        %sub3A_1247 = arith.subi %sub3A_1246, %add3A_1228 : i32
        %or3A_1248 = vector.broadcast %sub3A_1247 : i32 to vector<16xi32>
        %or3A_1249 = arith.ori %and3A_1245, %or3A_1248 : vector<16xi32>
        %mul3A_1250 = arith.constant 16 : i32
        %mul3A_1251 = arith.muli %add3A_1228, %mul3A_1250 : i32
        %swap3A_1252 = arith.index_cast %mul3A_1251 : i32 to index
        %swap3A_1253 = tpu.vector_load %arg8[%swap3A_1252] {strides = array<i32>} : memref<3200xi32, #tpu.memory_space<vmem>>, vector<16xi32>,
        tpu.vector_store %arg8[%swap3A_1252], %or3A_1249 {strides = array<i32>} : memref<3200xi32, #tpu.memory_space<vmem>>, vector<16xi32>,
        %mul3A_1254 = arith.constant 8 : i32
        %mul3A_1255 = arith.muli %scan3A_929, %mul3A_1254 : i32
        %add3A_1256 = arith.constant 3 : i32
        %add3A_1257 = arith.addi %mul3A_1255, %add3A_1256 : i32
        %mul3A_1258 = arith.constant 64 : i32
        %mul3A_1259 = arith.muli %add3A_1257, %mul3A_1258 : i32
        %add3A_1260 = arith.constant 16 : i32
        %add3A_1261 = arith.addi %mul3A_1259, %add3A_1260 : i32
        %get3A_1262 = arith.index_cast %add3A_1261 : i32 to index
        %get3A_1263 = tpu.vector_load %arg4[%get3A_1262] {strides = array<i32>} : memref<12800xf32, #tpu.memory_space<vmem>>, vector<16xf32>,
        %bitcast_convert_type3A_1264 = tpu.bitcast %get3A_1263 : vector<16xf32> -> vector<16xi32>
        %shift_right_arithmetic3A_1265 = arith.constant 31 : i32
        %shift_right_arithmetic3A_1266 = vector.broadcast %shift_right_arithmetic3A_1265 : i32 to vector<16xi32>
        %shift_right_arithmetic3A_1267 = arith.shrsi %bitcast_convert_type3A_1264, %shift_right_arithmetic3A_1266 : vector<16xi32>
        %and3A_1268 = arith.constant 2147483647 : i32
        %and3A_1269 = vector.broadcast %and3A_1268 : i32 to vector<16xi32>
        %and3A_1270 = arith.andi %shift_right_arithmetic3A_1267, %and3A_1269 : vector<16xi32>
        %xor3A_1271 = arith.xori %bitcast_convert_type3A_1264, %and3A_1270 : vector<16xi32>
        %and3A_1272 = arith.constant -256 : i32
        %and3A_1273 = vector.broadcast %and3A_1272 : i32 to vector<16xi32>
        %and3A_1274 = arith.andi %xor3A_1271, %and3A_1273 : vector<16xi32>
        %sub3A_1275 = arith.constant 255 : i32
        %sub3A_1276 = arith.subi %sub3A_1275, %add3A_1257 : i32
        %or3A_1277 = vector.broadcast %sub3A_1276 : i32 to vector<16xi32>
        %or3A_1278 = arith.ori %and3A_1274, %or3A_1277 : vector<16xi32>
        %mul3A_1279 = arith.constant 16 : i32
        %mul3A_1280 = arith.muli %add3A_1257, %mul3A_1279 : i32
        %swap3A_1281 = arith.index_cast %mul3A_1280 : i32 to index
        %swap3A_1282 = tpu.vector_load %arg8[%swap3A_1281] {strides = array<i32>} : memref<3200xi32, #tpu.memory_space<vmem>>, vector<16xi32>,
        tpu.vector_store %arg8[%swap3A_1281], %or3A_1278 {strides = array<i32>} : memref<3200xi32, #tpu.memory_space<vmem>>, vector<16xi32>,
        %mul3A_1283 = arith.constant 8 : i32
        %mul3A_1284 = arith.muli %scan3A_929, %mul3A_1283 : i32
        %add3A_1285 = arith.constant 4 : i32
        %add3A_1286 = arith.addi %mul3A_1284, %add3A_1285 : i32
        %mul3A_1287 = arith.constant 64 : i32
        %mul3A_1288 = arith.muli %add3A_1286, %mul3A_1287 : i32
        %add3A_1289 = arith.constant 16 : i32
        %add3A_1290 = arith.addi %mul3A_1288, %add3A_1289 : i32
        %get3A_1291 = arith.index_cast %add3A_1290 : i32 to index
        %get3A_1292 = tpu.vector_load %arg4[%get3A_1291] {strides = array<i32>} : memref<12800xf32, #tpu.memory_space<vmem>>, vector<16xf32>,
        %bitcast_convert_type3A_1293 = tpu.bitcast %get3A_1292 : vector<16xf32> -> vector<16xi32>
        %shift_right_arithmetic3A_1294 = arith.constant 31 : i32
        %shift_right_arithmetic3A_1295 = vector.broadcast %shift_right_arithmetic3A_1294 : i32 to vector<16xi32>
        %shift_right_arithmetic3A_1296 = arith.shrsi %bitcast_convert_type3A_1293, %shift_right_arithmetic3A_1295 : vector<16xi32>
        %and3A_1297 = arith.constant 2147483647 : i32
        %and3A_1298 = vector.broadcast %and3A_1297 : i32 to vector<16xi32>
        %and3A_1299 = arith.andi %shift_right_arithmetic3A_1296, %and3A_1298 : vector<16xi32>
        %xor3A_1300 = arith.xori %bitcast_convert_type3A_1293, %and3A_1299 : vector<16xi32>
        %and3A_1301 = arith.constant -256 : i32
        %and3A_1302 = vector.broadcast %and3A_1301 : i32 to vector<16xi32>
        %and3A_1303 = arith.andi %xor3A_1300, %and3A_1302 : vector<16xi32>
        %sub3A_1304 = arith.constant 255 : i32
        %sub3A_1305 = arith.subi %sub3A_1304, %add3A_1286 : i32
        %or3A_1306 = vector.broadcast %sub3A_1305 : i32 to vector<16xi32>
        %or3A_1307 = arith.ori %and3A_1303, %or3A_1306 : vector<16xi32>
        %mul3A_1308 = arith.constant 16 : i32
        %mul3A_1309 = arith.muli %add3A_1286, %mul3A_1308 : i32
        %swap3A_1310 = arith.index_cast %mul3A_1309 : i32 to index
        %swap3A_1311 = tpu.vector_load %arg8[%swap3A_1310] {strides = array<i32>} : memref<3200xi32, #tpu.memory_space<vmem>>, vector<16xi32>,
        tpu.vector_store %arg8[%swap3A_1310], %or3A_1307 {strides = array<i32>} : memref<3200xi32, #tpu.memory_space<vmem>>, vector<16xi32>,
        %mul3A_1312 = arith.constant 8 : i32
        %mul3A_1313 = arith.muli %scan3A_929, %mul3A_1312 : i32
        %add3A_1314 = arith.constant 5 : i32
        %add3A_1315 = arith.addi %mul3A_1313, %add3A_1314 : i32
        %mul3A_1316 = arith.constant 64 : i32
        %mul3A_1317 = arith.muli %add3A_1315, %mul3A_1316 : i32
        %add3A_1318 = arith.constant 16 : i32
        %add3A_1319 = arith.addi %mul3A_1317, %add3A_1318 : i32
        %get3A_1320 = arith.index_cast %add3A_1319 : i32 to index
        %get3A_1321 = tpu.vector_load %arg4[%get3A_1320] {strides = array<i32>} : memref<12800xf32, #tpu.memory_space<vmem>>, vector<16xf32>,
        %bitcast_convert_type3A_1322 = tpu.bitcast %get3A_1321 : vector<16xf32> -> vector<16xi32>
        %shift_right_arithmetic3A_1323 = arith.constant 31 : i32
        %shift_right_arithmetic3A_1324 = vector.broadcast %shift_right_arithmetic3A_1323 : i32 to vector<16xi32>
        %shift_right_arithmetic3A_1325 = arith.shrsi %bitcast_convert_type3A_1322, %shift_right_arithmetic3A_1324 : vector<16xi32>
        %and3A_1326 = arith.constant 2147483647 : i32
        %and3A_1327 = vector.broadcast %and3A_1326 : i32 to vector<16xi32>
        %and3A_1328 = arith.andi %shift_right_arithmetic3A_1325, %and3A_1327 : vector<16xi32>
        %xor3A_1329 = arith.xori %bitcast_convert_type3A_1322, %and3A_1328 : vector<16xi32>
        %and3A_1330 = arith.constant -256 : i32
        %and3A_1331 = vector.broadcast %and3A_1330 : i32 to vector<16xi32>
        %and3A_1332 = arith.andi %xor3A_1329, %and3A_1331 : vector<16xi32>
        %sub3A_1333 = arith.constant 255 : i32
        %sub3A_1334 = arith.subi %sub3A_1333, %add3A_1315 : i32
        %or3A_1335 = vector.broadcast %sub3A_1334 : i32 to vector<16xi32>
        %or3A_1336 = arith.ori %and3A_1332, %or3A_1335 : vector<16xi32>
        %mul3A_1337 = arith.constant 16 : i32
        %mul3A_1338 = arith.muli %add3A_1315, %mul3A_1337 : i32
        %swap3A_1339 = arith.index_cast %mul3A_1338 : i32 to index
        %swap3A_1340 = tpu.vector_load %arg8[%swap3A_1339] {strides = array<i32>} : memref<3200xi32, #tpu.memory_space<vmem>>, vector<16xi32>,
        tpu.vector_store %arg8[%swap3A_1339], %or3A_1336 {strides = array<i32>} : memref<3200xi32, #tpu.memory_space<vmem>>, vector<16xi32>,
        %mul3A_1341 = arith.constant 8 : i32
        %mul3A_1342 = arith.muli %scan3A_929, %mul3A_1341 : i32
        %add3A_1343 = arith.constant 6 : i32
        %add3A_1344 = arith.addi %mul3A_1342, %add3A_1343 : i32
        %mul3A_1345 = arith.constant 64 : i32
        %mul3A_1346 = arith.muli %add3A_1344, %mul3A_1345 : i32
        %add3A_1347 = arith.constant 16 : i32
        %add3A_1348 = arith.addi %mul3A_1346, %add3A_1347 : i32
        %get3A_1349 = arith.index_cast %add3A_1348 : i32 to index
        %get3A_1350 = tpu.vector_load %arg4[%get3A_1349] {strides = array<i32>} : memref<12800xf32, #tpu.memory_space<vmem>>, vector<16xf32>,
        %bitcast_convert_type3A_1351 = tpu.bitcast %get3A_1350 : vector<16xf32> -> vector<16xi32>
        %shift_right_arithmetic3A_1352 = arith.constant 31 : i32
        %shift_right_arithmetic3A_1353 = vector.broadcast %shift_right_arithmetic3A_1352 : i32 to vector<16xi32>
        %shift_right_arithmetic3A_1354 = arith.shrsi %bitcast_convert_type3A_1351, %shift_right_arithmetic3A_1353 : vector<16xi32>
        %and3A_1355 = arith.constant 2147483647 : i32
        %and3A_1356 = vector.broadcast %and3A_1355 : i32 to vector<16xi32>
        %and3A_1357 = arith.andi %shift_right_arithmetic3A_1354, %and3A_1356 : vector<16xi32>
        %xor3A_1358 = arith.xori %bitcast_convert_type3A_1351, %and3A_1357 : vector<16xi32>
        %and3A_1359 = arith.constant -256 : i32
        %and3A_1360 = vector.broadcast %and3A_1359 : i32 to vector<16xi32>
        %and3A_1361 = arith.andi %xor3A_1358, %and3A_1360 : vector<16xi32>
        %sub3A_1362 = arith.constant 255 : i32
        %sub3A_1363 = arith.subi %sub3A_1362, %add3A_1344 : i32
        %or3A_1364 = vector.broadcast %sub3A_1363 : i32 to vector<16xi32>
        %or3A_1365 = arith.ori %and3A_1361, %or3A_1364 : vector<16xi32>
        %mul3A_1366 = arith.constant 16 : i32
        %mul3A_1367 = arith.muli %add3A_1344, %mul3A_1366 : i32
        %swap3A_1368 = arith.index_cast %mul3A_1367 : i32 to index
        %swap3A_1369 = tpu.vector_load %arg8[%swap3A_1368] {strides = array<i32>} : memref<3200xi32, #tpu.memory_space<vmem>>, vector<16xi32>,
        tpu.vector_store %arg8[%swap3A_1368], %or3A_1365 {strides = array<i32>} : memref<3200xi32, #tpu.memory_space<vmem>>, vector<16xi32>,
        %mul3A_1370 = arith.constant 8 : i32
        %mul3A_1371 = arith.muli %scan3A_929, %mul3A_1370 : i32
        %add3A_1372 = arith.constant 7 : i32
        %add3A_1373 = arith.addi %mul3A_1371, %add3A_1372 : i32
        %mul3A_1374 = arith.constant 64 : i32
        %mul3A_1375 = arith.muli %add3A_1373, %mul3A_1374 : i32
        %add3A_1376 = arith.constant 16 : i32
        %add3A_1377 = arith.addi %mul3A_1375, %add3A_1376 : i32
        %get3A_1378 = arith.index_cast %add3A_1377 : i32 to index
        %get3A_1379 = tpu.vector_load %arg4[%get3A_1378] {strides = array<i32>} : memref<12800xf32, #tpu.memory_space<vmem>>, vector<16xf32>,
        %bitcast_convert_type3A_1380 = tpu.bitcast %get3A_1379 : vector<16xf32> -> vector<16xi32>
        %shift_right_arithmetic3A_1381 = arith.constant 31 : i32
        %shift_right_arithmetic3A_1382 = vector.broadcast %shift_right_arithmetic3A_1381 : i32 to vector<16xi32>
        %shift_right_arithmetic3A_1383 = arith.shrsi %bitcast_convert_type3A_1380, %shift_right_arithmetic3A_1382 : vector<16xi32>
        %and3A_1384 = arith.constant 2147483647 : i32
        %and3A_1385 = vector.broadcast %and3A_1384 : i32 to vector<16xi32>
        %and3A_1386 = arith.andi %shift_right_arithmetic3A_1383, %and3A_1385 : vector<16xi32>
        %xor3A_1387 = arith.xori %bitcast_convert_type3A_1380, %and3A_1386 : vector<16xi32>
        %and3A_1388 = arith.constant -256 : i32
        %and3A_1389 = vector.broadcast %and3A_1388 : i32 to vector<16xi32>
        %and3A_1390 = arith.andi %xor3A_1387, %and3A_1389 : vector<16xi32>
        %sub3A_1391 = arith.constant 255 : i32
        %sub3A_1392 = arith.subi %sub3A_1391, %add3A_1373 : i32
        %or3A_1393 = vector.broadcast %sub3A_1392 : i32 to vector<16xi32>
        %or3A_1394 = arith.ori %and3A_1390, %or3A_1393 : vector<16xi32>
        %mul3A_1395 = arith.constant 16 : i32
        %mul3A_1396 = arith.muli %add3A_1373, %mul3A_1395 : i32
        %swap3A_1397 = arith.index_cast %mul3A_1396 : i32 to index
        %swap3A_1398 = tpu.vector_load %arg8[%swap3A_1397] {strides = array<i32>} : memref<3200xi32, #tpu.memory_space<vmem>>, vector<16xi32>,
        tpu.vector_store %arg8[%swap3A_1397], %or3A_1394 {strides = array<i32>} : memref<3200xi32, #tpu.memory_space<vmem>>, vector<16xi32>,
        %max3A_1399 = arith.maxsi %or3A_1191, %or3A_1220 : vector<16xi32>
        %max3A_1400 = arith.maxsi %or3A_1249, %or3A_1278 : vector<16xi32>
        %max3A_1401 = arith.maxsi %or3A_1307, %or3A_1336 : vector<16xi32>
        %max3A_1402 = arith.maxsi %or3A_1365, %or3A_1394 : vector<16xi32>
        %max3A_1403 = arith.maxsi %max3A_1399, %max3A_1400 : vector<16xi32>
        %max3A_1404 = arith.maxsi %max3A_1401, %max3A_1402 : vector<16xi32>
        %max3A_1405 = arith.maxsi %max3A_1403, %max3A_1404 : vector<16xi32>
        %mul3A_1406 = arith.constant 16 : i32
        %mul3A_1407 = arith.muli %scan3A_929, %mul3A_1406 : i32
        %swap3A_1408 = arith.index_cast %mul3A_1407 : i32 to index
        %swap3A_1409 = tpu.vector_load %arg12[%swap3A_1408] {strides = array<i32>} : memref<512xi32, #tpu.memory_space<vmem>>, vector<16xi32>,
        tpu.vector_store %arg12[%swap3A_1408], %max3A_1405 {strides = array<i32>} : memref<512xi32, #tpu.memory_space<vmem>>, vector<16xi32>,
        %mul3A_1410 = arith.constant 8 : i32
        %mul3A_1411 = arith.muli %scan3A_929, %mul3A_1410 : i32
        %add3A_1412 = arith.constant 0 : i32
        %add3A_1413 = arith.addi %mul3A_1411, %add3A_1412 : i32
        %mul3A_1414 = arith.constant 64 : i32
        %mul3A_1415 = arith.muli %add3A_1413, %mul3A_1414 : i32
        %add3A_1416 = arith.constant 32 : i32
        %add3A_1417 = arith.addi %mul3A_1415, %add3A_1416 : i32
        %get3A_1418 = arith.index_cast %add3A_1417 : i32 to index
        %get3A_1419 = tpu.vector_load %arg4[%get3A_1418] {strides = array<i32>} : memref<12800xf32, #tpu.memory_space<vmem>>, vector<16xf32>,
        %bitcast_convert_type3A_1420 = tpu.bitcast %get3A_1419 : vector<16xf32> -> vector<16xi32>
        %shift_right_arithmetic3A_1421 = arith.constant 31 : i32
        %shift_right_arithmetic3A_1422 = vector.broadcast %shift_right_arithmetic3A_1421 : i32 to vector<16xi32>
        %shift_right_arithmetic3A_1423 = arith.shrsi %bitcast_convert_type3A_1420, %shift_right_arithmetic3A_1422 : vector<16xi32>
        %and3A_1424 = arith.constant 2147483647 : i32
        %and3A_1425 = vector.broadcast %and3A_1424 : i32 to vector<16xi32>
        %and3A_1426 = arith.andi %shift_right_arithmetic3A_1423, %and3A_1425 : vector<16xi32>
        %xor3A_1427 = arith.xori %bitcast_convert_type3A_1420, %and3A_1426 : vector<16xi32>
        %and3A_1428 = arith.constant -256 : i32
        %and3A_1429 = vector.broadcast %and3A_1428 : i32 to vector<16xi32>
        %and3A_1430 = arith.andi %xor3A_1427, %and3A_1429 : vector<16xi32>
        %sub3A_1431 = arith.constant 255 : i32
        %sub3A_1432 = arith.subi %sub3A_1431, %add3A_1413 : i32
        %or3A_1433 = vector.broadcast %sub3A_1432 : i32 to vector<16xi32>
        %or3A_1434 = arith.ori %and3A_1430, %or3A_1433 : vector<16xi32>
        %mul3A_1435 = arith.constant 16 : i32
        %mul3A_1436 = arith.muli %add3A_1413, %mul3A_1435 : i32
        %swap3A_1437 = arith.index_cast %mul3A_1436 : i32 to index
        %swap3A_1438 = tpu.vector_load %arg9[%swap3A_1437] {strides = array<i32>} : memref<3200xi32, #tpu.memory_space<vmem>>, vector<16xi32>,
        tpu.vector_store %arg9[%swap3A_1437], %or3A_1434 {strides = array<i32>} : memref<3200xi32, #tpu.memory_space<vmem>>, vector<16xi32>,
        %mul3A_1439 = arith.constant 8 : i32
        %mul3A_1440 = arith.muli %scan3A_929, %mul3A_1439 : i32
        %add3A_1441 = arith.constant 1 : i32
        %add3A_1442 = arith.addi %mul3A_1440, %add3A_1441 : i32
        %mul3A_1443 = arith.constant 64 : i32
        %mul3A_1444 = arith.muli %add3A_1442, %mul3A_1443 : i32
        %add3A_1445 = arith.constant 32 : i32
        %add3A_1446 = arith.addi %mul3A_1444, %add3A_1445 : i32
        %get3A_1447 = arith.index_cast %add3A_1446 : i32 to index
        %get3A_1448 = tpu.vector_load %arg4[%get3A_1447] {strides = array<i32>} : memref<12800xf32, #tpu.memory_space<vmem>>, vector<16xf32>,
        %bitcast_convert_type3A_1449 = tpu.bitcast %get3A_1448 : vector<16xf32> -> vector<16xi32>
        %shift_right_arithmetic3A_1450 = arith.constant 31 : i32
        %shift_right_arithmetic3A_1451 = vector.broadcast %shift_right_arithmetic3A_1450 : i32 to vector<16xi32>
        %shift_right_arithmetic3A_1452 = arith.shrsi %bitcast_convert_type3A_1449, %shift_right_arithmetic3A_1451 : vector<16xi32>
        %and3A_1453 = arith.constant 2147483647 : i32
        %and3A_1454 = vector.broadcast %and3A_1453 : i32 to vector<16xi32>
        %and3A_1455 = arith.andi %shift_right_arithmetic3A_1452, %and3A_1454 : vector<16xi32>
        %xor3A_1456 = arith.xori %bitcast_convert_type3A_1449, %and3A_1455 : vector<16xi32>
        %and3A_1457 = arith.constant -256 : i32
        %and3A_1458 = vector.broadcast %and3A_1457 : i32 to vector<16xi32>
        %and3A_1459 = arith.andi %xor3A_1456, %and3A_1458 : vector<16xi32>
        %sub3A_1460 = arith.constant 255 : i32
        %sub3A_1461 = arith.subi %sub3A_1460, %add3A_1442 : i32
        %or3A_1462 = vector.broadcast %sub3A_1461 : i32 to vector<16xi32>
        %or3A_1463 = arith.ori %and3A_1459, %or3A_1462 : vector<16xi32>
        %mul3A_1464 = arith.constant 16 : i32
        %mul3A_1465 = arith.muli %add3A_1442, %mul3A_1464 : i32
        %swap3A_1466 = arith.index_cast %mul3A_1465 : i32 to index
        %swap3A_1467 = tpu.vector_load %arg9[%swap3A_1466] {strides = array<i32>} : memref<3200xi32, #tpu.memory_space<vmem>>, vector<16xi32>,
        tpu.vector_store %arg9[%swap3A_1466], %or3A_1463 {strides = array<i32>} : memref<3200xi32, #tpu.memory_space<vmem>>, vector<16xi32>,
        %mul3A_1468 = arith.constant 8 : i32
        %mul3A_1469 = arith.muli %scan3A_929, %mul3A_1468 : i32
        %add3A_1470 = arith.constant 2 : i32
        %add3A_1471 = arith.addi %mul3A_1469, %add3A_1470 : i32
        %mul3A_1472 = arith.constant 64 : i32
        %mul3A_1473 = arith.muli %add3A_1471, %mul3A_1472 : i32
        %add3A_1474 = arith.constant 32 : i32
        %add3A_1475 = arith.addi %mul3A_1473, %add3A_1474 : i32
        %get3A_1476 = arith.index_cast %add3A_1475 : i32 to index
        %get3A_1477 = tpu.vector_load %arg4[%get3A_1476] {strides = array<i32>} : memref<12800xf32, #tpu.memory_space<vmem>>, vector<16xf32>,
        %bitcast_convert_type3A_1478 = tpu.bitcast %get3A_1477 : vector<16xf32> -> vector<16xi32>
        %shift_right_arithmetic3A_1479 = arith.constant 31 : i32
        %shift_right_arithmetic3A_1480 = vector.broadcast %shift_right_arithmetic3A_1479 : i32 to vector<16xi32>
        %shift_right_arithmetic3A_1481 = arith.shrsi %bitcast_convert_type3A_1478, %shift_right_arithmetic3A_1480 : vector<16xi32>
        %and3A_1482 = arith.constant 2147483647 : i32
        %and3A_1483 = vector.broadcast %and3A_1482 : i32 to vector<16xi32>
        %and3A_1484 = arith.andi %shift_right_arithmetic3A_1481, %and3A_1483 : vector<16xi32>
        %xor3A_1485 = arith.xori %bitcast_convert_type3A_1478, %and3A_1484 : vector<16xi32>
        %and3A_1486 = arith.constant -256 : i32
        %and3A_1487 = vector.broadcast %and3A_1486 : i32 to vector<16xi32>
        %and3A_1488 = arith.andi %xor3A_1485, %and3A_1487 : vector<16xi32>
        %sub3A_1489 = arith.constant 255 : i32
        %sub3A_1490 = arith.subi %sub3A_1489, %add3A_1471 : i32
        %or3A_1491 = vector.broadcast %sub3A_1490 : i32 to vector<16xi32>
        %or3A_1492 = arith.ori %and3A_1488, %or3A_1491 : vector<16xi32>
        %mul3A_1493 = arith.constant 16 : i32
        %mul3A_1494 = arith.muli %add3A_1471, %mul3A_1493 : i32
        %swap3A_1495 = arith.index_cast %mul3A_1494 : i32 to index
        %swap3A_1496 = tpu.vector_load %arg9[%swap3A_1495] {strides = array<i32>} : memref<3200xi32, #tpu.memory_space<vmem>>, vector<16xi32>,
        tpu.vector_store %arg9[%swap3A_1495], %or3A_1492 {strides = array<i32>} : memref<3200xi32, #tpu.memory_space<vmem>>, vector<16xi32>,
        %mul3A_1497 = arith.constant 8 : i32
        %mul3A_1498 = arith.muli %scan3A_929, %mul3A_1497 : i32
        %add3A_1499 = arith.constant 3 : i32
        %add3A_1500 = arith.addi %mul3A_1498, %add3A_1499 : i32
        %mul3A_1501 = arith.constant 64 : i32
        %mul3A_1502 = arith.muli %add3A_1500, %mul3A_1501 : i32
        %add3A_1503 = arith.constant 32 : i32
        %add3A_1504 = arith.addi %mul3A_1502, %add3A_1503 : i32
        %get3A_1505 = arith.index_cast %add3A_1504 : i32 to index
        %get3A_1506 = tpu.vector_load %arg4[%get3A_1505] {strides = array<i32>} : memref<12800xf32, #tpu.memory_space<vmem>>, vector<16xf32>,
        %bitcast_convert_type3A_1507 = tpu.bitcast %get3A_1506 : vector<16xf32> -> vector<16xi32>
        %shift_right_arithmetic3A_1508 = arith.constant 31 : i32
        %shift_right_arithmetic3A_1509 = vector.broadcast %shift_right_arithmetic3A_1508 : i32 to vector<16xi32>
        %shift_right_arithmetic3A_1510 = arith.shrsi %bitcast_convert_type3A_1507, %shift_right_arithmetic3A_1509 : vector<16xi32>
        %and3A_1511 = arith.constant 2147483647 : i32
        %and3A_1512 = vector.broadcast %and3A_1511 : i32 to vector<16xi32>
        %and3A_1513 = arith.andi %shift_right_arithmetic3A_1510, %and3A_1512 : vector<16xi32>
        %xor3A_1514 = arith.xori %bitcast_convert_type3A_1507, %and3A_1513 : vector<16xi32>
        %and3A_1515 = arith.constant -256 : i32
        %and3A_1516 = vector.broadcast %and3A_1515 : i32 to vector<16xi32>
        %and3A_1517 = arith.andi %xor3A_1514, %and3A_1516 : vector<16xi32>
        %sub3A_1518 = arith.constant 255 : i32
        %sub3A_1519 = arith.subi %sub3A_1518, %add3A_1500 : i32
        %or3A_1520 = vector.broadcast %sub3A_1519 : i32 to vector<16xi32>
        %or3A_1521 = arith.ori %and3A_1517, %or3A_1520 : vector<16xi32>
        %mul3A_1522 = arith.constant 16 : i32
        %mul3A_1523 = arith.muli %add3A_1500, %mul3A_1522 : i32
        %swap3A_1524 = arith.index_cast %mul3A_1523 : i32 to index
        %swap3A_1525 = tpu.vector_load %arg9[%swap3A_1524] {strides = array<i32>} : memref<3200xi32, #tpu.memory_space<vmem>>, vector<16xi32>,
        tpu.vector_store %arg9[%swap3A_1524], %or3A_1521 {strides = array<i32>} : memref<3200xi32, #tpu.memory_space<vmem>>, vector<16xi32>,
        %mul3A_1526 = arith.constant 8 : i32
        %mul3A_1527 = arith.muli %scan3A_929, %mul3A_1526 : i32
        %add3A_1528 = arith.constant 4 : i32
        %add3A_1529 = arith.addi %mul3A_1527, %add3A_1528 : i32
        %mul3A_1530 = arith.constant 64 : i32
        %mul3A_1531 = arith.muli %add3A_1529, %mul3A_1530 : i32
        %add3A_1532 = arith.constant 32 : i32
        %add3A_1533 = arith.addi %mul3A_1531, %add3A_1532 : i32
        %get3A_1534 = arith.index_cast %add3A_1533 : i32 to index
        %get3A_1535 = tpu.vector_load %arg4[%get3A_1534] {strides = array<i32>} : memref<12800xf32, #tpu.memory_space<vmem>>, vector<16xf32>,
        %bitcast_convert_type3A_1536 = tpu.bitcast %get3A_1535 : vector<16xf32> -> vector<16xi32>
        %shift_right_arithmetic3A_1537 = arith.constant 31 : i32
        %shift_right_arithmetic3A_1538 = vector.broadcast %shift_right_arithmetic3A_1537 : i32 to vector<16xi32>
        %shift_right_arithmetic3A_1539 = arith.shrsi %bitcast_convert_type3A_1536, %shift_right_arithmetic3A_1538 : vector<16xi32>
        %and3A_1540 = arith.constant 2147483647 : i32
        %and3A_1541 = vector.broadcast %and3A_1540 : i32 to vector<16xi32>
        %and3A_1542 = arith.andi %shift_right_arithmetic3A_1539, %and3A_1541 : vector<16xi32>
        %xor3A_1543 = arith.xori %bitcast_convert_type3A_1536, %and3A_1542 : vector<16xi32>
        %and3A_1544 = arith.constant -256 : i32
        %and3A_1545 = vector.broadcast %and3A_1544 : i32 to vector<16xi32>
        %and3A_1546 = arith.andi %xor3A_1543, %and3A_1545 : vector<16xi32>
        %sub3A_1547 = arith.constant 255 : i32
        %sub3A_1548 = arith.subi %sub3A_1547, %add3A_1529 : i32
        %or3A_1549 = vector.broadcast %sub3A_1548 : i32 to vector<16xi32>
        %or3A_1550 = arith.ori %and3A_1546, %or3A_1549 : vector<16xi32>
        %mul3A_1551 = arith.constant 16 : i32
        %mul3A_1552 = arith.muli %add3A_1529, %mul3A_1551 : i32
        %swap3A_1553 = arith.index_cast %mul3A_1552 : i32 to index
        %swap3A_1554 = tpu.vector_load %arg9[%swap3A_1553] {strides = array<i32>} : memref<3200xi32, #tpu.memory_space<vmem>>, vector<16xi32>,
        tpu.vector_store %arg9[%swap3A_1553], %or3A_1550 {strides = array<i32>} : memref<3200xi32, #tpu.memory_space<vmem>>, vector<16xi32>,
        %mul3A_1555 = arith.constant 8 : i32
        %mul3A_1556 = arith.muli %scan3A_929, %mul3A_1555 : i32
        %add3A_1557 = arith.constant 5 : i32
        %add3A_1558 = arith.addi %mul3A_1556, %add3A_1557 : i32
        %mul3A_1559 = arith.constant 64 : i32
        %mul3A_1560 = arith.muli %add3A_1558, %mul3A_1559 : i32
        %add3A_1561 = arith.constant 32 : i32
        %add3A_1562 = arith.addi %mul3A_1560, %add3A_1561 : i32
        %get3A_1563 = arith.index_cast %add3A_1562 : i32 to index
        %get3A_1564 = tpu.vector_load %arg4[%get3A_1563] {strides = array<i32>} : memref<12800xf32, #tpu.memory_space<vmem>>, vector<16xf32>,
        %bitcast_convert_type3A_1565 = tpu.bitcast %get3A_1564 : vector<16xf32> -> vector<16xi32>
        %shift_right_arithmetic3A_1566 = arith.constant 31 : i32
        %shift_right_arithmetic3A_1567 = vector.broadcast %shift_right_arithmetic3A_1566 : i32 to vector<16xi32>
        %shift_right_arithmetic3A_1568 = arith.shrsi %bitcast_convert_type3A_1565, %shift_right_arithmetic3A_1567 : vector<16xi32>
        %and3A_1569 = arith.constant 2147483647 : i32
        %and3A_1570 = vector.broadcast %and3A_1569 : i32 to vector<16xi32>
        %and3A_1571 = arith.andi %shift_right_arithmetic3A_1568, %and3A_1570 : vector<16xi32>
        %xor3A_1572 = arith.xori %bitcast_convert_type3A_1565, %and3A_1571 : vector<16xi32>
        %and3A_1573 = arith.constant -256 : i32
        %and3A_1574 = vector.broadcast %and3A_1573 : i32 to vector<16xi32>
        %and3A_1575 = arith.andi %xor3A_1572, %and3A_1574 : vector<16xi32>
        %sub3A_1576 = arith.constant 255 : i32
        %sub3A_1577 = arith.subi %sub3A_1576, %add3A_1558 : i32
        %or3A_1578 = vector.broadcast %sub3A_1577 : i32 to vector<16xi32>
        %or3A_1579 = arith.ori %and3A_1575, %or3A_1578 : vector<16xi32>
        %mul3A_1580 = arith.constant 16 : i32
        %mul3A_1581 = arith.muli %add3A_1558, %mul3A_1580 : i32
        %swap3A_1582 = arith.index_cast %mul3A_1581 : i32 to index
        %swap3A_1583 = tpu.vector_load %arg9[%swap3A_1582] {strides = array<i32>} : memref<3200xi32, #tpu.memory_space<vmem>>, vector<16xi32>,
        tpu.vector_store %arg9[%swap3A_1582], %or3A_1579 {strides = array<i32>} : memref<3200xi32, #tpu.memory_space<vmem>>, vector<16xi32>,
        %mul3A_1584 = arith.constant 8 : i32
        %mul3A_1585 = arith.muli %scan3A_929, %mul3A_1584 : i32
        %add3A_1586 = arith.constant 6 : i32
        %add3A_1587 = arith.addi %mul3A_1585, %add3A_1586 : i32
        %mul3A_1588 = arith.constant 64 : i32
        %mul3A_1589 = arith.muli %add3A_1587, %mul3A_1588 : i32
        %add3A_1590 = arith.constant 32 : i32
        %add3A_1591 = arith.addi %mul3A_1589, %add3A_1590 : i32
        %get3A_1592 = arith.index_cast %add3A_1591 : i32 to index
        %get3A_1593 = tpu.vector_load %arg4[%get3A_1592] {strides = array<i32>} : memref<12800xf32, #tpu.memory_space<vmem>>, vector<16xf32>,
        %bitcast_convert_type3A_1594 = tpu.bitcast %get3A_1593 : vector<16xf32> -> vector<16xi32>
        %shift_right_arithmetic3A_1595 = arith.constant 31 : i32
        %shift_right_arithmetic3A_1596 = vector.broadcast %shift_right_arithmetic3A_1595 : i32 to vector<16xi32>
        %shift_right_arithmetic3A_1597 = arith.shrsi %bitcast_convert_type3A_1594, %shift_right_arithmetic3A_1596 : vector<16xi32>
        %and3A_1598 = arith.constant 2147483647 : i32
        %and3A_1599 = vector.broadcast %and3A_1598 : i32 to vector<16xi32>
        %and3A_1600 = arith.andi %shift_right_arithmetic3A_1597, %and3A_1599 : vector<16xi32>
        %xor3A_1601 = arith.xori %bitcast_convert_type3A_1594, %and3A_1600 : vector<16xi32>
        %and3A_1602 = arith.constant -256 : i32
        %and3A_1603 = vector.broadcast %and3A_1602 : i32 to vector<16xi32>
        %and3A_1604 = arith.andi %xor3A_1601, %and3A_1603 : vector<16xi32>
        %sub3A_1605 = arith.constant 255 : i32
        %sub3A_1606 = arith.subi %sub3A_1605, %add3A_1587 : i32
        %or3A_1607 = vector.broadcast %sub3A_1606 : i32 to vector<16xi32>
        %or3A_1608 = arith.ori %and3A_1604, %or3A_1607 : vector<16xi32>
        %mul3A_1609 = arith.constant 16 : i32
        %mul3A_1610 = arith.muli %add3A_1587, %mul3A_1609 : i32
        %swap3A_1611 = arith.index_cast %mul3A_1610 : i32 to index
        %swap3A_1612 = tpu.vector_load %arg9[%swap3A_1611] {strides = array<i32>} : memref<3200xi32, #tpu.memory_space<vmem>>, vector<16xi32>,
        tpu.vector_store %arg9[%swap3A_1611], %or3A_1608 {strides = array<i32>} : memref<3200xi32, #tpu.memory_space<vmem>>, vector<16xi32>,
        %mul3A_1613 = arith.constant 8 : i32
        %mul3A_1614 = arith.muli %scan3A_929, %mul3A_1613 : i32
        %add3A_1615 = arith.constant 7 : i32
        %add3A_1616 = arith.addi %mul3A_1614, %add3A_1615 : i32
        %mul3A_1617 = arith.constant 64 : i32
        %mul3A_1618 = arith.muli %add3A_1616, %mul3A_1617 : i32
        %add3A_1619 = arith.constant 32 : i32
        %add3A_1620 = arith.addi %mul3A_1618, %add3A_1619 : i32
        %get3A_1621 = arith.index_cast %add3A_1620 : i32 to index
        %get3A_1622 = tpu.vector_load %arg4[%get3A_1621] {strides = array<i32>} : memref<12800xf32, #tpu.memory_space<vmem>>, vector<16xf32>,
        %bitcast_convert_type3A_1623 = tpu.bitcast %get3A_1622 : vector<16xf32> -> vector<16xi32>
        %shift_right_arithmetic3A_1624 = arith.constant 31 : i32
        %shift_right_arithmetic3A_1625 = vector.broadcast %shift_right_arithmetic3A_1624 : i32 to vector<16xi32>
        %shift_right_arithmetic3A_1626 = arith.shrsi %bitcast_convert_type3A_1623, %shift_right_arithmetic3A_1625 : vector<16xi32>
        %and3A_1627 = arith.constant 2147483647 : i32
        %and3A_1628 = vector.broadcast %and3A_1627 : i32 to vector<16xi32>
        %and3A_1629 = arith.andi %shift_right_arithmetic3A_1626, %and3A_1628 : vector<16xi32>
        %xor3A_1630 = arith.xori %bitcast_convert_type3A_1623, %and3A_1629 : vector<16xi32>
        %and3A_1631 = arith.constant -256 : i32
        %and3A_1632 = vector.broadcast %and3A_1631 : i32 to vector<16xi32>
        %and3A_1633 = arith.andi %xor3A_1630, %and3A_1632 : vector<16xi32>
        %sub3A_1634 = arith.constant 255 : i32
        %sub3A_1635 = arith.subi %sub3A_1634, %add3A_1616 : i32
        %or3A_1636 = vector.broadcast %sub3A_1635 : i32 to vector<16xi32>
        %or3A_1637 = arith.ori %and3A_1633, %or3A_1636 : vector<16xi32>
        %mul3A_1638 = arith.constant 16 : i32
        %mul3A_1639 = arith.muli %add3A_1616, %mul3A_1638 : i32
        %swap3A_1640 = arith.index_cast %mul3A_1639 : i32 to index
        %swap3A_1641 = tpu.vector_load %arg9[%swap3A_1640] {strides = array<i32>} : memref<3200xi32, #tpu.memory_space<vmem>>, vector<16xi32>,
        tpu.vector_store %arg9[%swap3A_1640], %or3A_1637 {strides = array<i32>} : memref<3200xi32, #tpu.memory_space<vmem>>, vector<16xi32>,
        %max3A_1642 = arith.maxsi %or3A_1434, %or3A_1463 : vector<16xi32>
        %max3A_1643 = arith.maxsi %or3A_1492, %or3A_1521 : vector<16xi32>
        %max3A_1644 = arith.maxsi %or3A_1550, %or3A_1579 : vector<16xi32>
        %max3A_1645 = arith.maxsi %or3A_1608, %or3A_1637 : vector<16xi32>
        %max3A_1646 = arith.maxsi %max3A_1642, %max3A_1643 : vector<16xi32>
        %max3A_1647 = arith.maxsi %max3A_1644, %max3A_1645 : vector<16xi32>
        %max3A_1648 = arith.maxsi %max3A_1646, %max3A_1647 : vector<16xi32>
        %mul3A_1649 = arith.constant 16 : i32
        %mul3A_1650 = arith.muli %scan3A_929, %mul3A_1649 : i32
        %swap3A_1651 = arith.index_cast %mul3A_1650 : i32 to index
        %swap3A_1652 = tpu.vector_load %arg13[%swap3A_1651] {strides = array<i32>} : memref<512xi32, #tpu.memory_space<vmem>>, vector<16xi32>,
        tpu.vector_store %arg13[%swap3A_1651], %max3A_1648 {strides = array<i32>} : memref<512xi32, #tpu.memory_space<vmem>>, vector<16xi32>,
        %mul3A_1653 = arith.constant 8 : i32
        %mul3A_1654 = arith.muli %scan3A_929, %mul3A_1653 : i32
        %add3A_1655 = arith.constant 0 : i32
        %add3A_1656 = arith.addi %mul3A_1654, %add3A_1655 : i32
        %mul3A_1657 = arith.constant 64 : i32
        %mul3A_1658 = arith.muli %add3A_1656, %mul3A_1657 : i32
        %add3A_1659 = arith.constant 48 : i32
        %add3A_1660 = arith.addi %mul3A_1658, %add3A_1659 : i32
        %get3A_1661 = arith.index_cast %add3A_1660 : i32 to index
        %get3A_1662 = tpu.vector_load %arg4[%get3A_1661] {strides = array<i32>} : memref<12800xf32, #tpu.memory_space<vmem>>, vector<16xf32>,
        %bitcast_convert_type3A_1663 = tpu.bitcast %get3A_1662 : vector<16xf32> -> vector<16xi32>
        %shift_right_arithmetic3A_1664 = arith.constant 31 : i32
        %shift_right_arithmetic3A_1665 = vector.broadcast %shift_right_arithmetic3A_1664 : i32 to vector<16xi32>
        %shift_right_arithmetic3A_1666 = arith.shrsi %bitcast_convert_type3A_1663, %shift_right_arithmetic3A_1665 : vector<16xi32>
        %and3A_1667 = arith.constant 2147483647 : i32
        %and3A_1668 = vector.broadcast %and3A_1667 : i32 to vector<16xi32>
        %and3A_1669 = arith.andi %shift_right_arithmetic3A_1666, %and3A_1668 : vector<16xi32>
        %xor3A_1670 = arith.xori %bitcast_convert_type3A_1663, %and3A_1669 : vector<16xi32>
        %and3A_1671 = arith.constant -256 : i32
        %and3A_1672 = vector.broadcast %and3A_1671 : i32 to vector<16xi32>
        %and3A_1673 = arith.andi %xor3A_1670, %and3A_1672 : vector<16xi32>
        %sub3A_1674 = arith.constant 255 : i32
        %sub3A_1675 = arith.subi %sub3A_1674, %add3A_1656 : i32
        %or3A_1676 = vector.broadcast %sub3A_1675 : i32 to vector<16xi32>
        %or3A_1677 = arith.ori %and3A_1673, %or3A_1676 : vector<16xi32>
        %mul3A_1678 = arith.constant 16 : i32
        %mul3A_1679 = arith.muli %add3A_1656, %mul3A_1678 : i32
        %swap3A_1680 = arith.index_cast %mul3A_1679 : i32 to index
        %swap3A_1681 = tpu.vector_load %arg10[%swap3A_1680] {strides = array<i32>} : memref<3200xi32, #tpu.memory_space<vmem>>, vector<16xi32>,
        tpu.vector_store %arg10[%swap3A_1680], %or3A_1677 {strides = array<i32>} : memref<3200xi32, #tpu.memory_space<vmem>>, vector<16xi32>,
        %mul3A_1682 = arith.constant 8 : i32
        %mul3A_1683 = arith.muli %scan3A_929, %mul3A_1682 : i32
        %add3A_1684 = arith.constant 1 : i32
        %add3A_1685 = arith.addi %mul3A_1683, %add3A_1684 : i32
        %mul3A_1686 = arith.constant 64 : i32
        %mul3A_1687 = arith.muli %add3A_1685, %mul3A_1686 : i32
        %add3A_1688 = arith.constant 48 : i32
        %add3A_1689 = arith.addi %mul3A_1687, %add3A_1688 : i32
        %get3A_1690 = arith.index_cast %add3A_1689 : i32 to index
        %get3A_1691 = tpu.vector_load %arg4[%get3A_1690] {strides = array<i32>} : memref<12800xf32, #tpu.memory_space<vmem>>, vector<16xf32>,
        %bitcast_convert_type3A_1692 = tpu.bitcast %get3A_1691 : vector<16xf32> -> vector<16xi32>
        %shift_right_arithmetic3A_1693 = arith.constant 31 : i32
        %shift_right_arithmetic3A_1694 = vector.broadcast %shift_right_arithmetic3A_1693 : i32 to vector<16xi32>
        %shift_right_arithmetic3A_1695 = arith.shrsi %bitcast_convert_type3A_1692, %shift_right_arithmetic3A_1694 : vector<16xi32>
        %and3A_1696 = arith.constant 2147483647 : i32
        %and3A_1697 = vector.broadcast %and3A_1696 : i32 to vector<16xi32>
        %and3A_1698 = arith.andi %shift_right_arithmetic3A_1695, %and3A_1697 : vector<16xi32>
        %xor3A_1699 = arith.xori %bitcast_convert_type3A_1692, %and3A_1698 : vector<16xi32>
        %and3A_1700 = arith.constant -256 : i32
        %and3A_1701 = vector.broadcast %and3A_1700 : i32 to vector<16xi32>
        %and3A_1702 = arith.andi %xor3A_1699, %and3A_1701 : vector<16xi32>
        %sub3A_1703 = arith.constant 255 : i32
        %sub3A_1704 = arith.subi %sub3A_1703, %add3A_1685 : i32
        %or3A_1705 = vector.broadcast %sub3A_1704 : i32 to vector<16xi32>
        %or3A_1706 = arith.ori %and3A_1702, %or3A_1705 : vector<16xi32>
        %mul3A_1707 = arith.constant 16 : i32
        %mul3A_1708 = arith.muli %add3A_1685, %mul3A_1707 : i32
        %swap3A_1709 = arith.index_cast %mul3A_1708 : i32 to index
        %swap3A_1710 = tpu.vector_load %arg10[%swap3A_1709] {strides = array<i32>} : memref<3200xi32, #tpu.memory_space<vmem>>, vector<16xi32>,
        tpu.vector_store %arg10[%swap3A_1709], %or3A_1706 {strides = array<i32>} : memref<3200xi32, #tpu.memory_space<vmem>>, vector<16xi32>,
        %mul3A_1711 = arith.constant 8 : i32
        %mul3A_1712 = arith.muli %scan3A_929, %mul3A_1711 : i32
        %add3A_1713 = arith.constant 2 : i32
        %add3A_1714 = arith.addi %mul3A_1712, %add3A_1713 : i32
        %mul3A_1715 = arith.constant 64 : i32
        %mul3A_1716 = arith.muli %add3A_1714, %mul3A_1715 : i32
        %add3A_1717 = arith.constant 48 : i32
        %add3A_1718 = arith.addi %mul3A_1716, %add3A_1717 : i32
        %get3A_1719 = arith.index_cast %add3A_1718 : i32 to index
        %get3A_1720 = tpu.vector_load %arg4[%get3A_1719] {strides = array<i32>} : memref<12800xf32, #tpu.memory_space<vmem>>, vector<16xf32>,
        %bitcast_convert_type3A_1721 = tpu.bitcast %get3A_1720 : vector<16xf32> -> vector<16xi32>
        %shift_right_arithmetic3A_1722 = arith.constant 31 : i32
        %shift_right_arithmetic3A_1723 = vector.broadcast %shift_right_arithmetic3A_1722 : i32 to vector<16xi32>
        %shift_right_arithmetic3A_1724 = arith.shrsi %bitcast_convert_type3A_1721, %shift_right_arithmetic3A_1723 : vector<16xi32>
        %and3A_1725 = arith.constant 2147483647 : i32
        %and3A_1726 = vector.broadcast %and3A_1725 : i32 to vector<16xi32>
        %and3A_1727 = arith.andi %shift_right_arithmetic3A_1724, %and3A_1726 : vector<16xi32>
        %xor3A_1728 = arith.xori %bitcast_convert_type3A_1721, %and3A_1727 : vector<16xi32>
        %and3A_1729 = arith.constant -256 : i32
        %and3A_1730 = vector.broadcast %and3A_1729 : i32 to vector<16xi32>
        %and3A_1731 = arith.andi %xor3A_1728, %and3A_1730 : vector<16xi32>
        %sub3A_1732 = arith.constant 255 : i32
        %sub3A_1733 = arith.subi %sub3A_1732, %add3A_1714 : i32
        %or3A_1734 = vector.broadcast %sub3A_1733 : i32 to vector<16xi32>
        %or3A_1735 = arith.ori %and3A_1731, %or3A_1734 : vector<16xi32>
        %mul3A_1736 = arith.constant 16 : i32
        %mul3A_1737 = arith.muli %add3A_1714, %mul3A_1736 : i32
        %swap3A_1738 = arith.index_cast %mul3A_1737 : i32 to index
        %swap3A_1739 = tpu.vector_load %arg10[%swap3A_1738] {strides = array<i32>} : memref<3200xi32, #tpu.memory_space<vmem>>, vector<16xi32>,
        tpu.vector_store %arg10[%swap3A_1738], %or3A_1735 {strides = array<i32>} : memref<3200xi32, #tpu.memory_space<vmem>>, vector<16xi32>,
        %mul3A_1740 = arith.constant 8 : i32
        %mul3A_1741 = arith.muli %scan3A_929, %mul3A_1740 : i32
        %add3A_1742 = arith.constant 3 : i32
        %add3A_1743 = arith.addi %mul3A_1741, %add3A_1742 : i32
        %mul3A_1744 = arith.constant 64 : i32
        %mul3A_1745 = arith.muli %add3A_1743, %mul3A_1744 : i32
        %add3A_1746 = arith.constant 48 : i32
        %add3A_1747 = arith.addi %mul3A_1745, %add3A_1746 : i32
        %get3A_1748 = arith.index_cast %add3A_1747 : i32 to index
        %get3A_1749 = tpu.vector_load %arg4[%get3A_1748] {strides = array<i32>} : memref<12800xf32, #tpu.memory_space<vmem>>, vector<16xf32>,
        %bitcast_convert_type3A_1750 = tpu.bitcast %get3A_1749 : vector<16xf32> -> vector<16xi32>
        %shift_right_arithmetic3A_1751 = arith.constant 31 : i32
        %shift_right_arithmetic3A_1752 = vector.broadcast %shift_right_arithmetic3A_1751 : i32 to vector<16xi32>
        %shift_right_arithmetic3A_1753 = arith.shrsi %bitcast_convert_type3A_1750, %shift_right_arithmetic3A_1752 : vector<16xi32>
        %and3A_1754 = arith.constant 2147483647 : i32
        %and3A_1755 = vector.broadcast %and3A_1754 : i32 to vector<16xi32>
        %and3A_1756 = arith.andi %shift_right_arithmetic3A_1753, %and3A_1755 : vector<16xi32>
        %xor3A_1757 = arith.xori %bitcast_convert_type3A_1750, %and3A_1756 : vector<16xi32>
        %and3A_1758 = arith.constant -256 : i32
        %and3A_1759 = vector.broadcast %and3A_1758 : i32 to vector<16xi32>
        %and3A_1760 = arith.andi %xor3A_1757, %and3A_1759 : vector<16xi32>
        %sub3A_1761 = arith.constant 255 : i32
        %sub3A_1762 = arith.subi %sub3A_1761, %add3A_1743 : i32
        %or3A_1763 = vector.broadcast %sub3A_1762 : i32 to vector<16xi32>
        %or3A_1764 = arith.ori %and3A_1760, %or3A_1763 : vector<16xi32>
        %mul3A_1765 = arith.constant 16 : i32
        %mul3A_1766 = arith.muli %add3A_1743, %mul3A_1765 : i32
        %swap3A_1767 = arith.index_cast %mul3A_1766 : i32 to index
        %swap3A_1768 = tpu.vector_load %arg10[%swap3A_1767] {strides = array<i32>} : memref<3200xi32, #tpu.memory_space<vmem>>, vector<16xi32>,
        tpu.vector_store %arg10[%swap3A_1767], %or3A_1764 {strides = array<i32>} : memref<3200xi32, #tpu.memory_space<vmem>>, vector<16xi32>,
        %mul3A_1769 = arith.constant 8 : i32
        %mul3A_1770 = arith.muli %scan3A_929, %mul3A_1769 : i32
        %add3A_1771 = arith.constant 4 : i32
        %add3A_1772 = arith.addi %mul3A_1770, %add3A_1771 : i32
        %mul3A_1773 = arith.constant 64 : i32
        %mul3A_1774 = arith.muli %add3A_1772, %mul3A_1773 : i32
        %add3A_1775 = arith.constant 48 : i32
        %add3A_1776 = arith.addi %mul3A_1774, %add3A_1775 : i32
        %get3A_1777 = arith.index_cast %add3A_1776 : i32 to index
        %get3A_1778 = tpu.vector_load %arg4[%get3A_1777] {strides = array<i32>} : memref<12800xf32, #tpu.memory_space<vmem>>, vector<16xf32>,
        %bitcast_convert_type3A_1779 = tpu.bitcast %get3A_1778 : vector<16xf32> -> vector<16xi32>
        %shift_right_arithmetic3A_1780 = arith.constant 31 : i32
        %shift_right_arithmetic3A_1781 = vector.broadcast %shift_right_arithmetic3A_1780 : i32 to vector<16xi32>
        %shift_right_arithmetic3A_1782 = arith.shrsi %bitcast_convert_type3A_1779, %shift_right_arithmetic3A_1781 : vector<16xi32>
        %and3A_1783 = arith.constant 2147483647 : i32
        %and3A_1784 = vector.broadcast %and3A_1783 : i32 to vector<16xi32>
        %and3A_1785 = arith.andi %shift_right_arithmetic3A_1782, %and3A_1784 : vector<16xi32>
        %xor3A_1786 = arith.xori %bitcast_convert_type3A_1779, %and3A_1785 : vector<16xi32>
        %and3A_1787 = arith.constant -256 : i32
        %and3A_1788 = vector.broadcast %and3A_1787 : i32 to vector<16xi32>
        %and3A_1789 = arith.andi %xor3A_1786, %and3A_1788 : vector<16xi32>
        %sub3A_1790 = arith.constant 255 : i32
        %sub3A_1791 = arith.subi %sub3A_1790, %add3A_1772 : i32
        %or3A_1792 = vector.broadcast %sub3A_1791 : i32 to vector<16xi32>
        %or3A_1793 = arith.ori %and3A_1789, %or3A_1792 : vector<16xi32>
        %mul3A_1794 = arith.constant 16 : i32
        %mul3A_1795 = arith.muli %add3A_1772, %mul3A_1794 : i32
        %swap3A_1796 = arith.index_cast %mul3A_1795 : i32 to index
        %swap3A_1797 = tpu.vector_load %arg10[%swap3A_1796] {strides = array<i32>} : memref<3200xi32, #tpu.memory_space<vmem>>, vector<16xi32>,
        tpu.vector_store %arg10[%swap3A_1796], %or3A_1793 {strides = array<i32>} : memref<3200xi32, #tpu.memory_space<vmem>>, vector<16xi32>,
        %mul3A_1798 = arith.constant 8 : i32
        %mul3A_1799 = arith.muli %scan3A_929, %mul3A_1798 : i32
        %add3A_1800 = arith.constant 5 : i32
        %add3A_1801 = arith.addi %mul3A_1799, %add3A_1800 : i32
        %mul3A_1802 = arith.constant 64 : i32
        %mul3A_1803 = arith.muli %add3A_1801, %mul3A_1802 : i32
        %add3A_1804 = arith.constant 48 : i32
        %add3A_1805 = arith.addi %mul3A_1803, %add3A_1804 : i32
        %get3A_1806 = arith.index_cast %add3A_1805 : i32 to index
        %get3A_1807 = tpu.vector_load %arg4[%get3A_1806] {strides = array<i32>} : memref<12800xf32, #tpu.memory_space<vmem>>, vector<16xf32>,
        %bitcast_convert_type3A_1808 = tpu.bitcast %get3A_1807 : vector<16xf32> -> vector<16xi32>
        %shift_right_arithmetic3A_1809 = arith.constant 31 : i32
        %shift_right_arithmetic3A_1810 = vector.broadcast %shift_right_arithmetic3A_1809 : i32 to vector<16xi32>
        %shift_right_arithmetic3A_1811 = arith.shrsi %bitcast_convert_type3A_1808, %shift_right_arithmetic3A_1810 : vector<16xi32>
        %and3A_1812 = arith.constant 2147483647 : i32
        %and3A_1813 = vector.broadcast %and3A_1812 : i32 to vector<16xi32>
        %and3A_1814 = arith.andi %shift_right_arithmetic3A_1811, %and3A_1813 : vector<16xi32>
        %xor3A_1815 = arith.xori %bitcast_convert_type3A_1808, %and3A_1814 : vector<16xi32>
        %and3A_1816 = arith.constant -256 : i32
        %and3A_1817 = vector.broadcast %and3A_1816 : i32 to vector<16xi32>
        %and3A_1818 = arith.andi %xor3A_1815, %and3A_1817 : vector<16xi32>
        %sub3A_1819 = arith.constant 255 : i32
        %sub3A_1820 = arith.subi %sub3A_1819, %add3A_1801 : i32
        %or3A_1821 = vector.broadcast %sub3A_1820 : i32 to vector<16xi32>
        %or3A_1822 = arith.ori %and3A_1818, %or3A_1821 : vector<16xi32>
        %mul3A_1823 = arith.constant 16 : i32
        %mul3A_1824 = arith.muli %add3A_1801, %mul3A_1823 : i32
        %swap3A_1825 = arith.index_cast %mul3A_1824 : i32 to index
        %swap3A_1826 = tpu.vector_load %arg10[%swap3A_1825] {strides = array<i32>} : memref<3200xi32, #tpu.memory_space<vmem>>, vector<16xi32>,
        tpu.vector_store %arg10[%swap3A_1825], %or3A_1822 {strides = array<i32>} : memref<3200xi32, #tpu.memory_space<vmem>>, vector<16xi32>,
        %mul3A_1827 = arith.constant 8 : i32
        %mul3A_1828 = arith.muli %scan3A_929, %mul3A_1827 : i32
        %add3A_1829 = arith.constant 6 : i32
        %add3A_1830 = arith.addi %mul3A_1828, %add3A_1829 : i32
        %mul3A_1831 = arith.constant 64 : i32
        %mul3A_1832 = arith.muli %add3A_1830, %mul3A_1831 : i32
        %add3A_1833 = arith.constant 48 : i32
        %add3A_1834 = arith.addi %mul3A_1832, %add3A_1833 : i32
        %get3A_1835 = arith.index_cast %add3A_1834 : i32 to index
        %get3A_1836 = tpu.vector_load %arg4[%get3A_1835] {strides = array<i32>} : memref<12800xf32, #tpu.memory_space<vmem>>, vector<16xf32>,
        %bitcast_convert_type3A_1837 = tpu.bitcast %get3A_1836 : vector<16xf32> -> vector<16xi32>
        %shift_right_arithmetic3A_1838 = arith.constant 31 : i32
        %shift_right_arithmetic3A_1839 = vector.broadcast %shift_right_arithmetic3A_1838 : i32 to vector<16xi32>
        %shift_right_arithmetic3A_1840 = arith.shrsi %bitcast_convert_type3A_1837, %shift_right_arithmetic3A_1839 : vector<16xi32>
        %and3A_1841 = arith.constant 2147483647 : i32
        %and3A_1842 = vector.broadcast %and3A_1841 : i32 to vector<16xi32>
        %and3A_1843 = arith.andi %shift_right_arithmetic3A_1840, %and3A_1842 : vector<16xi32>
        %xor3A_1844 = arith.xori %bitcast_convert_type3A_1837, %and3A_1843 : vector<16xi32>
        %and3A_1845 = arith.constant -256 : i32
        %and3A_1846 = vector.broadcast %and3A_1845 : i32 to vector<16xi32>
        %and3A_1847 = arith.andi %xor3A_1844, %and3A_1846 : vector<16xi32>
        %sub3A_1848 = arith.constant 255 : i32
        %sub3A_1849 = arith.subi %sub3A_1848, %add3A_1830 : i32
        %or3A_1850 = vector.broadcast %sub3A_1849 : i32 to vector<16xi32>
        %or3A_1851 = arith.ori %and3A_1847, %or3A_1850 : vector<16xi32>
        %mul3A_1852 = arith.constant 16 : i32
        %mul3A_1853 = arith.muli %add3A_1830, %mul3A_1852 : i32
        %swap3A_1854 = arith.index_cast %mul3A_1853 : i32 to index
        %swap3A_1855 = tpu.vector_load %arg10[%swap3A_1854] {strides = array<i32>} : memref<3200xi32, #tpu.memory_space<vmem>>, vector<16xi32>,
        tpu.vector_store %arg10[%swap3A_1854], %or3A_1851 {strides = array<i32>} : memref<3200xi32, #tpu.memory_space<vmem>>, vector<16xi32>,
        %mul3A_1856 = arith.constant 8 : i32
        %mul3A_1857 = arith.muli %scan3A_929, %mul3A_1856 : i32
        %add3A_1858 = arith.constant 7 : i32
        %add3A_1859 = arith.addi %mul3A_1857, %add3A_1858 : i32
        %mul3A_1860 = arith.constant 64 : i32
        %mul3A_1861 = arith.muli %add3A_1859, %mul3A_1860 : i32
        %add3A_1862 = arith.constant 48 : i32
        %add3A_1863 = arith.addi %mul3A_1861, %add3A_1862 : i32
        %get3A_1864 = arith.index_cast %add3A_1863 : i32 to index
        %get3A_1865 = tpu.vector_load %arg4[%get3A_1864] {strides = array<i32>} : memref<12800xf32, #tpu.memory_space<vmem>>, vector<16xf32>,
        %bitcast_convert_type3A_1866 = tpu.bitcast %get3A_1865 : vector<16xf32> -> vector<16xi32>
        %shift_right_arithmetic3A_1867 = arith.constant 31 : i32
        %shift_right_arithmetic3A_1868 = vector.broadcast %shift_right_arithmetic3A_1867 : i32 to vector<16xi32>
        %shift_right_arithmetic3A_1869 = arith.shrsi %bitcast_convert_type3A_1866, %shift_right_arithmetic3A_1868 : vector<16xi32>
        %and3A_1870 = arith.constant 2147483647 : i32
        %and3A_1871 = vector.broadcast %and3A_1870 : i32 to vector<16xi32>
        %and3A_1872 = arith.andi %shift_right_arithmetic3A_1869, %and3A_1871 : vector<16xi32>
        %xor3A_1873 = arith.xori %bitcast_convert_type3A_1866, %and3A_1872 : vector<16xi32>
        %and3A_1874 = arith.constant -256 : i32
        %and3A_1875 = vector.broadcast %and3A_1874 : i32 to vector<16xi32>
        %and3A_1876 = arith.andi %xor3A_1873, %and3A_1875 : vector<16xi32>
        %sub3A_1877 = arith.constant 255 : i32
        %sub3A_1878 = arith.subi %sub3A_1877, %add3A_1859 : i32
        %or3A_1879 = vector.broadcast %sub3A_1878 : i32 to vector<16xi32>
        %or3A_1880 = arith.ori %and3A_1876, %or3A_1879 : vector<16xi32>
        %mul3A_1881 = arith.constant 16 : i32
        %mul3A_1882 = arith.muli %add3A_1859, %mul3A_1881 : i32
        %swap3A_1883 = arith.index_cast %mul3A_1882 : i32 to index
        %swap3A_1884 = tpu.vector_load %arg10[%swap3A_1883] {strides = array<i32>} : memref<3200xi32, #tpu.memory_space<vmem>>, vector<16xi32>,
        tpu.vector_store %arg10[%swap3A_1883], %or3A_1880 {strides = array<i32>} : memref<3200xi32, #tpu.memory_space<vmem>>, vector<16xi32>,
        %max3A_1885 = arith.maxsi %or3A_1677, %or3A_1706 : vector<16xi32>
        %max3A_1886 = arith.maxsi %or3A_1735, %or3A_1764 : vector<16xi32>
        %max3A_1887 = arith.maxsi %or3A_1793, %or3A_1822 : vector<16xi32>
        %max3A_1888 = arith.maxsi %or3A_1851, %or3A_1880 : vector<16xi32>
        %max3A_1889 = arith.maxsi %max3A_1885, %max3A_1886 : vector<16xi32>
        %max3A_1890 = arith.maxsi %max3A_1887, %max3A_1888 : vector<16xi32>
        %max3A_1891 = arith.maxsi %max3A_1889, %max3A_1890 : vector<16xi32>
        %mul3A_1892 = arith.constant 16 : i32
        %mul3A_1893 = arith.muli %scan3A_929, %mul3A_1892 : i32
        %swap3A_1894 = arith.index_cast %mul3A_1893 : i32 to index
        %swap3A_1895 = tpu.vector_load %arg14[%swap3A_1894] {strides = array<i32>} : memref<512xi32, #tpu.memory_space<vmem>>, vector<16xi32>,
        tpu.vector_store %arg14[%swap3A_1894], %max3A_1891 {strides = array<i32>} : memref<512xi32, #tpu.memory_space<vmem>>, vector<16xi32>,
      }
      %scan3A_41 = arith.constant 25 : i32
      %swap3A = arith.constant 400 : index
      %swap3A_42 = tpu.vector_load %arg11[%swap3A] {strides = array<i32>} : memref<512xi32, #tpu.memory_space<vmem>>, vector<16xi32>,
      tpu.vector_store %arg11[%swap3A], %broadcast_in_dim3A_1 {strides = array<i32>} : memref<512xi32, #tpu.memory_space<vmem>>, vector<16xi32>,
      %swap3A_43 = arith.constant 416 : index
      %swap3A_44 = tpu.vector_load %arg11[%swap3A_43] {strides = array<i32>} : memref<512xi32, #tpu.memory_space<vmem>>, vector<16xi32>,
      tpu.vector_store %arg11[%swap3A_43], %broadcast_in_dim3A_1 {strides = array<i32>} : memref<512xi32, #tpu.memory_space<vmem>>, vector<16xi32>,
      %swap3A_45 = arith.constant 432 : index
      %swap3A_46 = tpu.vector_load %arg11[%swap3A_45] {strides = array<i32>} : memref<512xi32, #tpu.memory_space<vmem>>, vector<16xi32>,
      tpu.vector_store %arg11[%swap3A_45], %broadcast_in_dim3A_1 {strides = array<i32>} : memref<512xi32, #tpu.memory_space<vmem>>, vector<16xi32>,
      %swap3A_47 = arith.constant 448 : index
      %swap3A_48 = tpu.vector_load %arg11[%swap3A_47] {strides = array<i32>} : memref<512xi32, #tpu.memory_space<vmem>>, vector<16xi32>,
      tpu.vector_store %arg11[%swap3A_47], %broadcast_in_dim3A_1 {strides = array<i32>} : memref<512xi32, #tpu.memory_space<vmem>>, vector<16xi32>,
      %swap3A_49 = arith.constant 464 : index
      %swap3A_50 = tpu.vector_load %arg11[%swap3A_49] {strides = array<i32>} : memref<512xi32, #tpu.memory_space<vmem>>, vector<16xi32>,
      tpu.vector_store %arg11[%swap3A_49], %broadcast_in_dim3A_1 {strides = array<i32>} : memref<512xi32, #tpu.memory_space<vmem>>, vector<16xi32>,
      %swap3A_51 = arith.constant 480 : index
      %swap3A_52 = tpu.vector_load %arg11[%swap3A_51] {strides = array<i32>} : memref<512xi32, #tpu.memory_space<vmem>>, vector<16xi32>,
      tpu.vector_store %arg11[%swap3A_51], %broadcast_in_dim3A_1 {strides = array<i32>} : memref<512xi32, #tpu.memory_space<vmem>>, vector<16xi32>,
      %swap3A_53 = arith.constant 496 : index
      %swap3A_54 = tpu.vector_load %arg11[%swap3A_53] {strides = array<i32>} : memref<512xi32, #tpu.memory_space<vmem>>, vector<16xi32>,
      tpu.vector_store %arg11[%swap3A_53], %broadcast_in_dim3A_1 {strides = array<i32>} : memref<512xi32, #tpu.memory_space<vmem>>, vector<16xi32>,
      %get3A = arith.constant 0 : index
      %get3A_55 = tpu.vector_load %arg11[%get3A] {strides = array<i32>} : memref<512xi32, #tpu.memory_space<vmem>>, vector<16xi32>,
      %get3A_56 = arith.constant 16 : index
      %get3A_57 = tpu.vector_load %arg11[%get3A_56] {strides = array<i32>} : memref<512xi32, #tpu.memory_space<vmem>>, vector<16xi32>,
      %get3A_58 = arith.constant 32 : index
      %get3A_59 = tpu.vector_load %arg11[%get3A_58] {strides = array<i32>} : memref<512xi32, #tpu.memory_space<vmem>>, vector<16xi32>,
      %get3A_60 = arith.constant 48 : index
      %get3A_61 = tpu.vector_load %arg11[%get3A_60] {strides = array<i32>} : memref<512xi32, #tpu.memory_space<vmem>>, vector<16xi32>,
      %get3A_62 = arith.constant 64 : index
      %get3A_63 = tpu.vector_load %arg11[%get3A_62] {strides = array<i32>} : memref<512xi32, #tpu.memory_space<vmem>>, vector<16xi32>,
      %get3A_64 = arith.constant 80 : index
      %get3A_65 = tpu.vector_load %arg11[%get3A_64] {strides = array<i32>} : memref<512xi32, #tpu.memory_space<vmem>>, vector<16xi32>,
      %get3A_66 = arith.constant 96 : index
      %get3A_67 = tpu.vector_load %arg11[%get3A_66] {strides = array<i32>} : memref<512xi32, #tpu.memory_space<vmem>>, vector<16xi32>,
      %get3A_68 = arith.constant 112 : index
      %get3A_69 = tpu.vector_load %arg11[%get3A_68] {strides = array<i32>} : memref<512xi32, #tpu.memory_space<vmem>>, vector<16xi32>,
      %max3A = arith.maxsi %get3A_55, %get3A_57 : vector<16xi32>
      %max3A_70 = arith.maxsi %get3A_59, %get3A_61 : vector<16xi32>
      %max3A_71 = arith.maxsi %get3A_63, %get3A_65 : vector<16xi32>
      %max3A_72 = arith.maxsi %get3A_67, %get3A_69 : vector<16xi32>
      %max3A_73 = arith.maxsi %max3A, %max3A_70 : vector<16xi32>
      %max3A_74 = arith.maxsi %max3A_71, %max3A_72 : vector<16xi32>
      %max3A_75 = arith.maxsi %max3A_73, %max3A_74 : vector<16xi32>
      %get3A_76 = arith.constant 128 : index
      %get3A_77 = tpu.vector_load %arg11[%get3A_76] {strides = array<i32>} : memref<512xi32, #tpu.memory_space<vmem>>, vector<16xi32>,
      %get3A_78 = arith.constant 144 : index
      %get3A_79 = tpu.vector_load %arg11[%get3A_78] {strides = array<i32>} : memref<512xi32, #tpu.memory_space<vmem>>, vector<16xi32>,
      %get3A_80 = arith.constant 160 : index
      %get3A_81 = tpu.vector_load %arg11[%get3A_80] {strides = array<i32>} : memref<512xi32, #tpu.memory_space<vmem>>, vector<16xi32>,
      %get3A_82 = arith.constant 176 : index
      %get3A_83 = tpu.vector_load %arg11[%get3A_82] {strides = array<i32>} : memref<512xi32, #tpu.memory_space<vmem>>, vector<16xi32>,
      %get3A_84 = arith.constant 192 : index
      %get3A_85 = tpu.vector_load %arg11[%get3A_84] {strides = array<i32>} : memref<512xi32, #tpu.memory_space<vmem>>, vector<16xi32>,
      %get3A_86 = arith.constant 208 : index
      %get3A_87 = tpu.vector_load %arg11[%get3A_86] {strides = array<i32>} : memref<512xi32, #tpu.memory_space<vmem>>, vector<16xi32>,
      %get3A_88 = arith.constant 224 : index
      %get3A_89 = tpu.vector_load %arg11[%get3A_88] {strides = array<i32>} : memref<512xi32, #tpu.memory_space<vmem>>, vector<16xi32>,
      %get3A_90 = arith.constant 240 : index
      %get3A_91 = tpu.vector_load %arg11[%get3A_90] {strides = array<i32>} : memref<512xi32, #tpu.memory_space<vmem>>, vector<16xi32>,
      %max3A_92 = arith.maxsi %get3A_77, %get3A_79 : vector<16xi32>
      %max3A_93 = arith.maxsi %get3A_81, %get3A_83 : vector<16xi32>
      %max3A_94 = arith.maxsi %get3A_85, %get3A_87 : vector<16xi32>
      %max3A_95 = arith.maxsi %get3A_89, %get3A_91 : vector<16xi32>
      %max3A_96 = arith.maxsi %max3A_92, %max3A_93 : vector<16xi32>
      %max3A_97 = arith.maxsi %max3A_94, %max3A_95 : vector<16xi32>
      %max3A_98 = arith.maxsi %max3A_96, %max3A_97 : vector<16xi32>
      %get3A_99 = arith.constant 256 : index
      %get3A_100 = tpu.vector_load %arg11[%get3A_99] {strides = array<i32>} : memref<512xi32, #tpu.memory_space<vmem>>, vector<16xi32>,
      %get3A_101 = arith.constant 272 : index
      %get3A_102 = tpu.vector_load %arg11[%get3A_101] {strides = array<i32>} : memref<512xi32, #tpu.memory_space<vmem>>, vector<16xi32>,
      %get3A_103 = arith.constant 288 : index
      %get3A_104 = tpu.vector_load %arg11[%get3A_103] {strides = array<i32>} : memref<512xi32, #tpu.memory_space<vmem>>, vector<16xi32>,
      %get3A_105 = arith.constant 304 : index
      %get3A_106 = tpu.vector_load %arg11[%get3A_105] {strides = array<i32>} : memref<512xi32, #tpu.memory_space<vmem>>, vector<16xi32>,
      %get3A_107 = arith.constant 320 : index
      %get3A_108 = tpu.vector_load %arg11[%get3A_107] {strides = array<i32>} : memref<512xi32, #tpu.memory_space<vmem>>, vector<16xi32>,
      %get3A_109 = arith.constant 336 : index
      %get3A_110 = tpu.vector_load %arg11[%get3A_109] {strides = array<i32>} : memref<512xi32, #tpu.memory_space<vmem>>, vector<16xi32>,
      %get3A_111 = arith.constant 352 : index
      %get3A_112 = tpu.vector_load %arg11[%get3A_111] {strides = array<i32>} : memref<512xi32, #tpu.memory_space<vmem>>, vector<16xi32>,
      %get3A_113 = arith.constant 368 : index
      %get3A_114 = tpu.vector_load %arg11[%get3A_113] {strides = array<i32>} : memref<512xi32, #tpu.memory_space<vmem>>, vector<16xi32>,
      %max3A_115 = arith.maxsi %get3A_100, %get3A_102 : vector<16xi32>
      %max3A_116 = arith.maxsi %get3A_104, %get3A_106 : vector<16xi32>
      %max3A_117 = arith.maxsi %get3A_108, %get3A_110 : vector<16xi32>
      %max3A_118 = arith.maxsi %get3A_112, %get3A_114 : vector<16xi32>
      %max3A_119 = arith.maxsi %max3A_115, %max3A_116 : vector<16xi32>
      %max3A_120 = arith.maxsi %max3A_117, %max3A_118 : vector<16xi32>
      %max3A_121 = arith.maxsi %max3A_119, %max3A_120 : vector<16xi32>
      %get3A_122 = arith.constant 384 : index
      %get3A_123 = tpu.vector_load %arg11[%get3A_122] {strides = array<i32>} : memref<512xi32, #tpu.memory_space<vmem>>, vector<16xi32>,
      %get3A_124 = arith.constant 400 : index
      %get3A_125 = tpu.vector_load %arg11[%get3A_124] {strides = array<i32>} : memref<512xi32, #tpu.memory_space<vmem>>, vector<16xi32>,
      %get3A_126 = arith.constant 416 : index
      %get3A_127 = tpu.vector_load %arg11[%get3A_126] {strides = array<i32>} : memref<512xi32, #tpu.memory_space<vmem>>, vector<16xi32>,
      %get3A_128 = arith.constant 432 : index
      %get3A_129 = tpu.vector_load %arg11[%get3A_128] {strides = array<i32>} : memref<512xi32, #tpu.memory_space<vmem>>, vector<16xi32>,
      %get3A_130 = arith.constant 448 : index
      %get3A_131 = tpu.vector_load %arg11[%get3A_130] {strides = array<i32>} : memref<512xi32, #tpu.memory_space<vmem>>, vector<16xi32>,
      %get3A_132 = arith.constant 464 : index
      %get3A_133 = tpu.vector_load %arg11[%get3A_132] {strides = array<i32>} : memref<512xi32, #tpu.memory_space<vmem>>, vector<16xi32>,
      %get3A_134 = arith.constant 480 : index
      %get3A_135 = tpu.vector_load %arg11[%get3A_134] {strides = array<i32>} : memref<512xi32, #tpu.memory_space<vmem>>, vector<16xi32>,
      %get3A_136 = arith.constant 496 : index
      %get3A_137 = tpu.vector_load %arg11[%get3A_136] {strides = array<i32>} : memref<512xi32, #tpu.memory_space<vmem>>, vector<16xi32>,
      %max3A_138 = arith.maxsi %get3A_123, %get3A_125 : vector<16xi32>
      %max3A_139 = arith.maxsi %get3A_127, %get3A_129 : vector<16xi32>
      %max3A_140 = arith.maxsi %get3A_131, %get3A_133 : vector<16xi32>
      %max3A_141 = arith.maxsi %get3A_135, %get3A_137 : vector<16xi32>
      %max3A_142 = arith.maxsi %max3A_138, %max3A_139 : vector<16xi32>
      %max3A_143 = arith.maxsi %max3A_140, %max3A_141 : vector<16xi32>
      %max3A_144 = arith.maxsi %max3A_142, %max3A_143 : vector<16xi32>
      %swap3A_145 = arith.constant 400 : index
      %swap3A_146 = tpu.vector_load %arg12[%swap3A_145] {strides = array<i32>} : memref<512xi32, #tpu.memory_space<vmem>>, vector<16xi32>,
      tpu.vector_store %arg12[%swap3A_145], %broadcast_in_dim3A_1 {strides = array<i32>} : memref<512xi32, #tpu.memory_space<vmem>>, vector<16xi32>,
      %swap3A_147 = arith.constant 416 : index
      %swap3A_148 = tpu.vector_load %arg12[%swap3A_147] {strides = array<i32>} : memref<512xi32, #tpu.memory_space<vmem>>, vector<16xi32>,
      tpu.vector_store %arg12[%swap3A_147], %broadcast_in_dim3A_1 {strides = array<i32>} : memref<512xi32, #tpu.memory_space<vmem>>, vector<16xi32>,
      %swap3A_149 = arith.constant 432 : index
      %swap3A_150 = tpu.vector_load %arg12[%swap3A_149] {strides = array<i32>} : memref<512xi32, #tpu.memory_space<vmem>>, vector<16xi32>,
      tpu.vector_store %arg12[%swap3A_149], %broadcast_in_dim3A_1 {strides = array<i32>} : memref<512xi32, #tpu.memory_space<vmem>>, vector<16xi32>,
      %swap3A_151 = arith.constant 448 : index
      %swap3A_152 = tpu.vector_load %arg12[%swap3A_151] {strides = array<i32>} : memref<512xi32, #tpu.memory_space<vmem>>, vector<16xi32>,
      tpu.vector_store %arg12[%swap3A_151], %broadcast_in_dim3A_1 {strides = array<i32>} : memref<512xi32, #tpu.memory_space<vmem>>, vector<16xi32>,
      %swap3A_153 = arith.constant 464 : index
      %swap3A_154 = tpu.vector_load %arg12[%swap3A_153] {strides = array<i32>} : memref<512xi32, #tpu.memory_space<vmem>>, vector<16xi32>,
      tpu.vector_store %arg12[%swap3A_153], %broadcast_in_dim3A_1 {strides = array<i32>} : memref<512xi32, #tpu.memory_space<vmem>>, vector<16xi32>,
      %swap3A_155 = arith.constant 480 : index
      %swap3A_156 = tpu.vector_load %arg12[%swap3A_155] {strides = array<i32>} : memref<512xi32, #tpu.memory_space<vmem>>, vector<16xi32>,
      tpu.vector_store %arg12[%swap3A_155], %broadcast_in_dim3A_1 {strides = array<i32>} : memref<512xi32, #tpu.memory_space<vmem>>, vector<16xi32>,
      %swap3A_157 = arith.constant 496 : index
      %swap3A_158 = tpu.vector_load %arg12[%swap3A_157] {strides = array<i32>} : memref<512xi32, #tpu.memory_space<vmem>>, vector<16xi32>,
      tpu.vector_store %arg12[%swap3A_157], %broadcast_in_dim3A_1 {strides = array<i32>} : memref<512xi32, #tpu.memory_space<vmem>>, vector<16xi32>,
      %get3A_159 = arith.constant 0 : index
      %get3A_160 = tpu.vector_load %arg12[%get3A_159] {strides = array<i32>} : memref<512xi32, #tpu.memory_space<vmem>>, vector<16xi32>,
      %get3A_161 = arith.constant 16 : index
      %get3A_162 = tpu.vector_load %arg12[%get3A_161] {strides = array<i32>} : memref<512xi32, #tpu.memory_space<vmem>>, vector<16xi32>,
      %get3A_163 = arith.constant 32 : index
      %get3A_164 = tpu.vector_load %arg12[%get3A_163] {strides = array<i32>} : memref<512xi32, #tpu.memory_space<vmem>>, vector<16xi32>,
      %get3A_165 = arith.constant 48 : index
      %get3A_166 = tpu.vector_load %arg12[%get3A_165] {strides = array<i32>} : memref<512xi32, #tpu.memory_space<vmem>>, vector<16xi32>,
      %get3A_167 = arith.constant 64 : index
      %get3A_168 = tpu.vector_load %arg12[%get3A_167] {strides = array<i32>} : memref<512xi32, #tpu.memory_space<vmem>>, vector<16xi32>,
      %get3A_169 = arith.constant 80 : index
      %get3A_170 = tpu.vector_load %arg12[%get3A_169] {strides = array<i32>} : memref<512xi32, #tpu.memory_space<vmem>>, vector<16xi32>,
      %get3A_171 = arith.constant 96 : index
      %get3A_172 = tpu.vector_load %arg12[%get3A_171] {strides = array<i32>} : memref<512xi32, #tpu.memory_space<vmem>>, vector<16xi32>,
      %get3A_173 = arith.constant 112 : index
      %get3A_174 = tpu.vector_load %arg12[%get3A_173] {strides = array<i32>} : memref<512xi32, #tpu.memory_space<vmem>>, vector<16xi32>,
      %max3A_175 = arith.maxsi %get3A_160, %get3A_162 : vector<16xi32>
      %max3A_176 = arith.maxsi %get3A_164, %get3A_166 : vector<16xi32>
      %max3A_177 = arith.maxsi %get3A_168, %get3A_170 : vector<16xi32>
      %max3A_178 = arith.maxsi %get3A_172, %get3A_174 : vector<16xi32>
      %max3A_179 = arith.maxsi %max3A_175, %max3A_176 : vector<16xi32>
      %max3A_180 = arith.maxsi %max3A_177, %max3A_178 : vector<16xi32>
      %max3A_181 = arith.maxsi %max3A_179, %max3A_180 : vector<16xi32>
      %get3A_182 = arith.constant 128 : index
      %get3A_183 = tpu.vector_load %arg12[%get3A_182] {strides = array<i32>} : memref<512xi32, #tpu.memory_space<vmem>>, vector<16xi32>,
      %get3A_184 = arith.constant 144 : index
      %get3A_185 = tpu.vector_load %arg12[%get3A_184] {strides = array<i32>} : memref<512xi32, #tpu.memory_space<vmem>>, vector<16xi32>,
      %get3A_186 = arith.constant 160 : index
      %get3A_187 = tpu.vector_load %arg12[%get3A_186] {strides = array<i32>} : memref<512xi32, #tpu.memory_space<vmem>>, vector<16xi32>,
      %get3A_188 = arith.constant 176 : index
      %get3A_189 = tpu.vector_load %arg12[%get3A_188] {strides = array<i32>} : memref<512xi32, #tpu.memory_space<vmem>>, vector<16xi32>,
      %get3A_190 = arith.constant 192 : index
      %get3A_191 = tpu.vector_load %arg12[%get3A_190] {strides = array<i32>} : memref<512xi32, #tpu.memory_space<vmem>>, vector<16xi32>,
      %get3A_192 = arith.constant 208 : index
      %get3A_193 = tpu.vector_load %arg12[%get3A_192] {strides = array<i32>} : memref<512xi32, #tpu.memory_space<vmem>>, vector<16xi32>,
      %get3A_194 = arith.constant 224 : index
      %get3A_195 = tpu.vector_load %arg12[%get3A_194] {strides = array<i32>} : memref<512xi32, #tpu.memory_space<vmem>>, vector<16xi32>,
      %get3A_196 = arith.constant 240 : index
      %get3A_197 = tpu.vector_load %arg12[%get3A_196] {strides = array<i32>} : memref<512xi32, #tpu.memory_space<vmem>>, vector<16xi32>,
      %max3A_198 = arith.maxsi %get3A_183, %get3A_185 : vector<16xi32>
      %max3A_199 = arith.maxsi %get3A_187, %get3A_189 : vector<16xi32>
      %max3A_200 = arith.maxsi %get3A_191, %get3A_193 : vector<16xi32>
      %max3A_201 = arith.maxsi %get3A_195, %get3A_197 : vector<16xi32>
      %max3A_202 = arith.maxsi %max3A_198, %max3A_199 : vector<16xi32>
      %max3A_203 = arith.maxsi %max3A_200, %max3A_201 : vector<16xi32>
      %max3A_204 = arith.maxsi %max3A_202, %max3A_203 : vector<16xi32>
      %get3A_205 = arith.constant 256 : index
      %get3A_206 = tpu.vector_load %arg12[%get3A_205] {strides = array<i32>} : memref<512xi32, #tpu.memory_space<vmem>>, vector<16xi32>,
      %get3A_207 = arith.constant 272 : index
      %get3A_208 = tpu.vector_load %arg12[%get3A_207] {strides = array<i32>} : memref<512xi32, #tpu.memory_space<vmem>>, vector<16xi32>,
      %get3A_209 = arith.constant 288 : index
      %get3A_210 = tpu.vector_load %arg12[%get3A_209] {strides = array<i32>} : memref<512xi32, #tpu.memory_space<vmem>>, vector<16xi32>,
      %get3A_211 = arith.constant 304 : index
      %get3A_212 = tpu.vector_load %arg12[%get3A_211] {strides = array<i32>} : memref<512xi32, #tpu.memory_space<vmem>>, vector<16xi32>,
      %get3A_213 = arith.constant 320 : index
      %get3A_214 = tpu.vector_load %arg12[%get3A_213] {strides = array<i32>} : memref<512xi32, #tpu.memory_space<vmem>>, vector<16xi32>,
      %get3A_215 = arith.constant 336 : index
      %get3A_216 = tpu.vector_load %arg12[%get3A_215] {strides = array<i32>} : memref<512xi32, #tpu.memory_space<vmem>>, vector<16xi32>,
      %get3A_217 = arith.constant 352 : index
      %get3A_218 = tpu.vector_load %arg12[%get3A_217] {strides = array<i32>} : memref<512xi32, #tpu.memory_space<vmem>>, vector<16xi32>,
      %get3A_219 = arith.constant 368 : index
      %get3A_220 = tpu.vector_load %arg12[%get3A_219] {strides = array<i32>} : memref<512xi32, #tpu.memory_space<vmem>>, vector<16xi32>,
      %max3A_221 = arith.maxsi %get3A_206, %get3A_208 : vector<16xi32>
      %max3A_222 = arith.maxsi %get3A_210, %get3A_212 : vector<16xi32>
      %max3A_223 = arith.maxsi %get3A_214, %get3A_216 : vector<16xi32>
      %max3A_224 = arith.maxsi %get3A_218, %get3A_220 : vector<16xi32>
      %max3A_225 = arith.maxsi %max3A_221, %max3A_222 : vector<16xi32>
      %max3A_226 = arith.maxsi %max3A_223, %max3A_224 : vector<16xi32>
      %max3A_227 = arith.maxsi %max3A_225, %max3A_226 : vector<16xi32>
      %get3A_228 = arith.constant 384 : index
      %get3A_229 = tpu.vector_load %arg12[%get3A_228] {strides = array<i32>} : memref<512xi32, #tpu.memory_space<vmem>>, vector<16xi32>,
      %get3A_230 = arith.constant 400 : index
      %get3A_231 = tpu.vector_load %arg12[%get3A_230] {strides = array<i32>} : memref<512xi32, #tpu.memory_space<vmem>>, vector<16xi32>,
      %get3A_232 = arith.constant 416 : index
      %get3A_233 = tpu.vector_load %arg12[%get3A_232] {strides = array<i32>} : memref<512xi32, #tpu.memory_space<vmem>>, vector<16xi32>,
      %get3A_234 = arith.constant 432 : index
      %get3A_235 = tpu.vector_load %arg12[%get3A_234] {strides = array<i32>} : memref<512xi32, #tpu.memory_space<vmem>>, vector<16xi32>,
      %get3A_236 = arith.constant 448 : index
      %get3A_237 = tpu.vector_load %arg12[%get3A_236] {strides = array<i32>} : memref<512xi32, #tpu.memory_space<vmem>>, vector<16xi32>,
      %get3A_238 = arith.constant 464 : index
      %get3A_239 = tpu.vector_load %arg12[%get3A_238] {strides = array<i32>} : memref<512xi32, #tpu.memory_space<vmem>>, vector<16xi32>,
      %get3A_240 = arith.constant 480 : index
      %get3A_241 = tpu.vector_load %arg12[%get3A_240] {strides = array<i32>} : memref<512xi32, #tpu.memory_space<vmem>>, vector<16xi32>,
      %get3A_242 = arith.constant 496 : index
      %get3A_243 = tpu.vector_load %arg12[%get3A_242] {strides = array<i32>} : memref<512xi32, #tpu.memory_space<vmem>>, vector<16xi32>,
      %max3A_244 = arith.maxsi %get3A_229, %get3A_231 : vector<16xi32>
      %max3A_245 = arith.maxsi %get3A_233, %get3A_235 : vector<16xi32>
      %max3A_246 = arith.maxsi %get3A_237, %get3A_239 : vector<16xi32>
      %max3A_247 = arith.maxsi %get3A_241, %get3A_243 : vector<16xi32>
      %max3A_248 = arith.maxsi %max3A_244, %max3A_245 : vector<16xi32>
      %max3A_249 = arith.maxsi %max3A_246, %max3A_247 : vector<16xi32>
      %max3A_250 = arith.maxsi %max3A_248, %max3A_249 : vector<16xi32>
      %swap3A_251 = arith.constant 400 : index
      %swap3A_252 = tpu.vector_load %arg13[%swap3A_251] {strides = array<i32>} : memref<512xi32, #tpu.memory_space<vmem>>, vector<16xi32>,
      tpu.vector_store %arg13[%swap3A_251], %broadcast_in_dim3A_1 {strides = array<i32>} : memref<512xi32, #tpu.memory_space<vmem>>, vector<16xi32>,
      %swap3A_253 = arith.constant 416 : index
      %swap3A_254 = tpu.vector_load %arg13[%swap3A_253] {strides = array<i32>} : memref<512xi32, #tpu.memory_space<vmem>>, vector<16xi32>,
      tpu.vector_store %arg13[%swap3A_253], %broadcast_in_dim3A_1 {strides = array<i32>} : memref<512xi32, #tpu.memory_space<vmem>>, vector<16xi32>,
      %swap3A_255 = arith.constant 432 : index
      %swap3A_256 = tpu.vector_load %arg13[%swap3A_255] {strides = array<i32>} : memref<512xi32, #tpu.memory_space<vmem>>, vector<16xi32>,
      tpu.vector_store %arg13[%swap3A_255], %broadcast_in_dim3A_1 {strides = array<i32>} : memref<512xi32, #tpu.memory_space<vmem>>, vector<16xi32>,
      %swap3A_257 = arith.constant 448 : index
      %swap3A_258 = tpu.vector_load %arg13[%swap3A_257] {strides = array<i32>} : memref<512xi32, #tpu.memory_space<vmem>>, vector<16xi32>,
      tpu.vector_store %arg13[%swap3A_257], %broadcast_in_dim3A_1 {strides = array<i32>} : memref<512xi32, #tpu.memory_space<vmem>>, vector<16xi32>,
      %swap3A_259 = arith.constant 464 : index
      %swap3A_260 = tpu.vector_load %arg13[%swap3A_259] {strides = array<i32>} : memref<512xi32, #tpu.memory_space<vmem>>, vector<16xi32>,
      tpu.vector_store %arg13[%swap3A_259], %broadcast_in_dim3A_1 {strides = array<i32>} : memref<512xi32, #tpu.memory_space<vmem>>, vector<16xi32>,
      %swap3A_261 = arith.constant 480 : index
      %swap3A_262 = tpu.vector_load %arg13[%swap3A_261] {strides = array<i32>} : memref<512xi32, #tpu.memory_space<vmem>>, vector<16xi32>,
      tpu.vector_store %arg13[%swap3A_261], %broadcast_in_dim3A_1 {strides = array<i32>} : memref<512xi32, #tpu.memory_space<vmem>>, vector<16xi32>,
      %swap3A_263 = arith.constant 496 : index
      %swap3A_264 = tpu.vector_load %arg13[%swap3A_263] {strides = array<i32>} : memref<512xi32, #tpu.memory_space<vmem>>, vector<16xi32>,
      tpu.vector_store %arg13[%swap3A_263], %broadcast_in_dim3A_1 {strides = array<i32>} : memref<512xi32, #tpu.memory_space<vmem>>, vector<16xi32>,
      %get3A_265 = arith.constant 0 : index
      %get3A_266 = tpu.vector_load %arg13[%get3A_265] {strides = array<i32>} : memref<512xi32, #tpu.memory_space<vmem>>, vector<16xi32>,
      %get3A_267 = arith.constant 16 : index
      %get3A_268 = tpu.vector_load %arg13[%get3A_267] {strides = array<i32>} : memref<512xi32, #tpu.memory_space<vmem>>, vector<16xi32>,
      %get3A_269 = arith.constant 32 : index
      %get3A_270 = tpu.vector_load %arg13[%get3A_269] {strides = array<i32>} : memref<512xi32, #tpu.memory_space<vmem>>, vector<16xi32>,
      %get3A_271 = arith.constant 48 : index
      %get3A_272 = tpu.vector_load %arg13[%get3A_271] {strides = array<i32>} : memref<512xi32, #tpu.memory_space<vmem>>, vector<16xi32>,
      %get3A_273 = arith.constant 64 : index
      %get3A_274 = tpu.vector_load %arg13[%get3A_273] {strides = array<i32>} : memref<512xi32, #tpu.memory_space<vmem>>, vector<16xi32>,
      %get3A_275 = arith.constant 80 : index
      %get3A_276 = tpu.vector_load %arg13[%get3A_275] {strides = array<i32>} : memref<512xi32, #tpu.memory_space<vmem>>, vector<16xi32>,
      %get3A_277 = arith.constant 96 : index
      %get3A_278 = tpu.vector_load %arg13[%get3A_277] {strides = array<i32>} : memref<512xi32, #tpu.memory_space<vmem>>, vector<16xi32>,
      %get3A_279 = arith.constant 112 : index
      %get3A_280 = tpu.vector_load %arg13[%get3A_279] {strides = array<i32>} : memref<512xi32, #tpu.memory_space<vmem>>, vector<16xi32>,
      %max3A_281 = arith.maxsi %get3A_266, %get3A_268 : vector<16xi32>
      %max3A_282 = arith.maxsi %get3A_270, %get3A_272 : vector<16xi32>
      %max3A_283 = arith.maxsi %get3A_274, %get3A_276 : vector<16xi32>
      %max3A_284 = arith.maxsi %get3A_278, %get3A_280 : vector<16xi32>
      %max3A_285 = arith.maxsi %max3A_281, %max3A_282 : vector<16xi32>
      %max3A_286 = arith.maxsi %max3A_283, %max3A_284 : vector<16xi32>
      %max3A_287 = arith.maxsi %max3A_285, %max3A_286 : vector<16xi32>
      %get3A_288 = arith.constant 128 : index
      %get3A_289 = tpu.vector_load %arg13[%get3A_288] {strides = array<i32>} : memref<512xi32, #tpu.memory_space<vmem>>, vector<16xi32>,
      %get3A_290 = arith.constant 144 : index
      %get3A_291 = tpu.vector_load %arg13[%get3A_290] {strides = array<i32>} : memref<512xi32, #tpu.memory_space<vmem>>, vector<16xi32>,
      %get3A_292 = arith.constant 160 : index
      %get3A_293 = tpu.vector_load %arg13[%get3A_292] {strides = array<i32>} : memref<512xi32, #tpu.memory_space<vmem>>, vector<16xi32>,
      %get3A_294 = arith.constant 176 : index
      %get3A_295 = tpu.vector_load %arg13[%get3A_294] {strides = array<i32>} : memref<512xi32, #tpu.memory_space<vmem>>, vector<16xi32>,
      %get3A_296 = arith.constant 192 : index
      %get3A_297 = tpu.vector_load %arg13[%get3A_296] {strides = array<i32>} : memref<512xi32, #tpu.memory_space<vmem>>, vector<16xi32>,
      %get3A_298 = arith.constant 208 : index
      %get3A_299 = tpu.vector_load %arg13[%get3A_298] {strides = array<i32>} : memref<512xi32, #tpu.memory_space<vmem>>, vector<16xi32>,
      %get3A_300 = arith.constant 224 : index
      %get3A_301 = tpu.vector_load %arg13[%get3A_300] {strides = array<i32>} : memref<512xi32, #tpu.memory_space<vmem>>, vector<16xi32>,
      %get3A_302 = arith.constant 240 : index
      %get3A_303 = tpu.vector_load %arg13[%get3A_302] {strides = array<i32>} : memref<512xi32, #tpu.memory_space<vmem>>, vector<16xi32>,
      %max3A_304 = arith.maxsi %get3A_289, %get3A_291 : vector<16xi32>
      %max3A_305 = arith.maxsi %get3A_293, %get3A_295 : vector<16xi32>
      %max3A_306 = arith.maxsi %get3A_297, %get3A_299 : vector<16xi32>
      %max3A_307 = arith.maxsi %get3A_301, %get3A_303 : vector<16xi32>
      %max3A_308 = arith.maxsi %max3A_304, %max3A_305 : vector<16xi32>
      %max3A_309 = arith.maxsi %max3A_306, %max3A_307 : vector<16xi32>
      %max3A_310 = arith.maxsi %max3A_308, %max3A_309 : vector<16xi32>
      %get3A_311 = arith.constant 256 : index
      %get3A_312 = tpu.vector_load %arg13[%get3A_311] {strides = array<i32>} : memref<512xi32, #tpu.memory_space<vmem>>, vector<16xi32>,
      %get3A_313 = arith.constant 272 : index
      %get3A_314 = tpu.vector_load %arg13[%get3A_313] {strides = array<i32>} : memref<512xi32, #tpu.memory_space<vmem>>, vector<16xi32>,
      %get3A_315 = arith.constant 288 : index
      %get3A_316 = tpu.vector_load %arg13[%get3A_315] {strides = array<i32>} : memref<512xi32, #tpu.memory_space<vmem>>, vector<16xi32>,
      %get3A_317 = arith.constant 304 : index
      %get3A_318 = tpu.vector_load %arg13[%get3A_317] {strides = array<i32>} : memref<512xi32, #tpu.memory_space<vmem>>, vector<16xi32>,
      %get3A_319 = arith.constant 320 : index
      %get3A_320 = tpu.vector_load %arg13[%get3A_319] {strides = array<i32>} : memref<512xi32, #tpu.memory_space<vmem>>, vector<16xi32>,
      %get3A_321 = arith.constant 336 : index
      %get3A_322 = tpu.vector_load %arg13[%get3A_321] {strides = array<i32>} : memref<512xi32, #tpu.memory_space<vmem>>, vector<16xi32>,
      %get3A_323 = arith.constant 352 : index
      %get3A_324 = tpu.vector_load %arg13[%get3A_323] {strides = array<i32>} : memref<512xi32, #tpu.memory_space<vmem>>, vector<16xi32>,
      %get3A_325 = arith.constant 368 : index
      %get3A_326 = tpu.vector_load %arg13[%get3A_325] {strides = array<i32>} : memref<512xi32, #tpu.memory_space<vmem>>, vector<16xi32>,
      %max3A_327 = arith.maxsi %get3A_312, %get3A_314 : vector<16xi32>
      %max3A_328 = arith.maxsi %get3A_316, %get3A_318 : vector<16xi32>
      %max3A_329 = arith.maxsi %get3A_320, %get3A_322 : vector<16xi32>
      %max3A_330 = arith.maxsi %get3A_324, %get3A_326 : vector<16xi32>
      %max3A_331 = arith.maxsi %max3A_327, %max3A_328 : vector<16xi32>
      %max3A_332 = arith.maxsi %max3A_329, %max3A_330 : vector<16xi32>
      %max3A_333 = arith.maxsi %max3A_331, %max3A_332 : vector<16xi32>
      %get3A_334 = arith.constant 384 : index
      %get3A_335 = tpu.vector_load %arg13[%get3A_334] {strides = array<i32>} : memref<512xi32, #tpu.memory_space<vmem>>, vector<16xi32>,
      %get3A_336 = arith.constant 400 : index
      %get3A_337 = tpu.vector_load %arg13[%get3A_336] {strides = array<i32>} : memref<512xi32, #tpu.memory_space<vmem>>, vector<16xi32>,
      %get3A_338 = arith.constant 416 : index
      %get3A_339 = tpu.vector_load %arg13[%get3A_338] {strides = array<i32>} : memref<512xi32, #tpu.memory_space<vmem>>, vector<16xi32>,
      %get3A_340 = arith.constant 432 : index
      %get3A_341 = tpu.vector_load %arg13[%get3A_340] {strides = array<i32>} : memref<512xi32, #tpu.memory_space<vmem>>, vector<16xi32>,
      %get3A_342 = arith.constant 448 : index
      %get3A_343 = tpu.vector_load %arg13[%get3A_342] {strides = array<i32>} : memref<512xi32, #tpu.memory_space<vmem>>, vector<16xi32>,
      %get3A_344 = arith.constant 464 : index
      %get3A_345 = tpu.vector_load %arg13[%get3A_344] {strides = array<i32>} : memref<512xi32, #tpu.memory_space<vmem>>, vector<16xi32>,
      %get3A_346 = arith.constant 480 : index
      %get3A_347 = tpu.vector_load %arg13[%get3A_346] {strides = array<i32>} : memref<512xi32, #tpu.memory_space<vmem>>, vector<16xi32>,
      %get3A_348 = arith.constant 496 : index
      %get3A_349 = tpu.vector_load %arg13[%get3A_348] {strides = array<i32>} : memref<512xi32, #tpu.memory_space<vmem>>, vector<16xi32>,
      %max3A_350 = arith.maxsi %get3A_335, %get3A_337 : vector<16xi32>
      %max3A_351 = arith.maxsi %get3A_339, %get3A_341 : vector<16xi32>
      %max3A_352 = arith.maxsi %get3A_343, %get3A_345 : vector<16xi32>
      %max3A_353 = arith.maxsi %get3A_347, %get3A_349 : vector<16xi32>
      %max3A_354 = arith.maxsi %max3A_350, %max3A_351 : vector<16xi32>
      %max3A_355 = arith.maxsi %max3A_352, %max3A_353 : vector<16xi32>
      %max3A_356 = arith.maxsi %max3A_354, %max3A_355 : vector<16xi32>
      %swap3A_357 = arith.constant 400 : index
      %swap3A_358 = tpu.vector_load %arg14[%swap3A_357] {strides = array<i32>} : memref<512xi32, #tpu.memory_space<vmem>>, vector<16xi32>,
      tpu.vector_store %arg14[%swap3A_357], %broadcast_in_dim3A_1 {strides = array<i32>} : memref<512xi32, #tpu.memory_space<vmem>>, vector<16xi32>,
      %swap3A_359 = arith.constant 416 : index
      %swap3A_360 = tpu.vector_load %arg14[%swap3A_359] {strides = array<i32>} : memref<512xi32, #tpu.memory_space<vmem>>, vector<16xi32>,
      tpu.vector_store %arg14[%swap3A_359], %broadcast_in_dim3A_1 {strides = array<i32>} : memref<512xi32, #tpu.memory_space<vmem>>, vector<16xi32>,
      %swap3A_361 = arith.constant 432 : index
      %swap3A_362 = tpu.vector_load %arg14[%swap3A_361] {strides = array<i32>} : memref<512xi32, #tpu.memory_space<vmem>>, vector<16xi32>,
      tpu.vector_store %arg14[%swap3A_361], %broadcast_in_dim3A_1 {strides = array<i32>} : memref<512xi32, #tpu.memory_space<vmem>>, vector<16xi32>,
      %swap3A_363 = arith.constant 448 : index
      %swap3A_364 = tpu.vector_load %arg14[%swap3A_363] {strides = array<i32>} : memref<512xi32, #tpu.memory_space<vmem>>, vector<16xi32>,
      tpu.vector_store %arg14[%swap3A_363], %broadcast_in_dim3A_1 {strides = array<i32>} : memref<512xi32, #tpu.memory_space<vmem>>, vector<16xi32>,
      %swap3A_365 = arith.constant 464 : index
      %swap3A_366 = tpu.vector_load %arg14[%swap3A_365] {strides = array<i32>} : memref<512xi32, #tpu.memory_space<vmem>>, vector<16xi32>,
      tpu.vector_store %arg14[%swap3A_365], %broadcast_in_dim3A_1 {strides = array<i32>} : memref<512xi32, #tpu.memory_space<vmem>>, vector<16xi32>,
      %swap3A_367 = arith.constant 480 : index
      %swap3A_368 = tpu.vector_load %arg14[%swap3A_367] {strides = array<i32>} : memref<512xi32, #tpu.memory_space<vmem>>, vector<16xi32>,
      tpu.vector_store %arg14[%swap3A_367], %broadcast_in_dim3A_1 {strides = array<i32>} : memref<512xi32, #tpu.memory_space<vmem>>, vector<16xi32>,
      %swap3A_369 = arith.constant 496 : index
      %swap3A_370 = tpu.vector_load %arg14[%swap3A_369] {strides = array<i32>} : memref<512xi32, #tpu.memory_space<vmem>>, vector<16xi32>,
      tpu.vector_store %arg14[%swap3A_369], %broadcast_in_dim3A_1 {strides = array<i32>} : memref<512xi32, #tpu.memory_space<vmem>>, vector<16xi32>,
      %get3A_371 = arith.constant 0 : index
      %get3A_372 = tpu.vector_load %arg14[%get3A_371] {strides = array<i32>} : memref<512xi32, #tpu.memory_space<vmem>>, vector<16xi32>,
      %get3A_373 = arith.constant 16 : index
      %get3A_374 = tpu.vector_load %arg14[%get3A_373] {strides = array<i32>} : memref<512xi32, #tpu.memory_space<vmem>>, vector<16xi32>,
      %get3A_375 = arith.constant 32 : index
      %get3A_376 = tpu.vector_load %arg14[%get3A_375] {strides = array<i32>} : memref<512xi32, #tpu.memory_space<vmem>>, vector<16xi32>,
      %get3A_377 = arith.constant 48 : index
      %get3A_378 = tpu.vector_load %arg14[%get3A_377] {strides = array<i32>} : memref<512xi32, #tpu.memory_space<vmem>>, vector<16xi32>,
      %get3A_379 = arith.constant 64 : index
      %get3A_380 = tpu.vector_load %arg14[%get3A_379] {strides = array<i32>} : memref<512xi32, #tpu.memory_space<vmem>>, vector<16xi32>,
      %get3A_381 = arith.constant 80 : index
      %get3A_382 = tpu.vector_load %arg14[%get3A_381] {strides = array<i32>} : memref<512xi32, #tpu.memory_space<vmem>>, vector<16xi32>,
      %get3A_383 = arith.constant 96 : index
      %get3A_384 = tpu.vector_load %arg14[%get3A_383] {strides = array<i32>} : memref<512xi32, #tpu.memory_space<vmem>>, vector<16xi32>,
      %get3A_385 = arith.constant 112 : index
      %get3A_386 = tpu.vector_load %arg14[%get3A_385] {strides = array<i32>} : memref<512xi32, #tpu.memory_space<vmem>>, vector<16xi32>,
      %max3A_387 = arith.maxsi %get3A_372, %get3A_374 : vector<16xi32>
      %max3A_388 = arith.maxsi %get3A_376, %get3A_378 : vector<16xi32>
      %max3A_389 = arith.maxsi %get3A_380, %get3A_382 : vector<16xi32>
      %max3A_390 = arith.maxsi %get3A_384, %get3A_386 : vector<16xi32>
      %max3A_391 = arith.maxsi %max3A_387, %max3A_388 : vector<16xi32>
      %max3A_392 = arith.maxsi %max3A_389, %max3A_390 : vector<16xi32>
      %max3A_393 = arith.maxsi %max3A_391, %max3A_392 : vector<16xi32>
      %get3A_394 = arith.constant 128 : index
      %get3A_395 = tpu.vector_load %arg14[%get3A_394] {strides = array<i32>} : memref<512xi32, #tpu.memory_space<vmem>>, vector<16xi32>,
      %get3A_396 = arith.constant 144 : index
      %get3A_397 = tpu.vector_load %arg14[%get3A_396] {strides = array<i32>} : memref<512xi32, #tpu.memory_space<vmem>>, vector<16xi32>,
      %get3A_398 = arith.constant 160 : index
      %get3A_399 = tpu.vector_load %arg14[%get3A_398] {strides = array<i32>} : memref<512xi32, #tpu.memory_space<vmem>>, vector<16xi32>,
      %get3A_400 = arith.constant 176 : index
      %get3A_401 = tpu.vector_load %arg14[%get3A_400] {strides = array<i32>} : memref<512xi32, #tpu.memory_space<vmem>>, vector<16xi32>,
      %get3A_402 = arith.constant 192 : index
      %get3A_403 = tpu.vector_load %arg14[%get3A_402] {strides = array<i32>} : memref<512xi32, #tpu.memory_space<vmem>>, vector<16xi32>,
      %get3A_404 = arith.constant 208 : index
      %get3A_405 = tpu.vector_load %arg14[%get3A_404] {strides = array<i32>} : memref<512xi32, #tpu.memory_space<vmem>>, vector<16xi32>,
      %get3A_406 = arith.constant 224 : index
      %get3A_407 = tpu.vector_load %arg14[%get3A_406] {strides = array<i32>} : memref<512xi32, #tpu.memory_space<vmem>>, vector<16xi32>,
      %get3A_408 = arith.constant 240 : index
      %get3A_409 = tpu.vector_load %arg14[%get3A_408] {strides = array<i32>} : memref<512xi32, #tpu.memory_space<vmem>>, vector<16xi32>,
      %max3A_410 = arith.maxsi %get3A_395, %get3A_397 : vector<16xi32>
      %max3A_411 = arith.maxsi %get3A_399, %get3A_401 : vector<16xi32>
      %max3A_412 = arith.maxsi %get3A_403, %get3A_405 : vector<16xi32>
      %max3A_413 = arith.maxsi %get3A_407, %get3A_409 : vector<16xi32>
      %max3A_414 = arith.maxsi %max3A_410, %max3A_411 : vector<16xi32>
      %max3A_415 = arith.maxsi %max3A_412, %max3A_413 : vector<16xi32>
      %max3A_416 = arith.maxsi %max3A_414, %max3A_415 : vector<16xi32>
      %get3A_417 = arith.constant 256 : index
      %get3A_418 = tpu.vector_load %arg14[%get3A_417] {strides = array<i32>} : memref<512xi32, #tpu.memory_space<vmem>>, vector<16xi32>,
      %get3A_419 = arith.constant 272 : index
      %get3A_420 = tpu.vector_load %arg14[%get3A_419] {strides = array<i32>} : memref<512xi32, #tpu.memory_space<vmem>>, vector<16xi32>,
      %get3A_421 = arith.constant 288 : index
      %get3A_422 = tpu.vector_load %arg14[%get3A_421] {strides = array<i32>} : memref<512xi32, #tpu.memory_space<vmem>>, vector<16xi32>,
      %get3A_423 = arith.constant 304 : index
      %get3A_424 = tpu.vector_load %arg14[%get3A_423] {strides = array<i32>} : memref<512xi32, #tpu.memory_space<vmem>>, vector<16xi32>,
      %get3A_425 = arith.constant 320 : index
      %get3A_426 = tpu.vector_load %arg14[%get3A_425] {strides = array<i32>} : memref<512xi32, #tpu.memory_space<vmem>>, vector<16xi32>,
      %get3A_427 = arith.constant 336 : index
      %get3A_428 = tpu.vector_load %arg14[%get3A_427] {strides = array<i32>} : memref<512xi32, #tpu.memory_space<vmem>>, vector<16xi32>,
      %get3A_429 = arith.constant 352 : index
      %get3A_430 = tpu.vector_load %arg14[%get3A_429] {strides = array<i32>} : memref<512xi32, #tpu.memory_space<vmem>>, vector<16xi32>,
      %get3A_431 = arith.constant 368 : index
      %get3A_432 = tpu.vector_load %arg14[%get3A_431] {strides = array<i32>} : memref<512xi32, #tpu.memory_space<vmem>>, vector<16xi32>,
      %max3A_433 = arith.maxsi %get3A_418, %get3A_420 : vector<16xi32>
      %max3A_434 = arith.maxsi %get3A_422, %get3A_424 : vector<16xi32>
      %max3A_435 = arith.maxsi %get3A_426, %get3A_428 : vector<16xi32>
      %max3A_436 = arith.maxsi %get3A_430, %get3A_432 : vector<16xi32>
      %max3A_437 = arith.maxsi %max3A_433, %max3A_434 : vector<16xi32>
      %max3A_438 = arith.maxsi %max3A_435, %max3A_436 : vector<16xi32>
      %max3A_439 = arith.maxsi %max3A_437, %max3A_438 : vector<16xi32>
      %get3A_440 = arith.constant 384 : index
      %get3A_441 = tpu.vector_load %arg14[%get3A_440] {strides = array<i32>} : memref<512xi32, #tpu.memory_space<vmem>>, vector<16xi32>,
      %get3A_442 = arith.constant 400 : index
      %get3A_443 = tpu.vector_load %arg14[%get3A_442] {strides = array<i32>} : memref<512xi32, #tpu.memory_space<vmem>>, vector<16xi32>,
      %get3A_444 = arith.constant 416 : index
      %get3A_445 = tpu.vector_load %arg14[%get3A_444] {strides = array<i32>} : memref<512xi32, #tpu.memory_space<vmem>>, vector<16xi32>,
      %get3A_446 = arith.constant 432 : index
      %get3A_447 = tpu.vector_load %arg14[%get3A_446] {strides = array<i32>} : memref<512xi32, #tpu.memory_space<vmem>>, vector<16xi32>,
      %get3A_448 = arith.constant 448 : index
      %get3A_449 = tpu.vector_load %arg14[%get3A_448] {strides = array<i32>} : memref<512xi32, #tpu.memory_space<vmem>>, vector<16xi32>,
      %get3A_450 = arith.constant 464 : index
      %get3A_451 = tpu.vector_load %arg14[%get3A_450] {strides = array<i32>} : memref<512xi32, #tpu.memory_space<vmem>>, vector<16xi32>,
      %get3A_452 = arith.constant 480 : index
      %get3A_453 = tpu.vector_load %arg14[%get3A_452] {strides = array<i32>} : memref<512xi32, #tpu.memory_space<vmem>>, vector<16xi32>,
      %get3A_454 = arith.constant 496 : index
      %get3A_455 = tpu.vector_load %arg14[%get3A_454] {strides = array<i32>} : memref<512xi32, #tpu.memory_space<vmem>>, vector<16xi32>,
      %max3A_456 = arith.maxsi %get3A_441, %get3A_443 : vector<16xi32>
      %max3A_457 = arith.maxsi %get3A_445, %get3A_447 : vector<16xi32>
      %max3A_458 = arith.maxsi %get3A_449, %get3A_451 : vector<16xi32>
      %max3A_459 = arith.maxsi %get3A_453, %get3A_455 : vector<16xi32>
      %max3A_460 = arith.maxsi %max3A_456, %max3A_457 : vector<16xi32>
      %max3A_461 = arith.maxsi %max3A_458, %max3A_459 : vector<16xi32>
      %max3A_462 = arith.maxsi %max3A_460, %max3A_461 : vector<16xi32>
      %scan3A_463 = arith.constant 0 : i32
      %scan3A_464 = arith.constant 50 : i32
      %scan3A_465 = arith.addi %scan3A_463, %scan3A_464 : i32
      %scan3A_466 = arith.constant 1 : i32
      %scan3A_467:16 = scf.for %scan3A_929 = %scan3A_463 to %scan3A_465 step %scan3A_466 iter_args(%scan3A_930 = %max3A_75, %scan3A_931 = %max3A_98, %scan3A_932 = %max3A_121, %scan3A_933 = %max3A_144, %scan3A_934 = %max3A_181, %scan3A_935 = %max3A_204, %scan3A_936 = %max3A_227, %scan3A_937 = %max3A_250, %scan3A_938 = %max3A_287, %scan3A_939 = %max3A_310, %scan3A_940 = %max3A_333, %scan3A_941 = %max3A_356, %scan3A_942 = %max3A_393, %scan3A_943 = %max3A_416, %scan3A_944 = %max3A_439, %scan3A_945 = %max3A_462) -> (vector<16xi32>, vector<16xi32>, vector<16xi32>, vector<16xi32>, vector<16xi32>, vector<16xi32>, vector<16xi32>, vector<16xi32>, vector<16xi32>, vector<16xi32>, vector<16xi32>, vector<16xi32>, vector<16xi32>, vector<16xi32>, vector<16xi32>, vector<16xi32>)  : i32 {
        %max3A_946 = arith.maxsi %scan3A_930, %scan3A_931 : vector<16xi32>
        %max3A_947 = arith.maxsi %scan3A_932, %scan3A_933 : vector<16xi32>
        %max3A_948 = arith.maxsi %max3A_946, %max3A_947 : vector<16xi32>
        %and3A = arith.constant 255 : i32
        %and3A_949 = vector.broadcast %and3A : i32 to vector<16xi32>
        %and3A_950 = arith.andi %max3A_948, %and3A_949 : vector<16xi32>
        %sub3A = arith.constant 255 : i32
        %sub3A_951 = vector.broadcast %sub3A : i32 to vector<16xi32>
        %sub3A_952 = arith.subi %sub3A_951, %and3A_950 : vector<16xi32>
        %mul3A_953 = arith.constant 64 : i32
        %mul3A_954 = vector.broadcast %mul3A_953 : i32 to vector<16xi32>
        %mul3A_955 = arith.muli %sub3A_952, %mul3A_954 : vector<16xi32>
        %add3A_956 = arith.constant 0 : i32
        %add3A_957 = vector.broadcast %add3A_956 : i32 to vector<16xi32>
        %add3A_958 = arith.addi %mul3A_955, %add3A_957 : vector<16xi32>
        %add3A_959 = arith.addi %add3A_958, %iota3A : vector<16xi32>
        %gather3A = tpu.vector_load_idx %arg4[%add3A_959] : memref<12800xf32, #tpu.memory_space<vmem>>[vector<16xi32>], vector<16xf32>,
        %mul3A_960 = arith.constant 64 : i32
        %mul3A_961 = arith.muli %scan3A_929, %mul3A_960 : i32
        %add3A_962 = arith.constant 0 : i32
        %add3A_963 = arith.addi %mul3A_961, %add3A_962 : i32
        %swap3A_964 = arith.index_cast %add3A_963 : i32 to index
        %swap3A_965 = tpu.vector_load %arg6[%swap3A_964] {strides = array<i32>} : memref<3200xf32, #tpu.memory_space<vmem>>, vector<16xf32>,
        tpu.vector_store %arg6[%swap3A_964], %gather3A {strides = array<i32>} : memref<3200xf32, #tpu.memory_space<vmem>>, vector<16xf32>,
        %mul3A_966 = arith.constant 16 : i32
        %mul3A_967 = vector.broadcast %mul3A_966 : i32 to vector<16xi32>
        %mul3A_968 = arith.muli %sub3A_952, %mul3A_967 : vector<16xi32>
        %add3A_969 = arith.addi %mul3A_968, %iota3A : vector<16xi32>
        tpu.vector_store_idx %arg7[%add3A_969], %broadcast_in_dim3A_1 : memref<3200xi32, #tpu.memory_space<vmem>>[vector<16xi32>], vector<16xi32>,
        %shift_right_arithmetic3A = arith.constant 3 : i32
        %shift_right_arithmetic3A_970 = vector.broadcast %shift_right_arithmetic3A : i32 to vector<16xi32>
        %shift_right_arithmetic3A_971 = arith.shrsi %sub3A_952, %shift_right_arithmetic3A_970 : vector<16xi32>
        %shift_right_arithmetic3A_972 = arith.constant 6 : i32
        %shift_right_arithmetic3A_973 = vector.broadcast %shift_right_arithmetic3A_972 : i32 to vector<16xi32>
        %shift_right_arithmetic3A_974 = arith.shrsi %sub3A_952, %shift_right_arithmetic3A_973 : vector<16xi32>
        %mul3A_975 = arith.constant 128 : i32
        %mul3A_976 = vector.broadcast %mul3A_975 : i32 to vector<16xi32>
        %mul3A_977 = arith.muli %shift_right_arithmetic3A_971, %mul3A_976 : vector<16xi32>
        %add3A_978 = arith.addi %mul3A_977, %iota3A : vector<16xi32>
        %add3A_979 = arith.constant 0 : i32
        %add3A_980 = vector.broadcast %add3A_979 : i32 to vector<16xi32>
        %add3A_981 = arith.addi %add3A_978, %add3A_980 : vector<16xi32>
        %gather3A_982 = tpu.vector_load_idx %arg7[%add3A_981] : memref<3200xi32, #tpu.memory_space<vmem>>[vector<16xi32>], vector<16xi32>,
        %add3A_983 = arith.constant 16 : i32
        %add3A_984 = vector.broadcast %add3A_983 : i32 to vector<16xi32>
        %add3A_985 = arith.addi %add3A_978, %add3A_984 : vector<16xi32>
        %gather3A_986 = tpu.vector_load_idx %arg7[%add3A_985] : memref<3200xi32, #tpu.memory_space<vmem>>[vector<16xi32>], vector<16xi32>,
        %add3A_987 = arith.constant 32 : i32
        %add3A_988 = vector.broadcast %add3A_987 : i32 to vector<16xi32>
        %add3A_989 = arith.addi %add3A_978, %add3A_988 : vector<16xi32>
        %gather3A_990 = tpu.vector_load_idx %arg7[%add3A_989] : memref<3200xi32, #tpu.memory_space<vmem>>[vector<16xi32>], vector<16xi32>,
        %add3A_991 = arith.constant 48 : i32
        %add3A_992 = vector.broadcast %add3A_991 : i32 to vector<16xi32>
        %add3A_993 = arith.addi %add3A_978, %add3A_992 : vector<16xi32>
        %gather3A_994 = tpu.vector_load_idx %arg7[%add3A_993] : memref<3200xi32, #tpu.memory_space<vmem>>[vector<16xi32>], vector<16xi32>,
        %add3A_995 = arith.constant 64 : i32
        %add3A_996 = vector.broadcast %add3A_995 : i32 to vector<16xi32>
        %add3A_997 = arith.addi %add3A_978, %add3A_996 : vector<16xi32>
        %gather3A_998 = tpu.vector_load_idx %arg7[%add3A_997] : memref<3200xi32, #tpu.memory_space<vmem>>[vector<16xi32>], vector<16xi32>,
        %add3A_999 = arith.constant 80 : i32
        %add3A_1000 = vector.broadcast %add3A_999 : i32 to vector<16xi32>
        %add3A_1001 = arith.addi %add3A_978, %add3A_1000 : vector<16xi32>
        %gather3A_1002 = tpu.vector_load_idx %arg7[%add3A_1001] : memref<3200xi32, #tpu.memory_space<vmem>>[vector<16xi32>], vector<16xi32>,
        %add3A_1003 = arith.constant 96 : i32
        %add3A_1004 = vector.broadcast %add3A_1003 : i32 to vector<16xi32>
        %add3A_1005 = arith.addi %add3A_978, %add3A_1004 : vector<16xi32>
        %gather3A_1006 = tpu.vector_load_idx %arg7[%add3A_1005] : memref<3200xi32, #tpu.memory_space<vmem>>[vector<16xi32>], vector<16xi32>,
        %add3A_1007 = arith.constant 112 : i32
        %add3A_1008 = vector.broadcast %add3A_1007 : i32 to vector<16xi32>
        %add3A_1009 = arith.addi %add3A_978, %add3A_1008 : vector<16xi32>
        %gather3A_1010 = tpu.vector_load_idx %arg7[%add3A_1009] : memref<3200xi32, #tpu.memory_space<vmem>>[vector<16xi32>], vector<16xi32>,
        %mul3A_1011 = arith.constant 16 : i32
        %mul3A_1012 = vector.broadcast %mul3A_1011 : i32 to vector<16xi32>
        %mul3A_1013 = arith.muli %shift_right_arithmetic3A_971, %mul3A_1012 : vector<16xi32>
        %add3A_1014 = arith.addi %mul3A_1013, %iota3A : vector<16xi32>
        %max3A_1015 = arith.maxsi %gather3A_982, %gather3A_986 : vector<16xi32>
        %max3A_1016 = arith.maxsi %gather3A_990, %gather3A_994 : vector<16xi32>
        %max3A_1017 = arith.maxsi %gather3A_998, %gather3A_1002 : vector<16xi32>
        %max3A_1018 = arith.maxsi %gather3A_1006, %gather3A_1010 : vector<16xi32>
        %max3A_1019 = arith.maxsi %max3A_1015, %max3A_1016 : vector<16xi32>
        %max3A_1020 = arith.maxsi %max3A_1017, %max3A_1018 : vector<16xi32>
        %max3A_1021 = arith.maxsi %max3A_1019, %max3A_1020 : vector<16xi32>
        tpu.vector_store_idx %arg11[%add3A_1014], %max3A_1021 : memref<512xi32, #tpu.memory_space<vmem>>[vector<16xi32>], vector<16xi32>,
        %mul3A_1022 = arith.constant 128 : i32
        %mul3A_1023 = vector.broadcast %mul3A_1022 : i32 to vector<16xi32>
        %mul3A_1024 = arith.muli %shift_right_arithmetic3A_974, %mul3A_1023 : vector<16xi32>
        %add3A_1025 = arith.addi %mul3A_1024, %iota3A : vector<16xi32>
        %add3A_1026 = arith.constant 0 : i32
        %add3A_1027 = vector.broadcast %add3A_1026 : i32 to vector<16xi32>
        %add3A_1028 = arith.addi %add3A_1025, %add3A_1027 : vector<16xi32>
        %gather3A_1029 = tpu.vector_load_idx %arg11[%add3A_1028] : memref<512xi32, #tpu.memory_space<vmem>>[vector<16xi32>], vector<16xi32>,
        %add3A_1030 = arith.constant 16 : i32
        %add3A_1031 = vector.broadcast %add3A_1030 : i32 to vector<16xi32>
        %add3A_1032 = arith.addi %add3A_1025, %add3A_1031 : vector<16xi32>
        %gather3A_1033 = tpu.vector_load_idx %arg11[%add3A_1032] : memref<512xi32, #tpu.memory_space<vmem>>[vector<16xi32>], vector<16xi32>,
        %add3A_1034 = arith.constant 32 : i32
        %add3A_1035 = vector.broadcast %add3A_1034 : i32 to vector<16xi32>
        %add3A_1036 = arith.addi %add3A_1025, %add3A_1035 : vector<16xi32>
        %gather3A_1037 = tpu.vector_load_idx %arg11[%add3A_1036] : memref<512xi32, #tpu.memory_space<vmem>>[vector<16xi32>], vector<16xi32>,
        %add3A_1038 = arith.constant 48 : i32
        %add3A_1039 = vector.broadcast %add3A_1038 : i32 to vector<16xi32>
        %add3A_1040 = arith.addi %add3A_1025, %add3A_1039 : vector<16xi32>
        %gather3A_1041 = tpu.vector_load_idx %arg11[%add3A_1040] : memref<512xi32, #tpu.memory_space<vmem>>[vector<16xi32>], vector<16xi32>,
        %add3A_1042 = arith.constant 64 : i32
        %add3A_1043 = vector.broadcast %add3A_1042 : i32 to vector<16xi32>
        %add3A_1044 = arith.addi %add3A_1025, %add3A_1043 : vector<16xi32>
        %gather3A_1045 = tpu.vector_load_idx %arg11[%add3A_1044] : memref<512xi32, #tpu.memory_space<vmem>>[vector<16xi32>], vector<16xi32>,
        %add3A_1046 = arith.constant 80 : i32
        %add3A_1047 = vector.broadcast %add3A_1046 : i32 to vector<16xi32>
        %add3A_1048 = arith.addi %add3A_1025, %add3A_1047 : vector<16xi32>
        %gather3A_1049 = tpu.vector_load_idx %arg11[%add3A_1048] : memref<512xi32, #tpu.memory_space<vmem>>[vector<16xi32>], vector<16xi32>,
        %add3A_1050 = arith.constant 96 : i32
        %add3A_1051 = vector.broadcast %add3A_1050 : i32 to vector<16xi32>
        %add3A_1052 = arith.addi %add3A_1025, %add3A_1051 : vector<16xi32>
        %gather3A_1053 = tpu.vector_load_idx %arg11[%add3A_1052] : memref<512xi32, #tpu.memory_space<vmem>>[vector<16xi32>], vector<16xi32>,
        %add3A_1054 = arith.constant 112 : i32
        %add3A_1055 = vector.broadcast %add3A_1054 : i32 to vector<16xi32>
        %add3A_1056 = arith.addi %add3A_1025, %add3A_1055 : vector<16xi32>
        %gather3A_1057 = tpu.vector_load_idx %arg11[%add3A_1056] : memref<512xi32, #tpu.memory_space<vmem>>[vector<16xi32>], vector<16xi32>,
        %max3A_1058 = arith.maxsi %gather3A_1029, %gather3A_1033 : vector<16xi32>
        %max3A_1059 = arith.maxsi %gather3A_1037, %gather3A_1041 : vector<16xi32>
        %max3A_1060 = arith.maxsi %gather3A_1045, %gather3A_1049 : vector<16xi32>
        %max3A_1061 = arith.maxsi %gather3A_1053, %gather3A_1057 : vector<16xi32>
        %max3A_1062 = arith.maxsi %max3A_1058, %max3A_1059 : vector<16xi32>
        %max3A_1063 = arith.maxsi %max3A_1060, %max3A_1061 : vector<16xi32>
        %max3A_1064 = arith.maxsi %max3A_1062, %max3A_1063 : vector<16xi32>
        %eq3A = arith.constant 0 : i32
        %eq3A_1065 = vector.broadcast %eq3A : i32 to vector<16xi32>
        %eq3A_1066 = arith.cmpi eq, %shift_right_arithmetic3A_974, %eq3A_1065 : vector<16xi32>
        %select_n3A = arith.select %eq3A_1066, %max3A_1064, %scan3A_930 : vector<16xi1>, vector<16xi32>
        %eq3A_1067 = arith.constant 1 : i32
        %eq3A_1068 = vector.broadcast %eq3A_1067 : i32 to vector<16xi32>
        %eq3A_1069 = arith.cmpi eq, %shift_right_arithmetic3A_974, %eq3A_1068 : vector<16xi32>
        %select_n3A_1070 = arith.select %eq3A_1069, %max3A_1064, %scan3A_931 : vector<16xi1>, vector<16xi32>
        %eq3A_1071 = arith.constant 2 : i32
        %eq3A_1072 = vector.broadcast %eq3A_1071 : i32 to vector<16xi32>
        %eq3A_1073 = arith.cmpi eq, %shift_right_arithmetic3A_974, %eq3A_1072 : vector<16xi32>
        %select_n3A_1074 = arith.select %eq3A_1073, %max3A_1064, %scan3A_932 : vector<16xi1>, vector<16xi32>
        %eq3A_1075 = arith.constant 3 : i32
        %eq3A_1076 = vector.broadcast %eq3A_1075 : i32 to vector<16xi32>
        %eq3A_1077 = arith.cmpi eq, %shift_right_arithmetic3A_974, %eq3A_1076 : vector<16xi32>
        %select_n3A_1078 = arith.select %eq3A_1077, %max3A_1064, %scan3A_933 : vector<16xi1>, vector<16xi32>
        %max3A_1079 = arith.maxsi %scan3A_934, %scan3A_935 : vector<16xi32>
        %max3A_1080 = arith.maxsi %scan3A_936, %scan3A_937 : vector<16xi32>
        %max3A_1081 = arith.maxsi %max3A_1079, %max3A_1080 : vector<16xi32>
        %and3A_1082 = arith.constant 255 : i32
        %and3A_1083 = vector.broadcast %and3A_1082 : i32 to vector<16xi32>
        %and3A_1084 = arith.andi %max3A_1081, %and3A_1083 : vector<16xi32>
        %sub3A_1085 = arith.constant 255 : i32
        %sub3A_1086 = vector.broadcast %sub3A_1085 : i32 to vector<16xi32>
        %sub3A_1087 = arith.subi %sub3A_1086, %and3A_1084 : vector<16xi32>
        %mul3A_1088 = arith.constant 64 : i32
        %mul3A_1089 = vector.broadcast %mul3A_1088 : i32 to vector<16xi32>
        %mul3A_1090 = arith.muli %sub3A_1087, %mul3A_1089 : vector<16xi32>
        %add3A_1091 = arith.constant 16 : i32
        %add3A_1092 = vector.broadcast %add3A_1091 : i32 to vector<16xi32>
        %add3A_1093 = arith.addi %mul3A_1090, %add3A_1092 : vector<16xi32>
        %add3A_1094 = arith.addi %add3A_1093, %iota3A : vector<16xi32>
        %gather3A_1095 = tpu.vector_load_idx %arg4[%add3A_1094] : memref<12800xf32, #tpu.memory_space<vmem>>[vector<16xi32>], vector<16xf32>,
        %mul3A_1096 = arith.constant 64 : i32
        %mul3A_1097 = arith.muli %scan3A_929, %mul3A_1096 : i32
        %add3A_1098 = arith.constant 16 : i32
        %add3A_1099 = arith.addi %mul3A_1097, %add3A_1098 : i32
        %swap3A_1100 = arith.index_cast %add3A_1099 : i32 to index
        %swap3A_1101 = tpu.vector_load %arg6[%swap3A_1100] {strides = array<i32>} : memref<3200xf32, #tpu.memory_space<vmem>>, vector<16xf32>,
        tpu.vector_store %arg6[%swap3A_1100], %gather3A_1095 {strides = array<i32>} : memref<3200xf32, #tpu.memory_space<vmem>>, vector<16xf32>,
        %mul3A_1102 = arith.constant 16 : i32
        %mul3A_1103 = vector.broadcast %mul3A_1102 : i32 to vector<16xi32>
        %mul3A_1104 = arith.muli %sub3A_1087, %mul3A_1103 : vector<16xi32>
        %add3A_1105 = arith.addi %mul3A_1104, %iota3A : vector<16xi32>
        tpu.vector_store_idx %arg8[%add3A_1105], %broadcast_in_dim3A_1 : memref<3200xi32, #tpu.memory_space<vmem>>[vector<16xi32>], vector<16xi32>,
        %shift_right_arithmetic3A_1106 = arith.constant 3 : i32
        %shift_right_arithmetic3A_1107 = vector.broadcast %shift_right_arithmetic3A_1106 : i32 to vector<16xi32>
        %shift_right_arithmetic3A_1108 = arith.shrsi %sub3A_1087, %shift_right_arithmetic3A_1107 : vector<16xi32>
        %shift_right_arithmetic3A_1109 = arith.constant 6 : i32
        %shift_right_arithmetic3A_1110 = vector.broadcast %shift_right_arithmetic3A_1109 : i32 to vector<16xi32>
        %shift_right_arithmetic3A_1111 = arith.shrsi %sub3A_1087, %shift_right_arithmetic3A_1110 : vector<16xi32>
        %mul3A_1112 = arith.constant 128 : i32
        %mul3A_1113 = vector.broadcast %mul3A_1112 : i32 to vector<16xi32>
        %mul3A_1114 = arith.muli %shift_right_arithmetic3A_1108, %mul3A_1113 : vector<16xi32>
        %add3A_1115 = arith.addi %mul3A_1114, %iota3A : vector<16xi32>
        %add3A_1116 = arith.constant 0 : i32
        %add3A_1117 = vector.broadcast %add3A_1116 : i32 to vector<16xi32>
        %add3A_1118 = arith.addi %add3A_1115, %add3A_1117 : vector<16xi32>
        %gather3A_1119 = tpu.vector_load_idx %arg8[%add3A_1118] : memref<3200xi32, #tpu.memory_space<vmem>>[vector<16xi32>], vector<16xi32>,
        %add3A_1120 = arith.constant 16 : i32
        %add3A_1121 = vector.broadcast %add3A_1120 : i32 to vector<16xi32>
        %add3A_1122 = arith.addi %add3A_1115, %add3A_1121 : vector<16xi32>
        %gather3A_1123 = tpu.vector_load_idx %arg8[%add3A_1122] : memref<3200xi32, #tpu.memory_space<vmem>>[vector<16xi32>], vector<16xi32>,
        %add3A_1124 = arith.constant 32 : i32
        %add3A_1125 = vector.broadcast %add3A_1124 : i32 to vector<16xi32>
        %add3A_1126 = arith.addi %add3A_1115, %add3A_1125 : vector<16xi32>
        %gather3A_1127 = tpu.vector_load_idx %arg8[%add3A_1126] : memref<3200xi32, #tpu.memory_space<vmem>>[vector<16xi32>], vector<16xi32>,
        %add3A_1128 = arith.constant 48 : i32
        %add3A_1129 = vector.broadcast %add3A_1128 : i32 to vector<16xi32>
        %add3A_1130 = arith.addi %add3A_1115, %add3A_1129 : vector<16xi32>
        %gather3A_1131 = tpu.vector_load_idx %arg8[%add3A_1130] : memref<3200xi32, #tpu.memory_space<vmem>>[vector<16xi32>], vector<16xi32>,
        %add3A_1132 = arith.constant 64 : i32
        %add3A_1133 = vector.broadcast %add3A_1132 : i32 to vector<16xi32>
        %add3A_1134 = arith.addi %add3A_1115, %add3A_1133 : vector<16xi32>
        %gather3A_1135 = tpu.vector_load_idx %arg8[%add3A_1134] : memref<3200xi32, #tpu.memory_space<vmem>>[vector<16xi32>], vector<16xi32>,
        %add3A_1136 = arith.constant 80 : i32
        %add3A_1137 = vector.broadcast %add3A_1136 : i32 to vector<16xi32>
        %add3A_1138 = arith.addi %add3A_1115, %add3A_1137 : vector<16xi32>
        %gather3A_1139 = tpu.vector_load_idx %arg8[%add3A_1138] : memref<3200xi32, #tpu.memory_space<vmem>>[vector<16xi32>], vector<16xi32>,
        %add3A_1140 = arith.constant 96 : i32
        %add3A_1141 = vector.broadcast %add3A_1140 : i32 to vector<16xi32>
        %add3A_1142 = arith.addi %add3A_1115, %add3A_1141 : vector<16xi32>
        %gather3A_1143 = tpu.vector_load_idx %arg8[%add3A_1142] : memref<3200xi32, #tpu.memory_space<vmem>>[vector<16xi32>], vector<16xi32>,
        %add3A_1144 = arith.constant 112 : i32
        %add3A_1145 = vector.broadcast %add3A_1144 : i32 to vector<16xi32>
        %add3A_1146 = arith.addi %add3A_1115, %add3A_1145 : vector<16xi32>
        %gather3A_1147 = tpu.vector_load_idx %arg8[%add3A_1146] : memref<3200xi32, #tpu.memory_space<vmem>>[vector<16xi32>], vector<16xi32>,
        %mul3A_1148 = arith.constant 16 : i32
        %mul3A_1149 = vector.broadcast %mul3A_1148 : i32 to vector<16xi32>
        %mul3A_1150 = arith.muli %shift_right_arithmetic3A_1108, %mul3A_1149 : vector<16xi32>
        %add3A_1151 = arith.addi %mul3A_1150, %iota3A : vector<16xi32>
        %max3A_1152 = arith.maxsi %gather3A_1119, %gather3A_1123 : vector<16xi32>
        %max3A_1153 = arith.maxsi %gather3A_1127, %gather3A_1131 : vector<16xi32>
        %max3A_1154 = arith.maxsi %gather3A_1135, %gather3A_1139 : vector<16xi32>
        %max3A_1155 = arith.maxsi %gather3A_1143, %gather3A_1147 : vector<16xi32>
        %max3A_1156 = arith.maxsi %max3A_1152, %max3A_1153 : vector<16xi32>
        %max3A_1157 = arith.maxsi %max3A_1154, %max3A_1155 : vector<16xi32>
        %max3A_1158 = arith.maxsi %max3A_1156, %max3A_1157 : vector<16xi32>
        tpu.vector_store_idx %arg12[%add3A_1151], %max3A_1158 : memref<512xi32, #tpu.memory_space<vmem>>[vector<16xi32>], vector<16xi32>,
        %mul3A_1159 = arith.constant 128 : i32
        %mul3A_1160 = vector.broadcast %mul3A_1159 : i32 to vector<16xi32>
        %mul3A_1161 = arith.muli %shift_right_arithmetic3A_1111, %mul3A_1160 : vector<16xi32>
        %add3A_1162 = arith.addi %mul3A_1161, %iota3A : vector<16xi32>
        %add3A_1163 = arith.constant 0 : i32
        %add3A_1164 = vector.broadcast %add3A_1163 : i32 to vector<16xi32>
        %add3A_1165 = arith.addi %add3A_1162, %add3A_1164 : vector<16xi32>
        %gather3A_1166 = tpu.vector_load_idx %arg12[%add3A_1165] : memref<512xi32, #tpu.memory_space<vmem>>[vector<16xi32>], vector<16xi32>,
        %add3A_1167 = arith.constant 16 : i32
        %add3A_1168 = vector.broadcast %add3A_1167 : i32 to vector<16xi32>
        %add3A_1169 = arith.addi %add3A_1162, %add3A_1168 : vector<16xi32>
        %gather3A_1170 = tpu.vector_load_idx %arg12[%add3A_1169] : memref<512xi32, #tpu.memory_space<vmem>>[vector<16xi32>], vector<16xi32>,
        %add3A_1171 = arith.constant 32 : i32
        %add3A_1172 = vector.broadcast %add3A_1171 : i32 to vector<16xi32>
        %add3A_1173 = arith.addi %add3A_1162, %add3A_1172 : vector<16xi32>
        %gather3A_1174 = tpu.vector_load_idx %arg12[%add3A_1173] : memref<512xi32, #tpu.memory_space<vmem>>[vector<16xi32>], vector<16xi32>,
        %add3A_1175 = arith.constant 48 : i32
        %add3A_1176 = vector.broadcast %add3A_1175 : i32 to vector<16xi32>
        %add3A_1177 = arith.addi %add3A_1162, %add3A_1176 : vector<16xi32>
        %gather3A_1178 = tpu.vector_load_idx %arg12[%add3A_1177] : memref<512xi32, #tpu.memory_space<vmem>>[vector<16xi32>], vector<16xi32>,
        %add3A_1179 = arith.constant 64 : i32
        %add3A_1180 = vector.broadcast %add3A_1179 : i32 to vector<16xi32>
        %add3A_1181 = arith.addi %add3A_1162, %add3A_1180 : vector<16xi32>
        %gather3A_1182 = tpu.vector_load_idx %arg12[%add3A_1181] : memref<512xi32, #tpu.memory_space<vmem>>[vector<16xi32>], vector<16xi32>,
        %add3A_1183 = arith.constant 80 : i32
        %add3A_1184 = vector.broadcast %add3A_1183 : i32 to vector<16xi32>
        %add3A_1185 = arith.addi %add3A_1162, %add3A_1184 : vector<16xi32>
        %gather3A_1186 = tpu.vector_load_idx %arg12[%add3A_1185] : memref<512xi32, #tpu.memory_space<vmem>>[vector<16xi32>], vector<16xi32>,
        %add3A_1187 = arith.constant 96 : i32
        %add3A_1188 = vector.broadcast %add3A_1187 : i32 to vector<16xi32>
        %add3A_1189 = arith.addi %add3A_1162, %add3A_1188 : vector<16xi32>
        %gather3A_1190 = tpu.vector_load_idx %arg12[%add3A_1189] : memref<512xi32, #tpu.memory_space<vmem>>[vector<16xi32>], vector<16xi32>,
        %add3A_1191 = arith.constant 112 : i32
        %add3A_1192 = vector.broadcast %add3A_1191 : i32 to vector<16xi32>
        %add3A_1193 = arith.addi %add3A_1162, %add3A_1192 : vector<16xi32>
        %gather3A_1194 = tpu.vector_load_idx %arg12[%add3A_1193] : memref<512xi32, #tpu.memory_space<vmem>>[vector<16xi32>], vector<16xi32>,
        %max3A_1195 = arith.maxsi %gather3A_1166, %gather3A_1170 : vector<16xi32>
        %max3A_1196 = arith.maxsi %gather3A_1174, %gather3A_1178 : vector<16xi32>
        %max3A_1197 = arith.maxsi %gather3A_1182, %gather3A_1186 : vector<16xi32>
        %max3A_1198 = arith.maxsi %gather3A_1190, %gather3A_1194 : vector<16xi32>
        %max3A_1199 = arith.maxsi %max3A_1195, %max3A_1196 : vector<16xi32>
        %max3A_1200 = arith.maxsi %max3A_1197, %max3A_1198 : vector<16xi32>
        %max3A_1201 = arith.maxsi %max3A_1199, %max3A_1200 : vector<16xi32>
        %eq3A_1202 = arith.constant 0 : i32
        %eq3A_1203 = vector.broadcast %eq3A_1202 : i32 to vector<16xi32>
        %eq3A_1204 = arith.cmpi eq, %shift_right_arithmetic3A_1111, %eq3A_1203 : vector<16xi32>
        %select_n3A_1205 = arith.select %eq3A_1204, %max3A_1201, %scan3A_934 : vector<16xi1>, vector<16xi32>
        %eq3A_1206 = arith.constant 1 : i32
        %eq3A_1207 = vector.broadcast %eq3A_1206 : i32 to vector<16xi32>
        %eq3A_1208 = arith.cmpi eq, %shift_right_arithmetic3A_1111, %eq3A_1207 : vector<16xi32>
        %select_n3A_1209 = arith.select %eq3A_1208, %max3A_1201, %scan3A_935 : vector<16xi1>, vector<16xi32>
        %eq3A_1210 = arith.constant 2 : i32
        %eq3A_1211 = vector.broadcast %eq3A_1210 : i32 to vector<16xi32>
        %eq3A_1212 = arith.cmpi eq, %shift_right_arithmetic3A_1111, %eq3A_1211 : vector<16xi32>
        %select_n3A_1213 = arith.select %eq3A_1212, %max3A_1201, %scan3A_936 : vector<16xi1>, vector<16xi32>
        %eq3A_1214 = arith.constant 3 : i32
        %eq3A_1215 = vector.broadcast %eq3A_1214 : i32 to vector<16xi32>
        %eq3A_1216 = arith.cmpi eq, %shift_right_arithmetic3A_1111, %eq3A_1215 : vector<16xi32>
        %select_n3A_1217 = arith.select %eq3A_1216, %max3A_1201, %scan3A_937 : vector<16xi1>, vector<16xi32>
        %max3A_1218 = arith.maxsi %scan3A_938, %scan3A_939 : vector<16xi32>
        %max3A_1219 = arith.maxsi %scan3A_940, %scan3A_941 : vector<16xi32>
        %max3A_1220 = arith.maxsi %max3A_1218, %max3A_1219 : vector<16xi32>
        %and3A_1221 = arith.constant 255 : i32
        %and3A_1222 = vector.broadcast %and3A_1221 : i32 to vector<16xi32>
        %and3A_1223 = arith.andi %max3A_1220, %and3A_1222 : vector<16xi32>
        %sub3A_1224 = arith.constant 255 : i32
        %sub3A_1225 = vector.broadcast %sub3A_1224 : i32 to vector<16xi32>
        %sub3A_1226 = arith.subi %sub3A_1225, %and3A_1223 : vector<16xi32>
        %mul3A_1227 = arith.constant 64 : i32
        %mul3A_1228 = vector.broadcast %mul3A_1227 : i32 to vector<16xi32>
        %mul3A_1229 = arith.muli %sub3A_1226, %mul3A_1228 : vector<16xi32>
        %add3A_1230 = arith.constant 32 : i32
        %add3A_1231 = vector.broadcast %add3A_1230 : i32 to vector<16xi32>
        %add3A_1232 = arith.addi %mul3A_1229, %add3A_1231 : vector<16xi32>
        %add3A_1233 = arith.addi %add3A_1232, %iota3A : vector<16xi32>
        %gather3A_1234 = tpu.vector_load_idx %arg4[%add3A_1233] : memref<12800xf32, #tpu.memory_space<vmem>>[vector<16xi32>], vector<16xf32>,
        %mul3A_1235 = arith.constant 64 : i32
        %mul3A_1236 = arith.muli %scan3A_929, %mul3A_1235 : i32
        %add3A_1237 = arith.constant 32 : i32
        %add3A_1238 = arith.addi %mul3A_1236, %add3A_1237 : i32
        %swap3A_1239 = arith.index_cast %add3A_1238 : i32 to index
        %swap3A_1240 = tpu.vector_load %arg6[%swap3A_1239] {strides = array<i32>} : memref<3200xf32, #tpu.memory_space<vmem>>, vector<16xf32>,
        tpu.vector_store %arg6[%swap3A_1239], %gather3A_1234 {strides = array<i32>} : memref<3200xf32, #tpu.memory_space<vmem>>, vector<16xf32>,
        %mul3A_1241 = arith.constant 16 : i32
        %mul3A_1242 = vector.broadcast %mul3A_1241 : i32 to vector<16xi32>
        %mul3A_1243 = arith.muli %sub3A_1226, %mul3A_1242 : vector<16xi32>
        %add3A_1244 = arith.addi %mul3A_1243, %iota3A : vector<16xi32>
        tpu.vector_store_idx %arg9[%add3A_1244], %broadcast_in_dim3A_1 : memref<3200xi32, #tpu.memory_space<vmem>>[vector<16xi32>], vector<16xi32>,
        %shift_right_arithmetic3A_1245 = arith.constant 3 : i32
        %shift_right_arithmetic3A_1246 = vector.broadcast %shift_right_arithmetic3A_1245 : i32 to vector<16xi32>
        %shift_right_arithmetic3A_1247 = arith.shrsi %sub3A_1226, %shift_right_arithmetic3A_1246 : vector<16xi32>
        %shift_right_arithmetic3A_1248 = arith.constant 6 : i32
        %shift_right_arithmetic3A_1249 = vector.broadcast %shift_right_arithmetic3A_1248 : i32 to vector<16xi32>
        %shift_right_arithmetic3A_1250 = arith.shrsi %sub3A_1226, %shift_right_arithmetic3A_1249 : vector<16xi32>
        %mul3A_1251 = arith.constant 128 : i32
        %mul3A_1252 = vector.broadcast %mul3A_1251 : i32 to vector<16xi32>
        %mul3A_1253 = arith.muli %shift_right_arithmetic3A_1247, %mul3A_1252 : vector<16xi32>
        %add3A_1254 = arith.addi %mul3A_1253, %iota3A : vector<16xi32>
        %add3A_1255 = arith.constant 0 : i32
        %add3A_1256 = vector.broadcast %add3A_1255 : i32 to vector<16xi32>
        %add3A_1257 = arith.addi %add3A_1254, %add3A_1256 : vector<16xi32>
        %gather3A_1258 = tpu.vector_load_idx %arg9[%add3A_1257] : memref<3200xi32, #tpu.memory_space<vmem>>[vector<16xi32>], vector<16xi32>,
        %add3A_1259 = arith.constant 16 : i32
        %add3A_1260 = vector.broadcast %add3A_1259 : i32 to vector<16xi32>
        %add3A_1261 = arith.addi %add3A_1254, %add3A_1260 : vector<16xi32>
        %gather3A_1262 = tpu.vector_load_idx %arg9[%add3A_1261] : memref<3200xi32, #tpu.memory_space<vmem>>[vector<16xi32>], vector<16xi32>,
        %add3A_1263 = arith.constant 32 : i32
        %add3A_1264 = vector.broadcast %add3A_1263 : i32 to vector<16xi32>
        %add3A_1265 = arith.addi %add3A_1254, %add3A_1264 : vector<16xi32>
        %gather3A_1266 = tpu.vector_load_idx %arg9[%add3A_1265] : memref<3200xi32, #tpu.memory_space<vmem>>[vector<16xi32>], vector<16xi32>,
        %add3A_1267 = arith.constant 48 : i32
        %add3A_1268 = vector.broadcast %add3A_1267 : i32 to vector<16xi32>
        %add3A_1269 = arith.addi %add3A_1254, %add3A_1268 : vector<16xi32>
        %gather3A_1270 = tpu.vector_load_idx %arg9[%add3A_1269] : memref<3200xi32, #tpu.memory_space<vmem>>[vector<16xi32>], vector<16xi32>,
        %add3A_1271 = arith.constant 64 : i32
        %add3A_1272 = vector.broadcast %add3A_1271 : i32 to vector<16xi32>
        %add3A_1273 = arith.addi %add3A_1254, %add3A_1272 : vector<16xi32>
        %gather3A_1274 = tpu.vector_load_idx %arg9[%add3A_1273] : memref<3200xi32, #tpu.memory_space<vmem>>[vector<16xi32>], vector<16xi32>,
        %add3A_1275 = arith.constant 80 : i32
        %add3A_1276 = vector.broadcast %add3A_1275 : i32 to vector<16xi32>
        %add3A_1277 = arith.addi %add3A_1254, %add3A_1276 : vector<16xi32>
        %gather3A_1278 = tpu.vector_load_idx %arg9[%add3A_1277] : memref<3200xi32, #tpu.memory_space<vmem>>[vector<16xi32>], vector<16xi32>,
        %add3A_1279 = arith.constant 96 : i32
        %add3A_1280 = vector.broadcast %add3A_1279 : i32 to vector<16xi32>
        %add3A_1281 = arith.addi %add3A_1254, %add3A_1280 : vector<16xi32>
        %gather3A_1282 = tpu.vector_load_idx %arg9[%add3A_1281] : memref<3200xi32, #tpu.memory_space<vmem>>[vector<16xi32>], vector<16xi32>,
        %add3A_1283 = arith.constant 112 : i32
        %add3A_1284 = vector.broadcast %add3A_1283 : i32 to vector<16xi32>
        %add3A_1285 = arith.addi %add3A_1254, %add3A_1284 : vector<16xi32>
        %gather3A_1286 = tpu.vector_load_idx %arg9[%add3A_1285] : memref<3200xi32, #tpu.memory_space<vmem>>[vector<16xi32>], vector<16xi32>,
        %mul3A_1287 = arith.constant 16 : i32
        %mul3A_1288 = vector.broadcast %mul3A_1287 : i32 to vector<16xi32>
        %mul3A_1289 = arith.muli %shift_right_arithmetic3A_1247, %mul3A_1288 : vector<16xi32>
        %add3A_1290 = arith.addi %mul3A_1289, %iota3A : vector<16xi32>
        %max3A_1291 = arith.maxsi %gather3A_1258, %gather3A_1262 : vector<16xi32>
        %max3A_1292 = arith.maxsi %gather3A_1266, %gather3A_1270 : vector<16xi32>
        %max3A_1293 = arith.maxsi %gather3A_1274, %gather3A_1278 : vector<16xi32>
        %max3A_1294 = arith.maxsi %gather3A_1282, %gather3A_1286 : vector<16xi32>
        %max3A_1295 = arith.maxsi %max3A_1291, %max3A_1292 : vector<16xi32>
        %max3A_1296 = arith.maxsi %max3A_1293, %max3A_1294 : vector<16xi32>
        %max3A_1297 = arith.maxsi %max3A_1295, %max3A_1296 : vector<16xi32>
        tpu.vector_store_idx %arg13[%add3A_1290], %max3A_1297 : memref<512xi32, #tpu.memory_space<vmem>>[vector<16xi32>], vector<16xi32>,
        %mul3A_1298 = arith.constant 128 : i32
        %mul3A_1299 = vector.broadcast %mul3A_1298 : i32 to vector<16xi32>
        %mul3A_1300 = arith.muli %shift_right_arithmetic3A_1250, %mul3A_1299 : vector<16xi32>
        %add3A_1301 = arith.addi %mul3A_1300, %iota3A : vector<16xi32>
        %add3A_1302 = arith.constant 0 : i32
        %add3A_1303 = vector.broadcast %add3A_1302 : i32 to vector<16xi32>
        %add3A_1304 = arith.addi %add3A_1301, %add3A_1303 : vector<16xi32>
        %gather3A_1305 = tpu.vector_load_idx %arg13[%add3A_1304] : memref<512xi32, #tpu.memory_space<vmem>>[vector<16xi32>], vector<16xi32>,
        %add3A_1306 = arith.constant 16 : i32
        %add3A_1307 = vector.broadcast %add3A_1306 : i32 to vector<16xi32>
        %add3A_1308 = arith.addi %add3A_1301, %add3A_1307 : vector<16xi32>
        %gather3A_1309 = tpu.vector_load_idx %arg13[%add3A_1308] : memref<512xi32, #tpu.memory_space<vmem>>[vector<16xi32>], vector<16xi32>,
        %add3A_1310 = arith.constant 32 : i32
        %add3A_1311 = vector.broadcast %add3A_1310 : i32 to vector<16xi32>
        %add3A_1312 = arith.addi %add3A_1301, %add3A_1311 : vector<16xi32>
        %gather3A_1313 = tpu.vector_load_idx %arg13[%add3A_1312] : memref<512xi32, #tpu.memory_space<vmem>>[vector<16xi32>], vector<16xi32>,
        %add3A_1314 = arith.constant 48 : i32
        %add3A_1315 = vector.broadcast %add3A_1314 : i32 to vector<16xi32>
        %add3A_1316 = arith.addi %add3A_1301, %add3A_1315 : vector<16xi32>
        %gather3A_1317 = tpu.vector_load_idx %arg13[%add3A_1316] : memref<512xi32, #tpu.memory_space<vmem>>[vector<16xi32>], vector<16xi32>,
        %add3A_1318 = arith.constant 64 : i32
        %add3A_1319 = vector.broadcast %add3A_1318 : i32 to vector<16xi32>
        %add3A_1320 = arith.addi %add3A_1301, %add3A_1319 : vector<16xi32>
        %gather3A_1321 = tpu.vector_load_idx %arg13[%add3A_1320] : memref<512xi32, #tpu.memory_space<vmem>>[vector<16xi32>], vector<16xi32>,
        %add3A_1322 = arith.constant 80 : i32
        %add3A_1323 = vector.broadcast %add3A_1322 : i32 to vector<16xi32>
        %add3A_1324 = arith.addi %add3A_1301, %add3A_1323 : vector<16xi32>
        %gather3A_1325 = tpu.vector_load_idx %arg13[%add3A_1324] : memref<512xi32, #tpu.memory_space<vmem>>[vector<16xi32>], vector<16xi32>,
        %add3A_1326 = arith.constant 96 : i32
        %add3A_1327 = vector.broadcast %add3A_1326 : i32 to vector<16xi32>
        %add3A_1328 = arith.addi %add3A_1301, %add3A_1327 : vector<16xi32>
        %gather3A_1329 = tpu.vector_load_idx %arg13[%add3A_1328] : memref<512xi32, #tpu.memory_space<vmem>>[vector<16xi32>], vector<16xi32>,
        %add3A_1330 = arith.constant 112 : i32
        %add3A_1331 = vector.broadcast %add3A_1330 : i32 to vector<16xi32>
        %add3A_1332 = arith.addi %add3A_1301, %add3A_1331 : vector<16xi32>
        %gather3A_1333 = tpu.vector_load_idx %arg13[%add3A_1332] : memref<512xi32, #tpu.memory_space<vmem>>[vector<16xi32>], vector<16xi32>,
        %max3A_1334 = arith.maxsi %gather3A_1305, %gather3A_1309 : vector<16xi32>
        %max3A_1335 = arith.maxsi %gather3A_1313, %gather3A_1317 : vector<16xi32>
        %max3A_1336 = arith.maxsi %gather3A_1321, %gather3A_1325 : vector<16xi32>
        %max3A_1337 = arith.maxsi %gather3A_1329, %gather3A_1333 : vector<16xi32>
        %max3A_1338 = arith.maxsi %max3A_1334, %max3A_1335 : vector<16xi32>
        %max3A_1339 = arith.maxsi %max3A_1336, %max3A_1337 : vector<16xi32>
        %max3A_1340 = arith.maxsi %max3A_1338, %max3A_1339 : vector<16xi32>
        %eq3A_1341 = arith.constant 0 : i32
        %eq3A_1342 = vector.broadcast %eq3A_1341 : i32 to vector<16xi32>
        %eq3A_1343 = arith.cmpi eq, %shift_right_arithmetic3A_1250, %eq3A_1342 : vector<16xi32>
        %select_n3A_1344 = arith.select %eq3A_1343, %max3A_1340, %scan3A_938 : vector<16xi1>, vector<16xi32>
        %eq3A_1345 = arith.constant 1 : i32
        %eq3A_1346 = vector.broadcast %eq3A_1345 : i32 to vector<16xi32>
        %eq3A_1347 = arith.cmpi eq, %shift_right_arithmetic3A_1250, %eq3A_1346 : vector<16xi32>
        %select_n3A_1348 = arith.select %eq3A_1347, %max3A_1340, %scan3A_939 : vector<16xi1>, vector<16xi32>
        %eq3A_1349 = arith.constant 2 : i32
        %eq3A_1350 = vector.broadcast %eq3A_1349 : i32 to vector<16xi32>
        %eq3A_1351 = arith.cmpi eq, %shift_right_arithmetic3A_1250, %eq3A_1350 : vector<16xi32>
        %select_n3A_1352 = arith.select %eq3A_1351, %max3A_1340, %scan3A_940 : vector<16xi1>, vector<16xi32>
        %eq3A_1353 = arith.constant 3 : i32
        %eq3A_1354 = vector.broadcast %eq3A_1353 : i32 to vector<16xi32>
        %eq3A_1355 = arith.cmpi eq, %shift_right_arithmetic3A_1250, %eq3A_1354 : vector<16xi32>
        %select_n3A_1356 = arith.select %eq3A_1355, %max3A_1340, %scan3A_941 : vector<16xi1>, vector<16xi32>
        %max3A_1357 = arith.maxsi %scan3A_942, %scan3A_943 : vector<16xi32>
        %max3A_1358 = arith.maxsi %scan3A_944, %scan3A_945 : vector<16xi32>
        %max3A_1359 = arith.maxsi %max3A_1357, %max3A_1358 : vector<16xi32>
        %and3A_1360 = arith.constant 255 : i32
        %and3A_1361 = vector.broadcast %and3A_1360 : i32 to vector<16xi32>
        %and3A_1362 = arith.andi %max3A_1359, %and3A_1361 : vector<16xi32>
        %sub3A_1363 = arith.constant 255 : i32
        %sub3A_1364 = vector.broadcast %sub3A_1363 : i32 to vector<16xi32>
        %sub3A_1365 = arith.subi %sub3A_1364, %and3A_1362 : vector<16xi32>
        %mul3A_1366 = arith.constant 64 : i32
        %mul3A_1367 = vector.broadcast %mul3A_1366 : i32 to vector<16xi32>
        %mul3A_1368 = arith.muli %sub3A_1365, %mul3A_1367 : vector<16xi32>
        %add3A_1369 = arith.constant 48 : i32
        %add3A_1370 = vector.broadcast %add3A_1369 : i32 to vector<16xi32>
        %add3A_1371 = arith.addi %mul3A_1368, %add3A_1370 : vector<16xi32>
        %add3A_1372 = arith.addi %add3A_1371, %iota3A : vector<16xi32>
        %gather3A_1373 = tpu.vector_load_idx %arg4[%add3A_1372] : memref<12800xf32, #tpu.memory_space<vmem>>[vector<16xi32>], vector<16xf32>,
        %mul3A_1374 = arith.constant 64 : i32
        %mul3A_1375 = arith.muli %scan3A_929, %mul3A_1374 : i32
        %add3A_1376 = arith.constant 48 : i32
        %add3A_1377 = arith.addi %mul3A_1375, %add3A_1376 : i32
        %swap3A_1378 = arith.index_cast %add3A_1377 : i32 to index
        %swap3A_1379 = tpu.vector_load %arg6[%swap3A_1378] {strides = array<i32>} : memref<3200xf32, #tpu.memory_space<vmem>>, vector<16xf32>,
        tpu.vector_store %arg6[%swap3A_1378], %gather3A_1373 {strides = array<i32>} : memref<3200xf32, #tpu.memory_space<vmem>>, vector<16xf32>,
        %mul3A_1380 = arith.constant 16 : i32
        %mul3A_1381 = vector.broadcast %mul3A_1380 : i32 to vector<16xi32>
        %mul3A_1382 = arith.muli %sub3A_1365, %mul3A_1381 : vector<16xi32>
        %add3A_1383 = arith.addi %mul3A_1382, %iota3A : vector<16xi32>
        tpu.vector_store_idx %arg10[%add3A_1383], %broadcast_in_dim3A_1 : memref<3200xi32, #tpu.memory_space<vmem>>[vector<16xi32>], vector<16xi32>,
        %shift_right_arithmetic3A_1384 = arith.constant 3 : i32
        %shift_right_arithmetic3A_1385 = vector.broadcast %shift_right_arithmetic3A_1384 : i32 to vector<16xi32>
        %shift_right_arithmetic3A_1386 = arith.shrsi %sub3A_1365, %shift_right_arithmetic3A_1385 : vector<16xi32>
        %shift_right_arithmetic3A_1387 = arith.constant 6 : i32
        %shift_right_arithmetic3A_1388 = vector.broadcast %shift_right_arithmetic3A_1387 : i32 to vector<16xi32>
        %shift_right_arithmetic3A_1389 = arith.shrsi %sub3A_1365, %shift_right_arithmetic3A_1388 : vector<16xi32>
        %mul3A_1390 = arith.constant 128 : i32
        %mul3A_1391 = vector.broadcast %mul3A_1390 : i32 to vector<16xi32>
        %mul3A_1392 = arith.muli %shift_right_arithmetic3A_1386, %mul3A_1391 : vector<16xi32>
        %add3A_1393 = arith.addi %mul3A_1392, %iota3A : vector<16xi32>
        %add3A_1394 = arith.constant 0 : i32
        %add3A_1395 = vector.broadcast %add3A_1394 : i32 to vector<16xi32>
        %add3A_1396 = arith.addi %add3A_1393, %add3A_1395 : vector<16xi32>
        %gather3A_1397 = tpu.vector_load_idx %arg10[%add3A_1396] : memref<3200xi32, #tpu.memory_space<vmem>>[vector<16xi32>], vector<16xi32>,
        %add3A_1398 = arith.constant 16 : i32
        %add3A_1399 = vector.broadcast %add3A_1398 : i32 to vector<16xi32>
        %add3A_1400 = arith.addi %add3A_1393, %add3A_1399 : vector<16xi32>
        %gather3A_1401 = tpu.vector_load_idx %arg10[%add3A_1400] : memref<3200xi32, #tpu.memory_space<vmem>>[vector<16xi32>], vector<16xi32>,
        %add3A_1402 = arith.constant 32 : i32
        %add3A_1403 = vector.broadcast %add3A_1402 : i32 to vector<16xi32>
        %add3A_1404 = arith.addi %add3A_1393, %add3A_1403 : vector<16xi32>
        %gather3A_1405 = tpu.vector_load_idx %arg10[%add3A_1404] : memref<3200xi32, #tpu.memory_space<vmem>>[vector<16xi32>], vector<16xi32>,
        %add3A_1406 = arith.constant 48 : i32
        %add3A_1407 = vector.broadcast %add3A_1406 : i32 to vector<16xi32>
        %add3A_1408 = arith.addi %add3A_1393, %add3A_1407 : vector<16xi32>
        %gather3A_1409 = tpu.vector_load_idx %arg10[%add3A_1408] : memref<3200xi32, #tpu.memory_space<vmem>>[vector<16xi32>], vector<16xi32>,
        %add3A_1410 = arith.constant 64 : i32
        %add3A_1411 = vector.broadcast %add3A_1410 : i32 to vector<16xi32>
        %add3A_1412 = arith.addi %add3A_1393, %add3A_1411 : vector<16xi32>
        %gather3A_1413 = tpu.vector_load_idx %arg10[%add3A_1412] : memref<3200xi32, #tpu.memory_space<vmem>>[vector<16xi32>], vector<16xi32>,
        %add3A_1414 = arith.constant 80 : i32
        %add3A_1415 = vector.broadcast %add3A_1414 : i32 to vector<16xi32>
        %add3A_1416 = arith.addi %add3A_1393, %add3A_1415 : vector<16xi32>
        %gather3A_1417 = tpu.vector_load_idx %arg10[%add3A_1416] : memref<3200xi32, #tpu.memory_space<vmem>>[vector<16xi32>], vector<16xi32>,
        %add3A_1418 = arith.constant 96 : i32
        %add3A_1419 = vector.broadcast %add3A_1418 : i32 to vector<16xi32>
        %add3A_1420 = arith.addi %add3A_1393, %add3A_1419 : vector<16xi32>
        %gather3A_1421 = tpu.vector_load_idx %arg10[%add3A_1420] : memref<3200xi32, #tpu.memory_space<vmem>>[vector<16xi32>], vector<16xi32>,
        %add3A_1422 = arith.constant 112 : i32
        %add3A_1423 = vector.broadcast %add3A_1422 : i32 to vector<16xi32>
        %add3A_1424 = arith.addi %add3A_1393, %add3A_1423 : vector<16xi32>
        %gather3A_1425 = tpu.vector_load_idx %arg10[%add3A_1424] : memref<3200xi32, #tpu.memory_space<vmem>>[vector<16xi32>], vector<16xi32>,
        %mul3A_1426 = arith.constant 16 : i32
        %mul3A_1427 = vector.broadcast %mul3A_1426 : i32 to vector<16xi32>
        %mul3A_1428 = arith.muli %shift_right_arithmetic3A_1386, %mul3A_1427 : vector<16xi32>
        %add3A_1429 = arith.addi %mul3A_1428, %iota3A : vector<16xi32>
        %max3A_1430 = arith.maxsi %gather3A_1397, %gather3A_1401 : vector<16xi32>
        %max3A_1431 = arith.maxsi %gather3A_1405, %gather3A_1409 : vector<16xi32>
        %max3A_1432 = arith.maxsi %gather3A_1413, %gather3A_1417 : vector<16xi32>
        %max3A_1433 = arith.maxsi %gather3A_1421, %gather3A_1425 : vector<16xi32>
        %max3A_1434 = arith.maxsi %max3A_1430, %max3A_1431 : vector<16xi32>
        %max3A_1435 = arith.maxsi %max3A_1432, %max3A_1433 : vector<16xi32>
        %max3A_1436 = arith.maxsi %max3A_1434, %max3A_1435 : vector<16xi32>
        tpu.vector_store_idx %arg14[%add3A_1429], %max3A_1436 : memref<512xi32, #tpu.memory_space<vmem>>[vector<16xi32>], vector<16xi32>,
        %mul3A_1437 = arith.constant 128 : i32
        %mul3A_1438 = vector.broadcast %mul3A_1437 : i32 to vector<16xi32>
        %mul3A_1439 = arith.muli %shift_right_arithmetic3A_1389, %mul3A_1438 : vector<16xi32>
        %add3A_1440 = arith.addi %mul3A_1439, %iota3A : vector<16xi32>
        %add3A_1441 = arith.constant 0 : i32
        %add3A_1442 = vector.broadcast %add3A_1441 : i32 to vector<16xi32>
        %add3A_1443 = arith.addi %add3A_1440, %add3A_1442 : vector<16xi32>
        %gather3A_1444 = tpu.vector_load_idx %arg14[%add3A_1443] : memref<512xi32, #tpu.memory_space<vmem>>[vector<16xi32>], vector<16xi32>,
        %add3A_1445 = arith.constant 16 : i32
        %add3A_1446 = vector.broadcast %add3A_1445 : i32 to vector<16xi32>
        %add3A_1447 = arith.addi %add3A_1440, %add3A_1446 : vector<16xi32>
        %gather3A_1448 = tpu.vector_load_idx %arg14[%add3A_1447] : memref<512xi32, #tpu.memory_space<vmem>>[vector<16xi32>], vector<16xi32>,
        %add3A_1449 = arith.constant 32 : i32
        %add3A_1450 = vector.broadcast %add3A_1449 : i32 to vector<16xi32>
        %add3A_1451 = arith.addi %add3A_1440, %add3A_1450 : vector<16xi32>
        %gather3A_1452 = tpu.vector_load_idx %arg14[%add3A_1451] : memref<512xi32, #tpu.memory_space<vmem>>[vector<16xi32>], vector<16xi32>,
        %add3A_1453 = arith.constant 48 : i32
        %add3A_1454 = vector.broadcast %add3A_1453 : i32 to vector<16xi32>
        %add3A_1455 = arith.addi %add3A_1440, %add3A_1454 : vector<16xi32>
        %gather3A_1456 = tpu.vector_load_idx %arg14[%add3A_1455] : memref<512xi32, #tpu.memory_space<vmem>>[vector<16xi32>], vector<16xi32>,
        %add3A_1457 = arith.constant 64 : i32
        %add3A_1458 = vector.broadcast %add3A_1457 : i32 to vector<16xi32>
        %add3A_1459 = arith.addi %add3A_1440, %add3A_1458 : vector<16xi32>
        %gather3A_1460 = tpu.vector_load_idx %arg14[%add3A_1459] : memref<512xi32, #tpu.memory_space<vmem>>[vector<16xi32>], vector<16xi32>,
        %add3A_1461 = arith.constant 80 : i32
        %add3A_1462 = vector.broadcast %add3A_1461 : i32 to vector<16xi32>
        %add3A_1463 = arith.addi %add3A_1440, %add3A_1462 : vector<16xi32>
        %gather3A_1464 = tpu.vector_load_idx %arg14[%add3A_1463] : memref<512xi32, #tpu.memory_space<vmem>>[vector<16xi32>], vector<16xi32>,
        %add3A_1465 = arith.constant 96 : i32
        %add3A_1466 = vector.broadcast %add3A_1465 : i32 to vector<16xi32>
        %add3A_1467 = arith.addi %add3A_1440, %add3A_1466 : vector<16xi32>
        %gather3A_1468 = tpu.vector_load_idx %arg14[%add3A_1467] : memref<512xi32, #tpu.memory_space<vmem>>[vector<16xi32>], vector<16xi32>,
        %add3A_1469 = arith.constant 112 : i32
        %add3A_1470 = vector.broadcast %add3A_1469 : i32 to vector<16xi32>
        %add3A_1471 = arith.addi %add3A_1440, %add3A_1470 : vector<16xi32>
        %gather3A_1472 = tpu.vector_load_idx %arg14[%add3A_1471] : memref<512xi32, #tpu.memory_space<vmem>>[vector<16xi32>], vector<16xi32>,
        %max3A_1473 = arith.maxsi %gather3A_1444, %gather3A_1448 : vector<16xi32>
        %max3A_1474 = arith.maxsi %gather3A_1452, %gather3A_1456 : vector<16xi32>
        %max3A_1475 = arith.maxsi %gather3A_1460, %gather3A_1464 : vector<16xi32>
        %max3A_1476 = arith.maxsi %gather3A_1468, %gather3A_1472 : vector<16xi32>
        %max3A_1477 = arith.maxsi %max3A_1473, %max3A_1474 : vector<16xi32>
        %max3A_1478 = arith.maxsi %max3A_1475, %max3A_1476 : vector<16xi32>
        %max3A_1479 = arith.maxsi %max3A_1477, %max3A_1478 : vector<16xi32>
        %eq3A_1480 = arith.constant 0 : i32
        %eq3A_1481 = vector.broadcast %eq3A_1480 : i32 to vector<16xi32>
        %eq3A_1482 = arith.cmpi eq, %shift_right_arithmetic3A_1389, %eq3A_1481 : vector<16xi32>
        %select_n3A_1483 = arith.select %eq3A_1482, %max3A_1479, %scan3A_942 : vector<16xi1>, vector<16xi32>
        %eq3A_1484 = arith.constant 1 : i32
        %eq3A_1485 = vector.broadcast %eq3A_1484 : i32 to vector<16xi32>
        %eq3A_1486 = arith.cmpi eq, %shift_right_arithmetic3A_1389, %eq3A_1485 : vector<16xi32>
        %select_n3A_1487 = arith.select %eq3A_1486, %max3A_1479, %scan3A_943 : vector<16xi1>, vector<16xi32>
        %eq3A_1488 = arith.constant 2 : i32
        %eq3A_1489 = vector.broadcast %eq3A_1488 : i32 to vector<16xi32>
        %eq3A_1490 = arith.cmpi eq, %shift_right_arithmetic3A_1389, %eq3A_1489 : vector<16xi32>
        %select_n3A_1491 = arith.select %eq3A_1490, %max3A_1479, %scan3A_944 : vector<16xi1>, vector<16xi32>
        %eq3A_1492 = arith.constant 3 : i32
        %eq3A_1493 = vector.broadcast %eq3A_1492 : i32 to vector<16xi32>
        %eq3A_1494 = arith.cmpi eq, %shift_right_arithmetic3A_1389, %eq3A_1493 : vector<16xi32>
        %select_n3A_1495 = arith.select %eq3A_1494, %max3A_1479, %scan3A_945 : vector<16xi1>, vector<16xi32>
        scf.yield %select_n3A, %select_n3A_1070, %select_n3A_1074, %select_n3A_1078, %select_n3A_1205, %select_n3A_1209, %select_n3A_1213, %select_n3A_1217, %select_n3A_1344, %select_n3A_1348, %select_n3A_1352, %select_n3A_1356, %select_n3A_1483, %select_n3A_1487, %select_n3A_1491, %select_n3A_1495 : vector<16xi32>, vector<16xi32>, vector<16xi32>, vector<16xi32>, vector<16xi32>, vector<16xi32>, vector<16xi32>, vector<16xi32>, vector<16xi32>, vector<16xi32>, vector<16xi32>, vector<16xi32>, vector<16xi32>, vector<16xi32>, vector<16xi32>, vector<16xi32>
      }
      %scan3A_468 = arith.constant 50 : i32
      %mul3A_469 = arith.constant 32 : i32
      %mul3A_470 = arith.muli %add3A, %mul3A_469 : i32
      %add3A_471 = arith.addi %mul3A_470, %mul3A_17 : i32
      %mul3A_472 = arith.constant 3200 : i32
      %mul3A_473 = arith.muli %add3A_471, %mul3A_472 : i32
      "tpu.region"() ({
        %run_scoped3A = tpu.sem_alloc : memref<!tpu.dma_semaphore, #tpu.memory_space<semaphore_mem>>
        %dma_start3A_929 = tpu.memref_slice %arg3[%mul3A_473] : memref<3276800xf32, #tpu.memory_space<hbm>> -> memref<3200xf32, #tpu.memory_space<hbm>>
        %dma_start3A_930 = tpu.memref_slice %arg3[%mul3A_473] : memref<3276800xf32, #tpu.memory_space<hbm>> -> memref<3200xf32, #tpu.memory_space<hbm>>
        tpu.enqueue_dma source(%arg6 : memref<3200xf32, #tpu.memory_space<vmem>>) target(%dma_start3A_930 : memref<3200xf32, #tpu.memory_space<hbm>>) target_semaphore(%run_scoped3A : memref<!tpu.dma_semaphore, #tpu.memory_space<semaphore_mem>>)
        %dma_wait3A_931 = tpu.memref_slice %arg3[%mul3A_473] : memref<3276800xf32, #tpu.memory_space<hbm>> -> memref<3200xf32, #tpu.memory_space<hbm>>
        %dma_wait3A_932 = tpu.memref_slice %arg3[%mul3A_473] : memref<3276800xf32, #tpu.memory_space<hbm>> -> memref<3200xf32, #tpu.memory_space<hbm>>
        tpu.wait_dma2 semaphore(%run_scoped3A : memref<!tpu.dma_semaphore, #tpu.memory_space<semaphore_mem>>) src(%arg6 : memref<3200xf32, #tpu.memory_space<vmem>>) dst(%dma_wait3A_932 : memref<3200xf32, #tpu.memory_space<hbm>>)
        tpu.yield
      }) : () -> ()
      %add3A_474 = arith.constant 1 : i32
      %add3A_475 = arith.addi %mul3A_17, %add3A_474 : i32
      %mul3A_476 = arith.constant 32 : i32
      %mul3A_477 = arith.muli %add3A, %mul3A_476 : i32
      %add3A_478 = arith.constant 0 : i32
      %add3A_479 = arith.addi %add3A_478, %mul3A_477 : i32
      %add3A_480 = arith.addi %add3A_479, %add3A_475 : i32
      %mul3A_481 = arith.constant 12800 : i32
      %mul3A_482 = arith.muli %add3A_480, %mul3A_481 : i32
      %dma_wait3A_483 = tpu.memref_slice %arg2[%mul3A_482] : memref<13107200xf32, #tpu.memory_space<hbm>> -> memref<12800xf32, #tpu.memory_space<hbm>>
      %dma_wait3A_484 = tpu.memref_slice %arg2[%mul3A_482] : memref<13107200xf32, #tpu.memory_space<hbm>> -> memref<12800xf32, #tpu.memory_space<hbm>>
      tpu.wait_dma2 semaphore(%arg16 : memref<!tpu.dma_semaphore, #tpu.memory_space<semaphore_mem>>) src(%dma_wait3A_484 : memref<12800xf32, #tpu.memory_space<hbm>>) dst(%arg5 : memref<12800xf32, #tpu.memory_space<vmem>>)
      %ne3A = arith.constant 15 : i32
      %ne3A_485 = arith.cmpi ne, %scan3A_15, %ne3A : i32
      %convert_element_type3A = arith.extui %ne3A_485 : i1 to i32
      %cond3A = arith.constant 0 : i32
      %cond3A_486 = arith.cmpi ne, %convert_element_type3A, %cond3A : i32
      scf.if %cond3A_486 {
        %add3A_929 = arith.constant 2 : i32
        %add3A_930 = arith.addi %mul3A_17, %add3A_929 : i32
        %mul3A_931 = arith.constant 32 : i32
        %mul3A_932 = arith.muli %add3A, %mul3A_931 : i32
        %add3A_933 = arith.constant 0 : i32
        %add3A_934 = arith.addi %add3A_933, %mul3A_932 : i32
        %add3A_935 = arith.addi %add3A_934, %add3A_930 : i32
        %mul3A_936 = arith.constant 12800 : i32
        %mul3A_937 = arith.muli %add3A_935, %mul3A_936 : i32
        %dma_start3A_938 = tpu.memref_slice %arg2[%mul3A_937] : memref<13107200xf32, #tpu.memory_space<hbm>> -> memref<12800xf32, #tpu.memory_space<hbm>>
        %dma_start3A_939 = tpu.memref_slice %arg2[%mul3A_937] : memref<13107200xf32, #tpu.memory_space<hbm>> -> memref<12800xf32, #tpu.memory_space<hbm>>
        tpu.enqueue_dma source(%dma_start3A_939 : memref<12800xf32, #tpu.memory_space<hbm>>) target(%arg4 : memref<12800xf32, #tpu.memory_space<vmem>>) target_semaphore(%arg15 : memref<!tpu.dma_semaphore, #tpu.memory_space<semaphore_mem>>)
      } else {
      }
      %add3A_487 = arith.constant 1 : i32
      %add3A_488 = arith.addi %mul3A_17, %add3A_487 : i32
      %scan3A_489 = arith.constant 0 : i32
      %scan3A_490 = arith.constant 25 : i32
      %scan3A_491 = arith.addi %scan3A_489, %scan3A_490 : i32
      %scan3A_492 = arith.constant 1 : i32
      scf.for %scan3A_929 = %scan3A_489 to %scan3A_491 step %scan3A_492  : i32 {
        %mul3A_930 = arith.constant 8 : i32
        %mul3A_931 = arith.muli %scan3A_929, %mul3A_930 : i32
        %add3A_932 = arith.constant 0 : i32
        %add3A_933 = arith.addi %mul3A_931, %add3A_932 : i32
        %mul3A_934 = arith.constant 64 : i32
        %mul3A_935 = arith.muli %add3A_933, %mul3A_934 : i32
        %add3A_936 = arith.constant 0 : i32
        %add3A_937 = arith.addi %mul3A_935, %add3A_936 : i32
        %get3A_938 = arith.index_cast %add3A_937 : i32 to index
        %get3A_939 = tpu.vector_load %arg5[%get3A_938] {strides = array<i32>} : memref<12800xf32, #tpu.memory_space<vmem>>, vector<16xf32>,
        %bitcast_convert_type3A = tpu.bitcast %get3A_939 : vector<16xf32> -> vector<16xi32>
        %shift_right_arithmetic3A = arith.constant 31 : i32
        %shift_right_arithmetic3A_940 = vector.broadcast %shift_right_arithmetic3A : i32 to vector<16xi32>
        %shift_right_arithmetic3A_941 = arith.shrsi %bitcast_convert_type3A, %shift_right_arithmetic3A_940 : vector<16xi32>
        %and3A = arith.constant 2147483647 : i32
        %and3A_942 = vector.broadcast %and3A : i32 to vector<16xi32>
        %and3A_943 = arith.andi %shift_right_arithmetic3A_941, %and3A_942 : vector<16xi32>
        %xor3A = arith.xori %bitcast_convert_type3A, %and3A_943 : vector<16xi32>
        %and3A_944 = arith.constant -256 : i32
        %and3A_945 = vector.broadcast %and3A_944 : i32 to vector<16xi32>
        %and3A_946 = arith.andi %xor3A, %and3A_945 : vector<16xi32>
        %sub3A = arith.constant 255 : i32
        %sub3A_947 = arith.subi %sub3A, %add3A_933 : i32
        %or3A = vector.broadcast %sub3A_947 : i32 to vector<16xi32>
        %or3A_948 = arith.ori %and3A_946, %or3A : vector<16xi32>
        %mul3A_949 = arith.constant 16 : i32
        %mul3A_950 = arith.muli %add3A_933, %mul3A_949 : i32
        %swap3A_951 = arith.index_cast %mul3A_950 : i32 to index
        %swap3A_952 = tpu.vector_load %arg7[%swap3A_951] {strides = array<i32>} : memref<3200xi32, #tpu.memory_space<vmem>>, vector<16xi32>,
        tpu.vector_store %arg7[%swap3A_951], %or3A_948 {strides = array<i32>} : memref<3200xi32, #tpu.memory_space<vmem>>, vector<16xi32>,
        %mul3A_953 = arith.constant 8 : i32
        %mul3A_954 = arith.muli %scan3A_929, %mul3A_953 : i32
        %add3A_955 = arith.constant 1 : i32
        %add3A_956 = arith.addi %mul3A_954, %add3A_955 : i32
        %mul3A_957 = arith.constant 64 : i32
        %mul3A_958 = arith.muli %add3A_956, %mul3A_957 : i32
        %add3A_959 = arith.constant 0 : i32
        %add3A_960 = arith.addi %mul3A_958, %add3A_959 : i32
        %get3A_961 = arith.index_cast %add3A_960 : i32 to index
        %get3A_962 = tpu.vector_load %arg5[%get3A_961] {strides = array<i32>} : memref<12800xf32, #tpu.memory_space<vmem>>, vector<16xf32>,
        %bitcast_convert_type3A_963 = tpu.bitcast %get3A_962 : vector<16xf32> -> vector<16xi32>
        %shift_right_arithmetic3A_964 = arith.constant 31 : i32
        %shift_right_arithmetic3A_965 = vector.broadcast %shift_right_arithmetic3A_964 : i32 to vector<16xi32>
        %shift_right_arithmetic3A_966 = arith.shrsi %bitcast_convert_type3A_963, %shift_right_arithmetic3A_965 : vector<16xi32>
        %and3A_967 = arith.constant 2147483647 : i32
        %and3A_968 = vector.broadcast %and3A_967 : i32 to vector<16xi32>
        %and3A_969 = arith.andi %shift_right_arithmetic3A_966, %and3A_968 : vector<16xi32>
        %xor3A_970 = arith.xori %bitcast_convert_type3A_963, %and3A_969 : vector<16xi32>
        %and3A_971 = arith.constant -256 : i32
        %and3A_972 = vector.broadcast %and3A_971 : i32 to vector<16xi32>
        %and3A_973 = arith.andi %xor3A_970, %and3A_972 : vector<16xi32>
        %sub3A_974 = arith.constant 255 : i32
        %sub3A_975 = arith.subi %sub3A_974, %add3A_956 : i32
        %or3A_976 = vector.broadcast %sub3A_975 : i32 to vector<16xi32>
        %or3A_977 = arith.ori %and3A_973, %or3A_976 : vector<16xi32>
        %mul3A_978 = arith.constant 16 : i32
        %mul3A_979 = arith.muli %add3A_956, %mul3A_978 : i32
        %swap3A_980 = arith.index_cast %mul3A_979 : i32 to index
        %swap3A_981 = tpu.vector_load %arg7[%swap3A_980] {strides = array<i32>} : memref<3200xi32, #tpu.memory_space<vmem>>, vector<16xi32>,
        tpu.vector_store %arg7[%swap3A_980], %or3A_977 {strides = array<i32>} : memref<3200xi32, #tpu.memory_space<vmem>>, vector<16xi32>,
        %mul3A_982 = arith.constant 8 : i32
        %mul3A_983 = arith.muli %scan3A_929, %mul3A_982 : i32
        %add3A_984 = arith.constant 2 : i32
        %add3A_985 = arith.addi %mul3A_983, %add3A_984 : i32
        %mul3A_986 = arith.constant 64 : i32
        %mul3A_987 = arith.muli %add3A_985, %mul3A_986 : i32
        %add3A_988 = arith.constant 0 : i32
        %add3A_989 = arith.addi %mul3A_987, %add3A_988 : i32
        %get3A_990 = arith.index_cast %add3A_989 : i32 to index
        %get3A_991 = tpu.vector_load %arg5[%get3A_990] {strides = array<i32>} : memref<12800xf32, #tpu.memory_space<vmem>>, vector<16xf32>,
        %bitcast_convert_type3A_992 = tpu.bitcast %get3A_991 : vector<16xf32> -> vector<16xi32>
        %shift_right_arithmetic3A_993 = arith.constant 31 : i32
        %shift_right_arithmetic3A_994 = vector.broadcast %shift_right_arithmetic3A_993 : i32 to vector<16xi32>
        %shift_right_arithmetic3A_995 = arith.shrsi %bitcast_convert_type3A_992, %shift_right_arithmetic3A_994 : vector<16xi32>
        %and3A_996 = arith.constant 2147483647 : i32
        %and3A_997 = vector.broadcast %and3A_996 : i32 to vector<16xi32>
        %and3A_998 = arith.andi %shift_right_arithmetic3A_995, %and3A_997 : vector<16xi32>
        %xor3A_999 = arith.xori %bitcast_convert_type3A_992, %and3A_998 : vector<16xi32>
        %and3A_1000 = arith.constant -256 : i32
        %and3A_1001 = vector.broadcast %and3A_1000 : i32 to vector<16xi32>
        %and3A_1002 = arith.andi %xor3A_999, %and3A_1001 : vector<16xi32>
        %sub3A_1003 = arith.constant 255 : i32
        %sub3A_1004 = arith.subi %sub3A_1003, %add3A_985 : i32
        %or3A_1005 = vector.broadcast %sub3A_1004 : i32 to vector<16xi32>
        %or3A_1006 = arith.ori %and3A_1002, %or3A_1005 : vector<16xi32>
        %mul3A_1007 = arith.constant 16 : i32
        %mul3A_1008 = arith.muli %add3A_985, %mul3A_1007 : i32
        %swap3A_1009 = arith.index_cast %mul3A_1008 : i32 to index
        %swap3A_1010 = tpu.vector_load %arg7[%swap3A_1009] {strides = array<i32>} : memref<3200xi32, #tpu.memory_space<vmem>>, vector<16xi32>,
        tpu.vector_store %arg7[%swap3A_1009], %or3A_1006 {strides = array<i32>} : memref<3200xi32, #tpu.memory_space<vmem>>, vector<16xi32>,
        %mul3A_1011 = arith.constant 8 : i32
        %mul3A_1012 = arith.muli %scan3A_929, %mul3A_1011 : i32
        %add3A_1013 = arith.constant 3 : i32
        %add3A_1014 = arith.addi %mul3A_1012, %add3A_1013 : i32
        %mul3A_1015 = arith.constant 64 : i32
        %mul3A_1016 = arith.muli %add3A_1014, %mul3A_1015 : i32
        %add3A_1017 = arith.constant 0 : i32
        %add3A_1018 = arith.addi %mul3A_1016, %add3A_1017 : i32
        %get3A_1019 = arith.index_cast %add3A_1018 : i32 to index
        %get3A_1020 = tpu.vector_load %arg5[%get3A_1019] {strides = array<i32>} : memref<12800xf32, #tpu.memory_space<vmem>>, vector<16xf32>,
        %bitcast_convert_type3A_1021 = tpu.bitcast %get3A_1020 : vector<16xf32> -> vector<16xi32>
        %shift_right_arithmetic3A_1022 = arith.constant 31 : i32
        %shift_right_arithmetic3A_1023 = vector.broadcast %shift_right_arithmetic3A_1022 : i32 to vector<16xi32>
        %shift_right_arithmetic3A_1024 = arith.shrsi %bitcast_convert_type3A_1021, %shift_right_arithmetic3A_1023 : vector<16xi32>
        %and3A_1025 = arith.constant 2147483647 : i32
        %and3A_1026 = vector.broadcast %and3A_1025 : i32 to vector<16xi32>
        %and3A_1027 = arith.andi %shift_right_arithmetic3A_1024, %and3A_1026 : vector<16xi32>
        %xor3A_1028 = arith.xori %bitcast_convert_type3A_1021, %and3A_1027 : vector<16xi32>
        %and3A_1029 = arith.constant -256 : i32
        %and3A_1030 = vector.broadcast %and3A_1029 : i32 to vector<16xi32>
        %and3A_1031 = arith.andi %xor3A_1028, %and3A_1030 : vector<16xi32>
        %sub3A_1032 = arith.constant 255 : i32
        %sub3A_1033 = arith.subi %sub3A_1032, %add3A_1014 : i32
        %or3A_1034 = vector.broadcast %sub3A_1033 : i32 to vector<16xi32>
        %or3A_1035 = arith.ori %and3A_1031, %or3A_1034 : vector<16xi32>
        %mul3A_1036 = arith.constant 16 : i32
        %mul3A_1037 = arith.muli %add3A_1014, %mul3A_1036 : i32
        %swap3A_1038 = arith.index_cast %mul3A_1037 : i32 to index
        %swap3A_1039 = tpu.vector_load %arg7[%swap3A_1038] {strides = array<i32>} : memref<3200xi32, #tpu.memory_space<vmem>>, vector<16xi32>,
        tpu.vector_store %arg7[%swap3A_1038], %or3A_1035 {strides = array<i32>} : memref<3200xi32, #tpu.memory_space<vmem>>, vector<16xi32>,
        %mul3A_1040 = arith.constant 8 : i32
        %mul3A_1041 = arith.muli %scan3A_929, %mul3A_1040 : i32
        %add3A_1042 = arith.constant 4 : i32
        %add3A_1043 = arith.addi %mul3A_1041, %add3A_1042 : i32
        %mul3A_1044 = arith.constant 64 : i32
        %mul3A_1045 = arith.muli %add3A_1043, %mul3A_1044 : i32
        %add3A_1046 = arith.constant 0 : i32
        %add3A_1047 = arith.addi %mul3A_1045, %add3A_1046 : i32
        %get3A_1048 = arith.index_cast %add3A_1047 : i32 to index
        %get3A_1049 = tpu.vector_load %arg5[%get3A_1048] {strides = array<i32>} : memref<12800xf32, #tpu.memory_space<vmem>>, vector<16xf32>,
        %bitcast_convert_type3A_1050 = tpu.bitcast %get3A_1049 : vector<16xf32> -> vector<16xi32>
        %shift_right_arithmetic3A_1051 = arith.constant 31 : i32
        %shift_right_arithmetic3A_1052 = vector.broadcast %shift_right_arithmetic3A_1051 : i32 to vector<16xi32>
        %shift_right_arithmetic3A_1053 = arith.shrsi %bitcast_convert_type3A_1050, %shift_right_arithmetic3A_1052 : vector<16xi32>
        %and3A_1054 = arith.constant 2147483647 : i32
        %and3A_1055 = vector.broadcast %and3A_1054 : i32 to vector<16xi32>
        %and3A_1056 = arith.andi %shift_right_arithmetic3A_1053, %and3A_1055 : vector<16xi32>
        %xor3A_1057 = arith.xori %bitcast_convert_type3A_1050, %and3A_1056 : vector<16xi32>
        %and3A_1058 = arith.constant -256 : i32
        %and3A_1059 = vector.broadcast %and3A_1058 : i32 to vector<16xi32>
        %and3A_1060 = arith.andi %xor3A_1057, %and3A_1059 : vector<16xi32>
        %sub3A_1061 = arith.constant 255 : i32
        %sub3A_1062 = arith.subi %sub3A_1061, %add3A_1043 : i32
        %or3A_1063 = vector.broadcast %sub3A_1062 : i32 to vector<16xi32>
        %or3A_1064 = arith.ori %and3A_1060, %or3A_1063 : vector<16xi32>
        %mul3A_1065 = arith.constant 16 : i32
        %mul3A_1066 = arith.muli %add3A_1043, %mul3A_1065 : i32
        %swap3A_1067 = arith.index_cast %mul3A_1066 : i32 to index
        %swap3A_1068 = tpu.vector_load %arg7[%swap3A_1067] {strides = array<i32>} : memref<3200xi32, #tpu.memory_space<vmem>>, vector<16xi32>,
        tpu.vector_store %arg7[%swap3A_1067], %or3A_1064 {strides = array<i32>} : memref<3200xi32, #tpu.memory_space<vmem>>, vector<16xi32>,
        %mul3A_1069 = arith.constant 8 : i32
        %mul3A_1070 = arith.muli %scan3A_929, %mul3A_1069 : i32
        %add3A_1071 = arith.constant 5 : i32
        %add3A_1072 = arith.addi %mul3A_1070, %add3A_1071 : i32
        %mul3A_1073 = arith.constant 64 : i32
        %mul3A_1074 = arith.muli %add3A_1072, %mul3A_1073 : i32
        %add3A_1075 = arith.constant 0 : i32
        %add3A_1076 = arith.addi %mul3A_1074, %add3A_1075 : i32
        %get3A_1077 = arith.index_cast %add3A_1076 : i32 to index
        %get3A_1078 = tpu.vector_load %arg5[%get3A_1077] {strides = array<i32>} : memref<12800xf32, #tpu.memory_space<vmem>>, vector<16xf32>,
        %bitcast_convert_type3A_1079 = tpu.bitcast %get3A_1078 : vector<16xf32> -> vector<16xi32>
        %shift_right_arithmetic3A_1080 = arith.constant 31 : i32
        %shift_right_arithmetic3A_1081 = vector.broadcast %shift_right_arithmetic3A_1080 : i32 to vector<16xi32>
        %shift_right_arithmetic3A_1082 = arith.shrsi %bitcast_convert_type3A_1079, %shift_right_arithmetic3A_1081 : vector<16xi32>
        %and3A_1083 = arith.constant 2147483647 : i32
        %and3A_1084 = vector.broadcast %and3A_1083 : i32 to vector<16xi32>
        %and3A_1085 = arith.andi %shift_right_arithmetic3A_1082, %and3A_1084 : vector<16xi32>
        %xor3A_1086 = arith.xori %bitcast_convert_type3A_1079, %and3A_1085 : vector<16xi32>
        %and3A_1087 = arith.constant -256 : i32
        %and3A_1088 = vector.broadcast %and3A_1087 : i32 to vector<16xi32>
        %and3A_1089 = arith.andi %xor3A_1086, %and3A_1088 : vector<16xi32>
        %sub3A_1090 = arith.constant 255 : i32
        %sub3A_1091 = arith.subi %sub3A_1090, %add3A_1072 : i32
        %or3A_1092 = vector.broadcast %sub3A_1091 : i32 to vector<16xi32>
        %or3A_1093 = arith.ori %and3A_1089, %or3A_1092 : vector<16xi32>
        %mul3A_1094 = arith.constant 16 : i32
        %mul3A_1095 = arith.muli %add3A_1072, %mul3A_1094 : i32
        %swap3A_1096 = arith.index_cast %mul3A_1095 : i32 to index
        %swap3A_1097 = tpu.vector_load %arg7[%swap3A_1096] {strides = array<i32>} : memref<3200xi32, #tpu.memory_space<vmem>>, vector<16xi32>,
        tpu.vector_store %arg7[%swap3A_1096], %or3A_1093 {strides = array<i32>} : memref<3200xi32, #tpu.memory_space<vmem>>, vector<16xi32>,
        %mul3A_1098 = arith.constant 8 : i32
        %mul3A_1099 = arith.muli %scan3A_929, %mul3A_1098 : i32
        %add3A_1100 = arith.constant 6 : i32
        %add3A_1101 = arith.addi %mul3A_1099, %add3A_1100 : i32
        %mul3A_1102 = arith.constant 64 : i32
        %mul3A_1103 = arith.muli %add3A_1101, %mul3A_1102 : i32
        %add3A_1104 = arith.constant 0 : i32
        %add3A_1105 = arith.addi %mul3A_1103, %add3A_1104 : i32
        %get3A_1106 = arith.index_cast %add3A_1105 : i32 to index
        %get3A_1107 = tpu.vector_load %arg5[%get3A_1106] {strides = array<i32>} : memref<12800xf32, #tpu.memory_space<vmem>>, vector<16xf32>,
        %bitcast_convert_type3A_1108 = tpu.bitcast %get3A_1107 : vector<16xf32> -> vector<16xi32>
        %shift_right_arithmetic3A_1109 = arith.constant 31 : i32
        %shift_right_arithmetic3A_1110 = vector.broadcast %shift_right_arithmetic3A_1109 : i32 to vector<16xi32>
        %shift_right_arithmetic3A_1111 = arith.shrsi %bitcast_convert_type3A_1108, %shift_right_arithmetic3A_1110 : vector<16xi32>
        %and3A_1112 = arith.constant 2147483647 : i32
        %and3A_1113 = vector.broadcast %and3A_1112 : i32 to vector<16xi32>
        %and3A_1114 = arith.andi %shift_right_arithmetic3A_1111, %and3A_1113 : vector<16xi32>
        %xor3A_1115 = arith.xori %bitcast_convert_type3A_1108, %and3A_1114 : vector<16xi32>
        %and3A_1116 = arith.constant -256 : i32
        %and3A_1117 = vector.broadcast %and3A_1116 : i32 to vector<16xi32>
        %and3A_1118 = arith.andi %xor3A_1115, %and3A_1117 : vector<16xi32>
        %sub3A_1119 = arith.constant 255 : i32
        %sub3A_1120 = arith.subi %sub3A_1119, %add3A_1101 : i32
        %or3A_1121 = vector.broadcast %sub3A_1120 : i32 to vector<16xi32>
        %or3A_1122 = arith.ori %and3A_1118, %or3A_1121 : vector<16xi32>
        %mul3A_1123 = arith.constant 16 : i32
        %mul3A_1124 = arith.muli %add3A_1101, %mul3A_1123 : i32
        %swap3A_1125 = arith.index_cast %mul3A_1124 : i32 to index
        %swap3A_1126 = tpu.vector_load %arg7[%swap3A_1125] {strides = array<i32>} : memref<3200xi32, #tpu.memory_space<vmem>>, vector<16xi32>,
        tpu.vector_store %arg7[%swap3A_1125], %or3A_1122 {strides = array<i32>} : memref<3200xi32, #tpu.memory_space<vmem>>, vector<16xi32>,
        %mul3A_1127 = arith.constant 8 : i32
        %mul3A_1128 = arith.muli %scan3A_929, %mul3A_1127 : i32
        %add3A_1129 = arith.constant 7 : i32
        %add3A_1130 = arith.addi %mul3A_1128, %add3A_1129 : i32
        %mul3A_1131 = arith.constant 64 : i32
        %mul3A_1132 = arith.muli %add3A_1130, %mul3A_1131 : i32
        %add3A_1133 = arith.constant 0 : i32
        %add3A_1134 = arith.addi %mul3A_1132, %add3A_1133 : i32
        %get3A_1135 = arith.index_cast %add3A_1134 : i32 to index
        %get3A_1136 = tpu.vector_load %arg5[%get3A_1135] {strides = array<i32>} : memref<12800xf32, #tpu.memory_space<vmem>>, vector<16xf32>,
        %bitcast_convert_type3A_1137 = tpu.bitcast %get3A_1136 : vector<16xf32> -> vector<16xi32>
        %shift_right_arithmetic3A_1138 = arith.constant 31 : i32
        %shift_right_arithmetic3A_1139 = vector.broadcast %shift_right_arithmetic3A_1138 : i32 to vector<16xi32>
        %shift_right_arithmetic3A_1140 = arith.shrsi %bitcast_convert_type3A_1137, %shift_right_arithmetic3A_1139 : vector<16xi32>
        %and3A_1141 = arith.constant 2147483647 : i32
        %and3A_1142 = vector.broadcast %and3A_1141 : i32 to vector<16xi32>
        %and3A_1143 = arith.andi %shift_right_arithmetic3A_1140, %and3A_1142 : vector<16xi32>
        %xor3A_1144 = arith.xori %bitcast_convert_type3A_1137, %and3A_1143 : vector<16xi32>
        %and3A_1145 = arith.constant -256 : i32
        %and3A_1146 = vector.broadcast %and3A_1145 : i32 to vector<16xi32>
        %and3A_1147 = arith.andi %xor3A_1144, %and3A_1146 : vector<16xi32>
        %sub3A_1148 = arith.constant 255 : i32
        %sub3A_1149 = arith.subi %sub3A_1148, %add3A_1130 : i32
        %or3A_1150 = vector.broadcast %sub3A_1149 : i32 to vector<16xi32>
        %or3A_1151 = arith.ori %and3A_1147, %or3A_1150 : vector<16xi32>
        %mul3A_1152 = arith.constant 16 : i32
        %mul3A_1153 = arith.muli %add3A_1130, %mul3A_1152 : i32
        %swap3A_1154 = arith.index_cast %mul3A_1153 : i32 to index
        %swap3A_1155 = tpu.vector_load %arg7[%swap3A_1154] {strides = array<i32>} : memref<3200xi32, #tpu.memory_space<vmem>>, vector<16xi32>,
        tpu.vector_store %arg7[%swap3A_1154], %or3A_1151 {strides = array<i32>} : memref<3200xi32, #tpu.memory_space<vmem>>, vector<16xi32>,
        %max3A_1156 = arith.maxsi %or3A_948, %or3A_977 : vector<16xi32>
        %max3A_1157 = arith.maxsi %or3A_1006, %or3A_1035 : vector<16xi32>
        %max3A_1158 = arith.maxsi %or3A_1064, %or3A_1093 : vector<16xi32>
        %max3A_1159 = arith.maxsi %or3A_1122, %or3A_1151 : vector<16xi32>
        %max3A_1160 = arith.maxsi %max3A_1156, %max3A_1157 : vector<16xi32>
        %max3A_1161 = arith.maxsi %max3A_1158, %max3A_1159 : vector<16xi32>
        %max3A_1162 = arith.maxsi %max3A_1160, %max3A_1161 : vector<16xi32>
        %mul3A_1163 = arith.constant 16 : i32
        %mul3A_1164 = arith.muli %scan3A_929, %mul3A_1163 : i32
        %swap3A_1165 = arith.index_cast %mul3A_1164 : i32 to index
        %swap3A_1166 = tpu.vector_load %arg11[%swap3A_1165] {strides = array<i32>} : memref<512xi32, #tpu.memory_space<vmem>>, vector<16xi32>,
        tpu.vector_store %arg11[%swap3A_1165], %max3A_1162 {strides = array<i32>} : memref<512xi32, #tpu.memory_space<vmem>>, vector<16xi32>,
        %mul3A_1167 = arith.constant 8 : i32
        %mul3A_1168 = arith.muli %scan3A_929, %mul3A_1167 : i32
        %add3A_1169 = arith.constant 0 : i32
        %add3A_1170 = arith.addi %mul3A_1168, %add3A_1169 : i32
        %mul3A_1171 = arith.constant 64 : i32
        %mul3A_1172 = arith.muli %add3A_1170, %mul3A_1171 : i32
        %add3A_1173 = arith.constant 16 : i32
        %add3A_1174 = arith.addi %mul3A_1172, %add3A_1173 : i32
        %get3A_1175 = arith.index_cast %add3A_1174 : i32 to index
        %get3A_1176 = tpu.vector_load %arg5[%get3A_1175] {strides = array<i32>} : memref<12800xf32, #tpu.memory_space<vmem>>, vector<16xf32>,
        %bitcast_convert_type3A_1177 = tpu.bitcast %get3A_1176 : vector<16xf32> -> vector<16xi32>
        %shift_right_arithmetic3A_1178 = arith.constant 31 : i32
        %shift_right_arithmetic3A_1179 = vector.broadcast %shift_right_arithmetic3A_1178 : i32 to vector<16xi32>
        %shift_right_arithmetic3A_1180 = arith.shrsi %bitcast_convert_type3A_1177, %shift_right_arithmetic3A_1179 : vector<16xi32>
        %and3A_1181 = arith.constant 2147483647 : i32
        %and3A_1182 = vector.broadcast %and3A_1181 : i32 to vector<16xi32>
        %and3A_1183 = arith.andi %shift_right_arithmetic3A_1180, %and3A_1182 : vector<16xi32>
        %xor3A_1184 = arith.xori %bitcast_convert_type3A_1177, %and3A_1183 : vector<16xi32>
        %and3A_1185 = arith.constant -256 : i32
        %and3A_1186 = vector.broadcast %and3A_1185 : i32 to vector<16xi32>
        %and3A_1187 = arith.andi %xor3A_1184, %and3A_1186 : vector<16xi32>
        %sub3A_1188 = arith.constant 255 : i32
        %sub3A_1189 = arith.subi %sub3A_1188, %add3A_1170 : i32
        %or3A_1190 = vector.broadcast %sub3A_1189 : i32 to vector<16xi32>
        %or3A_1191 = arith.ori %and3A_1187, %or3A_1190 : vector<16xi32>
        %mul3A_1192 = arith.constant 16 : i32
        %mul3A_1193 = arith.muli %add3A_1170, %mul3A_1192 : i32
        %swap3A_1194 = arith.index_cast %mul3A_1193 : i32 to index
        %swap3A_1195 = tpu.vector_load %arg8[%swap3A_1194] {strides = array<i32>} : memref<3200xi32, #tpu.memory_space<vmem>>, vector<16xi32>,
        tpu.vector_store %arg8[%swap3A_1194], %or3A_1191 {strides = array<i32>} : memref<3200xi32, #tpu.memory_space<vmem>>, vector<16xi32>,
        %mul3A_1196 = arith.constant 8 : i32
        %mul3A_1197 = arith.muli %scan3A_929, %mul3A_1196 : i32
        %add3A_1198 = arith.constant 1 : i32
        %add3A_1199 = arith.addi %mul3A_1197, %add3A_1198 : i32
        %mul3A_1200 = arith.constant 64 : i32
        %mul3A_1201 = arith.muli %add3A_1199, %mul3A_1200 : i32
        %add3A_1202 = arith.constant 16 : i32
        %add3A_1203 = arith.addi %mul3A_1201, %add3A_1202 : i32
        %get3A_1204 = arith.index_cast %add3A_1203 : i32 to index
        %get3A_1205 = tpu.vector_load %arg5[%get3A_1204] {strides = array<i32>} : memref<12800xf32, #tpu.memory_space<vmem>>, vector<16xf32>,
        %bitcast_convert_type3A_1206 = tpu.bitcast %get3A_1205 : vector<16xf32> -> vector<16xi32>
        %shift_right_arithmetic3A_1207 = arith.constant 31 : i32
        %shift_right_arithmetic3A_1208 = vector.broadcast %shift_right_arithmetic3A_1207 : i32 to vector<16xi32>
        %shift_right_arithmetic3A_1209 = arith.shrsi %bitcast_convert_type3A_1206, %shift_right_arithmetic3A_1208 : vector<16xi32>
        %and3A_1210 = arith.constant 2147483647 : i32
        %and3A_1211 = vector.broadcast %and3A_1210 : i32 to vector<16xi32>
        %and3A_1212 = arith.andi %shift_right_arithmetic3A_1209, %and3A_1211 : vector<16xi32>
        %xor3A_1213 = arith.xori %bitcast_convert_type3A_1206, %and3A_1212 : vector<16xi32>
        %and3A_1214 = arith.constant -256 : i32
        %and3A_1215 = vector.broadcast %and3A_1214 : i32 to vector<16xi32>
        %and3A_1216 = arith.andi %xor3A_1213, %and3A_1215 : vector<16xi32>
        %sub3A_1217 = arith.constant 255 : i32
        %sub3A_1218 = arith.subi %sub3A_1217, %add3A_1199 : i32
        %or3A_1219 = vector.broadcast %sub3A_1218 : i32 to vector<16xi32>
        %or3A_1220 = arith.ori %and3A_1216, %or3A_1219 : vector<16xi32>
        %mul3A_1221 = arith.constant 16 : i32
        %mul3A_1222 = arith.muli %add3A_1199, %mul3A_1221 : i32
        %swap3A_1223 = arith.index_cast %mul3A_1222 : i32 to index
        %swap3A_1224 = tpu.vector_load %arg8[%swap3A_1223] {strides = array<i32>} : memref<3200xi32, #tpu.memory_space<vmem>>, vector<16xi32>,
        tpu.vector_store %arg8[%swap3A_1223], %or3A_1220 {strides = array<i32>} : memref<3200xi32, #tpu.memory_space<vmem>>, vector<16xi32>,
        %mul3A_1225 = arith.constant 8 : i32
        %mul3A_1226 = arith.muli %scan3A_929, %mul3A_1225 : i32
        %add3A_1227 = arith.constant 2 : i32
        %add3A_1228 = arith.addi %mul3A_1226, %add3A_1227 : i32
        %mul3A_1229 = arith.constant 64 : i32
        %mul3A_1230 = arith.muli %add3A_1228, %mul3A_1229 : i32
        %add3A_1231 = arith.constant 16 : i32
        %add3A_1232 = arith.addi %mul3A_1230, %add3A_1231 : i32
        %get3A_1233 = arith.index_cast %add3A_1232 : i32 to index
        %get3A_1234 = tpu.vector_load %arg5[%get3A_1233] {strides = array<i32>} : memref<12800xf32, #tpu.memory_space<vmem>>, vector<16xf32>,
        %bitcast_convert_type3A_1235 = tpu.bitcast %get3A_1234 : vector<16xf32> -> vector<16xi32>
        %shift_right_arithmetic3A_1236 = arith.constant 31 : i32
        %shift_right_arithmetic3A_1237 = vector.broadcast %shift_right_arithmetic3A_1236 : i32 to vector<16xi32>
        %shift_right_arithmetic3A_1238 = arith.shrsi %bitcast_convert_type3A_1235, %shift_right_arithmetic3A_1237 : vector<16xi32>
        %and3A_1239 = arith.constant 2147483647 : i32
        %and3A_1240 = vector.broadcast %and3A_1239 : i32 to vector<16xi32>
        %and3A_1241 = arith.andi %shift_right_arithmetic3A_1238, %and3A_1240 : vector<16xi32>
        %xor3A_1242 = arith.xori %bitcast_convert_type3A_1235, %and3A_1241 : vector<16xi32>
        %and3A_1243 = arith.constant -256 : i32
        %and3A_1244 = vector.broadcast %and3A_1243 : i32 to vector<16xi32>
        %and3A_1245 = arith.andi %xor3A_1242, %and3A_1244 : vector<16xi32>
        %sub3A_1246 = arith.constant 255 : i32
        %sub3A_1247 = arith.subi %sub3A_1246, %add3A_1228 : i32
        %or3A_1248 = vector.broadcast %sub3A_1247 : i32 to vector<16xi32>
        %or3A_1249 = arith.ori %and3A_1245, %or3A_1248 : vector<16xi32>
        %mul3A_1250 = arith.constant 16 : i32
        %mul3A_1251 = arith.muli %add3A_1228, %mul3A_1250 : i32
        %swap3A_1252 = arith.index_cast %mul3A_1251 : i32 to index
        %swap3A_1253 = tpu.vector_load %arg8[%swap3A_1252] {strides = array<i32>} : memref<3200xi32, #tpu.memory_space<vmem>>, vector<16xi32>,
        tpu.vector_store %arg8[%swap3A_1252], %or3A_1249 {strides = array<i32>} : memref<3200xi32, #tpu.memory_space<vmem>>, vector<16xi32>,
        %mul3A_1254 = arith.constant 8 : i32
        %mul3A_1255 = arith.muli %scan3A_929, %mul3A_1254 : i32
        %add3A_1256 = arith.constant 3 : i32
        %add3A_1257 = arith.addi %mul3A_1255, %add3A_1256 : i32
        %mul3A_1258 = arith.constant 64 : i32
        %mul3A_1259 = arith.muli %add3A_1257, %mul3A_1258 : i32
        %add3A_1260 = arith.constant 16 : i32
        %add3A_1261 = arith.addi %mul3A_1259, %add3A_1260 : i32
        %get3A_1262 = arith.index_cast %add3A_1261 : i32 to index
        %get3A_1263 = tpu.vector_load %arg5[%get3A_1262] {strides = array<i32>} : memref<12800xf32, #tpu.memory_space<vmem>>, vector<16xf32>,
        %bitcast_convert_type3A_1264 = tpu.bitcast %get3A_1263 : vector<16xf32> -> vector<16xi32>
        %shift_right_arithmetic3A_1265 = arith.constant 31 : i32
        %shift_right_arithmetic3A_1266 = vector.broadcast %shift_right_arithmetic3A_1265 : i32 to vector<16xi32>
        %shift_right_arithmetic3A_1267 = arith.shrsi %bitcast_convert_type3A_1264, %shift_right_arithmetic3A_1266 : vector<16xi32>
        %and3A_1268 = arith.constant 2147483647 : i32
        %and3A_1269 = vector.broadcast %and3A_1268 : i32 to vector<16xi32>
        %and3A_1270 = arith.andi %shift_right_arithmetic3A_1267, %and3A_1269 : vector<16xi32>
        %xor3A_1271 = arith.xori %bitcast_convert_type3A_1264, %and3A_1270 : vector<16xi32>
        %and3A_1272 = arith.constant -256 : i32
        %and3A_1273 = vector.broadcast %and3A_1272 : i32 to vector<16xi32>
        %and3A_1274 = arith.andi %xor3A_1271, %and3A_1273 : vector<16xi32>
        %sub3A_1275 = arith.constant 255 : i32
        %sub3A_1276 = arith.subi %sub3A_1275, %add3A_1257 : i32
        %or3A_1277 = vector.broadcast %sub3A_1276 : i32 to vector<16xi32>
        %or3A_1278 = arith.ori %and3A_1274, %or3A_1277 : vector<16xi32>
        %mul3A_1279 = arith.constant 16 : i32
        %mul3A_1280 = arith.muli %add3A_1257, %mul3A_1279 : i32
        %swap3A_1281 = arith.index_cast %mul3A_1280 : i32 to index
        %swap3A_1282 = tpu.vector_load %arg8[%swap3A_1281] {strides = array<i32>} : memref<3200xi32, #tpu.memory_space<vmem>>, vector<16xi32>,
        tpu.vector_store %arg8[%swap3A_1281], %or3A_1278 {strides = array<i32>} : memref<3200xi32, #tpu.memory_space<vmem>>, vector<16xi32>,
        %mul3A_1283 = arith.constant 8 : i32
        %mul3A_1284 = arith.muli %scan3A_929, %mul3A_1283 : i32
        %add3A_1285 = arith.constant 4 : i32
        %add3A_1286 = arith.addi %mul3A_1284, %add3A_1285 : i32
        %mul3A_1287 = arith.constant 64 : i32
        %mul3A_1288 = arith.muli %add3A_1286, %mul3A_1287 : i32
        %add3A_1289 = arith.constant 16 : i32
        %add3A_1290 = arith.addi %mul3A_1288, %add3A_1289 : i32
        %get3A_1291 = arith.index_cast %add3A_1290 : i32 to index
        %get3A_1292 = tpu.vector_load %arg5[%get3A_1291] {strides = array<i32>} : memref<12800xf32, #tpu.memory_space<vmem>>, vector<16xf32>,
        %bitcast_convert_type3A_1293 = tpu.bitcast %get3A_1292 : vector<16xf32> -> vector<16xi32>
        %shift_right_arithmetic3A_1294 = arith.constant 31 : i32
        %shift_right_arithmetic3A_1295 = vector.broadcast %shift_right_arithmetic3A_1294 : i32 to vector<16xi32>
        %shift_right_arithmetic3A_1296 = arith.shrsi %bitcast_convert_type3A_1293, %shift_right_arithmetic3A_1295 : vector<16xi32>
        %and3A_1297 = arith.constant 2147483647 : i32
        %and3A_1298 = vector.broadcast %and3A_1297 : i32 to vector<16xi32>
        %and3A_1299 = arith.andi %shift_right_arithmetic3A_1296, %and3A_1298 : vector<16xi32>
        %xor3A_1300 = arith.xori %bitcast_convert_type3A_1293, %and3A_1299 : vector<16xi32>
        %and3A_1301 = arith.constant -256 : i32
        %and3A_1302 = vector.broadcast %and3A_1301 : i32 to vector<16xi32>
        %and3A_1303 = arith.andi %xor3A_1300, %and3A_1302 : vector<16xi32>
        %sub3A_1304 = arith.constant 255 : i32
        %sub3A_1305 = arith.subi %sub3A_1304, %add3A_1286 : i32
        %or3A_1306 = vector.broadcast %sub3A_1305 : i32 to vector<16xi32>
        %or3A_1307 = arith.ori %and3A_1303, %or3A_1306 : vector<16xi32>
        %mul3A_1308 = arith.constant 16 : i32
        %mul3A_1309 = arith.muli %add3A_1286, %mul3A_1308 : i32
        %swap3A_1310 = arith.index_cast %mul3A_1309 : i32 to index
        %swap3A_1311 = tpu.vector_load %arg8[%swap3A_1310] {strides = array<i32>} : memref<3200xi32, #tpu.memory_space<vmem>>, vector<16xi32>,
        tpu.vector_store %arg8[%swap3A_1310], %or3A_1307 {strides = array<i32>} : memref<3200xi32, #tpu.memory_space<vmem>>, vector<16xi32>,
        %mul3A_1312 = arith.constant 8 : i32
        %mul3A_1313 = arith.muli %scan3A_929, %mul3A_1312 : i32
        %add3A_1314 = arith.constant 5 : i32
        %add3A_1315 = arith.addi %mul3A_1313, %add3A_1314 : i32
        %mul3A_1316 = arith.constant 64 : i32
        %mul3A_1317 = arith.muli %add3A_1315, %mul3A_1316 : i32
        %add3A_1318 = arith.constant 16 : i32
        %add3A_1319 = arith.addi %mul3A_1317, %add3A_1318 : i32
        %get3A_1320 = arith.index_cast %add3A_1319 : i32 to index
        %get3A_1321 = tpu.vector_load %arg5[%get3A_1320] {strides = array<i32>} : memref<12800xf32, #tpu.memory_space<vmem>>, vector<16xf32>,
        %bitcast_convert_type3A_1322 = tpu.bitcast %get3A_1321 : vector<16xf32> -> vector<16xi32>
        %shift_right_arithmetic3A_1323 = arith.constant 31 : i32
        %shift_right_arithmetic3A_1324 = vector.broadcast %shift_right_arithmetic3A_1323 : i32 to vector<16xi32>
        %shift_right_arithmetic3A_1325 = arith.shrsi %bitcast_convert_type3A_1322, %shift_right_arithmetic3A_1324 : vector<16xi32>
        %and3A_1326 = arith.constant 2147483647 : i32
        %and3A_1327 = vector.broadcast %and3A_1326 : i32 to vector<16xi32>
        %and3A_1328 = arith.andi %shift_right_arithmetic3A_1325, %and3A_1327 : vector<16xi32>
        %xor3A_1329 = arith.xori %bitcast_convert_type3A_1322, %and3A_1328 : vector<16xi32>
        %and3A_1330 = arith.constant -256 : i32
        %and3A_1331 = vector.broadcast %and3A_1330 : i32 to vector<16xi32>
        %and3A_1332 = arith.andi %xor3A_1329, %and3A_1331 : vector<16xi32>
        %sub3A_1333 = arith.constant 255 : i32
        %sub3A_1334 = arith.subi %sub3A_1333, %add3A_1315 : i32
        %or3A_1335 = vector.broadcast %sub3A_1334 : i32 to vector<16xi32>
        %or3A_1336 = arith.ori %and3A_1332, %or3A_1335 : vector<16xi32>
        %mul3A_1337 = arith.constant 16 : i32
        %mul3A_1338 = arith.muli %add3A_1315, %mul3A_1337 : i32
        %swap3A_1339 = arith.index_cast %mul3A_1338 : i32 to index
        %swap3A_1340 = tpu.vector_load %arg8[%swap3A_1339] {strides = array<i32>} : memref<3200xi32, #tpu.memory_space<vmem>>, vector<16xi32>,
        tpu.vector_store %arg8[%swap3A_1339], %or3A_1336 {strides = array<i32>} : memref<3200xi32, #tpu.memory_space<vmem>>, vector<16xi32>,
        %mul3A_1341 = arith.constant 8 : i32
        %mul3A_1342 = arith.muli %scan3A_929, %mul3A_1341 : i32
        %add3A_1343 = arith.constant 6 : i32
        %add3A_1344 = arith.addi %mul3A_1342, %add3A_1343 : i32
        %mul3A_1345 = arith.constant 64 : i32
        %mul3A_1346 = arith.muli %add3A_1344, %mul3A_1345 : i32
        %add3A_1347 = arith.constant 16 : i32
        %add3A_1348 = arith.addi %mul3A_1346, %add3A_1347 : i32
        %get3A_1349 = arith.index_cast %add3A_1348 : i32 to index
        %get3A_1350 = tpu.vector_load %arg5[%get3A_1349] {strides = array<i32>} : memref<12800xf32, #tpu.memory_space<vmem>>, vector<16xf32>,
        %bitcast_convert_type3A_1351 = tpu.bitcast %get3A_1350 : vector<16xf32> -> vector<16xi32>
        %shift_right_arithmetic3A_1352 = arith.constant 31 : i32
        %shift_right_arithmetic3A_1353 = vector.broadcast %shift_right_arithmetic3A_1352 : i32 to vector<16xi32>
        %shift_right_arithmetic3A_1354 = arith.shrsi %bitcast_convert_type3A_1351, %shift_right_arithmetic3A_1353 : vector<16xi32>
        %and3A_1355 = arith.constant 2147483647 : i32
        %and3A_1356 = vector.broadcast %and3A_1355 : i32 to vector<16xi32>
        %and3A_1357 = arith.andi %shift_right_arithmetic3A_1354, %and3A_1356 : vector<16xi32>
        %xor3A_1358 = arith.xori %bitcast_convert_type3A_1351, %and3A_1357 : vector<16xi32>
        %and3A_1359 = arith.constant -256 : i32
        %and3A_1360 = vector.broadcast %and3A_1359 : i32 to vector<16xi32>
        %and3A_1361 = arith.andi %xor3A_1358, %and3A_1360 : vector<16xi32>
        %sub3A_1362 = arith.constant 255 : i32
        %sub3A_1363 = arith.subi %sub3A_1362, %add3A_1344 : i32
        %or3A_1364 = vector.broadcast %sub3A_1363 : i32 to vector<16xi32>
        %or3A_1365 = arith.ori %and3A_1361, %or3A_1364 : vector<16xi32>
        %mul3A_1366 = arith.constant 16 : i32
        %mul3A_1367 = arith.muli %add3A_1344, %mul3A_1366 : i32
        %swap3A_1368 = arith.index_cast %mul3A_1367 : i32 to index
        %swap3A_1369 = tpu.vector_load %arg8[%swap3A_1368] {strides = array<i32>} : memref<3200xi32, #tpu.memory_space<vmem>>, vector<16xi32>,
        tpu.vector_store %arg8[%swap3A_1368], %or3A_1365 {strides = array<i32>} : memref<3200xi32, #tpu.memory_space<vmem>>, vector<16xi32>,
        %mul3A_1370 = arith.constant 8 : i32
        %mul3A_1371 = arith.muli %scan3A_929, %mul3A_1370 : i32
        %add3A_1372 = arith.constant 7 : i32
        %add3A_1373 = arith.addi %mul3A_1371, %add3A_1372 : i32
        %mul3A_1374 = arith.constant 64 : i32
        %mul3A_1375 = arith.muli %add3A_1373, %mul3A_1374 : i32
        %add3A_1376 = arith.constant 16 : i32
        %add3A_1377 = arith.addi %mul3A_1375, %add3A_1376 : i32
        %get3A_1378 = arith.index_cast %add3A_1377 : i32 to index
        %get3A_1379 = tpu.vector_load %arg5[%get3A_1378] {strides = array<i32>} : memref<12800xf32, #tpu.memory_space<vmem>>, vector<16xf32>,
        %bitcast_convert_type3A_1380 = tpu.bitcast %get3A_1379 : vector<16xf32> -> vector<16xi32>
        %shift_right_arithmetic3A_1381 = arith.constant 31 : i32
        %shift_right_arithmetic3A_1382 = vector.broadcast %shift_right_arithmetic3A_1381 : i32 to vector<16xi32>
        %shift_right_arithmetic3A_1383 = arith.shrsi %bitcast_convert_type3A_1380, %shift_right_arithmetic3A_1382 : vector<16xi32>
        %and3A_1384 = arith.constant 2147483647 : i32
        %and3A_1385 = vector.broadcast %and3A_1384 : i32 to vector<16xi32>
        %and3A_1386 = arith.andi %shift_right_arithmetic3A_1383, %and3A_1385 : vector<16xi32>
        %xor3A_1387 = arith.xori %bitcast_convert_type3A_1380, %and3A_1386 : vector<16xi32>
        %and3A_1388 = arith.constant -256 : i32
        %and3A_1389 = vector.broadcast %and3A_1388 : i32 to vector<16xi32>
        %and3A_1390 = arith.andi %xor3A_1387, %and3A_1389 : vector<16xi32>
        %sub3A_1391 = arith.constant 255 : i32
        %sub3A_1392 = arith.subi %sub3A_1391, %add3A_1373 : i32
        %or3A_1393 = vector.broadcast %sub3A_1392 : i32 to vector<16xi32>
        %or3A_1394 = arith.ori %and3A_1390, %or3A_1393 : vector<16xi32>
        %mul3A_1395 = arith.constant 16 : i32
        %mul3A_1396 = arith.muli %add3A_1373, %mul3A_1395 : i32
        %swap3A_1397 = arith.index_cast %mul3A_1396 : i32 to index
        %swap3A_1398 = tpu.vector_load %arg8[%swap3A_1397] {strides = array<i32>} : memref<3200xi32, #tpu.memory_space<vmem>>, vector<16xi32>,
        tpu.vector_store %arg8[%swap3A_1397], %or3A_1394 {strides = array<i32>} : memref<3200xi32, #tpu.memory_space<vmem>>, vector<16xi32>,
        %max3A_1399 = arith.maxsi %or3A_1191, %or3A_1220 : vector<16xi32>
        %max3A_1400 = arith.maxsi %or3A_1249, %or3A_1278 : vector<16xi32>
        %max3A_1401 = arith.maxsi %or3A_1307, %or3A_1336 : vector<16xi32>
        %max3A_1402 = arith.maxsi %or3A_1365, %or3A_1394 : vector<16xi32>
        %max3A_1403 = arith.maxsi %max3A_1399, %max3A_1400 : vector<16xi32>
        %max3A_1404 = arith.maxsi %max3A_1401, %max3A_1402 : vector<16xi32>
        %max3A_1405 = arith.maxsi %max3A_1403, %max3A_1404 : vector<16xi32>
        %mul3A_1406 = arith.constant 16 : i32
        %mul3A_1407 = arith.muli %scan3A_929, %mul3A_1406 : i32
        %swap3A_1408 = arith.index_cast %mul3A_1407 : i32 to index
        %swap3A_1409 = tpu.vector_load %arg12[%swap3A_1408] {strides = array<i32>} : memref<512xi32, #tpu.memory_space<vmem>>, vector<16xi32>,
        tpu.vector_store %arg12[%swap3A_1408], %max3A_1405 {strides = array<i32>} : memref<512xi32, #tpu.memory_space<vmem>>, vector<16xi32>,
        %mul3A_1410 = arith.constant 8 : i32
        %mul3A_1411 = arith.muli %scan3A_929, %mul3A_1410 : i32
        %add3A_1412 = arith.constant 0 : i32
        %add3A_1413 = arith.addi %mul3A_1411, %add3A_1412 : i32
        %mul3A_1414 = arith.constant 64 : i32
        %mul3A_1415 = arith.muli %add3A_1413, %mul3A_1414 : i32
        %add3A_1416 = arith.constant 32 : i32
        %add3A_1417 = arith.addi %mul3A_1415, %add3A_1416 : i32
        %get3A_1418 = arith.index_cast %add3A_1417 : i32 to index
        %get3A_1419 = tpu.vector_load %arg5[%get3A_1418] {strides = array<i32>} : memref<12800xf32, #tpu.memory_space<vmem>>, vector<16xf32>,
        %bitcast_convert_type3A_1420 = tpu.bitcast %get3A_1419 : vector<16xf32> -> vector<16xi32>
        %shift_right_arithmetic3A_1421 = arith.constant 31 : i32
        %shift_right_arithmetic3A_1422 = vector.broadcast %shift_right_arithmetic3A_1421 : i32 to vector<16xi32>
        %shift_right_arithmetic3A_1423 = arith.shrsi %bitcast_convert_type3A_1420, %shift_right_arithmetic3A_1422 : vector<16xi32>
        %and3A_1424 = arith.constant 2147483647 : i32
        %and3A_1425 = vector.broadcast %and3A_1424 : i32 to vector<16xi32>
        %and3A_1426 = arith.andi %shift_right_arithmetic3A_1423, %and3A_1425 : vector<16xi32>
        %xor3A_1427 = arith.xori %bitcast_convert_type3A_1420, %and3A_1426 : vector<16xi32>
        %and3A_1428 = arith.constant -256 : i32
        %and3A_1429 = vector.broadcast %and3A_1428 : i32 to vector<16xi32>
        %and3A_1430 = arith.andi %xor3A_1427, %and3A_1429 : vector<16xi32>
        %sub3A_1431 = arith.constant 255 : i32
        %sub3A_1432 = arith.subi %sub3A_1431, %add3A_1413 : i32
        %or3A_1433 = vector.broadcast %sub3A_1432 : i32 to vector<16xi32>
        %or3A_1434 = arith.ori %and3A_1430, %or3A_1433 : vector<16xi32>
        %mul3A_1435 = arith.constant 16 : i32
        %mul3A_1436 = arith.muli %add3A_1413, %mul3A_1435 : i32
        %swap3A_1437 = arith.index_cast %mul3A_1436 : i32 to index
        %swap3A_1438 = tpu.vector_load %arg9[%swap3A_1437] {strides = array<i32>} : memref<3200xi32, #tpu.memory_space<vmem>>, vector<16xi32>,
        tpu.vector_store %arg9[%swap3A_1437], %or3A_1434 {strides = array<i32>} : memref<3200xi32, #tpu.memory_space<vmem>>, vector<16xi32>,
        %mul3A_1439 = arith.constant 8 : i32
        %mul3A_1440 = arith.muli %scan3A_929, %mul3A_1439 : i32
        %add3A_1441 = arith.constant 1 : i32
        %add3A_1442 = arith.addi %mul3A_1440, %add3A_1441 : i32
        %mul3A_1443 = arith.constant 64 : i32
        %mul3A_1444 = arith.muli %add3A_1442, %mul3A_1443 : i32
        %add3A_1445 = arith.constant 32 : i32
        %add3A_1446 = arith.addi %mul3A_1444, %add3A_1445 : i32
        %get3A_1447 = arith.index_cast %add3A_1446 : i32 to index
        %get3A_1448 = tpu.vector_load %arg5[%get3A_1447] {strides = array<i32>} : memref<12800xf32, #tpu.memory_space<vmem>>, vector<16xf32>,
        %bitcast_convert_type3A_1449 = tpu.bitcast %get3A_1448 : vector<16xf32> -> vector<16xi32>
        %shift_right_arithmetic3A_1450 = arith.constant 31 : i32
        %shift_right_arithmetic3A_1451 = vector.broadcast %shift_right_arithmetic3A_1450 : i32 to vector<16xi32>
        %shift_right_arithmetic3A_1452 = arith.shrsi %bitcast_convert_type3A_1449, %shift_right_arithmetic3A_1451 : vector<16xi32>
        %and3A_1453 = arith.constant 2147483647 : i32
        %and3A_1454 = vector.broadcast %and3A_1453 : i32 to vector<16xi32>
        %and3A_1455 = arith.andi %shift_right_arithmetic3A_1452, %and3A_1454 : vector<16xi32>
        %xor3A_1456 = arith.xori %bitcast_convert_type3A_1449, %and3A_1455 : vector<16xi32>
        %and3A_1457 = arith.constant -256 : i32
        %and3A_1458 = vector.broadcast %and3A_1457 : i32 to vector<16xi32>
        %and3A_1459 = arith.andi %xor3A_1456, %and3A_1458 : vector<16xi32>
        %sub3A_1460 = arith.constant 255 : i32
        %sub3A_1461 = arith.subi %sub3A_1460, %add3A_1442 : i32
        %or3A_1462 = vector.broadcast %sub3A_1461 : i32 to vector<16xi32>
        %or3A_1463 = arith.ori %and3A_1459, %or3A_1462 : vector<16xi32>
        %mul3A_1464 = arith.constant 16 : i32
        %mul3A_1465 = arith.muli %add3A_1442, %mul3A_1464 : i32
        %swap3A_1466 = arith.index_cast %mul3A_1465 : i32 to index
        %swap3A_1467 = tpu.vector_load %arg9[%swap3A_1466] {strides = array<i32>} : memref<3200xi32, #tpu.memory_space<vmem>>, vector<16xi32>,
        tpu.vector_store %arg9[%swap3A_1466], %or3A_1463 {strides = array<i32>} : memref<3200xi32, #tpu.memory_space<vmem>>, vector<16xi32>,
        %mul3A_1468 = arith.constant 8 : i32
        %mul3A_1469 = arith.muli %scan3A_929, %mul3A_1468 : i32
        %add3A_1470 = arith.constant 2 : i32
        %add3A_1471 = arith.addi %mul3A_1469, %add3A_1470 : i32
        %mul3A_1472 = arith.constant 64 : i32
        %mul3A_1473 = arith.muli %add3A_1471, %mul3A_1472 : i32
        %add3A_1474 = arith.constant 32 : i32
        %add3A_1475 = arith.addi %mul3A_1473, %add3A_1474 : i32
        %get3A_1476 = arith.index_cast %add3A_1475 : i32 to index
        %get3A_1477 = tpu.vector_load %arg5[%get3A_1476] {strides = array<i32>} : memref<12800xf32, #tpu.memory_space<vmem>>, vector<16xf32>,
        %bitcast_convert_type3A_1478 = tpu.bitcast %get3A_1477 : vector<16xf32> -> vector<16xi32>
        %shift_right_arithmetic3A_1479 = arith.constant 31 : i32
        %shift_right_arithmetic3A_1480 = vector.broadcast %shift_right_arithmetic3A_1479 : i32 to vector<16xi32>
        %shift_right_arithmetic3A_1481 = arith.shrsi %bitcast_convert_type3A_1478, %shift_right_arithmetic3A_1480 : vector<16xi32>
        %and3A_1482 = arith.constant 2147483647 : i32
        %and3A_1483 = vector.broadcast %and3A_1482 : i32 to vector<16xi32>
        %and3A_1484 = arith.andi %shift_right_arithmetic3A_1481, %and3A_1483 : vector<16xi32>
        %xor3A_1485 = arith.xori %bitcast_convert_type3A_1478, %and3A_1484 : vector<16xi32>
        %and3A_1486 = arith.constant -256 : i32
        %and3A_1487 = vector.broadcast %and3A_1486 : i32 to vector<16xi32>
        %and3A_1488 = arith.andi %xor3A_1485, %and3A_1487 : vector<16xi32>
        %sub3A_1489 = arith.constant 255 : i32
        %sub3A_1490 = arith.subi %sub3A_1489, %add3A_1471 : i32
        %or3A_1491 = vector.broadcast %sub3A_1490 : i32 to vector<16xi32>
        %or3A_1492 = arith.ori %and3A_1488, %or3A_1491 : vector<16xi32>
        %mul3A_1493 = arith.constant 16 : i32
        %mul3A_1494 = arith.muli %add3A_1471, %mul3A_1493 : i32
        %swap3A_1495 = arith.index_cast %mul3A_1494 : i32 to index
        %swap3A_1496 = tpu.vector_load %arg9[%swap3A_1495] {strides = array<i32>} : memref<3200xi32, #tpu.memory_space<vmem>>, vector<16xi32>,
        tpu.vector_store %arg9[%swap3A_1495], %or3A_1492 {strides = array<i32>} : memref<3200xi32, #tpu.memory_space<vmem>>, vector<16xi32>,
        %mul3A_1497 = arith.constant 8 : i32
        %mul3A_1498 = arith.muli %scan3A_929, %mul3A_1497 : i32
        %add3A_1499 = arith.constant 3 : i32
        %add3A_1500 = arith.addi %mul3A_1498, %add3A_1499 : i32
        %mul3A_1501 = arith.constant 64 : i32
        %mul3A_1502 = arith.muli %add3A_1500, %mul3A_1501 : i32
        %add3A_1503 = arith.constant 32 : i32
        %add3A_1504 = arith.addi %mul3A_1502, %add3A_1503 : i32
        %get3A_1505 = arith.index_cast %add3A_1504 : i32 to index
        %get3A_1506 = tpu.vector_load %arg5[%get3A_1505] {strides = array<i32>} : memref<12800xf32, #tpu.memory_space<vmem>>, vector<16xf32>,
        %bitcast_convert_type3A_1507 = tpu.bitcast %get3A_1506 : vector<16xf32> -> vector<16xi32>
        %shift_right_arithmetic3A_1508 = arith.constant 31 : i32
        %shift_right_arithmetic3A_1509 = vector.broadcast %shift_right_arithmetic3A_1508 : i32 to vector<16xi32>
        %shift_right_arithmetic3A_1510 = arith.shrsi %bitcast_convert_type3A_1507, %shift_right_arithmetic3A_1509 : vector<16xi32>
        %and3A_1511 = arith.constant 2147483647 : i32
        %and3A_1512 = vector.broadcast %and3A_1511 : i32 to vector<16xi32>
        %and3A_1513 = arith.andi %shift_right_arithmetic3A_1510, %and3A_1512 : vector<16xi32>
        %xor3A_1514 = arith.xori %bitcast_convert_type3A_1507, %and3A_1513 : vector<16xi32>
        %and3A_1515 = arith.constant -256 : i32
        %and3A_1516 = vector.broadcast %and3A_1515 : i32 to vector<16xi32>
        %and3A_1517 = arith.andi %xor3A_1514, %and3A_1516 : vector<16xi32>
        %sub3A_1518 = arith.constant 255 : i32
        %sub3A_1519 = arith.subi %sub3A_1518, %add3A_1500 : i32
        %or3A_1520 = vector.broadcast %sub3A_1519 : i32 to vector<16xi32>
        %or3A_1521 = arith.ori %and3A_1517, %or3A_1520 : vector<16xi32>
        %mul3A_1522 = arith.constant 16 : i32
        %mul3A_1523 = arith.muli %add3A_1500, %mul3A_1522 : i32
        %swap3A_1524 = arith.index_cast %mul3A_1523 : i32 to index
        %swap3A_1525 = tpu.vector_load %arg9[%swap3A_1524] {strides = array<i32>} : memref<3200xi32, #tpu.memory_space<vmem>>, vector<16xi32>,
        tpu.vector_store %arg9[%swap3A_1524], %or3A_1521 {strides = array<i32>} : memref<3200xi32, #tpu.memory_space<vmem>>, vector<16xi32>,
        %mul3A_1526 = arith.constant 8 : i32
        %mul3A_1527 = arith.muli %scan3A_929, %mul3A_1526 : i32
        %add3A_1528 = arith.constant 4 : i32
        %add3A_1529 = arith.addi %mul3A_1527, %add3A_1528 : i32
        %mul3A_1530 = arith.constant 64 : i32
        %mul3A_1531 = arith.muli %add3A_1529, %mul3A_1530 : i32
        %add3A_1532 = arith.constant 32 : i32
        %add3A_1533 = arith.addi %mul3A_1531, %add3A_1532 : i32
        %get3A_1534 = arith.index_cast %add3A_1533 : i32 to index
        %get3A_1535 = tpu.vector_load %arg5[%get3A_1534] {strides = array<i32>} : memref<12800xf32, #tpu.memory_space<vmem>>, vector<16xf32>,
        %bitcast_convert_type3A_1536 = tpu.bitcast %get3A_1535 : vector<16xf32> -> vector<16xi32>
        %shift_right_arithmetic3A_1537 = arith.constant 31 : i32
        %shift_right_arithmetic3A_1538 = vector.broadcast %shift_right_arithmetic3A_1537 : i32 to vector<16xi32>
        %shift_right_arithmetic3A_1539 = arith.shrsi %bitcast_convert_type3A_1536, %shift_right_arithmetic3A_1538 : vector<16xi32>
        %and3A_1540 = arith.constant 2147483647 : i32
        %and3A_1541 = vector.broadcast %and3A_1540 : i32 to vector<16xi32>
        %and3A_1542 = arith.andi %shift_right_arithmetic3A_1539, %and3A_1541 : vector<16xi32>
        %xor3A_1543 = arith.xori %bitcast_convert_type3A_1536, %and3A_1542 : vector<16xi32>
        %and3A_1544 = arith.constant -256 : i32
        %and3A_1545 = vector.broadcast %and3A_1544 : i32 to vector<16xi32>
        %and3A_1546 = arith.andi %xor3A_1543, %and3A_1545 : vector<16xi32>
        %sub3A_1547 = arith.constant 255 : i32
        %sub3A_1548 = arith.subi %sub3A_1547, %add3A_1529 : i32
        %or3A_1549 = vector.broadcast %sub3A_1548 : i32 to vector<16xi32>
        %or3A_1550 = arith.ori %and3A_1546, %or3A_1549 : vector<16xi32>
        %mul3A_1551 = arith.constant 16 : i32
        %mul3A_1552 = arith.muli %add3A_1529, %mul3A_1551 : i32
        %swap3A_1553 = arith.index_cast %mul3A_1552 : i32 to index
        %swap3A_1554 = tpu.vector_load %arg9[%swap3A_1553] {strides = array<i32>} : memref<3200xi32, #tpu.memory_space<vmem>>, vector<16xi32>,
        tpu.vector_store %arg9[%swap3A_1553], %or3A_1550 {strides = array<i32>} : memref<3200xi32, #tpu.memory_space<vmem>>, vector<16xi32>,
        %mul3A_1555 = arith.constant 8 : i32
        %mul3A_1556 = arith.muli %scan3A_929, %mul3A_1555 : i32
        %add3A_1557 = arith.constant 5 : i32
        %add3A_1558 = arith.addi %mul3A_1556, %add3A_1557 : i32
        %mul3A_1559 = arith.constant 64 : i32
        %mul3A_1560 = arith.muli %add3A_1558, %mul3A_1559 : i32
        %add3A_1561 = arith.constant 32 : i32
        %add3A_1562 = arith.addi %mul3A_1560, %add3A_1561 : i32
        %get3A_1563 = arith.index_cast %add3A_1562 : i32 to index
        %get3A_1564 = tpu.vector_load %arg5[%get3A_1563] {strides = array<i32>} : memref<12800xf32, #tpu.memory_space<vmem>>, vector<16xf32>,
        %bitcast_convert_type3A_1565 = tpu.bitcast %get3A_1564 : vector<16xf32> -> vector<16xi32>
        %shift_right_arithmetic3A_1566 = arith.constant 31 : i32
        %shift_right_arithmetic3A_1567 = vector.broadcast %shift_right_arithmetic3A_1566 : i32 to vector<16xi32>
        %shift_right_arithmetic3A_1568 = arith.shrsi %bitcast_convert_type3A_1565, %shift_right_arithmetic3A_1567 : vector<16xi32>
        %and3A_1569 = arith.constant 2147483647 : i32
        %and3A_1570 = vector.broadcast %and3A_1569 : i32 to vector<16xi32>
        %and3A_1571 = arith.andi %shift_right_arithmetic3A_1568, %and3A_1570 : vector<16xi32>
        %xor3A_1572 = arith.xori %bitcast_convert_type3A_1565, %and3A_1571 : vector<16xi32>
        %and3A_1573 = arith.constant -256 : i32
        %and3A_1574 = vector.broadcast %and3A_1573 : i32 to vector<16xi32>
        %and3A_1575 = arith.andi %xor3A_1572, %and3A_1574 : vector<16xi32>
        %sub3A_1576 = arith.constant 255 : i32
        %sub3A_1577 = arith.subi %sub3A_1576, %add3A_1558 : i32
        %or3A_1578 = vector.broadcast %sub3A_1577 : i32 to vector<16xi32>
        %or3A_1579 = arith.ori %and3A_1575, %or3A_1578 : vector<16xi32>
        %mul3A_1580 = arith.constant 16 : i32
        %mul3A_1581 = arith.muli %add3A_1558, %mul3A_1580 : i32
        %swap3A_1582 = arith.index_cast %mul3A_1581 : i32 to index
        %swap3A_1583 = tpu.vector_load %arg9[%swap3A_1582] {strides = array<i32>} : memref<3200xi32, #tpu.memory_space<vmem>>, vector<16xi32>,
        tpu.vector_store %arg9[%swap3A_1582], %or3A_1579 {strides = array<i32>} : memref<3200xi32, #tpu.memory_space<vmem>>, vector<16xi32>,
        %mul3A_1584 = arith.constant 8 : i32
        %mul3A_1585 = arith.muli %scan3A_929, %mul3A_1584 : i32
        %add3A_1586 = arith.constant 6 : i32
        %add3A_1587 = arith.addi %mul3A_1585, %add3A_1586 : i32
        %mul3A_1588 = arith.constant 64 : i32
        %mul3A_1589 = arith.muli %add3A_1587, %mul3A_1588 : i32
        %add3A_1590 = arith.constant 32 : i32
        %add3A_1591 = arith.addi %mul3A_1589, %add3A_1590 : i32
        %get3A_1592 = arith.index_cast %add3A_1591 : i32 to index
        %get3A_1593 = tpu.vector_load %arg5[%get3A_1592] {strides = array<i32>} : memref<12800xf32, #tpu.memory_space<vmem>>, vector<16xf32>,
        %bitcast_convert_type3A_1594 = tpu.bitcast %get3A_1593 : vector<16xf32> -> vector<16xi32>
        %shift_right_arithmetic3A_1595 = arith.constant 31 : i32
        %shift_right_arithmetic3A_1596 = vector.broadcast %shift_right_arithmetic3A_1595 : i32 to vector<16xi32>
        %shift_right_arithmetic3A_1597 = arith.shrsi %bitcast_convert_type3A_1594, %shift_right_arithmetic3A_1596 : vector<16xi32>
        %and3A_1598 = arith.constant 2147483647 : i32
        %and3A_1599 = vector.broadcast %and3A_1598 : i32 to vector<16xi32>
        %and3A_1600 = arith.andi %shift_right_arithmetic3A_1597, %and3A_1599 : vector<16xi32>
        %xor3A_1601 = arith.xori %bitcast_convert_type3A_1594, %and3A_1600 : vector<16xi32>
        %and3A_1602 = arith.constant -256 : i32
        %and3A_1603 = vector.broadcast %and3A_1602 : i32 to vector<16xi32>
        %and3A_1604 = arith.andi %xor3A_1601, %and3A_1603 : vector<16xi32>
        %sub3A_1605 = arith.constant 255 : i32
        %sub3A_1606 = arith.subi %sub3A_1605, %add3A_1587 : i32
        %or3A_1607 = vector.broadcast %sub3A_1606 : i32 to vector<16xi32>
        %or3A_1608 = arith.ori %and3A_1604, %or3A_1607 : vector<16xi32>
        %mul3A_1609 = arith.constant 16 : i32
        %mul3A_1610 = arith.muli %add3A_1587, %mul3A_1609 : i32
        %swap3A_1611 = arith.index_cast %mul3A_1610 : i32 to index
        %swap3A_1612 = tpu.vector_load %arg9[%swap3A_1611] {strides = array<i32>} : memref<3200xi32, #tpu.memory_space<vmem>>, vector<16xi32>,
        tpu.vector_store %arg9[%swap3A_1611], %or3A_1608 {strides = array<i32>} : memref<3200xi32, #tpu.memory_space<vmem>>, vector<16xi32>,
        %mul3A_1613 = arith.constant 8 : i32
        %mul3A_1614 = arith.muli %scan3A_929, %mul3A_1613 : i32
        %add3A_1615 = arith.constant 7 : i32
        %add3A_1616 = arith.addi %mul3A_1614, %add3A_1615 : i32
        %mul3A_1617 = arith.constant 64 : i32
        %mul3A_1618 = arith.muli %add3A_1616, %mul3A_1617 : i32
        %add3A_1619 = arith.constant 32 : i32
        %add3A_1620 = arith.addi %mul3A_1618, %add3A_1619 : i32
        %get3A_1621 = arith.index_cast %add3A_1620 : i32 to index
        %get3A_1622 = tpu.vector_load %arg5[%get3A_1621] {strides = array<i32>} : memref<12800xf32, #tpu.memory_space<vmem>>, vector<16xf32>,
        %bitcast_convert_type3A_1623 = tpu.bitcast %get3A_1622 : vector<16xf32> -> vector<16xi32>
        %shift_right_arithmetic3A_1624 = arith.constant 31 : i32
        %shift_right_arithmetic3A_1625 = vector.broadcast %shift_right_arithmetic3A_1624 : i32 to vector<16xi32>
        %shift_right_arithmetic3A_1626 = arith.shrsi %bitcast_convert_type3A_1623, %shift_right_arithmetic3A_1625 : vector<16xi32>
        %and3A_1627 = arith.constant 2147483647 : i32
        %and3A_1628 = vector.broadcast %and3A_1627 : i32 to vector<16xi32>
        %and3A_1629 = arith.andi %shift_right_arithmetic3A_1626, %and3A_1628 : vector<16xi32>
        %xor3A_1630 = arith.xori %bitcast_convert_type3A_1623, %and3A_1629 : vector<16xi32>
        %and3A_1631 = arith.constant -256 : i32
        %and3A_1632 = vector.broadcast %and3A_1631 : i32 to vector<16xi32>
        %and3A_1633 = arith.andi %xor3A_1630, %and3A_1632 : vector<16xi32>
        %sub3A_1634 = arith.constant 255 : i32
        %sub3A_1635 = arith.subi %sub3A_1634, %add3A_1616 : i32
        %or3A_1636 = vector.broadcast %sub3A_1635 : i32 to vector<16xi32>
        %or3A_1637 = arith.ori %and3A_1633, %or3A_1636 : vector<16xi32>
        %mul3A_1638 = arith.constant 16 : i32
        %mul3A_1639 = arith.muli %add3A_1616, %mul3A_1638 : i32
        %swap3A_1640 = arith.index_cast %mul3A_1639 : i32 to index
        %swap3A_1641 = tpu.vector_load %arg9[%swap3A_1640] {strides = array<i32>} : memref<3200xi32, #tpu.memory_space<vmem>>, vector<16xi32>,
        tpu.vector_store %arg9[%swap3A_1640], %or3A_1637 {strides = array<i32>} : memref<3200xi32, #tpu.memory_space<vmem>>, vector<16xi32>,
        %max3A_1642 = arith.maxsi %or3A_1434, %or3A_1463 : vector<16xi32>
        %max3A_1643 = arith.maxsi %or3A_1492, %or3A_1521 : vector<16xi32>
        %max3A_1644 = arith.maxsi %or3A_1550, %or3A_1579 : vector<16xi32>
        %max3A_1645 = arith.maxsi %or3A_1608, %or3A_1637 : vector<16xi32>
        %max3A_1646 = arith.maxsi %max3A_1642, %max3A_1643 : vector<16xi32>
        %max3A_1647 = arith.maxsi %max3A_1644, %max3A_1645 : vector<16xi32>
        %max3A_1648 = arith.maxsi %max3A_1646, %max3A_1647 : vector<16xi32>
        %mul3A_1649 = arith.constant 16 : i32
        %mul3A_1650 = arith.muli %scan3A_929, %mul3A_1649 : i32
        %swap3A_1651 = arith.index_cast %mul3A_1650 : i32 to index
        %swap3A_1652 = tpu.vector_load %arg13[%swap3A_1651] {strides = array<i32>} : memref<512xi32, #tpu.memory_space<vmem>>, vector<16xi32>,
        tpu.vector_store %arg13[%swap3A_1651], %max3A_1648 {strides = array<i32>} : memref<512xi32, #tpu.memory_space<vmem>>, vector<16xi32>,
        %mul3A_1653 = arith.constant 8 : i32
        %mul3A_1654 = arith.muli %scan3A_929, %mul3A_1653 : i32
        %add3A_1655 = arith.constant 0 : i32
        %add3A_1656 = arith.addi %mul3A_1654, %add3A_1655 : i32
        %mul3A_1657 = arith.constant 64 : i32
        %mul3A_1658 = arith.muli %add3A_1656, %mul3A_1657 : i32
        %add3A_1659 = arith.constant 48 : i32
        %add3A_1660 = arith.addi %mul3A_1658, %add3A_1659 : i32
        %get3A_1661 = arith.index_cast %add3A_1660 : i32 to index
        %get3A_1662 = tpu.vector_load %arg5[%get3A_1661] {strides = array<i32>} : memref<12800xf32, #tpu.memory_space<vmem>>, vector<16xf32>,
        %bitcast_convert_type3A_1663 = tpu.bitcast %get3A_1662 : vector<16xf32> -> vector<16xi32>
        %shift_right_arithmetic3A_1664 = arith.constant 31 : i32
        %shift_right_arithmetic3A_1665 = vector.broadcast %shift_right_arithmetic3A_1664 : i32 to vector<16xi32>
        %shift_right_arithmetic3A_1666 = arith.shrsi %bitcast_convert_type3A_1663, %shift_right_arithmetic3A_1665 : vector<16xi32>
        %and3A_1667 = arith.constant 2147483647 : i32
        %and3A_1668 = vector.broadcast %and3A_1667 : i32 to vector<16xi32>
        %and3A_1669 = arith.andi %shift_right_arithmetic3A_1666, %and3A_1668 : vector<16xi32>
        %xor3A_1670 = arith.xori %bitcast_convert_type3A_1663, %and3A_1669 : vector<16xi32>
        %and3A_1671 = arith.constant -256 : i32
        %and3A_1672 = vector.broadcast %and3A_1671 : i32 to vector<16xi32>
        %and3A_1673 = arith.andi %xor3A_1670, %and3A_1672 : vector<16xi32>
        %sub3A_1674 = arith.constant 255 : i32
        %sub3A_1675 = arith.subi %sub3A_1674, %add3A_1656 : i32
        %or3A_1676 = vector.broadcast %sub3A_1675 : i32 to vector<16xi32>
        %or3A_1677 = arith.ori %and3A_1673, %or3A_1676 : vector<16xi32>
        %mul3A_1678 = arith.constant 16 : i32
        %mul3A_1679 = arith.muli %add3A_1656, %mul3A_1678 : i32
        %swap3A_1680 = arith.index_cast %mul3A_1679 : i32 to index
        %swap3A_1681 = tpu.vector_load %arg10[%swap3A_1680] {strides = array<i32>} : memref<3200xi32, #tpu.memory_space<vmem>>, vector<16xi32>,
        tpu.vector_store %arg10[%swap3A_1680], %or3A_1677 {strides = array<i32>} : memref<3200xi32, #tpu.memory_space<vmem>>, vector<16xi32>,
        %mul3A_1682 = arith.constant 8 : i32
        %mul3A_1683 = arith.muli %scan3A_929, %mul3A_1682 : i32
        %add3A_1684 = arith.constant 1 : i32
        %add3A_1685 = arith.addi %mul3A_1683, %add3A_1684 : i32
        %mul3A_1686 = arith.constant 64 : i32
        %mul3A_1687 = arith.muli %add3A_1685, %mul3A_1686 : i32
        %add3A_1688 = arith.constant 48 : i32
        %add3A_1689 = arith.addi %mul3A_1687, %add3A_1688 : i32
        %get3A_1690 = arith.index_cast %add3A_1689 : i32 to index
        %get3A_1691 = tpu.vector_load %arg5[%get3A_1690] {strides = array<i32>} : memref<12800xf32, #tpu.memory_space<vmem>>, vector<16xf32>,
        %bitcast_convert_type3A_1692 = tpu.bitcast %get3A_1691 : vector<16xf32> -> vector<16xi32>
        %shift_right_arithmetic3A_1693 = arith.constant 31 : i32
        %shift_right_arithmetic3A_1694 = vector.broadcast %shift_right_arithmetic3A_1693 : i32 to vector<16xi32>
        %shift_right_arithmetic3A_1695 = arith.shrsi %bitcast_convert_type3A_1692, %shift_right_arithmetic3A_1694 : vector<16xi32>
        %and3A_1696 = arith.constant 2147483647 : i32
        %and3A_1697 = vector.broadcast %and3A_1696 : i32 to vector<16xi32>
        %and3A_1698 = arith.andi %shift_right_arithmetic3A_1695, %and3A_1697 : vector<16xi32>
        %xor3A_1699 = arith.xori %bitcast_convert_type3A_1692, %and3A_1698 : vector<16xi32>
        %and3A_1700 = arith.constant -256 : i32
        %and3A_1701 = vector.broadcast %and3A_1700 : i32 to vector<16xi32>
        %and3A_1702 = arith.andi %xor3A_1699, %and3A_1701 : vector<16xi32>
        %sub3A_1703 = arith.constant 255 : i32
        %sub3A_1704 = arith.subi %sub3A_1703, %add3A_1685 : i32
        %or3A_1705 = vector.broadcast %sub3A_1704 : i32 to vector<16xi32>
        %or3A_1706 = arith.ori %and3A_1702, %or3A_1705 : vector<16xi32>
        %mul3A_1707 = arith.constant 16 : i32
        %mul3A_1708 = arith.muli %add3A_1685, %mul3A_1707 : i32
        %swap3A_1709 = arith.index_cast %mul3A_1708 : i32 to index
        %swap3A_1710 = tpu.vector_load %arg10[%swap3A_1709] {strides = array<i32>} : memref<3200xi32, #tpu.memory_space<vmem>>, vector<16xi32>,
        tpu.vector_store %arg10[%swap3A_1709], %or3A_1706 {strides = array<i32>} : memref<3200xi32, #tpu.memory_space<vmem>>, vector<16xi32>,
        %mul3A_1711 = arith.constant 8 : i32
        %mul3A_1712 = arith.muli %scan3A_929, %mul3A_1711 : i32
        %add3A_1713 = arith.constant 2 : i32
        %add3A_1714 = arith.addi %mul3A_1712, %add3A_1713 : i32
        %mul3A_1715 = arith.constant 64 : i32
        %mul3A_1716 = arith.muli %add3A_1714, %mul3A_1715 : i32
        %add3A_1717 = arith.constant 48 : i32
        %add3A_1718 = arith.addi %mul3A_1716, %add3A_1717 : i32
        %get3A_1719 = arith.index_cast %add3A_1718 : i32 to index
        %get3A_1720 = tpu.vector_load %arg5[%get3A_1719] {strides = array<i32>} : memref<12800xf32, #tpu.memory_space<vmem>>, vector<16xf32>,
        %bitcast_convert_type3A_1721 = tpu.bitcast %get3A_1720 : vector<16xf32> -> vector<16xi32>
        %shift_right_arithmetic3A_1722 = arith.constant 31 : i32
        %shift_right_arithmetic3A_1723 = vector.broadcast %shift_right_arithmetic3A_1722 : i32 to vector<16xi32>
        %shift_right_arithmetic3A_1724 = arith.shrsi %bitcast_convert_type3A_1721, %shift_right_arithmetic3A_1723 : vector<16xi32>
        %and3A_1725 = arith.constant 2147483647 : i32
        %and3A_1726 = vector.broadcast %and3A_1725 : i32 to vector<16xi32>
        %and3A_1727 = arith.andi %shift_right_arithmetic3A_1724, %and3A_1726 : vector<16xi32>
        %xor3A_1728 = arith.xori %bitcast_convert_type3A_1721, %and3A_1727 : vector<16xi32>
        %and3A_1729 = arith.constant -256 : i32
        %and3A_1730 = vector.broadcast %and3A_1729 : i32 to vector<16xi32>
        %and3A_1731 = arith.andi %xor3A_1728, %and3A_1730 : vector<16xi32>
        %sub3A_1732 = arith.constant 255 : i32
        %sub3A_1733 = arith.subi %sub3A_1732, %add3A_1714 : i32
        %or3A_1734 = vector.broadcast %sub3A_1733 : i32 to vector<16xi32>
        %or3A_1735 = arith.ori %and3A_1731, %or3A_1734 : vector<16xi32>
        %mul3A_1736 = arith.constant 16 : i32
        %mul3A_1737 = arith.muli %add3A_1714, %mul3A_1736 : i32
        %swap3A_1738 = arith.index_cast %mul3A_1737 : i32 to index
        %swap3A_1739 = tpu.vector_load %arg10[%swap3A_1738] {strides = array<i32>} : memref<3200xi32, #tpu.memory_space<vmem>>, vector<16xi32>,
        tpu.vector_store %arg10[%swap3A_1738], %or3A_1735 {strides = array<i32>} : memref<3200xi32, #tpu.memory_space<vmem>>, vector<16xi32>,
        %mul3A_1740 = arith.constant 8 : i32
        %mul3A_1741 = arith.muli %scan3A_929, %mul3A_1740 : i32
        %add3A_1742 = arith.constant 3 : i32
        %add3A_1743 = arith.addi %mul3A_1741, %add3A_1742 : i32
        %mul3A_1744 = arith.constant 64 : i32
        %mul3A_1745 = arith.muli %add3A_1743, %mul3A_1744 : i32
        %add3A_1746 = arith.constant 48 : i32
        %add3A_1747 = arith.addi %mul3A_1745, %add3A_1746 : i32
        %get3A_1748 = arith.index_cast %add3A_1747 : i32 to index
        %get3A_1749 = tpu.vector_load %arg5[%get3A_1748] {strides = array<i32>} : memref<12800xf32, #tpu.memory_space<vmem>>, vector<16xf32>,
        %bitcast_convert_type3A_1750 = tpu.bitcast %get3A_1749 : vector<16xf32> -> vector<16xi32>
        %shift_right_arithmetic3A_1751 = arith.constant 31 : i32
        %shift_right_arithmetic3A_1752 = vector.broadcast %shift_right_arithmetic3A_1751 : i32 to vector<16xi32>
        %shift_right_arithmetic3A_1753 = arith.shrsi %bitcast_convert_type3A_1750, %shift_right_arithmetic3A_1752 : vector<16xi32>
        %and3A_1754 = arith.constant 2147483647 : i32
        %and3A_1755 = vector.broadcast %and3A_1754 : i32 to vector<16xi32>
        %and3A_1756 = arith.andi %shift_right_arithmetic3A_1753, %and3A_1755 : vector<16xi32>
        %xor3A_1757 = arith.xori %bitcast_convert_type3A_1750, %and3A_1756 : vector<16xi32>
        %and3A_1758 = arith.constant -256 : i32
        %and3A_1759 = vector.broadcast %and3A_1758 : i32 to vector<16xi32>
        %and3A_1760 = arith.andi %xor3A_1757, %and3A_1759 : vector<16xi32>
        %sub3A_1761 = arith.constant 255 : i32
        %sub3A_1762 = arith.subi %sub3A_1761, %add3A_1743 : i32
        %or3A_1763 = vector.broadcast %sub3A_1762 : i32 to vector<16xi32>
        %or3A_1764 = arith.ori %and3A_1760, %or3A_1763 : vector<16xi32>
        %mul3A_1765 = arith.constant 16 : i32
        %mul3A_1766 = arith.muli %add3A_1743, %mul3A_1765 : i32
        %swap3A_1767 = arith.index_cast %mul3A_1766 : i32 to index
        %swap3A_1768 = tpu.vector_load %arg10[%swap3A_1767] {strides = array<i32>} : memref<3200xi32, #tpu.memory_space<vmem>>, vector<16xi32>,
        tpu.vector_store %arg10[%swap3A_1767], %or3A_1764 {strides = array<i32>} : memref<3200xi32, #tpu.memory_space<vmem>>, vector<16xi32>,
        %mul3A_1769 = arith.constant 8 : i32
        %mul3A_1770 = arith.muli %scan3A_929, %mul3A_1769 : i32
        %add3A_1771 = arith.constant 4 : i32
        %add3A_1772 = arith.addi %mul3A_1770, %add3A_1771 : i32
        %mul3A_1773 = arith.constant 64 : i32
        %mul3A_1774 = arith.muli %add3A_1772, %mul3A_1773 : i32
        %add3A_1775 = arith.constant 48 : i32
        %add3A_1776 = arith.addi %mul3A_1774, %add3A_1775 : i32
        %get3A_1777 = arith.index_cast %add3A_1776 : i32 to index
        %get3A_1778 = tpu.vector_load %arg5[%get3A_1777] {strides = array<i32>} : memref<12800xf32, #tpu.memory_space<vmem>>, vector<16xf32>,
        %bitcast_convert_type3A_1779 = tpu.bitcast %get3A_1778 : vector<16xf32> -> vector<16xi32>
        %shift_right_arithmetic3A_1780 = arith.constant 31 : i32
        %shift_right_arithmetic3A_1781 = vector.broadcast %shift_right_arithmetic3A_1780 : i32 to vector<16xi32>
        %shift_right_arithmetic3A_1782 = arith.shrsi %bitcast_convert_type3A_1779, %shift_right_arithmetic3A_1781 : vector<16xi32>
        %and3A_1783 = arith.constant 2147483647 : i32
        %and3A_1784 = vector.broadcast %and3A_1783 : i32 to vector<16xi32>
        %and3A_1785 = arith.andi %shift_right_arithmetic3A_1782, %and3A_1784 : vector<16xi32>
        %xor3A_1786 = arith.xori %bitcast_convert_type3A_1779, %and3A_1785 : vector<16xi32>
        %and3A_1787 = arith.constant -256 : i32
        %and3A_1788 = vector.broadcast %and3A_1787 : i32 to vector<16xi32>
        %and3A_1789 = arith.andi %xor3A_1786, %and3A_1788 : vector<16xi32>
        %sub3A_1790 = arith.constant 255 : i32
        %sub3A_1791 = arith.subi %sub3A_1790, %add3A_1772 : i32
        %or3A_1792 = vector.broadcast %sub3A_1791 : i32 to vector<16xi32>
        %or3A_1793 = arith.ori %and3A_1789, %or3A_1792 : vector<16xi32>
        %mul3A_1794 = arith.constant 16 : i32
        %mul3A_1795 = arith.muli %add3A_1772, %mul3A_1794 : i32
        %swap3A_1796 = arith.index_cast %mul3A_1795 : i32 to index
        %swap3A_1797 = tpu.vector_load %arg10[%swap3A_1796] {strides = array<i32>} : memref<3200xi32, #tpu.memory_space<vmem>>, vector<16xi32>,
        tpu.vector_store %arg10[%swap3A_1796], %or3A_1793 {strides = array<i32>} : memref<3200xi32, #tpu.memory_space<vmem>>, vector<16xi32>,
        %mul3A_1798 = arith.constant 8 : i32
        %mul3A_1799 = arith.muli %scan3A_929, %mul3A_1798 : i32
        %add3A_1800 = arith.constant 5 : i32
        %add3A_1801 = arith.addi %mul3A_1799, %add3A_1800 : i32
        %mul3A_1802 = arith.constant 64 : i32
        %mul3A_1803 = arith.muli %add3A_1801, %mul3A_1802 : i32
        %add3A_1804 = arith.constant 48 : i32
        %add3A_1805 = arith.addi %mul3A_1803, %add3A_1804 : i32
        %get3A_1806 = arith.index_cast %add3A_1805 : i32 to index
        %get3A_1807 = tpu.vector_load %arg5[%get3A_1806] {strides = array<i32>} : memref<12800xf32, #tpu.memory_space<vmem>>, vector<16xf32>,
        %bitcast_convert_type3A_1808 = tpu.bitcast %get3A_1807 : vector<16xf32> -> vector<16xi32>
        %shift_right_arithmetic3A_1809 = arith.constant 31 : i32
        %shift_right_arithmetic3A_1810 = vector.broadcast %shift_right_arithmetic3A_1809 : i32 to vector<16xi32>
        %shift_right_arithmetic3A_1811 = arith.shrsi %bitcast_convert_type3A_1808, %shift_right_arithmetic3A_1810 : vector<16xi32>
        %and3A_1812 = arith.constant 2147483647 : i32
        %and3A_1813 = vector.broadcast %and3A_1812 : i32 to vector<16xi32>
        %and3A_1814 = arith.andi %shift_right_arithmetic3A_1811, %and3A_1813 : vector<16xi32>
        %xor3A_1815 = arith.xori %bitcast_convert_type3A_1808, %and3A_1814 : vector<16xi32>
        %and3A_1816 = arith.constant -256 : i32
        %and3A_1817 = vector.broadcast %and3A_1816 : i32 to vector<16xi32>
        %and3A_1818 = arith.andi %xor3A_1815, %and3A_1817 : vector<16xi32>
        %sub3A_1819 = arith.constant 255 : i32
        %sub3A_1820 = arith.subi %sub3A_1819, %add3A_1801 : i32
        %or3A_1821 = vector.broadcast %sub3A_1820 : i32 to vector<16xi32>
        %or3A_1822 = arith.ori %and3A_1818, %or3A_1821 : vector<16xi32>
        %mul3A_1823 = arith.constant 16 : i32
        %mul3A_1824 = arith.muli %add3A_1801, %mul3A_1823 : i32
        %swap3A_1825 = arith.index_cast %mul3A_1824 : i32 to index
        %swap3A_1826 = tpu.vector_load %arg10[%swap3A_1825] {strides = array<i32>} : memref<3200xi32, #tpu.memory_space<vmem>>, vector<16xi32>,
        tpu.vector_store %arg10[%swap3A_1825], %or3A_1822 {strides = array<i32>} : memref<3200xi32, #tpu.memory_space<vmem>>, vector<16xi32>,
        %mul3A_1827 = arith.constant 8 : i32
        %mul3A_1828 = arith.muli %scan3A_929, %mul3A_1827 : i32
        %add3A_1829 = arith.constant 6 : i32
        %add3A_1830 = arith.addi %mul3A_1828, %add3A_1829 : i32
        %mul3A_1831 = arith.constant 64 : i32
        %mul3A_1832 = arith.muli %add3A_1830, %mul3A_1831 : i32
        %add3A_1833 = arith.constant 48 : i32
        %add3A_1834 = arith.addi %mul3A_1832, %add3A_1833 : i32
        %get3A_1835 = arith.index_cast %add3A_1834 : i32 to index
        %get3A_1836 = tpu.vector_load %arg5[%get3A_1835] {strides = array<i32>} : memref<12800xf32, #tpu.memory_space<vmem>>, vector<16xf32>,
        %bitcast_convert_type3A_1837 = tpu.bitcast %get3A_1836 : vector<16xf32> -> vector<16xi32>
        %shift_right_arithmetic3A_1838 = arith.constant 31 : i32
        %shift_right_arithmetic3A_1839 = vector.broadcast %shift_right_arithmetic3A_1838 : i32 to vector<16xi32>
        %shift_right_arithmetic3A_1840 = arith.shrsi %bitcast_convert_type3A_1837, %shift_right_arithmetic3A_1839 : vector<16xi32>
        %and3A_1841 = arith.constant 2147483647 : i32
        %and3A_1842 = vector.broadcast %and3A_1841 : i32 to vector<16xi32>
        %and3A_1843 = arith.andi %shift_right_arithmetic3A_1840, %and3A_1842 : vector<16xi32>
        %xor3A_1844 = arith.xori %bitcast_convert_type3A_1837, %and3A_1843 : vector<16xi32>
        %and3A_1845 = arith.constant -256 : i32
        %and3A_1846 = vector.broadcast %and3A_1845 : i32 to vector<16xi32>
        %and3A_1847 = arith.andi %xor3A_1844, %and3A_1846 : vector<16xi32>
        %sub3A_1848 = arith.constant 255 : i32
        %sub3A_1849 = arith.subi %sub3A_1848, %add3A_1830 : i32
        %or3A_1850 = vector.broadcast %sub3A_1849 : i32 to vector<16xi32>
        %or3A_1851 = arith.ori %and3A_1847, %or3A_1850 : vector<16xi32>
        %mul3A_1852 = arith.constant 16 : i32
        %mul3A_1853 = arith.muli %add3A_1830, %mul3A_1852 : i32
        %swap3A_1854 = arith.index_cast %mul3A_1853 : i32 to index
        %swap3A_1855 = tpu.vector_load %arg10[%swap3A_1854] {strides = array<i32>} : memref<3200xi32, #tpu.memory_space<vmem>>, vector<16xi32>,
        tpu.vector_store %arg10[%swap3A_1854], %or3A_1851 {strides = array<i32>} : memref<3200xi32, #tpu.memory_space<vmem>>, vector<16xi32>,
        %mul3A_1856 = arith.constant 8 : i32
        %mul3A_1857 = arith.muli %scan3A_929, %mul3A_1856 : i32
        %add3A_1858 = arith.constant 7 : i32
        %add3A_1859 = arith.addi %mul3A_1857, %add3A_1858 : i32
        %mul3A_1860 = arith.constant 64 : i32
        %mul3A_1861 = arith.muli %add3A_1859, %mul3A_1860 : i32
        %add3A_1862 = arith.constant 48 : i32
        %add3A_1863 = arith.addi %mul3A_1861, %add3A_1862 : i32
        %get3A_1864 = arith.index_cast %add3A_1863 : i32 to index
        %get3A_1865 = tpu.vector_load %arg5[%get3A_1864] {strides = array<i32>} : memref<12800xf32, #tpu.memory_space<vmem>>, vector<16xf32>,
        %bitcast_convert_type3A_1866 = tpu.bitcast %get3A_1865 : vector<16xf32> -> vector<16xi32>
        %shift_right_arithmetic3A_1867 = arith.constant 31 : i32
        %shift_right_arithmetic3A_1868 = vector.broadcast %shift_right_arithmetic3A_1867 : i32 to vector<16xi32>
        %shift_right_arithmetic3A_1869 = arith.shrsi %bitcast_convert_type3A_1866, %shift_right_arithmetic3A_1868 : vector<16xi32>
        %and3A_1870 = arith.constant 2147483647 : i32
        %and3A_1871 = vector.broadcast %and3A_1870 : i32 to vector<16xi32>
        %and3A_1872 = arith.andi %shift_right_arithmetic3A_1869, %and3A_1871 : vector<16xi32>
        %xor3A_1873 = arith.xori %bitcast_convert_type3A_1866, %and3A_1872 : vector<16xi32>
        %and3A_1874 = arith.constant -256 : i32
        %and3A_1875 = vector.broadcast %and3A_1874 : i32 to vector<16xi32>
        %and3A_1876 = arith.andi %xor3A_1873, %and3A_1875 : vector<16xi32>
        %sub3A_1877 = arith.constant 255 : i32
        %sub3A_1878 = arith.subi %sub3A_1877, %add3A_1859 : i32
        %or3A_1879 = vector.broadcast %sub3A_1878 : i32 to vector<16xi32>
        %or3A_1880 = arith.ori %and3A_1876, %or3A_1879 : vector<16xi32>
        %mul3A_1881 = arith.constant 16 : i32
        %mul3A_1882 = arith.muli %add3A_1859, %mul3A_1881 : i32
        %swap3A_1883 = arith.index_cast %mul3A_1882 : i32 to index
        %swap3A_1884 = tpu.vector_load %arg10[%swap3A_1883] {strides = array<i32>} : memref<3200xi32, #tpu.memory_space<vmem>>, vector<16xi32>,
        tpu.vector_store %arg10[%swap3A_1883], %or3A_1880 {strides = array<i32>} : memref<3200xi32, #tpu.memory_space<vmem>>, vector<16xi32>,
        %max3A_1885 = arith.maxsi %or3A_1677, %or3A_1706 : vector<16xi32>
        %max3A_1886 = arith.maxsi %or3A_1735, %or3A_1764 : vector<16xi32>
        %max3A_1887 = arith.maxsi %or3A_1793, %or3A_1822 : vector<16xi32>
        %max3A_1888 = arith.maxsi %or3A_1851, %or3A_1880 : vector<16xi32>
        %max3A_1889 = arith.maxsi %max3A_1885, %max3A_1886 : vector<16xi32>
        %max3A_1890 = arith.maxsi %max3A_1887, %max3A_1888 : vector<16xi32>
        %max3A_1891 = arith.maxsi %max3A_1889, %max3A_1890 : vector<16xi32>
        %mul3A_1892 = arith.constant 16 : i32
        %mul3A_1893 = arith.muli %scan3A_929, %mul3A_1892 : i32
        %swap3A_1894 = arith.index_cast %mul3A_1893 : i32 to index
        %swap3A_1895 = tpu.vector_load %arg14[%swap3A_1894] {strides = array<i32>} : memref<512xi32, #tpu.memory_space<vmem>>, vector<16xi32>,
        tpu.vector_store %arg14[%swap3A_1894], %max3A_1891 {strides = array<i32>} : memref<512xi32, #tpu.memory_space<vmem>>, vector<16xi32>,
      }
      %scan3A_493 = arith.constant 25 : i32
      %swap3A_494 = arith.constant 400 : index
      %swap3A_495 = tpu.vector_load %arg11[%swap3A_494] {strides = array<i32>} : memref<512xi32, #tpu.memory_space<vmem>>, vector<16xi32>,
      tpu.vector_store %arg11[%swap3A_494], %broadcast_in_dim3A_1 {strides = array<i32>} : memref<512xi32, #tpu.memory_space<vmem>>, vector<16xi32>,
      %swap3A_496 = arith.constant 416 : index
      %swap3A_497 = tpu.vector_load %arg11[%swap3A_496] {strides = array<i32>} : memref<512xi32, #tpu.memory_space<vmem>>, vector<16xi32>,
      tpu.vector_store %arg11[%swap3A_496], %broadcast_in_dim3A_1 {strides = array<i32>} : memref<512xi32, #tpu.memory_space<vmem>>, vector<16xi32>,
      %swap3A_498 = arith.constant 432 : index
      %swap3A_499 = tpu.vector_load %arg11[%swap3A_498] {strides = array<i32>} : memref<512xi32, #tpu.memory_space<vmem>>, vector<16xi32>,
      tpu.vector_store %arg11[%swap3A_498], %broadcast_in_dim3A_1 {strides = array<i32>} : memref<512xi32, #tpu.memory_space<vmem>>, vector<16xi32>,
      %swap3A_500 = arith.constant 448 : index
      %swap3A_501 = tpu.vector_load %arg11[%swap3A_500] {strides = array<i32>} : memref<512xi32, #tpu.memory_space<vmem>>, vector<16xi32>,
      tpu.vector_store %arg11[%swap3A_500], %broadcast_in_dim3A_1 {strides = array<i32>} : memref<512xi32, #tpu.memory_space<vmem>>, vector<16xi32>,
      %swap3A_502 = arith.constant 464 : index
      %swap3A_503 = tpu.vector_load %arg11[%swap3A_502] {strides = array<i32>} : memref<512xi32, #tpu.memory_space<vmem>>, vector<16xi32>,
      tpu.vector_store %arg11[%swap3A_502], %broadcast_in_dim3A_1 {strides = array<i32>} : memref<512xi32, #tpu.memory_space<vmem>>, vector<16xi32>,
      %swap3A_504 = arith.constant 480 : index
      %swap3A_505 = tpu.vector_load %arg11[%swap3A_504] {strides = array<i32>} : memref<512xi32, #tpu.memory_space<vmem>>, vector<16xi32>,
      tpu.vector_store %arg11[%swap3A_504], %broadcast_in_dim3A_1 {strides = array<i32>} : memref<512xi32, #tpu.memory_space<vmem>>, vector<16xi32>,
      %swap3A_506 = arith.constant 496 : index
      %swap3A_507 = tpu.vector_load %arg11[%swap3A_506] {strides = array<i32>} : memref<512xi32, #tpu.memory_space<vmem>>, vector<16xi32>,
      tpu.vector_store %arg11[%swap3A_506], %broadcast_in_dim3A_1 {strides = array<i32>} : memref<512xi32, #tpu.memory_space<vmem>>, vector<16xi32>,
      %get3A_508 = arith.constant 0 : index
      %get3A_509 = tpu.vector_load %arg11[%get3A_508] {strides = array<i32>} : memref<512xi32, #tpu.memory_space<vmem>>, vector<16xi32>,
      %get3A_510 = arith.constant 16 : index
      %get3A_511 = tpu.vector_load %arg11[%get3A_510] {strides = array<i32>} : memref<512xi32, #tpu.memory_space<vmem>>, vector<16xi32>,
      %get3A_512 = arith.constant 32 : index
      %get3A_513 = tpu.vector_load %arg11[%get3A_512] {strides = array<i32>} : memref<512xi32, #tpu.memory_space<vmem>>, vector<16xi32>,
      %get3A_514 = arith.constant 48 : index
      %get3A_515 = tpu.vector_load %arg11[%get3A_514] {strides = array<i32>} : memref<512xi32, #tpu.memory_space<vmem>>, vector<16xi32>,
      %get3A_516 = arith.constant 64 : index
      %get3A_517 = tpu.vector_load %arg11[%get3A_516] {strides = array<i32>} : memref<512xi32, #tpu.memory_space<vmem>>, vector<16xi32>,
      %get3A_518 = arith.constant 80 : index
      %get3A_519 = tpu.vector_load %arg11[%get3A_518] {strides = array<i32>} : memref<512xi32, #tpu.memory_space<vmem>>, vector<16xi32>,
      %get3A_520 = arith.constant 96 : index
      %get3A_521 = tpu.vector_load %arg11[%get3A_520] {strides = array<i32>} : memref<512xi32, #tpu.memory_space<vmem>>, vector<16xi32>,
      %get3A_522 = arith.constant 112 : index
      %get3A_523 = tpu.vector_load %arg11[%get3A_522] {strides = array<i32>} : memref<512xi32, #tpu.memory_space<vmem>>, vector<16xi32>,
      %max3A_524 = arith.maxsi %get3A_509, %get3A_511 : vector<16xi32>
      %max3A_525 = arith.maxsi %get3A_513, %get3A_515 : vector<16xi32>
      %max3A_526 = arith.maxsi %get3A_517, %get3A_519 : vector<16xi32>
      %max3A_527 = arith.maxsi %get3A_521, %get3A_523 : vector<16xi32>
      %max3A_528 = arith.maxsi %max3A_524, %max3A_525 : vector<16xi32>
      %max3A_529 = arith.maxsi %max3A_526, %max3A_527 : vector<16xi32>
      %max3A_530 = arith.maxsi %max3A_528, %max3A_529 : vector<16xi32>
      %get3A_531 = arith.constant 128 : index
      %get3A_532 = tpu.vector_load %arg11[%get3A_531] {strides = array<i32>} : memref<512xi32, #tpu.memory_space<vmem>>, vector<16xi32>,
      %get3A_533 = arith.constant 144 : index
      %get3A_534 = tpu.vector_load %arg11[%get3A_533] {strides = array<i32>} : memref<512xi32, #tpu.memory_space<vmem>>, vector<16xi32>,
      %get3A_535 = arith.constant 160 : index
      %get3A_536 = tpu.vector_load %arg11[%get3A_535] {strides = array<i32>} : memref<512xi32, #tpu.memory_space<vmem>>, vector<16xi32>,
      %get3A_537 = arith.constant 176 : index
      %get3A_538 = tpu.vector_load %arg11[%get3A_537] {strides = array<i32>} : memref<512xi32, #tpu.memory_space<vmem>>, vector<16xi32>,
      %get3A_539 = arith.constant 192 : index
      %get3A_540 = tpu.vector_load %arg11[%get3A_539] {strides = array<i32>} : memref<512xi32, #tpu.memory_space<vmem>>, vector<16xi32>,
      %get3A_541 = arith.constant 208 : index
      %get3A_542 = tpu.vector_load %arg11[%get3A_541] {strides = array<i32>} : memref<512xi32, #tpu.memory_space<vmem>>, vector<16xi32>,
      %get3A_543 = arith.constant 224 : index
      %get3A_544 = tpu.vector_load %arg11[%get3A_543] {strides = array<i32>} : memref<512xi32, #tpu.memory_space<vmem>>, vector<16xi32>,
      %get3A_545 = arith.constant 240 : index
      %get3A_546 = tpu.vector_load %arg11[%get3A_545] {strides = array<i32>} : memref<512xi32, #tpu.memory_space<vmem>>, vector<16xi32>,
      %max3A_547 = arith.maxsi %get3A_532, %get3A_534 : vector<16xi32>
      %max3A_548 = arith.maxsi %get3A_536, %get3A_538 : vector<16xi32>
      %max3A_549 = arith.maxsi %get3A_540, %get3A_542 : vector<16xi32>
      %max3A_550 = arith.maxsi %get3A_544, %get3A_546 : vector<16xi32>
      %max3A_551 = arith.maxsi %max3A_547, %max3A_548 : vector<16xi32>
      %max3A_552 = arith.maxsi %max3A_549, %max3A_550 : vector<16xi32>
      %max3A_553 = arith.maxsi %max3A_551, %max3A_552 : vector<16xi32>
      %get3A_554 = arith.constant 256 : index
      %get3A_555 = tpu.vector_load %arg11[%get3A_554] {strides = array<i32>} : memref<512xi32, #tpu.memory_space<vmem>>, vector<16xi32>,
      %get3A_556 = arith.constant 272 : index
      %get3A_557 = tpu.vector_load %arg11[%get3A_556] {strides = array<i32>} : memref<512xi32, #tpu.memory_space<vmem>>, vector<16xi32>,
      %get3A_558 = arith.constant 288 : index
      %get3A_559 = tpu.vector_load %arg11[%get3A_558] {strides = array<i32>} : memref<512xi32, #tpu.memory_space<vmem>>, vector<16xi32>,
      %get3A_560 = arith.constant 304 : index
      %get3A_561 = tpu.vector_load %arg11[%get3A_560] {strides = array<i32>} : memref<512xi32, #tpu.memory_space<vmem>>, vector<16xi32>,
      %get3A_562 = arith.constant 320 : index
      %get3A_563 = tpu.vector_load %arg11[%get3A_562] {strides = array<i32>} : memref<512xi32, #tpu.memory_space<vmem>>, vector<16xi32>,
      %get3A_564 = arith.constant 336 : index
      %get3A_565 = tpu.vector_load %arg11[%get3A_564] {strides = array<i32>} : memref<512xi32, #tpu.memory_space<vmem>>, vector<16xi32>,
      %get3A_566 = arith.constant 352 : index
      %get3A_567 = tpu.vector_load %arg11[%get3A_566] {strides = array<i32>} : memref<512xi32, #tpu.memory_space<vmem>>, vector<16xi32>,
      %get3A_568 = arith.constant 368 : index
      %get3A_569 = tpu.vector_load %arg11[%get3A_568] {strides = array<i32>} : memref<512xi32, #tpu.memory_space<vmem>>, vector<16xi32>,
      %max3A_570 = arith.maxsi %get3A_555, %get3A_557 : vector<16xi32>
      %max3A_571 = arith.maxsi %get3A_559, %get3A_561 : vector<16xi32>
      %max3A_572 = arith.maxsi %get3A_563, %get3A_565 : vector<16xi32>
      %max3A_573 = arith.maxsi %get3A_567, %get3A_569 : vector<16xi32>
      %max3A_574 = arith.maxsi %max3A_570, %max3A_571 : vector<16xi32>
      %max3A_575 = arith.maxsi %max3A_572, %max3A_573 : vector<16xi32>
      %max3A_576 = arith.maxsi %max3A_574, %max3A_575 : vector<16xi32>
      %get3A_577 = arith.constant 384 : index
      %get3A_578 = tpu.vector_load %arg11[%get3A_577] {strides = array<i32>} : memref<512xi32, #tpu.memory_space<vmem>>, vector<16xi32>,
      %get3A_579 = arith.constant 400 : index
      %get3A_580 = tpu.vector_load %arg11[%get3A_579] {strides = array<i32>} : memref<512xi32, #tpu.memory_space<vmem>>, vector<16xi32>,
      %get3A_581 = arith.constant 416 : index
      %get3A_582 = tpu.vector_load %arg11[%get3A_581] {strides = array<i32>} : memref<512xi32, #tpu.memory_space<vmem>>, vector<16xi32>,
      %get3A_583 = arith.constant 432 : index
      %get3A_584 = tpu.vector_load %arg11[%get3A_583] {strides = array<i32>} : memref<512xi32, #tpu.memory_space<vmem>>, vector<16xi32>,
      %get3A_585 = arith.constant 448 : index
      %get3A_586 = tpu.vector_load %arg11[%get3A_585] {strides = array<i32>} : memref<512xi32, #tpu.memory_space<vmem>>, vector<16xi32>,
      %get3A_587 = arith.constant 464 : index
      %get3A_588 = tpu.vector_load %arg11[%get3A_587] {strides = array<i32>} : memref<512xi32, #tpu.memory_space<vmem>>, vector<16xi32>,
      %get3A_589 = arith.constant 480 : index
      %get3A_590 = tpu.vector_load %arg11[%get3A_589] {strides = array<i32>} : memref<512xi32, #tpu.memory_space<vmem>>, vector<16xi32>,
      %get3A_591 = arith.constant 496 : index
      %get3A_592 = tpu.vector_load %arg11[%get3A_591] {strides = array<i32>} : memref<512xi32, #tpu.memory_space<vmem>>, vector<16xi32>,
      %max3A_593 = arith.maxsi %get3A_578, %get3A_580 : vector<16xi32>
      %max3A_594 = arith.maxsi %get3A_582, %get3A_584 : vector<16xi32>
      %max3A_595 = arith.maxsi %get3A_586, %get3A_588 : vector<16xi32>
      %max3A_596 = arith.maxsi %get3A_590, %get3A_592 : vector<16xi32>
      %max3A_597 = arith.maxsi %max3A_593, %max3A_594 : vector<16xi32>
      %max3A_598 = arith.maxsi %max3A_595, %max3A_596 : vector<16xi32>
      %max3A_599 = arith.maxsi %max3A_597, %max3A_598 : vector<16xi32>
      %swap3A_600 = arith.constant 400 : index
      %swap3A_601 = tpu.vector_load %arg12[%swap3A_600] {strides = array<i32>} : memref<512xi32, #tpu.memory_space<vmem>>, vector<16xi32>,
      tpu.vector_store %arg12[%swap3A_600], %broadcast_in_dim3A_1 {strides = array<i32>} : memref<512xi32, #tpu.memory_space<vmem>>, vector<16xi32>,
      %swap3A_602 = arith.constant 416 : index
      %swap3A_603 = tpu.vector_load %arg12[%swap3A_602] {strides = array<i32>} : memref<512xi32, #tpu.memory_space<vmem>>, vector<16xi32>,
      tpu.vector_store %arg12[%swap3A_602], %broadcast_in_dim3A_1 {strides = array<i32>} : memref<512xi32, #tpu.memory_space<vmem>>, vector<16xi32>,
      %swap3A_604 = arith.constant 432 : index
      %swap3A_605 = tpu.vector_load %arg12[%swap3A_604] {strides = array<i32>} : memref<512xi32, #tpu.memory_space<vmem>>, vector<16xi32>,
      tpu.vector_store %arg12[%swap3A_604], %broadcast_in_dim3A_1 {strides = array<i32>} : memref<512xi32, #tpu.memory_space<vmem>>, vector<16xi32>,
      %swap3A_606 = arith.constant 448 : index
      %swap3A_607 = tpu.vector_load %arg12[%swap3A_606] {strides = array<i32>} : memref<512xi32, #tpu.memory_space<vmem>>, vector<16xi32>,
      tpu.vector_store %arg12[%swap3A_606], %broadcast_in_dim3A_1 {strides = array<i32>} : memref<512xi32, #tpu.memory_space<vmem>>, vector<16xi32>,
      %swap3A_608 = arith.constant 464 : index
      %swap3A_609 = tpu.vector_load %arg12[%swap3A_608] {strides = array<i32>} : memref<512xi32, #tpu.memory_space<vmem>>, vector<16xi32>,
      tpu.vector_store %arg12[%swap3A_608], %broadcast_in_dim3A_1 {strides = array<i32>} : memref<512xi32, #tpu.memory_space<vmem>>, vector<16xi32>,
      %swap3A_610 = arith.constant 480 : index
      %swap3A_611 = tpu.vector_load %arg12[%swap3A_610] {strides = array<i32>} : memref<512xi32, #tpu.memory_space<vmem>>, vector<16xi32>,
      tpu.vector_store %arg12[%swap3A_610], %broadcast_in_dim3A_1 {strides = array<i32>} : memref<512xi32, #tpu.memory_space<vmem>>, vector<16xi32>,
      %swap3A_612 = arith.constant 496 : index
      %swap3A_613 = tpu.vector_load %arg12[%swap3A_612] {strides = array<i32>} : memref<512xi32, #tpu.memory_space<vmem>>, vector<16xi32>,
      tpu.vector_store %arg12[%swap3A_612], %broadcast_in_dim3A_1 {strides = array<i32>} : memref<512xi32, #tpu.memory_space<vmem>>, vector<16xi32>,
      %get3A_614 = arith.constant 0 : index
      %get3A_615 = tpu.vector_load %arg12[%get3A_614] {strides = array<i32>} : memref<512xi32, #tpu.memory_space<vmem>>, vector<16xi32>,
      %get3A_616 = arith.constant 16 : index
      %get3A_617 = tpu.vector_load %arg12[%get3A_616] {strides = array<i32>} : memref<512xi32, #tpu.memory_space<vmem>>, vector<16xi32>,
      %get3A_618 = arith.constant 32 : index
      %get3A_619 = tpu.vector_load %arg12[%get3A_618] {strides = array<i32>} : memref<512xi32, #tpu.memory_space<vmem>>, vector<16xi32>,
      %get3A_620 = arith.constant 48 : index
      %get3A_621 = tpu.vector_load %arg12[%get3A_620] {strides = array<i32>} : memref<512xi32, #tpu.memory_space<vmem>>, vector<16xi32>,
      %get3A_622 = arith.constant 64 : index
      %get3A_623 = tpu.vector_load %arg12[%get3A_622] {strides = array<i32>} : memref<512xi32, #tpu.memory_space<vmem>>, vector<16xi32>,
      %get3A_624 = arith.constant 80 : index
      %get3A_625 = tpu.vector_load %arg12[%get3A_624] {strides = array<i32>} : memref<512xi32, #tpu.memory_space<vmem>>, vector<16xi32>,
      %get3A_626 = arith.constant 96 : index
      %get3A_627 = tpu.vector_load %arg12[%get3A_626] {strides = array<i32>} : memref<512xi32, #tpu.memory_space<vmem>>, vector<16xi32>,
      %get3A_628 = arith.constant 112 : index
      %get3A_629 = tpu.vector_load %arg12[%get3A_628] {strides = array<i32>} : memref<512xi32, #tpu.memory_space<vmem>>, vector<16xi32>,
      %max3A_630 = arith.maxsi %get3A_615, %get3A_617 : vector<16xi32>
      %max3A_631 = arith.maxsi %get3A_619, %get3A_621 : vector<16xi32>
      %max3A_632 = arith.maxsi %get3A_623, %get3A_625 : vector<16xi32>
      %max3A_633 = arith.maxsi %get3A_627, %get3A_629 : vector<16xi32>
      %max3A_634 = arith.maxsi %max3A_630, %max3A_631 : vector<16xi32>
      %max3A_635 = arith.maxsi %max3A_632, %max3A_633 : vector<16xi32>
      %max3A_636 = arith.maxsi %max3A_634, %max3A_635 : vector<16xi32>
      %get3A_637 = arith.constant 128 : index
      %get3A_638 = tpu.vector_load %arg12[%get3A_637] {strides = array<i32>} : memref<512xi32, #tpu.memory_space<vmem>>, vector<16xi32>,
      %get3A_639 = arith.constant 144 : index
      %get3A_640 = tpu.vector_load %arg12[%get3A_639] {strides = array<i32>} : memref<512xi32, #tpu.memory_space<vmem>>, vector<16xi32>,
      %get3A_641 = arith.constant 160 : index
      %get3A_642 = tpu.vector_load %arg12[%get3A_641] {strides = array<i32>} : memref<512xi32, #tpu.memory_space<vmem>>, vector<16xi32>,
      %get3A_643 = arith.constant 176 : index
      %get3A_644 = tpu.vector_load %arg12[%get3A_643] {strides = array<i32>} : memref<512xi32, #tpu.memory_space<vmem>>, vector<16xi32>,
      %get3A_645 = arith.constant 192 : index
      %get3A_646 = tpu.vector_load %arg12[%get3A_645] {strides = array<i32>} : memref<512xi32, #tpu.memory_space<vmem>>, vector<16xi32>,
      %get3A_647 = arith.constant 208 : index
      %get3A_648 = tpu.vector_load %arg12[%get3A_647] {strides = array<i32>} : memref<512xi32, #tpu.memory_space<vmem>>, vector<16xi32>,
      %get3A_649 = arith.constant 224 : index
      %get3A_650 = tpu.vector_load %arg12[%get3A_649] {strides = array<i32>} : memref<512xi32, #tpu.memory_space<vmem>>, vector<16xi32>,
      %get3A_651 = arith.constant 240 : index
      %get3A_652 = tpu.vector_load %arg12[%get3A_651] {strides = array<i32>} : memref<512xi32, #tpu.memory_space<vmem>>, vector<16xi32>,
      %max3A_653 = arith.maxsi %get3A_638, %get3A_640 : vector<16xi32>
      %max3A_654 = arith.maxsi %get3A_642, %get3A_644 : vector<16xi32>
      %max3A_655 = arith.maxsi %get3A_646, %get3A_648 : vector<16xi32>
      %max3A_656 = arith.maxsi %get3A_650, %get3A_652 : vector<16xi32>
      %max3A_657 = arith.maxsi %max3A_653, %max3A_654 : vector<16xi32>
      %max3A_658 = arith.maxsi %max3A_655, %max3A_656 : vector<16xi32>
      %max3A_659 = arith.maxsi %max3A_657, %max3A_658 : vector<16xi32>
      %get3A_660 = arith.constant 256 : index
      %get3A_661 = tpu.vector_load %arg12[%get3A_660] {strides = array<i32>} : memref<512xi32, #tpu.memory_space<vmem>>, vector<16xi32>,
      %get3A_662 = arith.constant 272 : index
      %get3A_663 = tpu.vector_load %arg12[%get3A_662] {strides = array<i32>} : memref<512xi32, #tpu.memory_space<vmem>>, vector<16xi32>,
      %get3A_664 = arith.constant 288 : index
      %get3A_665 = tpu.vector_load %arg12[%get3A_664] {strides = array<i32>} : memref<512xi32, #tpu.memory_space<vmem>>, vector<16xi32>,
      %get3A_666 = arith.constant 304 : index
      %get3A_667 = tpu.vector_load %arg12[%get3A_666] {strides = array<i32>} : memref<512xi32, #tpu.memory_space<vmem>>, vector<16xi32>,
      %get3A_668 = arith.constant 320 : index
      %get3A_669 = tpu.vector_load %arg12[%get3A_668] {strides = array<i32>} : memref<512xi32, #tpu.memory_space<vmem>>, vector<16xi32>,
      %get3A_670 = arith.constant 336 : index
      %get3A_671 = tpu.vector_load %arg12[%get3A_670] {strides = array<i32>} : memref<512xi32, #tpu.memory_space<vmem>>, vector<16xi32>,
      %get3A_672 = arith.constant 352 : index
      %get3A_673 = tpu.vector_load %arg12[%get3A_672] {strides = array<i32>} : memref<512xi32, #tpu.memory_space<vmem>>, vector<16xi32>,
      %get3A_674 = arith.constant 368 : index
      %get3A_675 = tpu.vector_load %arg12[%get3A_674] {strides = array<i32>} : memref<512xi32, #tpu.memory_space<vmem>>, vector<16xi32>,
      %max3A_676 = arith.maxsi %get3A_661, %get3A_663 : vector<16xi32>
      %max3A_677 = arith.maxsi %get3A_665, %get3A_667 : vector<16xi32>
      %max3A_678 = arith.maxsi %get3A_669, %get3A_671 : vector<16xi32>
      %max3A_679 = arith.maxsi %get3A_673, %get3A_675 : vector<16xi32>
      %max3A_680 = arith.maxsi %max3A_676, %max3A_677 : vector<16xi32>
      %max3A_681 = arith.maxsi %max3A_678, %max3A_679 : vector<16xi32>
      %max3A_682 = arith.maxsi %max3A_680, %max3A_681 : vector<16xi32>
      %get3A_683 = arith.constant 384 : index
      %get3A_684 = tpu.vector_load %arg12[%get3A_683] {strides = array<i32>} : memref<512xi32, #tpu.memory_space<vmem>>, vector<16xi32>,
      %get3A_685 = arith.constant 400 : index
      %get3A_686 = tpu.vector_load %arg12[%get3A_685] {strides = array<i32>} : memref<512xi32, #tpu.memory_space<vmem>>, vector<16xi32>,
      %get3A_687 = arith.constant 416 : index
      %get3A_688 = tpu.vector_load %arg12[%get3A_687] {strides = array<i32>} : memref<512xi32, #tpu.memory_space<vmem>>, vector<16xi32>,
      %get3A_689 = arith.constant 432 : index
      %get3A_690 = tpu.vector_load %arg12[%get3A_689] {strides = array<i32>} : memref<512xi32, #tpu.memory_space<vmem>>, vector<16xi32>,
      %get3A_691 = arith.constant 448 : index
      %get3A_692 = tpu.vector_load %arg12[%get3A_691] {strides = array<i32>} : memref<512xi32, #tpu.memory_space<vmem>>, vector<16xi32>,
      %get3A_693 = arith.constant 464 : index
      %get3A_694 = tpu.vector_load %arg12[%get3A_693] {strides = array<i32>} : memref<512xi32, #tpu.memory_space<vmem>>, vector<16xi32>,
      %get3A_695 = arith.constant 480 : index
      %get3A_696 = tpu.vector_load %arg12[%get3A_695] {strides = array<i32>} : memref<512xi32, #tpu.memory_space<vmem>>, vector<16xi32>,
      %get3A_697 = arith.constant 496 : index
      %get3A_698 = tpu.vector_load %arg12[%get3A_697] {strides = array<i32>} : memref<512xi32, #tpu.memory_space<vmem>>, vector<16xi32>,
      %max3A_699 = arith.maxsi %get3A_684, %get3A_686 : vector<16xi32>
      %max3A_700 = arith.maxsi %get3A_688, %get3A_690 : vector<16xi32>
      %max3A_701 = arith.maxsi %get3A_692, %get3A_694 : vector<16xi32>
      %max3A_702 = arith.maxsi %get3A_696, %get3A_698 : vector<16xi32>
      %max3A_703 = arith.maxsi %max3A_699, %max3A_700 : vector<16xi32>
      %max3A_704 = arith.maxsi %max3A_701, %max3A_702 : vector<16xi32>
      %max3A_705 = arith.maxsi %max3A_703, %max3A_704 : vector<16xi32>
      %swap3A_706 = arith.constant 400 : index
      %swap3A_707 = tpu.vector_load %arg13[%swap3A_706] {strides = array<i32>} : memref<512xi32, #tpu.memory_space<vmem>>, vector<16xi32>,
      tpu.vector_store %arg13[%swap3A_706], %broadcast_in_dim3A_1 {strides = array<i32>} : memref<512xi32, #tpu.memory_space<vmem>>, vector<16xi32>,
      %swap3A_708 = arith.constant 416 : index
      %swap3A_709 = tpu.vector_load %arg13[%swap3A_708] {strides = array<i32>} : memref<512xi32, #tpu.memory_space<vmem>>, vector<16xi32>,
      tpu.vector_store %arg13[%swap3A_708], %broadcast_in_dim3A_1 {strides = array<i32>} : memref<512xi32, #tpu.memory_space<vmem>>, vector<16xi32>,
      %swap3A_710 = arith.constant 432 : index
      %swap3A_711 = tpu.vector_load %arg13[%swap3A_710] {strides = array<i32>} : memref<512xi32, #tpu.memory_space<vmem>>, vector<16xi32>,
      tpu.vector_store %arg13[%swap3A_710], %broadcast_in_dim3A_1 {strides = array<i32>} : memref<512xi32, #tpu.memory_space<vmem>>, vector<16xi32>,
      %swap3A_712 = arith.constant 448 : index
      %swap3A_713 = tpu.vector_load %arg13[%swap3A_712] {strides = array<i32>} : memref<512xi32, #tpu.memory_space<vmem>>, vector<16xi32>,
      tpu.vector_store %arg13[%swap3A_712], %broadcast_in_dim3A_1 {strides = array<i32>} : memref<512xi32, #tpu.memory_space<vmem>>, vector<16xi32>,
      %swap3A_714 = arith.constant 464 : index
      %swap3A_715 = tpu.vector_load %arg13[%swap3A_714] {strides = array<i32>} : memref<512xi32, #tpu.memory_space<vmem>>, vector<16xi32>,
      tpu.vector_store %arg13[%swap3A_714], %broadcast_in_dim3A_1 {strides = array<i32>} : memref<512xi32, #tpu.memory_space<vmem>>, vector<16xi32>,
      %swap3A_716 = arith.constant 480 : index
      %swap3A_717 = tpu.vector_load %arg13[%swap3A_716] {strides = array<i32>} : memref<512xi32, #tpu.memory_space<vmem>>, vector<16xi32>,
      tpu.vector_store %arg13[%swap3A_716], %broadcast_in_dim3A_1 {strides = array<i32>} : memref<512xi32, #tpu.memory_space<vmem>>, vector<16xi32>,
      %swap3A_718 = arith.constant 496 : index
      %swap3A_719 = tpu.vector_load %arg13[%swap3A_718] {strides = array<i32>} : memref<512xi32, #tpu.memory_space<vmem>>, vector<16xi32>,
      tpu.vector_store %arg13[%swap3A_718], %broadcast_in_dim3A_1 {strides = array<i32>} : memref<512xi32, #tpu.memory_space<vmem>>, vector<16xi32>,
      %get3A_720 = arith.constant 0 : index
      %get3A_721 = tpu.vector_load %arg13[%get3A_720] {strides = array<i32>} : memref<512xi32, #tpu.memory_space<vmem>>, vector<16xi32>,
      %get3A_722 = arith.constant 16 : index
      %get3A_723 = tpu.vector_load %arg13[%get3A_722] {strides = array<i32>} : memref<512xi32, #tpu.memory_space<vmem>>, vector<16xi32>,
      %get3A_724 = arith.constant 32 : index
      %get3A_725 = tpu.vector_load %arg13[%get3A_724] {strides = array<i32>} : memref<512xi32, #tpu.memory_space<vmem>>, vector<16xi32>,
      %get3A_726 = arith.constant 48 : index
      %get3A_727 = tpu.vector_load %arg13[%get3A_726] {strides = array<i32>} : memref<512xi32, #tpu.memory_space<vmem>>, vector<16xi32>,
      %get3A_728 = arith.constant 64 : index
      %get3A_729 = tpu.vector_load %arg13[%get3A_728] {strides = array<i32>} : memref<512xi32, #tpu.memory_space<vmem>>, vector<16xi32>,
      %get3A_730 = arith.constant 80 : index
      %get3A_731 = tpu.vector_load %arg13[%get3A_730] {strides = array<i32>} : memref<512xi32, #tpu.memory_space<vmem>>, vector<16xi32>,
      %get3A_732 = arith.constant 96 : index
      %get3A_733 = tpu.vector_load %arg13[%get3A_732] {strides = array<i32>} : memref<512xi32, #tpu.memory_space<vmem>>, vector<16xi32>,
      %get3A_734 = arith.constant 112 : index
      %get3A_735 = tpu.vector_load %arg13[%get3A_734] {strides = array<i32>} : memref<512xi32, #tpu.memory_space<vmem>>, vector<16xi32>,
      %max3A_736 = arith.maxsi %get3A_721, %get3A_723 : vector<16xi32>
      %max3A_737 = arith.maxsi %get3A_725, %get3A_727 : vector<16xi32>
      %max3A_738 = arith.maxsi %get3A_729, %get3A_731 : vector<16xi32>
      %max3A_739 = arith.maxsi %get3A_733, %get3A_735 : vector<16xi32>
      %max3A_740 = arith.maxsi %max3A_736, %max3A_737 : vector<16xi32>
      %max3A_741 = arith.maxsi %max3A_738, %max3A_739 : vector<16xi32>
      %max3A_742 = arith.maxsi %max3A_740, %max3A_741 : vector<16xi32>
      %get3A_743 = arith.constant 128 : index
      %get3A_744 = tpu.vector_load %arg13[%get3A_743] {strides = array<i32>} : memref<512xi32, #tpu.memory_space<vmem>>, vector<16xi32>,
      %get3A_745 = arith.constant 144 : index
      %get3A_746 = tpu.vector_load %arg13[%get3A_745] {strides = array<i32>} : memref<512xi32, #tpu.memory_space<vmem>>, vector<16xi32>,
      %get3A_747 = arith.constant 160 : index
      %get3A_748 = tpu.vector_load %arg13[%get3A_747] {strides = array<i32>} : memref<512xi32, #tpu.memory_space<vmem>>, vector<16xi32>,
      %get3A_749 = arith.constant 176 : index
      %get3A_750 = tpu.vector_load %arg13[%get3A_749] {strides = array<i32>} : memref<512xi32, #tpu.memory_space<vmem>>, vector<16xi32>,
      %get3A_751 = arith.constant 192 : index
      %get3A_752 = tpu.vector_load %arg13[%get3A_751] {strides = array<i32>} : memref<512xi32, #tpu.memory_space<vmem>>, vector<16xi32>,
      %get3A_753 = arith.constant 208 : index
      %get3A_754 = tpu.vector_load %arg13[%get3A_753] {strides = array<i32>} : memref<512xi32, #tpu.memory_space<vmem>>, vector<16xi32>,
      %get3A_755 = arith.constant 224 : index
      %get3A_756 = tpu.vector_load %arg13[%get3A_755] {strides = array<i32>} : memref<512xi32, #tpu.memory_space<vmem>>, vector<16xi32>,
      %get3A_757 = arith.constant 240 : index
      %get3A_758 = tpu.vector_load %arg13[%get3A_757] {strides = array<i32>} : memref<512xi32, #tpu.memory_space<vmem>>, vector<16xi32>,
      %max3A_759 = arith.maxsi %get3A_744, %get3A_746 : vector<16xi32>
      %max3A_760 = arith.maxsi %get3A_748, %get3A_750 : vector<16xi32>
      %max3A_761 = arith.maxsi %get3A_752, %get3A_754 : vector<16xi32>
      %max3A_762 = arith.maxsi %get3A_756, %get3A_758 : vector<16xi32>
      %max3A_763 = arith.maxsi %max3A_759, %max3A_760 : vector<16xi32>
      %max3A_764 = arith.maxsi %max3A_761, %max3A_762 : vector<16xi32>
      %max3A_765 = arith.maxsi %max3A_763, %max3A_764 : vector<16xi32>
      %get3A_766 = arith.constant 256 : index
      %get3A_767 = tpu.vector_load %arg13[%get3A_766] {strides = array<i32>} : memref<512xi32, #tpu.memory_space<vmem>>, vector<16xi32>,
      %get3A_768 = arith.constant 272 : index
      %get3A_769 = tpu.vector_load %arg13[%get3A_768] {strides = array<i32>} : memref<512xi32, #tpu.memory_space<vmem>>, vector<16xi32>,
      %get3A_770 = arith.constant 288 : index
      %get3A_771 = tpu.vector_load %arg13[%get3A_770] {strides = array<i32>} : memref<512xi32, #tpu.memory_space<vmem>>, vector<16xi32>,
      %get3A_772 = arith.constant 304 : index
      %get3A_773 = tpu.vector_load %arg13[%get3A_772] {strides = array<i32>} : memref<512xi32, #tpu.memory_space<vmem>>, vector<16xi32>,
      %get3A_774 = arith.constant 320 : index
      %get3A_775 = tpu.vector_load %arg13[%get3A_774] {strides = array<i32>} : memref<512xi32, #tpu.memory_space<vmem>>, vector<16xi32>,
      %get3A_776 = arith.constant 336 : index
      %get3A_777 = tpu.vector_load %arg13[%get3A_776] {strides = array<i32>} : memref<512xi32, #tpu.memory_space<vmem>>, vector<16xi32>,
      %get3A_778 = arith.constant 352 : index
      %get3A_779 = tpu.vector_load %arg13[%get3A_778] {strides = array<i32>} : memref<512xi32, #tpu.memory_space<vmem>>, vector<16xi32>,
      %get3A_780 = arith.constant 368 : index
      %get3A_781 = tpu.vector_load %arg13[%get3A_780] {strides = array<i32>} : memref<512xi32, #tpu.memory_space<vmem>>, vector<16xi32>,
      %max3A_782 = arith.maxsi %get3A_767, %get3A_769 : vector<16xi32>
      %max3A_783 = arith.maxsi %get3A_771, %get3A_773 : vector<16xi32>
      %max3A_784 = arith.maxsi %get3A_775, %get3A_777 : vector<16xi32>
      %max3A_785 = arith.maxsi %get3A_779, %get3A_781 : vector<16xi32>
      %max3A_786 = arith.maxsi %max3A_782, %max3A_783 : vector<16xi32>
      %max3A_787 = arith.maxsi %max3A_784, %max3A_785 : vector<16xi32>
      %max3A_788 = arith.maxsi %max3A_786, %max3A_787 : vector<16xi32>
      %get3A_789 = arith.constant 384 : index
      %get3A_790 = tpu.vector_load %arg13[%get3A_789] {strides = array<i32>} : memref<512xi32, #tpu.memory_space<vmem>>, vector<16xi32>,
      %get3A_791 = arith.constant 400 : index
      %get3A_792 = tpu.vector_load %arg13[%get3A_791] {strides = array<i32>} : memref<512xi32, #tpu.memory_space<vmem>>, vector<16xi32>,
      %get3A_793 = arith.constant 416 : index
      %get3A_794 = tpu.vector_load %arg13[%get3A_793] {strides = array<i32>} : memref<512xi32, #tpu.memory_space<vmem>>, vector<16xi32>,
      %get3A_795 = arith.constant 432 : index
      %get3A_796 = tpu.vector_load %arg13[%get3A_795] {strides = array<i32>} : memref<512xi32, #tpu.memory_space<vmem>>, vector<16xi32>,
      %get3A_797 = arith.constant 448 : index
      %get3A_798 = tpu.vector_load %arg13[%get3A_797] {strides = array<i32>} : memref<512xi32, #tpu.memory_space<vmem>>, vector<16xi32>,
      %get3A_799 = arith.constant 464 : index
      %get3A_800 = tpu.vector_load %arg13[%get3A_799] {strides = array<i32>} : memref<512xi32, #tpu.memory_space<vmem>>, vector<16xi32>,
      %get3A_801 = arith.constant 480 : index
      %get3A_802 = tpu.vector_load %arg13[%get3A_801] {strides = array<i32>} : memref<512xi32, #tpu.memory_space<vmem>>, vector<16xi32>,
      %get3A_803 = arith.constant 496 : index
      %get3A_804 = tpu.vector_load %arg13[%get3A_803] {strides = array<i32>} : memref<512xi32, #tpu.memory_space<vmem>>, vector<16xi32>,
      %max3A_805 = arith.maxsi %get3A_790, %get3A_792 : vector<16xi32>
      %max3A_806 = arith.maxsi %get3A_794, %get3A_796 : vector<16xi32>
      %max3A_807 = arith.maxsi %get3A_798, %get3A_800 : vector<16xi32>
      %max3A_808 = arith.maxsi %get3A_802, %get3A_804 : vector<16xi32>
      %max3A_809 = arith.maxsi %max3A_805, %max3A_806 : vector<16xi32>
      %max3A_810 = arith.maxsi %max3A_807, %max3A_808 : vector<16xi32>
      %max3A_811 = arith.maxsi %max3A_809, %max3A_810 : vector<16xi32>
      %swap3A_812 = arith.constant 400 : index
      %swap3A_813 = tpu.vector_load %arg14[%swap3A_812] {strides = array<i32>} : memref<512xi32, #tpu.memory_space<vmem>>, vector<16xi32>,
      tpu.vector_store %arg14[%swap3A_812], %broadcast_in_dim3A_1 {strides = array<i32>} : memref<512xi32, #tpu.memory_space<vmem>>, vector<16xi32>,
      %swap3A_814 = arith.constant 416 : index
      %swap3A_815 = tpu.vector_load %arg14[%swap3A_814] {strides = array<i32>} : memref<512xi32, #tpu.memory_space<vmem>>, vector<16xi32>,
      tpu.vector_store %arg14[%swap3A_814], %broadcast_in_dim3A_1 {strides = array<i32>} : memref<512xi32, #tpu.memory_space<vmem>>, vector<16xi32>,
      %swap3A_816 = arith.constant 432 : index
      %swap3A_817 = tpu.vector_load %arg14[%swap3A_816] {strides = array<i32>} : memref<512xi32, #tpu.memory_space<vmem>>, vector<16xi32>,
      tpu.vector_store %arg14[%swap3A_816], %broadcast_in_dim3A_1 {strides = array<i32>} : memref<512xi32, #tpu.memory_space<vmem>>, vector<16xi32>,
      %swap3A_818 = arith.constant 448 : index
      %swap3A_819 = tpu.vector_load %arg14[%swap3A_818] {strides = array<i32>} : memref<512xi32, #tpu.memory_space<vmem>>, vector<16xi32>,
      tpu.vector_store %arg14[%swap3A_818], %broadcast_in_dim3A_1 {strides = array<i32>} : memref<512xi32, #tpu.memory_space<vmem>>, vector<16xi32>,
      %swap3A_820 = arith.constant 464 : index
      %swap3A_821 = tpu.vector_load %arg14[%swap3A_820] {strides = array<i32>} : memref<512xi32, #tpu.memory_space<vmem>>, vector<16xi32>,
      tpu.vector_store %arg14[%swap3A_820], %broadcast_in_dim3A_1 {strides = array<i32>} : memref<512xi32, #tpu.memory_space<vmem>>, vector<16xi32>,
      %swap3A_822 = arith.constant 480 : index
      %swap3A_823 = tpu.vector_load %arg14[%swap3A_822] {strides = array<i32>} : memref<512xi32, #tpu.memory_space<vmem>>, vector<16xi32>,
      tpu.vector_store %arg14[%swap3A_822], %broadcast_in_dim3A_1 {strides = array<i32>} : memref<512xi32, #tpu.memory_space<vmem>>, vector<16xi32>,
      %swap3A_824 = arith.constant 496 : index
      %swap3A_825 = tpu.vector_load %arg14[%swap3A_824] {strides = array<i32>} : memref<512xi32, #tpu.memory_space<vmem>>, vector<16xi32>,
      tpu.vector_store %arg14[%swap3A_824], %broadcast_in_dim3A_1 {strides = array<i32>} : memref<512xi32, #tpu.memory_space<vmem>>, vector<16xi32>,
      %get3A_826 = arith.constant 0 : index
      %get3A_827 = tpu.vector_load %arg14[%get3A_826] {strides = array<i32>} : memref<512xi32, #tpu.memory_space<vmem>>, vector<16xi32>,
      %get3A_828 = arith.constant 16 : index
      %get3A_829 = tpu.vector_load %arg14[%get3A_828] {strides = array<i32>} : memref<512xi32, #tpu.memory_space<vmem>>, vector<16xi32>,
      %get3A_830 = arith.constant 32 : index
      %get3A_831 = tpu.vector_load %arg14[%get3A_830] {strides = array<i32>} : memref<512xi32, #tpu.memory_space<vmem>>, vector<16xi32>,
      %get3A_832 = arith.constant 48 : index
      %get3A_833 = tpu.vector_load %arg14[%get3A_832] {strides = array<i32>} : memref<512xi32, #tpu.memory_space<vmem>>, vector<16xi32>,
      %get3A_834 = arith.constant 64 : index
      %get3A_835 = tpu.vector_load %arg14[%get3A_834] {strides = array<i32>} : memref<512xi32, #tpu.memory_space<vmem>>, vector<16xi32>,
      %get3A_836 = arith.constant 80 : index
      %get3A_837 = tpu.vector_load %arg14[%get3A_836] {strides = array<i32>} : memref<512xi32, #tpu.memory_space<vmem>>, vector<16xi32>,
      %get3A_838 = arith.constant 96 : index
      %get3A_839 = tpu.vector_load %arg14[%get3A_838] {strides = array<i32>} : memref<512xi32, #tpu.memory_space<vmem>>, vector<16xi32>,
      %get3A_840 = arith.constant 112 : index
      %get3A_841 = tpu.vector_load %arg14[%get3A_840] {strides = array<i32>} : memref<512xi32, #tpu.memory_space<vmem>>, vector<16xi32>,
      %max3A_842 = arith.maxsi %get3A_827, %get3A_829 : vector<16xi32>
      %max3A_843 = arith.maxsi %get3A_831, %get3A_833 : vector<16xi32>
      %max3A_844 = arith.maxsi %get3A_835, %get3A_837 : vector<16xi32>
      %max3A_845 = arith.maxsi %get3A_839, %get3A_841 : vector<16xi32>
      %max3A_846 = arith.maxsi %max3A_842, %max3A_843 : vector<16xi32>
      %max3A_847 = arith.maxsi %max3A_844, %max3A_845 : vector<16xi32>
      %max3A_848 = arith.maxsi %max3A_846, %max3A_847 : vector<16xi32>
      %get3A_849 = arith.constant 128 : index
      %get3A_850 = tpu.vector_load %arg14[%get3A_849] {strides = array<i32>} : memref<512xi32, #tpu.memory_space<vmem>>, vector<16xi32>,
      %get3A_851 = arith.constant 144 : index
      %get3A_852 = tpu.vector_load %arg14[%get3A_851] {strides = array<i32>} : memref<512xi32, #tpu.memory_space<vmem>>, vector<16xi32>,
      %get3A_853 = arith.constant 160 : index
      %get3A_854 = tpu.vector_load %arg14[%get3A_853] {strides = array<i32>} : memref<512xi32, #tpu.memory_space<vmem>>, vector<16xi32>,
      %get3A_855 = arith.constant 176 : index
      %get3A_856 = tpu.vector_load %arg14[%get3A_855] {strides = array<i32>} : memref<512xi32, #tpu.memory_space<vmem>>, vector<16xi32>,
      %get3A_857 = arith.constant 192 : index
      %get3A_858 = tpu.vector_load %arg14[%get3A_857] {strides = array<i32>} : memref<512xi32, #tpu.memory_space<vmem>>, vector<16xi32>,
      %get3A_859 = arith.constant 208 : index
      %get3A_860 = tpu.vector_load %arg14[%get3A_859] {strides = array<i32>} : memref<512xi32, #tpu.memory_space<vmem>>, vector<16xi32>,
      %get3A_861 = arith.constant 224 : index
      %get3A_862 = tpu.vector_load %arg14[%get3A_861] {strides = array<i32>} : memref<512xi32, #tpu.memory_space<vmem>>, vector<16xi32>,
      %get3A_863 = arith.constant 240 : index
      %get3A_864 = tpu.vector_load %arg14[%get3A_863] {strides = array<i32>} : memref<512xi32, #tpu.memory_space<vmem>>, vector<16xi32>,
      %max3A_865 = arith.maxsi %get3A_850, %get3A_852 : vector<16xi32>
      %max3A_866 = arith.maxsi %get3A_854, %get3A_856 : vector<16xi32>
      %max3A_867 = arith.maxsi %get3A_858, %get3A_860 : vector<16xi32>
      %max3A_868 = arith.maxsi %get3A_862, %get3A_864 : vector<16xi32>
      %max3A_869 = arith.maxsi %max3A_865, %max3A_866 : vector<16xi32>
      %max3A_870 = arith.maxsi %max3A_867, %max3A_868 : vector<16xi32>
      %max3A_871 = arith.maxsi %max3A_869, %max3A_870 : vector<16xi32>
      %get3A_872 = arith.constant 256 : index
      %get3A_873 = tpu.vector_load %arg14[%get3A_872] {strides = array<i32>} : memref<512xi32, #tpu.memory_space<vmem>>, vector<16xi32>,
      %get3A_874 = arith.constant 272 : index
      %get3A_875 = tpu.vector_load %arg14[%get3A_874] {strides = array<i32>} : memref<512xi32, #tpu.memory_space<vmem>>, vector<16xi32>,
      %get3A_876 = arith.constant 288 : index
      %get3A_877 = tpu.vector_load %arg14[%get3A_876] {strides = array<i32>} : memref<512xi32, #tpu.memory_space<vmem>>, vector<16xi32>,
      %get3A_878 = arith.constant 304 : index
      %get3A_879 = tpu.vector_load %arg14[%get3A_878] {strides = array<i32>} : memref<512xi32, #tpu.memory_space<vmem>>, vector<16xi32>,
      %get3A_880 = arith.constant 320 : index
      %get3A_881 = tpu.vector_load %arg14[%get3A_880] {strides = array<i32>} : memref<512xi32, #tpu.memory_space<vmem>>, vector<16xi32>,
      %get3A_882 = arith.constant 336 : index
      %get3A_883 = tpu.vector_load %arg14[%get3A_882] {strides = array<i32>} : memref<512xi32, #tpu.memory_space<vmem>>, vector<16xi32>,
      %get3A_884 = arith.constant 352 : index
      %get3A_885 = tpu.vector_load %arg14[%get3A_884] {strides = array<i32>} : memref<512xi32, #tpu.memory_space<vmem>>, vector<16xi32>,
      %get3A_886 = arith.constant 368 : index
      %get3A_887 = tpu.vector_load %arg14[%get3A_886] {strides = array<i32>} : memref<512xi32, #tpu.memory_space<vmem>>, vector<16xi32>,
      %max3A_888 = arith.maxsi %get3A_873, %get3A_875 : vector<16xi32>
      %max3A_889 = arith.maxsi %get3A_877, %get3A_879 : vector<16xi32>
      %max3A_890 = arith.maxsi %get3A_881, %get3A_883 : vector<16xi32>
      %max3A_891 = arith.maxsi %get3A_885, %get3A_887 : vector<16xi32>
      %max3A_892 = arith.maxsi %max3A_888, %max3A_889 : vector<16xi32>
      %max3A_893 = arith.maxsi %max3A_890, %max3A_891 : vector<16xi32>
      %max3A_894 = arith.maxsi %max3A_892, %max3A_893 : vector<16xi32>
      %get3A_895 = arith.constant 384 : index
      %get3A_896 = tpu.vector_load %arg14[%get3A_895] {strides = array<i32>} : memref<512xi32, #tpu.memory_space<vmem>>, vector<16xi32>,
      %get3A_897 = arith.constant 400 : index
      %get3A_898 = tpu.vector_load %arg14[%get3A_897] {strides = array<i32>} : memref<512xi32, #tpu.memory_space<vmem>>, vector<16xi32>,
      %get3A_899 = arith.constant 416 : index
      %get3A_900 = tpu.vector_load %arg14[%get3A_899] {strides = array<i32>} : memref<512xi32, #tpu.memory_space<vmem>>, vector<16xi32>,
      %get3A_901 = arith.constant 432 : index
      %get3A_902 = tpu.vector_load %arg14[%get3A_901] {strides = array<i32>} : memref<512xi32, #tpu.memory_space<vmem>>, vector<16xi32>,
      %get3A_903 = arith.constant 448 : index
      %get3A_904 = tpu.vector_load %arg14[%get3A_903] {strides = array<i32>} : memref<512xi32, #tpu.memory_space<vmem>>, vector<16xi32>,
      %get3A_905 = arith.constant 464 : index
      %get3A_906 = tpu.vector_load %arg14[%get3A_905] {strides = array<i32>} : memref<512xi32, #tpu.memory_space<vmem>>, vector<16xi32>,
      %get3A_907 = arith.constant 480 : index
      %get3A_908 = tpu.vector_load %arg14[%get3A_907] {strides = array<i32>} : memref<512xi32, #tpu.memory_space<vmem>>, vector<16xi32>,
      %get3A_909 = arith.constant 496 : index
      %get3A_910 = tpu.vector_load %arg14[%get3A_909] {strides = array<i32>} : memref<512xi32, #tpu.memory_space<vmem>>, vector<16xi32>,
      %max3A_911 = arith.maxsi %get3A_896, %get3A_898 : vector<16xi32>
      %max3A_912 = arith.maxsi %get3A_900, %get3A_902 : vector<16xi32>
      %max3A_913 = arith.maxsi %get3A_904, %get3A_906 : vector<16xi32>
      %max3A_914 = arith.maxsi %get3A_908, %get3A_910 : vector<16xi32>
      %max3A_915 = arith.maxsi %max3A_911, %max3A_912 : vector<16xi32>
      %max3A_916 = arith.maxsi %max3A_913, %max3A_914 : vector<16xi32>
      %max3A_917 = arith.maxsi %max3A_915, %max3A_916 : vector<16xi32>
      %scan3A_918 = arith.constant 0 : i32
      %scan3A_919 = arith.constant 50 : i32
      %scan3A_920 = arith.addi %scan3A_918, %scan3A_919 : i32
      %scan3A_921 = arith.constant 1 : i32
      %scan3A_922:16 = scf.for %scan3A_929 = %scan3A_918 to %scan3A_920 step %scan3A_921 iter_args(%scan3A_930 = %max3A_530, %scan3A_931 = %max3A_553, %scan3A_932 = %max3A_576, %scan3A_933 = %max3A_599, %scan3A_934 = %max3A_636, %scan3A_935 = %max3A_659, %scan3A_936 = %max3A_682, %scan3A_937 = %max3A_705, %scan3A_938 = %max3A_742, %scan3A_939 = %max3A_765, %scan3A_940 = %max3A_788, %scan3A_941 = %max3A_811, %scan3A_942 = %max3A_848, %scan3A_943 = %max3A_871, %scan3A_944 = %max3A_894, %scan3A_945 = %max3A_917) -> (vector<16xi32>, vector<16xi32>, vector<16xi32>, vector<16xi32>, vector<16xi32>, vector<16xi32>, vector<16xi32>, vector<16xi32>, vector<16xi32>, vector<16xi32>, vector<16xi32>, vector<16xi32>, vector<16xi32>, vector<16xi32>, vector<16xi32>, vector<16xi32>)  : i32 {
        %max3A_946 = arith.maxsi %scan3A_930, %scan3A_931 : vector<16xi32>
        %max3A_947 = arith.maxsi %scan3A_932, %scan3A_933 : vector<16xi32>
        %max3A_948 = arith.maxsi %max3A_946, %max3A_947 : vector<16xi32>
        %and3A = arith.constant 255 : i32
        %and3A_949 = vector.broadcast %and3A : i32 to vector<16xi32>
        %and3A_950 = arith.andi %max3A_948, %and3A_949 : vector<16xi32>
        %sub3A = arith.constant 255 : i32
        %sub3A_951 = vector.broadcast %sub3A : i32 to vector<16xi32>
        %sub3A_952 = arith.subi %sub3A_951, %and3A_950 : vector<16xi32>
        %mul3A_953 = arith.constant 64 : i32
        %mul3A_954 = vector.broadcast %mul3A_953 : i32 to vector<16xi32>
        %mul3A_955 = arith.muli %sub3A_952, %mul3A_954 : vector<16xi32>
        %add3A_956 = arith.constant 0 : i32
        %add3A_957 = vector.broadcast %add3A_956 : i32 to vector<16xi32>
        %add3A_958 = arith.addi %mul3A_955, %add3A_957 : vector<16xi32>
        %add3A_959 = arith.addi %add3A_958, %iota3A : vector<16xi32>
        %gather3A = tpu.vector_load_idx %arg5[%add3A_959] : memref<12800xf32, #tpu.memory_space<vmem>>[vector<16xi32>], vector<16xf32>,
        %mul3A_960 = arith.constant 64 : i32
        %mul3A_961 = arith.muli %scan3A_929, %mul3A_960 : i32
        %add3A_962 = arith.constant 0 : i32
        %add3A_963 = arith.addi %mul3A_961, %add3A_962 : i32
        %swap3A_964 = arith.index_cast %add3A_963 : i32 to index
        %swap3A_965 = tpu.vector_load %arg6[%swap3A_964] {strides = array<i32>} : memref<3200xf32, #tpu.memory_space<vmem>>, vector<16xf32>,
        tpu.vector_store %arg6[%swap3A_964], %gather3A {strides = array<i32>} : memref<3200xf32, #tpu.memory_space<vmem>>, vector<16xf32>,
        %mul3A_966 = arith.constant 16 : i32
        %mul3A_967 = vector.broadcast %mul3A_966 : i32 to vector<16xi32>
        %mul3A_968 = arith.muli %sub3A_952, %mul3A_967 : vector<16xi32>
        %add3A_969 = arith.addi %mul3A_968, %iota3A : vector<16xi32>
        tpu.vector_store_idx %arg7[%add3A_969], %broadcast_in_dim3A_1 : memref<3200xi32, #tpu.memory_space<vmem>>[vector<16xi32>], vector<16xi32>,
        %shift_right_arithmetic3A = arith.constant 3 : i32
        %shift_right_arithmetic3A_970 = vector.broadcast %shift_right_arithmetic3A : i32 to vector<16xi32>
        %shift_right_arithmetic3A_971 = arith.shrsi %sub3A_952, %shift_right_arithmetic3A_970 : vector<16xi32>
        %shift_right_arithmetic3A_972 = arith.constant 6 : i32
        %shift_right_arithmetic3A_973 = vector.broadcast %shift_right_arithmetic3A_972 : i32 to vector<16xi32>
        %shift_right_arithmetic3A_974 = arith.shrsi %sub3A_952, %shift_right_arithmetic3A_973 : vector<16xi32>
        %mul3A_975 = arith.constant 128 : i32
        %mul3A_976 = vector.broadcast %mul3A_975 : i32 to vector<16xi32>
        %mul3A_977 = arith.muli %shift_right_arithmetic3A_971, %mul3A_976 : vector<16xi32>
        %add3A_978 = arith.addi %mul3A_977, %iota3A : vector<16xi32>
        %add3A_979 = arith.constant 0 : i32
        %add3A_980 = vector.broadcast %add3A_979 : i32 to vector<16xi32>
        %add3A_981 = arith.addi %add3A_978, %add3A_980 : vector<16xi32>
        %gather3A_982 = tpu.vector_load_idx %arg7[%add3A_981] : memref<3200xi32, #tpu.memory_space<vmem>>[vector<16xi32>], vector<16xi32>,
        %add3A_983 = arith.constant 16 : i32
        %add3A_984 = vector.broadcast %add3A_983 : i32 to vector<16xi32>
        %add3A_985 = arith.addi %add3A_978, %add3A_984 : vector<16xi32>
        %gather3A_986 = tpu.vector_load_idx %arg7[%add3A_985] : memref<3200xi32, #tpu.memory_space<vmem>>[vector<16xi32>], vector<16xi32>,
        %add3A_987 = arith.constant 32 : i32
        %add3A_988 = vector.broadcast %add3A_987 : i32 to vector<16xi32>
        %add3A_989 = arith.addi %add3A_978, %add3A_988 : vector<16xi32>
        %gather3A_990 = tpu.vector_load_idx %arg7[%add3A_989] : memref<3200xi32, #tpu.memory_space<vmem>>[vector<16xi32>], vector<16xi32>,
        %add3A_991 = arith.constant 48 : i32
        %add3A_992 = vector.broadcast %add3A_991 : i32 to vector<16xi32>
        %add3A_993 = arith.addi %add3A_978, %add3A_992 : vector<16xi32>
        %gather3A_994 = tpu.vector_load_idx %arg7[%add3A_993] : memref<3200xi32, #tpu.memory_space<vmem>>[vector<16xi32>], vector<16xi32>,
        %add3A_995 = arith.constant 64 : i32
        %add3A_996 = vector.broadcast %add3A_995 : i32 to vector<16xi32>
        %add3A_997 = arith.addi %add3A_978, %add3A_996 : vector<16xi32>
        %gather3A_998 = tpu.vector_load_idx %arg7[%add3A_997] : memref<3200xi32, #tpu.memory_space<vmem>>[vector<16xi32>], vector<16xi32>,
        %add3A_999 = arith.constant 80 : i32
        %add3A_1000 = vector.broadcast %add3A_999 : i32 to vector<16xi32>
        %add3A_1001 = arith.addi %add3A_978, %add3A_1000 : vector<16xi32>
        %gather3A_1002 = tpu.vector_load_idx %arg7[%add3A_1001] : memref<3200xi32, #tpu.memory_space<vmem>>[vector<16xi32>], vector<16xi32>,
        %add3A_1003 = arith.constant 96 : i32
        %add3A_1004 = vector.broadcast %add3A_1003 : i32 to vector<16xi32>
        %add3A_1005 = arith.addi %add3A_978, %add3A_1004 : vector<16xi32>
        %gather3A_1006 = tpu.vector_load_idx %arg7[%add3A_1005] : memref<3200xi32, #tpu.memory_space<vmem>>[vector<16xi32>], vector<16xi32>,
        %add3A_1007 = arith.constant 112 : i32
        %add3A_1008 = vector.broadcast %add3A_1007 : i32 to vector<16xi32>
        %add3A_1009 = arith.addi %add3A_978, %add3A_1008 : vector<16xi32>
        %gather3A_1010 = tpu.vector_load_idx %arg7[%add3A_1009] : memref<3200xi32, #tpu.memory_space<vmem>>[vector<16xi32>], vector<16xi32>,
        %mul3A_1011 = arith.constant 16 : i32
        %mul3A_1012 = vector.broadcast %mul3A_1011 : i32 to vector<16xi32>
        %mul3A_1013 = arith.muli %shift_right_arithmetic3A_971, %mul3A_1012 : vector<16xi32>
        %add3A_1014 = arith.addi %mul3A_1013, %iota3A : vector<16xi32>
        %max3A_1015 = arith.maxsi %gather3A_982, %gather3A_986 : vector<16xi32>
        %max3A_1016 = arith.maxsi %gather3A_990, %gather3A_994 : vector<16xi32>
        %max3A_1017 = arith.maxsi %gather3A_998, %gather3A_1002 : vector<16xi32>
        %max3A_1018 = arith.maxsi %gather3A_1006, %gather3A_1010 : vector<16xi32>
        %max3A_1019 = arith.maxsi %max3A_1015, %max3A_1016 : vector<16xi32>
        %max3A_1020 = arith.maxsi %max3A_1017, %max3A_1018 : vector<16xi32>
        %max3A_1021 = arith.maxsi %max3A_1019, %max3A_1020 : vector<16xi32>
        tpu.vector_store_idx %arg11[%add3A_1014], %max3A_1021 : memref<512xi32, #tpu.memory_space<vmem>>[vector<16xi32>], vector<16xi32>,
        %mul3A_1022 = arith.constant 128 : i32
        %mul3A_1023 = vector.broadcast %mul3A_1022 : i32 to vector<16xi32>
        %mul3A_1024 = arith.muli %shift_right_arithmetic3A_974, %mul3A_1023 : vector<16xi32>
        %add3A_1025 = arith.addi %mul3A_1024, %iota3A : vector<16xi32>
        %add3A_1026 = arith.constant 0 : i32
        %add3A_1027 = vector.broadcast %add3A_1026 : i32 to vector<16xi32>
        %add3A_1028 = arith.addi %add3A_1025, %add3A_1027 : vector<16xi32>
        %gather3A_1029 = tpu.vector_load_idx %arg11[%add3A_1028] : memref<512xi32, #tpu.memory_space<vmem>>[vector<16xi32>], vector<16xi32>,
        %add3A_1030 = arith.constant 16 : i32
        %add3A_1031 = vector.broadcast %add3A_1030 : i32 to vector<16xi32>
        %add3A_1032 = arith.addi %add3A_1025, %add3A_1031 : vector<16xi32>
        %gather3A_1033 = tpu.vector_load_idx %arg11[%add3A_1032] : memref<512xi32, #tpu.memory_space<vmem>>[vector<16xi32>], vector<16xi32>,
        %add3A_1034 = arith.constant 32 : i32
        %add3A_1035 = vector.broadcast %add3A_1034 : i32 to vector<16xi32>
        %add3A_1036 = arith.addi %add3A_1025, %add3A_1035 : vector<16xi32>
        %gather3A_1037 = tpu.vector_load_idx %arg11[%add3A_1036] : memref<512xi32, #tpu.memory_space<vmem>>[vector<16xi32>], vector<16xi32>,
        %add3A_1038 = arith.constant 48 : i32
        %add3A_1039 = vector.broadcast %add3A_1038 : i32 to vector<16xi32>
        %add3A_1040 = arith.addi %add3A_1025, %add3A_1039 : vector<16xi32>
        %gather3A_1041 = tpu.vector_load_idx %arg11[%add3A_1040] : memref<512xi32, #tpu.memory_space<vmem>>[vector<16xi32>], vector<16xi32>,
        %add3A_1042 = arith.constant 64 : i32
        %add3A_1043 = vector.broadcast %add3A_1042 : i32 to vector<16xi32>
        %add3A_1044 = arith.addi %add3A_1025, %add3A_1043 : vector<16xi32>
        %gather3A_1045 = tpu.vector_load_idx %arg11[%add3A_1044] : memref<512xi32, #tpu.memory_space<vmem>>[vector<16xi32>], vector<16xi32>,
        %add3A_1046 = arith.constant 80 : i32
        %add3A_1047 = vector.broadcast %add3A_1046 : i32 to vector<16xi32>
        %add3A_1048 = arith.addi %add3A_1025, %add3A_1047 : vector<16xi32>
        %gather3A_1049 = tpu.vector_load_idx %arg11[%add3A_1048] : memref<512xi32, #tpu.memory_space<vmem>>[vector<16xi32>], vector<16xi32>,
        %add3A_1050 = arith.constant 96 : i32
        %add3A_1051 = vector.broadcast %add3A_1050 : i32 to vector<16xi32>
        %add3A_1052 = arith.addi %add3A_1025, %add3A_1051 : vector<16xi32>
        %gather3A_1053 = tpu.vector_load_idx %arg11[%add3A_1052] : memref<512xi32, #tpu.memory_space<vmem>>[vector<16xi32>], vector<16xi32>,
        %add3A_1054 = arith.constant 112 : i32
        %add3A_1055 = vector.broadcast %add3A_1054 : i32 to vector<16xi32>
        %add3A_1056 = arith.addi %add3A_1025, %add3A_1055 : vector<16xi32>
        %gather3A_1057 = tpu.vector_load_idx %arg11[%add3A_1056] : memref<512xi32, #tpu.memory_space<vmem>>[vector<16xi32>], vector<16xi32>,
        %max3A_1058 = arith.maxsi %gather3A_1029, %gather3A_1033 : vector<16xi32>
        %max3A_1059 = arith.maxsi %gather3A_1037, %gather3A_1041 : vector<16xi32>
        %max3A_1060 = arith.maxsi %gather3A_1045, %gather3A_1049 : vector<16xi32>
        %max3A_1061 = arith.maxsi %gather3A_1053, %gather3A_1057 : vector<16xi32>
        %max3A_1062 = arith.maxsi %max3A_1058, %max3A_1059 : vector<16xi32>
        %max3A_1063 = arith.maxsi %max3A_1060, %max3A_1061 : vector<16xi32>
        %max3A_1064 = arith.maxsi %max3A_1062, %max3A_1063 : vector<16xi32>
        %eq3A = arith.constant 0 : i32
        %eq3A_1065 = vector.broadcast %eq3A : i32 to vector<16xi32>
        %eq3A_1066 = arith.cmpi eq, %shift_right_arithmetic3A_974, %eq3A_1065 : vector<16xi32>
        %select_n3A = arith.select %eq3A_1066, %max3A_1064, %scan3A_930 : vector<16xi1>, vector<16xi32>
        %eq3A_1067 = arith.constant 1 : i32
        %eq3A_1068 = vector.broadcast %eq3A_1067 : i32 to vector<16xi32>
        %eq3A_1069 = arith.cmpi eq, %shift_right_arithmetic3A_974, %eq3A_1068 : vector<16xi32>
        %select_n3A_1070 = arith.select %eq3A_1069, %max3A_1064, %scan3A_931 : vector<16xi1>, vector<16xi32>
        %eq3A_1071 = arith.constant 2 : i32
        %eq3A_1072 = vector.broadcast %eq3A_1071 : i32 to vector<16xi32>
        %eq3A_1073 = arith.cmpi eq, %shift_right_arithmetic3A_974, %eq3A_1072 : vector<16xi32>
        %select_n3A_1074 = arith.select %eq3A_1073, %max3A_1064, %scan3A_932 : vector<16xi1>, vector<16xi32>
        %eq3A_1075 = arith.constant 3 : i32
        %eq3A_1076 = vector.broadcast %eq3A_1075 : i32 to vector<16xi32>
        %eq3A_1077 = arith.cmpi eq, %shift_right_arithmetic3A_974, %eq3A_1076 : vector<16xi32>
        %select_n3A_1078 = arith.select %eq3A_1077, %max3A_1064, %scan3A_933 : vector<16xi1>, vector<16xi32>
        %max3A_1079 = arith.maxsi %scan3A_934, %scan3A_935 : vector<16xi32>
        %max3A_1080 = arith.maxsi %scan3A_936, %scan3A_937 : vector<16xi32>
        %max3A_1081 = arith.maxsi %max3A_1079, %max3A_1080 : vector<16xi32>
        %and3A_1082 = arith.constant 255 : i32
        %and3A_1083 = vector.broadcast %and3A_1082 : i32 to vector<16xi32>
        %and3A_1084 = arith.andi %max3A_1081, %and3A_1083 : vector<16xi32>
        %sub3A_1085 = arith.constant 255 : i32
        %sub3A_1086 = vector.broadcast %sub3A_1085 : i32 to vector<16xi32>
        %sub3A_1087 = arith.subi %sub3A_1086, %and3A_1084 : vector<16xi32>
        %mul3A_1088 = arith.constant 64 : i32
        %mul3A_1089 = vector.broadcast %mul3A_1088 : i32 to vector<16xi32>
        %mul3A_1090 = arith.muli %sub3A_1087, %mul3A_1089 : vector<16xi32>
        %add3A_1091 = arith.constant 16 : i32
        %add3A_1092 = vector.broadcast %add3A_1091 : i32 to vector<16xi32>
        %add3A_1093 = arith.addi %mul3A_1090, %add3A_1092 : vector<16xi32>
        %add3A_1094 = arith.addi %add3A_1093, %iota3A : vector<16xi32>
        %gather3A_1095 = tpu.vector_load_idx %arg5[%add3A_1094] : memref<12800xf32, #tpu.memory_space<vmem>>[vector<16xi32>], vector<16xf32>,
        %mul3A_1096 = arith.constant 64 : i32
        %mul3A_1097 = arith.muli %scan3A_929, %mul3A_1096 : i32
        %add3A_1098 = arith.constant 16 : i32
        %add3A_1099 = arith.addi %mul3A_1097, %add3A_1098 : i32
        %swap3A_1100 = arith.index_cast %add3A_1099 : i32 to index
        %swap3A_1101 = tpu.vector_load %arg6[%swap3A_1100] {strides = array<i32>} : memref<3200xf32, #tpu.memory_space<vmem>>, vector<16xf32>,
        tpu.vector_store %arg6[%swap3A_1100], %gather3A_1095 {strides = array<i32>} : memref<3200xf32, #tpu.memory_space<vmem>>, vector<16xf32>,
        %mul3A_1102 = arith.constant 16 : i32
        %mul3A_1103 = vector.broadcast %mul3A_1102 : i32 to vector<16xi32>
        %mul3A_1104 = arith.muli %sub3A_1087, %mul3A_1103 : vector<16xi32>
        %add3A_1105 = arith.addi %mul3A_1104, %iota3A : vector<16xi32>
        tpu.vector_store_idx %arg8[%add3A_1105], %broadcast_in_dim3A_1 : memref<3200xi32, #tpu.memory_space<vmem>>[vector<16xi32>], vector<16xi32>,
        %shift_right_arithmetic3A_1106 = arith.constant 3 : i32
        %shift_right_arithmetic3A_1107 = vector.broadcast %shift_right_arithmetic3A_1106 : i32 to vector<16xi32>
        %shift_right_arithmetic3A_1108 = arith.shrsi %sub3A_1087, %shift_right_arithmetic3A_1107 : vector<16xi32>
        %shift_right_arithmetic3A_1109 = arith.constant 6 : i32
        %shift_right_arithmetic3A_1110 = vector.broadcast %shift_right_arithmetic3A_1109 : i32 to vector<16xi32>
        %shift_right_arithmetic3A_1111 = arith.shrsi %sub3A_1087, %shift_right_arithmetic3A_1110 : vector<16xi32>
        %mul3A_1112 = arith.constant 128 : i32
        %mul3A_1113 = vector.broadcast %mul3A_1112 : i32 to vector<16xi32>
        %mul3A_1114 = arith.muli %shift_right_arithmetic3A_1108, %mul3A_1113 : vector<16xi32>
        %add3A_1115 = arith.addi %mul3A_1114, %iota3A : vector<16xi32>
        %add3A_1116 = arith.constant 0 : i32
        %add3A_1117 = vector.broadcast %add3A_1116 : i32 to vector<16xi32>
        %add3A_1118 = arith.addi %add3A_1115, %add3A_1117 : vector<16xi32>
        %gather3A_1119 = tpu.vector_load_idx %arg8[%add3A_1118] : memref<3200xi32, #tpu.memory_space<vmem>>[vector<16xi32>], vector<16xi32>,
        %add3A_1120 = arith.constant 16 : i32
        %add3A_1121 = vector.broadcast %add3A_1120 : i32 to vector<16xi32>
        %add3A_1122 = arith.addi %add3A_1115, %add3A_1121 : vector<16xi32>
        %gather3A_1123 = tpu.vector_load_idx %arg8[%add3A_1122] : memref<3200xi32, #tpu.memory_space<vmem>>[vector<16xi32>], vector<16xi32>,
        %add3A_1124 = arith.constant 32 : i32
        %add3A_1125 = vector.broadcast %add3A_1124 : i32 to vector<16xi32>
        %add3A_1126 = arith.addi %add3A_1115, %add3A_1125 : vector<16xi32>
        %gather3A_1127 = tpu.vector_load_idx %arg8[%add3A_1126] : memref<3200xi32, #tpu.memory_space<vmem>>[vector<16xi32>], vector<16xi32>,
        %add3A_1128 = arith.constant 48 : i32
        %add3A_1129 = vector.broadcast %add3A_1128 : i32 to vector<16xi32>
        %add3A_1130 = arith.addi %add3A_1115, %add3A_1129 : vector<16xi32>
        %gather3A_1131 = tpu.vector_load_idx %arg8[%add3A_1130] : memref<3200xi32, #tpu.memory_space<vmem>>[vector<16xi32>], vector<16xi32>,
        %add3A_1132 = arith.constant 64 : i32
        %add3A_1133 = vector.broadcast %add3A_1132 : i32 to vector<16xi32>
        %add3A_1134 = arith.addi %add3A_1115, %add3A_1133 : vector<16xi32>
        %gather3A_1135 = tpu.vector_load_idx %arg8[%add3A_1134] : memref<3200xi32, #tpu.memory_space<vmem>>[vector<16xi32>], vector<16xi32>,
        %add3A_1136 = arith.constant 80 : i32
        %add3A_1137 = vector.broadcast %add3A_1136 : i32 to vector<16xi32>
        %add3A_1138 = arith.addi %add3A_1115, %add3A_1137 : vector<16xi32>
        %gather3A_1139 = tpu.vector_load_idx %arg8[%add3A_1138] : memref<3200xi32, #tpu.memory_space<vmem>>[vector<16xi32>], vector<16xi32>,
        %add3A_1140 = arith.constant 96 : i32
        %add3A_1141 = vector.broadcast %add3A_1140 : i32 to vector<16xi32>
        %add3A_1142 = arith.addi %add3A_1115, %add3A_1141 : vector<16xi32>
        %gather3A_1143 = tpu.vector_load_idx %arg8[%add3A_1142] : memref<3200xi32, #tpu.memory_space<vmem>>[vector<16xi32>], vector<16xi32>,
        %add3A_1144 = arith.constant 112 : i32
        %add3A_1145 = vector.broadcast %add3A_1144 : i32 to vector<16xi32>
        %add3A_1146 = arith.addi %add3A_1115, %add3A_1145 : vector<16xi32>
        %gather3A_1147 = tpu.vector_load_idx %arg8[%add3A_1146] : memref<3200xi32, #tpu.memory_space<vmem>>[vector<16xi32>], vector<16xi32>,
        %mul3A_1148 = arith.constant 16 : i32
        %mul3A_1149 = vector.broadcast %mul3A_1148 : i32 to vector<16xi32>
        %mul3A_1150 = arith.muli %shift_right_arithmetic3A_1108, %mul3A_1149 : vector<16xi32>
        %add3A_1151 = arith.addi %mul3A_1150, %iota3A : vector<16xi32>
        %max3A_1152 = arith.maxsi %gather3A_1119, %gather3A_1123 : vector<16xi32>
        %max3A_1153 = arith.maxsi %gather3A_1127, %gather3A_1131 : vector<16xi32>
        %max3A_1154 = arith.maxsi %gather3A_1135, %gather3A_1139 : vector<16xi32>
        %max3A_1155 = arith.maxsi %gather3A_1143, %gather3A_1147 : vector<16xi32>
        %max3A_1156 = arith.maxsi %max3A_1152, %max3A_1153 : vector<16xi32>
        %max3A_1157 = arith.maxsi %max3A_1154, %max3A_1155 : vector<16xi32>
        %max3A_1158 = arith.maxsi %max3A_1156, %max3A_1157 : vector<16xi32>
        tpu.vector_store_idx %arg12[%add3A_1151], %max3A_1158 : memref<512xi32, #tpu.memory_space<vmem>>[vector<16xi32>], vector<16xi32>,
        %mul3A_1159 = arith.constant 128 : i32
        %mul3A_1160 = vector.broadcast %mul3A_1159 : i32 to vector<16xi32>
        %mul3A_1161 = arith.muli %shift_right_arithmetic3A_1111, %mul3A_1160 : vector<16xi32>
        %add3A_1162 = arith.addi %mul3A_1161, %iota3A : vector<16xi32>
        %add3A_1163 = arith.constant 0 : i32
        %add3A_1164 = vector.broadcast %add3A_1163 : i32 to vector<16xi32>
        %add3A_1165 = arith.addi %add3A_1162, %add3A_1164 : vector<16xi32>
        %gather3A_1166 = tpu.vector_load_idx %arg12[%add3A_1165] : memref<512xi32, #tpu.memory_space<vmem>>[vector<16xi32>], vector<16xi32>,
        %add3A_1167 = arith.constant 16 : i32
        %add3A_1168 = vector.broadcast %add3A_1167 : i32 to vector<16xi32>
        %add3A_1169 = arith.addi %add3A_1162, %add3A_1168 : vector<16xi32>
        %gather3A_1170 = tpu.vector_load_idx %arg12[%add3A_1169] : memref<512xi32, #tpu.memory_space<vmem>>[vector<16xi32>], vector<16xi32>,
        %add3A_1171 = arith.constant 32 : i32
        %add3A_1172 = vector.broadcast %add3A_1171 : i32 to vector<16xi32>
        %add3A_1173 = arith.addi %add3A_1162, %add3A_1172 : vector<16xi32>
        %gather3A_1174 = tpu.vector_load_idx %arg12[%add3A_1173] : memref<512xi32, #tpu.memory_space<vmem>>[vector<16xi32>], vector<16xi32>,
        %add3A_1175 = arith.constant 48 : i32
        %add3A_1176 = vector.broadcast %add3A_1175 : i32 to vector<16xi32>
        %add3A_1177 = arith.addi %add3A_1162, %add3A_1176 : vector<16xi32>
        %gather3A_1178 = tpu.vector_load_idx %arg12[%add3A_1177] : memref<512xi32, #tpu.memory_space<vmem>>[vector<16xi32>], vector<16xi32>,
        %add3A_1179 = arith.constant 64 : i32
        %add3A_1180 = vector.broadcast %add3A_1179 : i32 to vector<16xi32>
        %add3A_1181 = arith.addi %add3A_1162, %add3A_1180 : vector<16xi32>
        %gather3A_1182 = tpu.vector_load_idx %arg12[%add3A_1181] : memref<512xi32, #tpu.memory_space<vmem>>[vector<16xi32>], vector<16xi32>,
        %add3A_1183 = arith.constant 80 : i32
        %add3A_1184 = vector.broadcast %add3A_1183 : i32 to vector<16xi32>
        %add3A_1185 = arith.addi %add3A_1162, %add3A_1184 : vector<16xi32>
        %gather3A_1186 = tpu.vector_load_idx %arg12[%add3A_1185] : memref<512xi32, #tpu.memory_space<vmem>>[vector<16xi32>], vector<16xi32>,
        %add3A_1187 = arith.constant 96 : i32
        %add3A_1188 = vector.broadcast %add3A_1187 : i32 to vector<16xi32>
        %add3A_1189 = arith.addi %add3A_1162, %add3A_1188 : vector<16xi32>
        %gather3A_1190 = tpu.vector_load_idx %arg12[%add3A_1189] : memref<512xi32, #tpu.memory_space<vmem>>[vector<16xi32>], vector<16xi32>,
        %add3A_1191 = arith.constant 112 : i32
        %add3A_1192 = vector.broadcast %add3A_1191 : i32 to vector<16xi32>
        %add3A_1193 = arith.addi %add3A_1162, %add3A_1192 : vector<16xi32>
        %gather3A_1194 = tpu.vector_load_idx %arg12[%add3A_1193] : memref<512xi32, #tpu.memory_space<vmem>>[vector<16xi32>], vector<16xi32>,
        %max3A_1195 = arith.maxsi %gather3A_1166, %gather3A_1170 : vector<16xi32>
        %max3A_1196 = arith.maxsi %gather3A_1174, %gather3A_1178 : vector<16xi32>
        %max3A_1197 = arith.maxsi %gather3A_1182, %gather3A_1186 : vector<16xi32>
        %max3A_1198 = arith.maxsi %gather3A_1190, %gather3A_1194 : vector<16xi32>
        %max3A_1199 = arith.maxsi %max3A_1195, %max3A_1196 : vector<16xi32>
        %max3A_1200 = arith.maxsi %max3A_1197, %max3A_1198 : vector<16xi32>
        %max3A_1201 = arith.maxsi %max3A_1199, %max3A_1200 : vector<16xi32>
        %eq3A_1202 = arith.constant 0 : i32
        %eq3A_1203 = vector.broadcast %eq3A_1202 : i32 to vector<16xi32>
        %eq3A_1204 = arith.cmpi eq, %shift_right_arithmetic3A_1111, %eq3A_1203 : vector<16xi32>
        %select_n3A_1205 = arith.select %eq3A_1204, %max3A_1201, %scan3A_934 : vector<16xi1>, vector<16xi32>
        %eq3A_1206 = arith.constant 1 : i32
        %eq3A_1207 = vector.broadcast %eq3A_1206 : i32 to vector<16xi32>
        %eq3A_1208 = arith.cmpi eq, %shift_right_arithmetic3A_1111, %eq3A_1207 : vector<16xi32>
        %select_n3A_1209 = arith.select %eq3A_1208, %max3A_1201, %scan3A_935 : vector<16xi1>, vector<16xi32>
        %eq3A_1210 = arith.constant 2 : i32
        %eq3A_1211 = vector.broadcast %eq3A_1210 : i32 to vector<16xi32>
        %eq3A_1212 = arith.cmpi eq, %shift_right_arithmetic3A_1111, %eq3A_1211 : vector<16xi32>
        %select_n3A_1213 = arith.select %eq3A_1212, %max3A_1201, %scan3A_936 : vector<16xi1>, vector<16xi32>
        %eq3A_1214 = arith.constant 3 : i32
        %eq3A_1215 = vector.broadcast %eq3A_1214 : i32 to vector<16xi32>
        %eq3A_1216 = arith.cmpi eq, %shift_right_arithmetic3A_1111, %eq3A_1215 : vector<16xi32>
        %select_n3A_1217 = arith.select %eq3A_1216, %max3A_1201, %scan3A_937 : vector<16xi1>, vector<16xi32>
        %max3A_1218 = arith.maxsi %scan3A_938, %scan3A_939 : vector<16xi32>
        %max3A_1219 = arith.maxsi %scan3A_940, %scan3A_941 : vector<16xi32>
        %max3A_1220 = arith.maxsi %max3A_1218, %max3A_1219 : vector<16xi32>
        %and3A_1221 = arith.constant 255 : i32
        %and3A_1222 = vector.broadcast %and3A_1221 : i32 to vector<16xi32>
        %and3A_1223 = arith.andi %max3A_1220, %and3A_1222 : vector<16xi32>
        %sub3A_1224 = arith.constant 255 : i32
        %sub3A_1225 = vector.broadcast %sub3A_1224 : i32 to vector<16xi32>
        %sub3A_1226 = arith.subi %sub3A_1225, %and3A_1223 : vector<16xi32>
        %mul3A_1227 = arith.constant 64 : i32
        %mul3A_1228 = vector.broadcast %mul3A_1227 : i32 to vector<16xi32>
        %mul3A_1229 = arith.muli %sub3A_1226, %mul3A_1228 : vector<16xi32>
        %add3A_1230 = arith.constant 32 : i32
        %add3A_1231 = vector.broadcast %add3A_1230 : i32 to vector<16xi32>
        %add3A_1232 = arith.addi %mul3A_1229, %add3A_1231 : vector<16xi32>
        %add3A_1233 = arith.addi %add3A_1232, %iota3A : vector<16xi32>
        %gather3A_1234 = tpu.vector_load_idx %arg5[%add3A_1233] : memref<12800xf32, #tpu.memory_space<vmem>>[vector<16xi32>], vector<16xf32>,
        %mul3A_1235 = arith.constant 64 : i32
        %mul3A_1236 = arith.muli %scan3A_929, %mul3A_1235 : i32
        %add3A_1237 = arith.constant 32 : i32
        %add3A_1238 = arith.addi %mul3A_1236, %add3A_1237 : i32
        %swap3A_1239 = arith.index_cast %add3A_1238 : i32 to index
        %swap3A_1240 = tpu.vector_load %arg6[%swap3A_1239] {strides = array<i32>} : memref<3200xf32, #tpu.memory_space<vmem>>, vector<16xf32>,
        tpu.vector_store %arg6[%swap3A_1239], %gather3A_1234 {strides = array<i32>} : memref<3200xf32, #tpu.memory_space<vmem>>, vector<16xf32>,
        %mul3A_1241 = arith.constant 16 : i32
        %mul3A_1242 = vector.broadcast %mul3A_1241 : i32 to vector<16xi32>
        %mul3A_1243 = arith.muli %sub3A_1226, %mul3A_1242 : vector<16xi32>
        %add3A_1244 = arith.addi %mul3A_1243, %iota3A : vector<16xi32>
        tpu.vector_store_idx %arg9[%add3A_1244], %broadcast_in_dim3A_1 : memref<3200xi32, #tpu.memory_space<vmem>>[vector<16xi32>], vector<16xi32>,
        %shift_right_arithmetic3A_1245 = arith.constant 3 : i32
        %shift_right_arithmetic3A_1246 = vector.broadcast %shift_right_arithmetic3A_1245 : i32 to vector<16xi32>
        %shift_right_arithmetic3A_1247 = arith.shrsi %sub3A_1226, %shift_right_arithmetic3A_1246 : vector<16xi32>
        %shift_right_arithmetic3A_1248 = arith.constant 6 : i32
        %shift_right_arithmetic3A_1249 = vector.broadcast %shift_right_arithmetic3A_1248 : i32 to vector<16xi32>
        %shift_right_arithmetic3A_1250 = arith.shrsi %sub3A_1226, %shift_right_arithmetic3A_1249 : vector<16xi32>
        %mul3A_1251 = arith.constant 128 : i32
        %mul3A_1252 = vector.broadcast %mul3A_1251 : i32 to vector<16xi32>
        %mul3A_1253 = arith.muli %shift_right_arithmetic3A_1247, %mul3A_1252 : vector<16xi32>
        %add3A_1254 = arith.addi %mul3A_1253, %iota3A : vector<16xi32>
        %add3A_1255 = arith.constant 0 : i32
        %add3A_1256 = vector.broadcast %add3A_1255 : i32 to vector<16xi32>
        %add3A_1257 = arith.addi %add3A_1254, %add3A_1256 : vector<16xi32>
        %gather3A_1258 = tpu.vector_load_idx %arg9[%add3A_1257] : memref<3200xi32, #tpu.memory_space<vmem>>[vector<16xi32>], vector<16xi32>,
        %add3A_1259 = arith.constant 16 : i32
        %add3A_1260 = vector.broadcast %add3A_1259 : i32 to vector<16xi32>
        %add3A_1261 = arith.addi %add3A_1254, %add3A_1260 : vector<16xi32>
        %gather3A_1262 = tpu.vector_load_idx %arg9[%add3A_1261] : memref<3200xi32, #tpu.memory_space<vmem>>[vector<16xi32>], vector<16xi32>,
        %add3A_1263 = arith.constant 32 : i32
        %add3A_1264 = vector.broadcast %add3A_1263 : i32 to vector<16xi32>
        %add3A_1265 = arith.addi %add3A_1254, %add3A_1264 : vector<16xi32>
        %gather3A_1266 = tpu.vector_load_idx %arg9[%add3A_1265] : memref<3200xi32, #tpu.memory_space<vmem>>[vector<16xi32>], vector<16xi32>,
        %add3A_1267 = arith.constant 48 : i32
        %add3A_1268 = vector.broadcast %add3A_1267 : i32 to vector<16xi32>
        %add3A_1269 = arith.addi %add3A_1254, %add3A_1268 : vector<16xi32>
        %gather3A_1270 = tpu.vector_load_idx %arg9[%add3A_1269] : memref<3200xi32, #tpu.memory_space<vmem>>[vector<16xi32>], vector<16xi32>,
        %add3A_1271 = arith.constant 64 : i32
        %add3A_1272 = vector.broadcast %add3A_1271 : i32 to vector<16xi32>
        %add3A_1273 = arith.addi %add3A_1254, %add3A_1272 : vector<16xi32>
        %gather3A_1274 = tpu.vector_load_idx %arg9[%add3A_1273] : memref<3200xi32, #tpu.memory_space<vmem>>[vector<16xi32>], vector<16xi32>,
        %add3A_1275 = arith.constant 80 : i32
        %add3A_1276 = vector.broadcast %add3A_1275 : i32 to vector<16xi32>
        %add3A_1277 = arith.addi %add3A_1254, %add3A_1276 : vector<16xi32>
        %gather3A_1278 = tpu.vector_load_idx %arg9[%add3A_1277] : memref<3200xi32, #tpu.memory_space<vmem>>[vector<16xi32>], vector<16xi32>,
        %add3A_1279 = arith.constant 96 : i32
        %add3A_1280 = vector.broadcast %add3A_1279 : i32 to vector<16xi32>
        %add3A_1281 = arith.addi %add3A_1254, %add3A_1280 : vector<16xi32>
        %gather3A_1282 = tpu.vector_load_idx %arg9[%add3A_1281] : memref<3200xi32, #tpu.memory_space<vmem>>[vector<16xi32>], vector<16xi32>,
        %add3A_1283 = arith.constant 112 : i32
        %add3A_1284 = vector.broadcast %add3A_1283 : i32 to vector<16xi32>
        %add3A_1285 = arith.addi %add3A_1254, %add3A_1284 : vector<16xi32>
        %gather3A_1286 = tpu.vector_load_idx %arg9[%add3A_1285] : memref<3200xi32, #tpu.memory_space<vmem>>[vector<16xi32>], vector<16xi32>,
        %mul3A_1287 = arith.constant 16 : i32
        %mul3A_1288 = vector.broadcast %mul3A_1287 : i32 to vector<16xi32>
        %mul3A_1289 = arith.muli %shift_right_arithmetic3A_1247, %mul3A_1288 : vector<16xi32>
        %add3A_1290 = arith.addi %mul3A_1289, %iota3A : vector<16xi32>
        %max3A_1291 = arith.maxsi %gather3A_1258, %gather3A_1262 : vector<16xi32>
        %max3A_1292 = arith.maxsi %gather3A_1266, %gather3A_1270 : vector<16xi32>
        %max3A_1293 = arith.maxsi %gather3A_1274, %gather3A_1278 : vector<16xi32>
        %max3A_1294 = arith.maxsi %gather3A_1282, %gather3A_1286 : vector<16xi32>
        %max3A_1295 = arith.maxsi %max3A_1291, %max3A_1292 : vector<16xi32>
        %max3A_1296 = arith.maxsi %max3A_1293, %max3A_1294 : vector<16xi32>
        %max3A_1297 = arith.maxsi %max3A_1295, %max3A_1296 : vector<16xi32>
        tpu.vector_store_idx %arg13[%add3A_1290], %max3A_1297 : memref<512xi32, #tpu.memory_space<vmem>>[vector<16xi32>], vector<16xi32>,
        %mul3A_1298 = arith.constant 128 : i32
        %mul3A_1299 = vector.broadcast %mul3A_1298 : i32 to vector<16xi32>
        %mul3A_1300 = arith.muli %shift_right_arithmetic3A_1250, %mul3A_1299 : vector<16xi32>
        %add3A_1301 = arith.addi %mul3A_1300, %iota3A : vector<16xi32>
        %add3A_1302 = arith.constant 0 : i32
        %add3A_1303 = vector.broadcast %add3A_1302 : i32 to vector<16xi32>
        %add3A_1304 = arith.addi %add3A_1301, %add3A_1303 : vector<16xi32>
        %gather3A_1305 = tpu.vector_load_idx %arg13[%add3A_1304] : memref<512xi32, #tpu.memory_space<vmem>>[vector<16xi32>], vector<16xi32>,
        %add3A_1306 = arith.constant 16 : i32
        %add3A_1307 = vector.broadcast %add3A_1306 : i32 to vector<16xi32>
        %add3A_1308 = arith.addi %add3A_1301, %add3A_1307 : vector<16xi32>
        %gather3A_1309 = tpu.vector_load_idx %arg13[%add3A_1308] : memref<512xi32, #tpu.memory_space<vmem>>[vector<16xi32>], vector<16xi32>,
        %add3A_1310 = arith.constant 32 : i32
        %add3A_1311 = vector.broadcast %add3A_1310 : i32 to vector<16xi32>
        %add3A_1312 = arith.addi %add3A_1301, %add3A_1311 : vector<16xi32>
        %gather3A_1313 = tpu.vector_load_idx %arg13[%add3A_1312] : memref<512xi32, #tpu.memory_space<vmem>>[vector<16xi32>], vector<16xi32>,
        %add3A_1314 = arith.constant 48 : i32
        %add3A_1315 = vector.broadcast %add3A_1314 : i32 to vector<16xi32>
        %add3A_1316 = arith.addi %add3A_1301, %add3A_1315 : vector<16xi32>
        %gather3A_1317 = tpu.vector_load_idx %arg13[%add3A_1316] : memref<512xi32, #tpu.memory_space<vmem>>[vector<16xi32>], vector<16xi32>,
        %add3A_1318 = arith.constant 64 : i32
        %add3A_1319 = vector.broadcast %add3A_1318 : i32 to vector<16xi32>
        %add3A_1320 = arith.addi %add3A_1301, %add3A_1319 : vector<16xi32>
        %gather3A_1321 = tpu.vector_load_idx %arg13[%add3A_1320] : memref<512xi32, #tpu.memory_space<vmem>>[vector<16xi32>], vector<16xi32>,
        %add3A_1322 = arith.constant 80 : i32
        %add3A_1323 = vector.broadcast %add3A_1322 : i32 to vector<16xi32>
        %add3A_1324 = arith.addi %add3A_1301, %add3A_1323 : vector<16xi32>
        %gather3A_1325 = tpu.vector_load_idx %arg13[%add3A_1324] : memref<512xi32, #tpu.memory_space<vmem>>[vector<16xi32>], vector<16xi32>,
        %add3A_1326 = arith.constant 96 : i32
        %add3A_1327 = vector.broadcast %add3A_1326 : i32 to vector<16xi32>
        %add3A_1328 = arith.addi %add3A_1301, %add3A_1327 : vector<16xi32>
        %gather3A_1329 = tpu.vector_load_idx %arg13[%add3A_1328] : memref<512xi32, #tpu.memory_space<vmem>>[vector<16xi32>], vector<16xi32>,
        %add3A_1330 = arith.constant 112 : i32
        %add3A_1331 = vector.broadcast %add3A_1330 : i32 to vector<16xi32>
        %add3A_1332 = arith.addi %add3A_1301, %add3A_1331 : vector<16xi32>
        %gather3A_1333 = tpu.vector_load_idx %arg13[%add3A_1332] : memref<512xi32, #tpu.memory_space<vmem>>[vector<16xi32>], vector<16xi32>,
        %max3A_1334 = arith.maxsi %gather3A_1305, %gather3A_1309 : vector<16xi32>
        %max3A_1335 = arith.maxsi %gather3A_1313, %gather3A_1317 : vector<16xi32>
        %max3A_1336 = arith.maxsi %gather3A_1321, %gather3A_1325 : vector<16xi32>
        %max3A_1337 = arith.maxsi %gather3A_1329, %gather3A_1333 : vector<16xi32>
        %max3A_1338 = arith.maxsi %max3A_1334, %max3A_1335 : vector<16xi32>
        %max3A_1339 = arith.maxsi %max3A_1336, %max3A_1337 : vector<16xi32>
        %max3A_1340 = arith.maxsi %max3A_1338, %max3A_1339 : vector<16xi32>
        %eq3A_1341 = arith.constant 0 : i32
        %eq3A_1342 = vector.broadcast %eq3A_1341 : i32 to vector<16xi32>
        %eq3A_1343 = arith.cmpi eq, %shift_right_arithmetic3A_1250, %eq3A_1342 : vector<16xi32>
        %select_n3A_1344 = arith.select %eq3A_1343, %max3A_1340, %scan3A_938 : vector<16xi1>, vector<16xi32>
        %eq3A_1345 = arith.constant 1 : i32
        %eq3A_1346 = vector.broadcast %eq3A_1345 : i32 to vector<16xi32>
        %eq3A_1347 = arith.cmpi eq, %shift_right_arithmetic3A_1250, %eq3A_1346 : vector<16xi32>
        %select_n3A_1348 = arith.select %eq3A_1347, %max3A_1340, %scan3A_939 : vector<16xi1>, vector<16xi32>
        %eq3A_1349 = arith.constant 2 : i32
        %eq3A_1350 = vector.broadcast %eq3A_1349 : i32 to vector<16xi32>
        %eq3A_1351 = arith.cmpi eq, %shift_right_arithmetic3A_1250, %eq3A_1350 : vector<16xi32>
        %select_n3A_1352 = arith.select %eq3A_1351, %max3A_1340, %scan3A_940 : vector<16xi1>, vector<16xi32>
        %eq3A_1353 = arith.constant 3 : i32
        %eq3A_1354 = vector.broadcast %eq3A_1353 : i32 to vector<16xi32>
        %eq3A_1355 = arith.cmpi eq, %shift_right_arithmetic3A_1250, %eq3A_1354 : vector<16xi32>
        %select_n3A_1356 = arith.select %eq3A_1355, %max3A_1340, %scan3A_941 : vector<16xi1>, vector<16xi32>
        %max3A_1357 = arith.maxsi %scan3A_942, %scan3A_943 : vector<16xi32>
        %max3A_1358 = arith.maxsi %scan3A_944, %scan3A_945 : vector<16xi32>
        %max3A_1359 = arith.maxsi %max3A_1357, %max3A_1358 : vector<16xi32>
        %and3A_1360 = arith.constant 255 : i32
        %and3A_1361 = vector.broadcast %and3A_1360 : i32 to vector<16xi32>
        %and3A_1362 = arith.andi %max3A_1359, %and3A_1361 : vector<16xi32>
        %sub3A_1363 = arith.constant 255 : i32
        %sub3A_1364 = vector.broadcast %sub3A_1363 : i32 to vector<16xi32>
        %sub3A_1365 = arith.subi %sub3A_1364, %and3A_1362 : vector<16xi32>
        %mul3A_1366 = arith.constant 64 : i32
        %mul3A_1367 = vector.broadcast %mul3A_1366 : i32 to vector<16xi32>
        %mul3A_1368 = arith.muli %sub3A_1365, %mul3A_1367 : vector<16xi32>
        %add3A_1369 = arith.constant 48 : i32
        %add3A_1370 = vector.broadcast %add3A_1369 : i32 to vector<16xi32>
        %add3A_1371 = arith.addi %mul3A_1368, %add3A_1370 : vector<16xi32>
        %add3A_1372 = arith.addi %add3A_1371, %iota3A : vector<16xi32>
        %gather3A_1373 = tpu.vector_load_idx %arg5[%add3A_1372] : memref<12800xf32, #tpu.memory_space<vmem>>[vector<16xi32>], vector<16xf32>,
        %mul3A_1374 = arith.constant 64 : i32
        %mul3A_1375 = arith.muli %scan3A_929, %mul3A_1374 : i32
        %add3A_1376 = arith.constant 48 : i32
        %add3A_1377 = arith.addi %mul3A_1375, %add3A_1376 : i32
        %swap3A_1378 = arith.index_cast %add3A_1377 : i32 to index
        %swap3A_1379 = tpu.vector_load %arg6[%swap3A_1378] {strides = array<i32>} : memref<3200xf32, #tpu.memory_space<vmem>>, vector<16xf32>,
        tpu.vector_store %arg6[%swap3A_1378], %gather3A_1373 {strides = array<i32>} : memref<3200xf32, #tpu.memory_space<vmem>>, vector<16xf32>,
        %mul3A_1380 = arith.constant 16 : i32
        %mul3A_1381 = vector.broadcast %mul3A_1380 : i32 to vector<16xi32>
        %mul3A_1382 = arith.muli %sub3A_1365, %mul3A_1381 : vector<16xi32>
        %add3A_1383 = arith.addi %mul3A_1382, %iota3A : vector<16xi32>
        tpu.vector_store_idx %arg10[%add3A_1383], %broadcast_in_dim3A_1 : memref<3200xi32, #tpu.memory_space<vmem>>[vector<16xi32>], vector<16xi32>,
        %shift_right_arithmetic3A_1384 = arith.constant 3 : i32
        %shift_right_arithmetic3A_1385 = vector.broadcast %shift_right_arithmetic3A_1384 : i32 to vector<16xi32>
        %shift_right_arithmetic3A_1386 = arith.shrsi %sub3A_1365, %shift_right_arithmetic3A_1385 : vector<16xi32>
        %shift_right_arithmetic3A_1387 = arith.constant 6 : i32
        %shift_right_arithmetic3A_1388 = vector.broadcast %shift_right_arithmetic3A_1387 : i32 to vector<16xi32>
        %shift_right_arithmetic3A_1389 = arith.shrsi %sub3A_1365, %shift_right_arithmetic3A_1388 : vector<16xi32>
        %mul3A_1390 = arith.constant 128 : i32
        %mul3A_1391 = vector.broadcast %mul3A_1390 : i32 to vector<16xi32>
        %mul3A_1392 = arith.muli %shift_right_arithmetic3A_1386, %mul3A_1391 : vector<16xi32>
        %add3A_1393 = arith.addi %mul3A_1392, %iota3A : vector<16xi32>
        %add3A_1394 = arith.constant 0 : i32
        %add3A_1395 = vector.broadcast %add3A_1394 : i32 to vector<16xi32>
        %add3A_1396 = arith.addi %add3A_1393, %add3A_1395 : vector<16xi32>
        %gather3A_1397 = tpu.vector_load_idx %arg10[%add3A_1396] : memref<3200xi32, #tpu.memory_space<vmem>>[vector<16xi32>], vector<16xi32>,
        %add3A_1398 = arith.constant 16 : i32
        %add3A_1399 = vector.broadcast %add3A_1398 : i32 to vector<16xi32>
        %add3A_1400 = arith.addi %add3A_1393, %add3A_1399 : vector<16xi32>
        %gather3A_1401 = tpu.vector_load_idx %arg10[%add3A_1400] : memref<3200xi32, #tpu.memory_space<vmem>>[vector<16xi32>], vector<16xi32>,
        %add3A_1402 = arith.constant 32 : i32
        %add3A_1403 = vector.broadcast %add3A_1402 : i32 to vector<16xi32>
        %add3A_1404 = arith.addi %add3A_1393, %add3A_1403 : vector<16xi32>
        %gather3A_1405 = tpu.vector_load_idx %arg10[%add3A_1404] : memref<3200xi32, #tpu.memory_space<vmem>>[vector<16xi32>], vector<16xi32>,
        %add3A_1406 = arith.constant 48 : i32
        %add3A_1407 = vector.broadcast %add3A_1406 : i32 to vector<16xi32>
        %add3A_1408 = arith.addi %add3A_1393, %add3A_1407 : vector<16xi32>
        %gather3A_1409 = tpu.vector_load_idx %arg10[%add3A_1408] : memref<3200xi32, #tpu.memory_space<vmem>>[vector<16xi32>], vector<16xi32>,
        %add3A_1410 = arith.constant 64 : i32
        %add3A_1411 = vector.broadcast %add3A_1410 : i32 to vector<16xi32>
        %add3A_1412 = arith.addi %add3A_1393, %add3A_1411 : vector<16xi32>
        %gather3A_1413 = tpu.vector_load_idx %arg10[%add3A_1412] : memref<3200xi32, #tpu.memory_space<vmem>>[vector<16xi32>], vector<16xi32>,
        %add3A_1414 = arith.constant 80 : i32
        %add3A_1415 = vector.broadcast %add3A_1414 : i32 to vector<16xi32>
        %add3A_1416 = arith.addi %add3A_1393, %add3A_1415 : vector<16xi32>
        %gather3A_1417 = tpu.vector_load_idx %arg10[%add3A_1416] : memref<3200xi32, #tpu.memory_space<vmem>>[vector<16xi32>], vector<16xi32>,
        %add3A_1418 = arith.constant 96 : i32
        %add3A_1419 = vector.broadcast %add3A_1418 : i32 to vector<16xi32>
        %add3A_1420 = arith.addi %add3A_1393, %add3A_1419 : vector<16xi32>
        %gather3A_1421 = tpu.vector_load_idx %arg10[%add3A_1420] : memref<3200xi32, #tpu.memory_space<vmem>>[vector<16xi32>], vector<16xi32>,
        %add3A_1422 = arith.constant 112 : i32
        %add3A_1423 = vector.broadcast %add3A_1422 : i32 to vector<16xi32>
        %add3A_1424 = arith.addi %add3A_1393, %add3A_1423 : vector<16xi32>
        %gather3A_1425 = tpu.vector_load_idx %arg10[%add3A_1424] : memref<3200xi32, #tpu.memory_space<vmem>>[vector<16xi32>], vector<16xi32>,
        %mul3A_1426 = arith.constant 16 : i32
        %mul3A_1427 = vector.broadcast %mul3A_1426 : i32 to vector<16xi32>
        %mul3A_1428 = arith.muli %shift_right_arithmetic3A_1386, %mul3A_1427 : vector<16xi32>
        %add3A_1429 = arith.addi %mul3A_1428, %iota3A : vector<16xi32>
        %max3A_1430 = arith.maxsi %gather3A_1397, %gather3A_1401 : vector<16xi32>
        %max3A_1431 = arith.maxsi %gather3A_1405, %gather3A_1409 : vector<16xi32>
        %max3A_1432 = arith.maxsi %gather3A_1413, %gather3A_1417 : vector<16xi32>
        %max3A_1433 = arith.maxsi %gather3A_1421, %gather3A_1425 : vector<16xi32>
        %max3A_1434 = arith.maxsi %max3A_1430, %max3A_1431 : vector<16xi32>
        %max3A_1435 = arith.maxsi %max3A_1432, %max3A_1433 : vector<16xi32>
        %max3A_1436 = arith.maxsi %max3A_1434, %max3A_1435 : vector<16xi32>
        tpu.vector_store_idx %arg14[%add3A_1429], %max3A_1436 : memref<512xi32, #tpu.memory_space<vmem>>[vector<16xi32>], vector<16xi32>,
        %mul3A_1437 = arith.constant 128 : i32
        %mul3A_1438 = vector.broadcast %mul3A_1437 : i32 to vector<16xi32>
        %mul3A_1439 = arith.muli %shift_right_arithmetic3A_1389, %mul3A_1438 : vector<16xi32>
        %add3A_1440 = arith.addi %mul3A_1439, %iota3A : vector<16xi32>
        %add3A_1441 = arith.constant 0 : i32
        %add3A_1442 = vector.broadcast %add3A_1441 : i32 to vector<16xi32>
        %add3A_1443 = arith.addi %add3A_1440, %add3A_1442 : vector<16xi32>
        %gather3A_1444 = tpu.vector_load_idx %arg14[%add3A_1443] : memref<512xi32, #tpu.memory_space<vmem>>[vector<16xi32>], vector<16xi32>,
        %add3A_1445 = arith.constant 16 : i32
        %add3A_1446 = vector.broadcast %add3A_1445 : i32 to vector<16xi32>
        %add3A_1447 = arith.addi %add3A_1440, %add3A_1446 : vector<16xi32>
        %gather3A_1448 = tpu.vector_load_idx %arg14[%add3A_1447] : memref<512xi32, #tpu.memory_space<vmem>>[vector<16xi32>], vector<16xi32>,
        %add3A_1449 = arith.constant 32 : i32
        %add3A_1450 = vector.broadcast %add3A_1449 : i32 to vector<16xi32>
        %add3A_1451 = arith.addi %add3A_1440, %add3A_1450 : vector<16xi32>
        %gather3A_1452 = tpu.vector_load_idx %arg14[%add3A_1451] : memref<512xi32, #tpu.memory_space<vmem>>[vector<16xi32>], vector<16xi32>,
        %add3A_1453 = arith.constant 48 : i32
        %add3A_1454 = vector.broadcast %add3A_1453 : i32 to vector<16xi32>
        %add3A_1455 = arith.addi %add3A_1440, %add3A_1454 : vector<16xi32>
        %gather3A_1456 = tpu.vector_load_idx %arg14[%add3A_1455] : memref<512xi32, #tpu.memory_space<vmem>>[vector<16xi32>], vector<16xi32>,
        %add3A_1457 = arith.constant 64 : i32
        %add3A_1458 = vector.broadcast %add3A_1457 : i32 to vector<16xi32>
        %add3A_1459 = arith.addi %add3A_1440, %add3A_1458 : vector<16xi32>
        %gather3A_1460 = tpu.vector_load_idx %arg14[%add3A_1459] : memref<512xi32, #tpu.memory_space<vmem>>[vector<16xi32>], vector<16xi32>,
        %add3A_1461 = arith.constant 80 : i32
        %add3A_1462 = vector.broadcast %add3A_1461 : i32 to vector<16xi32>
        %add3A_1463 = arith.addi %add3A_1440, %add3A_1462 : vector<16xi32>
        %gather3A_1464 = tpu.vector_load_idx %arg14[%add3A_1463] : memref<512xi32, #tpu.memory_space<vmem>>[vector<16xi32>], vector<16xi32>,
        %add3A_1465 = arith.constant 96 : i32
        %add3A_1466 = vector.broadcast %add3A_1465 : i32 to vector<16xi32>
        %add3A_1467 = arith.addi %add3A_1440, %add3A_1466 : vector<16xi32>
        %gather3A_1468 = tpu.vector_load_idx %arg14[%add3A_1467] : memref<512xi32, #tpu.memory_space<vmem>>[vector<16xi32>], vector<16xi32>,
        %add3A_1469 = arith.constant 112 : i32
        %add3A_1470 = vector.broadcast %add3A_1469 : i32 to vector<16xi32>
        %add3A_1471 = arith.addi %add3A_1440, %add3A_1470 : vector<16xi32>
        %gather3A_1472 = tpu.vector_load_idx %arg14[%add3A_1471] : memref<512xi32, #tpu.memory_space<vmem>>[vector<16xi32>], vector<16xi32>,
        %max3A_1473 = arith.maxsi %gather3A_1444, %gather3A_1448 : vector<16xi32>
        %max3A_1474 = arith.maxsi %gather3A_1452, %gather3A_1456 : vector<16xi32>
        %max3A_1475 = arith.maxsi %gather3A_1460, %gather3A_1464 : vector<16xi32>
        %max3A_1476 = arith.maxsi %gather3A_1468, %gather3A_1472 : vector<16xi32>
        %max3A_1477 = arith.maxsi %max3A_1473, %max3A_1474 : vector<16xi32>
        %max3A_1478 = arith.maxsi %max3A_1475, %max3A_1476 : vector<16xi32>
        %max3A_1479 = arith.maxsi %max3A_1477, %max3A_1478 : vector<16xi32>
        %eq3A_1480 = arith.constant 0 : i32
        %eq3A_1481 = vector.broadcast %eq3A_1480 : i32 to vector<16xi32>
        %eq3A_1482 = arith.cmpi eq, %shift_right_arithmetic3A_1389, %eq3A_1481 : vector<16xi32>
        %select_n3A_1483 = arith.select %eq3A_1482, %max3A_1479, %scan3A_942 : vector<16xi1>, vector<16xi32>
        %eq3A_1484 = arith.constant 1 : i32
        %eq3A_1485 = vector.broadcast %eq3A_1484 : i32 to vector<16xi32>
        %eq3A_1486 = arith.cmpi eq, %shift_right_arithmetic3A_1389, %eq3A_1485 : vector<16xi32>
        %select_n3A_1487 = arith.select %eq3A_1486, %max3A_1479, %scan3A_943 : vector<16xi1>, vector<16xi32>
        %eq3A_1488 = arith.constant 2 : i32
        %eq3A_1489 = vector.broadcast %eq3A_1488 : i32 to vector<16xi32>
        %eq3A_1490 = arith.cmpi eq, %shift_right_arithmetic3A_1389, %eq3A_1489 : vector<16xi32>
        %select_n3A_1491 = arith.select %eq3A_1490, %max3A_1479, %scan3A_944 : vector<16xi1>, vector<16xi32>
        %eq3A_1492 = arith.constant 3 : i32
        %eq3A_1493 = vector.broadcast %eq3A_1492 : i32 to vector<16xi32>
        %eq3A_1494 = arith.cmpi eq, %shift_right_arithmetic3A_1389, %eq3A_1493 : vector<16xi32>
        %select_n3A_1495 = arith.select %eq3A_1494, %max3A_1479, %scan3A_945 : vector<16xi1>, vector<16xi32>
        scf.yield %select_n3A, %select_n3A_1070, %select_n3A_1074, %select_n3A_1078, %select_n3A_1205, %select_n3A_1209, %select_n3A_1213, %select_n3A_1217, %select_n3A_1344, %select_n3A_1348, %select_n3A_1352, %select_n3A_1356, %select_n3A_1483, %select_n3A_1487, %select_n3A_1491, %select_n3A_1495 : vector<16xi32>, vector<16xi32>, vector<16xi32>, vector<16xi32>, vector<16xi32>, vector<16xi32>, vector<16xi32>, vector<16xi32>, vector<16xi32>, vector<16xi32>, vector<16xi32>, vector<16xi32>, vector<16xi32>, vector<16xi32>, vector<16xi32>, vector<16xi32>
      }
      %scan3A_923 = arith.constant 50 : i32
      %mul3A_924 = arith.constant 32 : i32
      %mul3A_925 = arith.muli %add3A, %mul3A_924 : i32
      %add3A_926 = arith.addi %mul3A_925, %add3A_488 : i32
      %mul3A_927 = arith.constant 3200 : i32
      %mul3A_928 = arith.muli %add3A_926, %mul3A_927 : i32
      "tpu.region"() ({
        %run_scoped3A = tpu.sem_alloc : memref<!tpu.dma_semaphore, #tpu.memory_space<semaphore_mem>>
        %dma_start3A_929 = tpu.memref_slice %arg3[%mul3A_928] : memref<3276800xf32, #tpu.memory_space<hbm>> -> memref<3200xf32, #tpu.memory_space<hbm>>
        %dma_start3A_930 = tpu.memref_slice %arg3[%mul3A_928] : memref<3276800xf32, #tpu.memory_space<hbm>> -> memref<3200xf32, #tpu.memory_space<hbm>>
        tpu.enqueue_dma source(%arg6 : memref<3200xf32, #tpu.memory_space<vmem>>) target(%dma_start3A_930 : memref<3200xf32, #tpu.memory_space<hbm>>) target_semaphore(%run_scoped3A : memref<!tpu.dma_semaphore, #tpu.memory_space<semaphore_mem>>)
        %dma_wait3A_931 = tpu.memref_slice %arg3[%mul3A_928] : memref<3276800xf32, #tpu.memory_space<hbm>> -> memref<3200xf32, #tpu.memory_space<hbm>>
        %dma_wait3A_932 = tpu.memref_slice %arg3[%mul3A_928] : memref<3276800xf32, #tpu.memory_space<hbm>> -> memref<3200xf32, #tpu.memory_space<hbm>>
        tpu.wait_dma2 semaphore(%run_scoped3A : memref<!tpu.dma_semaphore, #tpu.memory_space<semaphore_mem>>) src(%arg6 : memref<3200xf32, #tpu.memory_space<vmem>>) dst(%dma_wait3A_932 : memref<3200xf32, #tpu.memory_space<hbm>>)
        tpu.yield
      }) : () -> ()
    }
    %scan3A_14 = arith.constant 16 : i32
    return
  }
}

</mosaic_0001>

<sc_bundles>
// kernel: kernel.3.cloned.1.call-start
scs
__scs_entry_jumppad:
0x0: {  	(pc) =	sbr.rel $0x88, $3  }
0x1: {  	(tag) =	ssettag $0x0;
	lr =	simm.s32 $0x1  }
0x2: {  	[smem:$0x3FA0] =	sst lr;
	_ =	strace $0xD0000000  }
0x3: {  	_ = 	snop  }
0x4: {  	_ = 	snop  }
0x5: {  	_ = 	snop  }
0x6: {  	_ = 	snop  }
0x7: {  	_ = 	snop  }
__scs_overlays_trampoline_lowered:
0x8: {  	[smem:$0x3FAF] =	sst s0  }
0x9: {  	[smem:$0x3FB0] =	sst s1  }
0xa: {  	[smem:$0x3FB1] =	sst s2  }
0xb: {  	[smem:$0x3FB2] =	sst s3  }
0xc: {  	[smem:$0x3FB3] =	sst s4  }
0xd: {  	[smem:$0x3FB4] =	sst s5  }
0xe: {  	[smem:$0x3FB5] =	sst s6  }
0xf: {  	[smem:$0x3FB6] =	sst s7  }
0x10: {  	[smem:$0x3FB7] =	sst s8  }
0x11: {  	[smem:$0x3FB8] =	sst s9;
	s0 =	simm.s32 @!p0 $0x0  }
0x12: {  	s1 =	sld [smem:$0x3F9E];
	s0 =	simm.s32 @p0 $0x1  }
0x13: {  	[smem:$0x3FB9] =	sst s0;
	s0 =	simm.s32 @!p1 $0x0  }
0x14: {  	s2 =	sld [smem:$0x3F9D];
	s0 =	simm.s32 @p1 $0x1  }
0x15: {  	[smem:$0x3FBA] =	sst s0;
	s0 =	simm.s32 @!p2 $0x0  }
0x16: {  	s3 =	sld [smem:$0x3FDB];
	s0 =	simm.s32 @p2 $0x1  }
0x17: {  	s4 =	simm.s32 $0x1BF5;
	[smem:$0x3FBC] =	sst s0  }
0x18: {  	s0 =	sld [smem:$0x3F9F];
	_ =	swait.ge [sflag:s4], $0x0  }
0x19: {  	s7 =	sld [smem:$0x3FA0]  }
0x1a: {  	s8 =	sadd.s32 $0xFFFFE003, lr  }
0x1b: {  	s9 =	sadd.s32 $0xFFFFFEF7, lr;
	s5 =	simm.s32 $0xFFFFFFFF;
	p2 =	slt.u32 s8, $0xFFFFF086  }
0x1c: {  	p1 =	slt.u32 s9, $0xF7A;
	s5 =	simm.s32 @!p2 $0x0  }
0x1d: {  	s5 =	simm.s32 @p1 $0x1;
	p0 =	seq.s32 s7, s2  }
0x1e: {  	s7 =	smul.u32 @!p0 $0xF7A, s2;
	p2 =	seq.s32 @!p0 s5, $0x0  }
0x1f: {  	s9 =	smul.u32 $0xF7A, s1;
	s8 =	simm.s32 @!p0 $0x1BF5;
	p2 =	por !p2, p0  }
0x20: {  	[sflag:s8] =	ssyncset.s32 @!p0 $0xFFFFF086;
	s6 =	sadd.s32 @!p0 s3, s7;
	s7 =	simm.s32 @!p0 $0x108  }
0x21: {  	s3 =	sadd.s32 s3, s9;
	s6 =	sadd.s32 @!p0 $0x88, s6;
	s7 =	simm.s32 @p2 $0x1082  }
0x22: {  	[simem:s7], [sflag:s8] =	dma.local @!p0 [hbm:s6], $0xF7A  }
0x23: {  	s9 =	sor.u32 $0xD0000000, s2;
	s6 =	simm.s32 $0x108;
	_ =	swait.ge @!p0 [sflag:s8], $0x0  }
0x24: {  	s3 =	sadd.s32 $0x88, s3;
	s6 =	simm.s32 @!p1 $0x1082;
	[sflag:s4] =	ssyncset.s32 $0xFFFFF086  }
0x25: {  	[simem:s6], [sflag:s4] =	dma.local [hbm:s3], $0xF7A  }
0x26: {  	[smem:$0x3FA0] =	sst s1;
	(tag) =	ssettag s2;
	_ =	strace s9  }
0x27: {  	s1 =	sld [smem:$0x3FB0]  }
0x28: {  	s2 =	sld [smem:$0x3FB1]  }
0x29: {  	s4 =	sld [smem:$0x3FB3]  }
0x2a: {  	p0 =	seq.s32 s5, $0x0;
	s5 =	sld [smem:$0x3FB4]  }
0x2b: {  	s6 =	sld [smem:$0x3FB5]  }
0x2c: {  	s7 =	sld [smem:$0x3FB6]  }
0x2d: {  	s3 =	simm.s32 $0x108;
	s8 =	sld [smem:$0x3FB7]  }
0x2e: {  	s3 =	simm.s32 @!p0 $0x1082;
	s9 =	sld [smem:$0x3FB8]  }
0x2f: {  	lr =	sadd.s32 s0, s3;
	s0 =	sld [smem:$0x3FAF]  }
0x30: {  	s3 =	sld [smem:$0x3FB2]  }
0x31: {  	[smem:$0x3FBB] =	sst s10  }
0x32: {  	s10 =	sld [smem:$0x3FB9];
	_ =	sdelay $0x3  }
0x33: {  	p0 =	seq.s32 s10, $0x1;
	s10 =	sld [smem:$0x3FBB];
	_ =	sdelay $0x3  }
0x34: {  	[smem:$0x3FBB] =	sst s10  }
0x35: {  	s10 =	sld [smem:$0x3FBA];
	_ =	sdelay $0x3  }
0x36: {  	p1 =	seq.s32 s10, $0x1;
	s10 =	sld [smem:$0x3FBB];
	_ =	sdelay $0x3  }
0x37: {  	[smem:$0x3FBB] =	sst s10  }
0x38: {  	s10 =	sld [smem:$0x3FBC]  }
0x39: {  	_ = 	snop;
	(pc) =	sbr.ind lr, $3  }
0x3a: {  	_ = 	snop  }
0x3b: {  	_ = 	snop  }
0x3c: {  	p2 =	seq.s32 s10, $0x1;
	s10 =	sld [smem:$0x3FBB]  }
0x3d: {  	_ =	shalt  }
0x3e: {  	_ =	shalt  }
0x3f: {  	_ =	shalt  }
0x40: {  	_ =	shalt  }
0x41: {  	_ =	shalt  }
0x42: {  	_ =	shalt  }
0x43: {  	_ =	shalt  }
0x44: {  	_ =	shalt  }
0x45: {  	_ =	shalt  }
0x46: {  	_ =	shalt  }
0x47: {  	_ =	shalt  }
0x48: {  	_ =	shalt  }
0x49: {  	_ =	shalt  }
0x4a: {  	_ =	shalt  }
0x4b: {  	_ =	shalt  }
0x4c: {  	_ =	shalt  }
0x4d: {  	_ =	shalt  }
0x4e: {  	_ =	shalt  }
0x4f: {  	_ =	shalt  }
0x50: {  	_ =	shalt  }
0x51: {  	_ =	shalt  }
0x52: {  	_ =	shalt  }
0x53: {  	_ =	shalt  }
0x54: {  	_ =	shalt  }
0x55: {  	_ =	shalt  }
0x56: {  	_ =	shalt  }
0x57: {  	_ =	shalt  }
0x58: {  	_ =	shalt  }
0x59: {  	_ =	shalt  }
0x5a: {  	_ =	shalt  }
0x5b: {  	_ =	shalt  }
0x5c: {  	_ =	shalt  }
0x5d: {  	_ =	shalt  }
0x5e: {  	_ =	shalt  }
0x5f: {  	_ =	shalt  }
0x60: {  	_ =	shalt  }
0x61: {  	_ =	shalt  }
0x62: {  	_ =	shalt  }
0x63: {  	_ =	shalt  }
0x64: {  	_ =	shalt  }
0x65: {  	_ =	shalt  }
0x66: {  	_ =	shalt  }
0x67: {  	_ =	shalt  }
0x68: {  	_ =	shalt  }
0x69: {  	_ =	shalt  }
0x6a: {  	_ =	shalt  }
0x6b: {  	_ =	shalt  }
0x6c: {  	_ =	shalt  }
0x6d: {  	_ =	shalt  }
0x6e: {  	_ =	shalt  }
0x6f: {  	_ =	shalt  }
0x70: {  	_ =	shalt  }
0x71: {  	_ =	shalt  }
0x72: {  	_ =	shalt  }
0x73: {  	_ =	shalt  }
0x74: {  	_ =	shalt  }
0x75: {  	_ =	shalt  }
0x76: {  	_ =	shalt  }
0x77: {  	_ =	shalt  }
0x78: {  	_ =	shalt  }
0x79: {  	_ =	shalt  }
0x7a: {  	_ =	shalt  }
0x7b: {  	_ =	shalt  }
0x7c: {  	_ =	shalt  }
0x7d: {  	_ =	shalt  }
0x7e: {  	_ =	shalt  }
0x7f: {  	_ =	shalt  }
0x80: {  	_ =	shalt  }
0x81: {  	_ =	shalt  }
0x82: {  	_ =	shalt  }
0x83: {  	_ =	shalt  }
0x84: {  	_ =	shalt  }
0x85: {  	_ =	shalt  }
0x86: {  	_ =	shalt  }
0x87: {  	_ =	shalt  }
.Lfunc_end0:
.L_simem_size_0:
called_computation_lowered:
.L_overlay_start_0:
0x88: {  	s2 =	sld [smem:$0x3FD9]  }
0x89: {  	s3 =	sld [smem:$0x3FFE];
	_ =	sdelay $0x1  }
0x8a: {  	s1 =	srdreg.scid  }
0x8b: {  	s0 =	sand.u32 $0x1, s1  }
0x8c: {  	s17 =	sshll.u32 s0, $0xA;
	s2 =	sadd.s32 s3, s2  }
0x8d: {  	s2 =	sadd.s32 s2, s17  }
0x8e: {  	[smem:$0x3FC7] =	sst s2  }
0x8f: {  	_ = 	snop  }
0x90: {  	s2 =	sld [smem:$0x3FD0];
	(tm) =	ssettm $0x1  }
0x91: {  	s18 =	sld [smem:$0x3FFB];
	_ =	sdelay $0x3  }
0x92: {  	_ =	strace s18  }
0x93: {  	s3 =	sld [smem:$0x3FFC];
	_ =	sdelay $0x3  }
0x94: {  	_ =	strace s3  }
0x95: {  	s3 =	sld [smem:$0x3FFD];
	_ =	sdelay $0x3  }
0x96: {  	_ =	strace s3  }
0x97: {  	_ =	strace $0x8FFFFFFF  }
0x98: {  	s19 =	sld [smem:$0x3FDB];
	_ =	sdelay $0x1  }
0x99: {  	s4 =	simm.s32 $_scs_section_size  }
0x9a: {  	s5 =	simm.s32 $_size__tile_overlayer_lowered;
	s6 =	simm.s32 $_tile_overlayer_lowered  }
0x9b: {  	s22 =	simm.s32 $0x1BFF;
	s21 =	sshll.u32 s6, $0x1;
	s3 =	sadd.s32 s4, s19  }
0x9c: {  	s7 =	simm.s32 $0x0;
	s20 =	sshll.u32 s5, $0x1;
	s5 =	sadd.s32 s21, s3  }
0x9d: {  	[timem:s7], [sflag:s22] =	dma.local [hbm:s5], s20  }
0x9e: {  	_ =	swait.ge [sflag:s22], s20  }
0x9f: {  	s4 =	ssub.s32 $0x0, s20;
	[sflag:s22] =	ssyncset.done $0x0  }
0xa0: {  	[sflag:s22] =	ssyncadd.s32 s4;
	_ =	sdelay $0x1  }
0xa1: {  	s23 =	simm.s32 $0x1B8B  }
0xa2: {  	_ =	swait.ge [sflag:s23], $0x1  }
0xa3: {  	[sflag:s23] =	ssyncset.done $0x0  }
0xa4: {  	s25 =	simm.s32 $0x1B8E;
	s24 =	sld [smem:$0x3FFE];
	[sflag:s23] =	ssyncadd.s32 $0xFFFFFFFF  }
0xa5: {  	s26 =	simm.s32 $execute0_lowered;
	[smem:$0x3FD2] =	sst s25  }
0xa6: {  	s5 =	sshll.u32 s26, $0x1;
	_ =	strace $0x80000046;
	[dreg:$0x1] =	wrdreg $0xFFFFFFFF  }
0xa7: {  	s28 =	simm.s32 $_size_execute0_lowered;
	s3 =	sadd.s32 s3, s5;
	[dreg:$0x0] =	wrdreg $0x0  }
0xa8: {  	s5 =	sshll.u32 s28, $0x1;
	[dreg:$0x2] =	wrdreg s3  }
0xa9: {  	[dreg:$0x3] =	wrdreg s5  }
0xaa: {  	[dreg:$0x4] =	wrdreg $0xC0  }
0xab: {  	_ =	task [dreg:s7], $0x5FFFF  }
0xac: {  	[dreg:$0x1] =	wrdreg $0xFFFFFFFF  }
0xad: {  	[dreg:$0x0] =	wrdreg $0x60  }
0xae: {  	[dreg:$0x2] =	wrdreg s24  }
0xaf: {  	[dreg:$0x3] =	wrdreg s2  }
0xb0: {  	[dreg:$0x4] =	wrdreg $0x9  }
0xb1: {  	_ =	task.clear_ibuf [dreg:s7], $0x5FFFF;
	_ =	strace $0x90000046  }
0xb2: {  	s29 =	simm.s32 $0x9;
	_ =	strace $0x80000048  }
0xb3: {  	_ =	swait.ge [sflag:s29], $0x1  }
0xb4: {  	[sflag:s29] =	ssyncadd.s32 $0xFFFFFFFF  }
0xb5: {  	_ =	strace $0x90000048  }
0xb6: {  	_ =	sfence  }
0xb7: {  	s30 =	sld [smem:$0x0];
	_ =	sdelay $0x2  }
0xb8: {  	s31 =	sshll.u32 s1, $0xD;
	s1 =	sshrl.u32 s1, $0x2  }
0xb9: {  	s3 =	sand.u32 $0x4000, s31;
	s1 =	sadd.s32 s1, s30  }
0xba: {  	s0 =	sor.u32 s3, s0;
	s1 =	sshll.u32 s1, $0x11  }
0xbb: {  	s0 =	sor.u32 s1, s0  }
0xbc: {  	s0 =	sadd.s32 $0x8F2B, s0  }
0xbd: {  	[sflag:s0] =	ssyncadd.remote.s32 $0x1  }
0xbe: {  	_ =	sfence.sel $0xFFFF  }
0xbf: {  	[dreg:$0x0] =	wrdreg $0xFFFFFFFF;
	(pc) =	sbr.abs _section_cstart, $3  }
0xc0: {  	[dreg:$0x1] =	wrdreg $0xFFFFFFFF  }
0xc1: {  	_ =	task.clear_ibuf [dreg:s7], $0x2FFFF;
	_ =	strace $0x9FFFFFFF  }
0xc2: {  	(tm) =	ssettm $0x7FFFFFFF  }
0xc3: {  	_ =	shalt  }
tec
execute0_lowered:
.L_overlay_start_1:
0x0: {  	(tag) =	ssettag $0x1  }
0x1: {  	s0 =	rddreg [dreg:$0x0]  }
0x2: {  	s31 =	rddreg [dreg:$0x1];
	s1 =	srdreg.scid  }
0x3: {  	s2 =	stileid.u32;
	s3 =	simm.s32 $0x0;
	s11 =	simm.s32 $0x3200  }
0x4: {  	s12 =	simm.s32 $0x7080;
	s13 =	simm.s32 $0xA280;
	s14 =	simm.s32 $0x7D00  }
0x5: {  	s15 =	simm.s32 $0xA480;
	s16 =	simm.s32 $0x8980;
	s1 =	sand.u32 $0x1, s1  }
0x6: {  	s2 =	sshll.u32 s2, $0x1;
	[smem:$0x7FF] =	sst s3;
	s6 =	sadd.s32 $0x320400, s0  }
0x7: {  	s4 =	ssub.s32 $0x2, s1;
	s1 =	sor.u32 s1, s2;
	_ =	strace $0x80000047  }
0x8: {  	[dreg:$0x3] =	wrdreg s6;
	s5 =	smul.u32 $0xC800, s1;
	s1 =	sshll.u32 s1, $0x5  }
0x9: {  	s17 =	simm.s32 $0xA680;
	s30 =	sor.u32 $0x1, s1;
	[dreg:$0x4] =	wrdreg s1  }
0xa: {  	s26 =	sshrl.u32 s4, $0x1;
	s1 =	sor.u32 $0x2, s1;
	[dreg:$0x6] =	wrdreg s30  }
0xb: {  	s28 =	ssub.s32 s4, s26;
	s29 =	sadd.s32 s6, s5;
	[dreg:$0x7] =	wrdreg s1  }
0xc: {  	s18 =	simm.s32 $0x9600;
	s0 =	smax.u32 s28, $0x1;
	[dreg:$0x5] =	wrdreg s29  }
0xd: {  	s19 =	simm.s32 $0xA880;
	v0 =	vimm.s32 $0x80000000;
	v1 =	vlaneseq.u32;
	s1 =	simm.s32 $0x0;
	[dreg:$0x8] =	wrdreg s0  }
.LBB2_1:
0xe: {  	[dreg:$0x9] =	wrdreg s1  }
0xf: {  	s0 =	rddreg [dreg:$0x5];
	s24 =	simm.s32 $0x0  }
0x10: {  	[tilespmem:s3], [sflag:$0x1] =	stream.linear.gather [hbm4b:s0+s3], $0x3200, $0x38;
	[tilespmem:$0xAA80] =	vst v63  }
.LBB2_2:
0x11: {  	s21 =	smov.u32 s31;
	s26 =	sshll.u32 s24, $0x1;
	s0 =	rddreg [dreg:$0x6]  }
0x12: {  	s1 =	simm.s32 $0x1;
	s28 =	simm.s32 $0xFF;
	s29 =	simm.s32 $0xA280  }
0x13: {  	s30 =	simm.s32 $0xA480;
	s31 =	simm.s32 $0xA680;
	s25 =	sor.u32 s0, s26  }
0x14: {  	s6 =	simm.s32 $0x9640;
	_ =	swait.ge [sflag:s1], $0x3200;
	s0 =	smul.u32 $0x640, s25  }
0x15: {  	s9 =	simm.s32 $0x89C0;
	[sflag:s1] =	ssyncset.done $0x0;
	s23 =	rddreg [dreg:$0x3]  }
0x16: {  	s2 =	simm.s32 $0x70C0;
	[sflag:s1] =	ssyncadd.s32 $0xFFFFCE00;
	s0 =	sadd.s32 s23, s0  }
0x17: {  	[tilespmem:s11], [sflag:$0x2] =	stream.linear.gather [hbm4b:s0+s3], $0x3200, $0x38;
	[tilespmem:$0xAA80] =	vst v63  }
0x18: {  	s1 =	simm.s32 $0x100;
	s23 =	simm.s32 $0x7D40;
	s0 =	simm.s32 $0xA880  }
.LBB2_3:
0x19: {  	v2 =	vld [tilespmem:s1+$0xFFFFFF00];
	_ =	sdelay $0x4  }
0x1a: {  	v3 =	vshra.s32 v2, $0x1F  }
0x1b: {  	v2 =	vand.u32 $0xFFFFFF00, v2;
	v3 =	vand.u32 $0x7FFFFF00, v3  }
0x1c: {  	v2 =	vxor.u32 v2, v3  }
0x1d: {  	v2 =	vor.u32 s28, v2  }
0x1e: {  	[tilespmem:s2+$0xFFFFFFC0] =	vst v2  }
0x1f: {  	v3 =	vld [tilespmem:s1+$0xFFFFFF40];
	_ =	sdelay $0x4  }
0x20: {  	v4 =	vshra.s32 v3, $0x1F  }
0x21: {  	v3 =	vand.u32 $0xFFFFFF00, v3;
	v4 =	vand.u32 $0x7FFFFF00, v4  }
0x22: {  	s7 =	sadd.s32 $0xFFFFFFFF, s28;
	v3 =	vxor.u32 v3, v4  }
0x23: {  	v3 =	vor.u32 s7, v3  }
0x24: {  	[tilespmem:s2+$0xFFFFFFD0] =	vst v3  }
0x25: {  	v11 =	vld [tilespmem:s1+$0xFFFFFF80];
	_ =	sdelay $0x4  }
0x26: {  	v5 =	vshra.s32 v11, $0x1F  }
0x27: {  	v4 =	vand.u32 $0xFFFFFF00, v11;
	v5 =	vand.u32 $0x7FFFFF00, v5  }
0x28: {  	s8 =	sadd.s32 $0xFFFFFFFE, s28;
	v4 =	vxor.u32 v4, v5  }
0x29: {  	v4 =	vor.u32 s8, v4  }
0x2a: {  	[tilespmem:s2+$0xFFFFFFE0] =	vst v4  }
0x2b: {  	v12 =	vld [tilespmem:s1+$0xFFFFFFC0];
	_ =	sdelay $0x4  }
0x2c: {  	v6 =	vshra.s32 v12, $0x1F  }
0x2d: {  	v5 =	vand.u32 $0xFFFFFF00, v12;
	v6 =	vand.u32 $0x7FFFFF00, v6  }
0x2e: {  	s5 =	sadd.s32 $0xFFFFFFFD, s28;
	v5 =	vxor.u32 v5, v6  }
0x2f: {  	v5 =	vor.u32 s5, v5  }
0x30: {  	[tilespmem:s2+$0xFFFFFFF0] =	vst v5  }
0x31: {  	v13 =	vld [tilespmem:s1+$0x0];
	_ =	sdelay $0x4  }
0x32: {  	v7 =	vshra.s32 v13, $0x1F  }
0x33: {  	v6 =	vand.u32 $0xFFFFFF00, v13;
	v7 =	vand.u32 $0x7FFFFF00, v7  }
0x34: {  	s20 =	sadd.s32 $0xFFFFFFFC, s28;
	v6 =	vxor.u32 v6, v7  }
0x35: {  	v6 =	vor.u32 s20, v6  }
0x36: {  	[tilespmem:s2+$0x0] =	vst v6  }
0x37: {  	v14 =	vld [tilespmem:s1+$0x40];
	_ =	sdelay $0x4  }
0x38: {  	v8 =	vshra.s32 v14, $0x1F  }
0x39: {  	v7 =	vand.u32 $0xFFFFFF00, v14;
	v8 =	vand.u32 $0x7FFFFF00, v8  }
0x3a: {  	s10 =	sadd.s32 $0xFFFFFFFB, s28;
	v7 =	vxor.u32 v7, v8  }
0x3b: {  	v7 =	vor.u32 s10, v7  }
0x3c: {  	[tilespmem:s2+$0x10] =	vst v7  }
0x3d: {  	v15 =	vld [tilespmem:s1+$0x80];
	_ =	sdelay $0x4  }
0x3e: {  	v9 =	vshra.s32 v15, $0x1F  }
0x3f: {  	v8 =	vand.u32 $0xFFFFFF00, v15;
	v9 =	vand.u32 $0x7FFFFF00, v9  }
0x40: {  	s22 =	sadd.s32 $0xFFFFFFFA, s28;
	v8 =	vxor.u32 v8, v9  }
0x41: {  	v8 =	vor.u32 s22, v8  }
0x42: {  	[tilespmem:s2+$0x20] =	vst v8  }
0x43: {  	v16 =	vld [tilespmem:s1+$0xC0];
	_ =	sdelay $0x4  }
0x44: {  	v10 =	vshra.s32 v16, $0x1F  }
0x45: {  	v9 =	vand.u32 $0xFFFFFF00, v16;
	v10 =	vand.u32 $0x7FFFFF00, v10  }
0x46: {  	s4 =	sadd.s32 $0xFFFFFFF9, s28;
	vm0 =	vgt.s32 v2, v3;
	v9 =	vxor.u32 v9, v10  }
0x47: {  	v2 =	vsel vm0, v2, v3;
	v9 =	vor.u32 s4, v9  }
0x48: {  	vm15 =	vgt.s32 v4, v5;
	vm1 =	vgt.s32 v6, v7;
	vm2 =	vgt.s32 v8, v9  }
0x49: {  	v3 =	vsel vm15, v4, v5;
	v17 =	vsel vm1, v6, v7;
	v18 =	vsel vm2, v8, v9  }
0x4a: {  	vm0 =	vgt.s32 v2, v3;
	vm1 =	vgt.s32 v17, v18  }
0x4b: {  	v2 =	vsel vm0, v2, v3;
	v3 =	vsel vm1, v17, v18  }
0x4c: {  	vm0 =	vgt.s32 v2, v3  }
0x4d: {  	[tilespmem:s2+$0x30] =	vst v9;
	v2 =	vsel vm0, v2, v3  }
0x4e: {  	[tilespmem:s29+$0x0] =	vst v2  }
0x4f: {  	v2 =	vld [tilespmem:s1+$0xFFFFFF10];
	_ =	sdelay $0x4  }
0x50: {  	v3 =	vshra.s32 v2, $0x1F  }
0x51: {  	v2 =	vand.u32 $0xFFFFFF00, v2;
	v3 =	vand.u32 $0x7FFFFF00, v3  }
0x52: {  	v2 =	vxor.u32 v2, v3  }
0x53: {  	v2 =	vor.u32 s28, v2  }
0x54: {  	[tilespmem:s23+$0xFFFFFFC0] =	vst v2  }
0x55: {  	v3 =	vld [tilespmem:s1+$0xFFFFFF50];
	_ =	sdelay $0x4  }
0x56: {  	v19 =	vshra.s32 v3, $0x1F  }
0x57: {  	v3 =	vand.u32 $0xFFFFFF00, v3;
	v4 =	vand.u32 $0x7FFFFF00, v19  }
0x58: {  	v3 =	vxor.u32 v3, v4  }
0x59: {  	v3 =	vor.u32 s7, v3  }
0x5a: {  	[tilespmem:s23+$0xFFFFFFD0] =	vst v3  }
0x5b: {  	v20 =	vld [tilespmem:s1+$0xFFFFFF90];
	_ =	sdelay $0x4  }
0x5c: {  	v21 =	vshra.s32 v20, $0x1F  }
0x5d: {  	v4 =	vand.u32 $0xFFFFFF00, v20;
	v5 =	vand.u32 $0x7FFFFF00, v21  }
0x5e: {  	v4 =	vxor.u32 v4, v5  }
0x5f: {  	v4 =	vor.u32 s8, v4  }
0x60: {  	[tilespmem:s23+$0xFFFFFFE0] =	vst v4  }
0x61: {  	v22 =	vld [tilespmem:s1+$0xFFFFFFD0];
	_ =	sdelay $0x4  }
0x62: {  	v23 =	vshra.s32 v22, $0x1F  }
0x63: {  	v5 =	vand.u32 $0xFFFFFF00, v22;
	v6 =	vand.u32 $0x7FFFFF00, v23  }
0x64: {  	v5 =	vxor.u32 v5, v6  }
0x65: {  	v5 =	vor.u32 s5, v5  }
0x66: {  	[tilespmem:s23+$0xFFFFFFF0] =	vst v5  }
0x67: {  	v24 =	vld [tilespmem:s1+$0x10];
	_ =	sdelay $0x4  }
0x68: {  	v25 =	vshra.s32 v24, $0x1F  }
0x69: {  	v6 =	vand.u32 $0xFFFFFF00, v24;
	v7 =	vand.u32 $0x7FFFFF00, v25  }
0x6a: {  	v6 =	vxor.u32 v6, v7  }
0x6b: {  	v6 =	vor.u32 s20, v6  }
0x6c: {  	[tilespmem:s23+$0x0] =	vst v6  }
0x6d: {  	v26 =	vld [tilespmem:s1+$0x50];
	_ =	sdelay $0x4  }
0x6e: {  	v27 =	vshra.s32 v26, $0x1F  }
0x6f: {  	v7 =	vand.u32 $0xFFFFFF00, v26;
	v8 =	vand.u32 $0x7FFFFF00, v27  }
0x70: {  	v7 =	vxor.u32 v7, v8  }
0x71: {  	v7 =	vor.u32 s10, v7  }
0x72: {  	[tilespmem:s23+$0x10] =	vst v7  }
0x73: {  	v28 =	vld [tilespmem:s1+$0x90];
	_ =	sdelay $0x4  }
0x74: {  	v29 =	vshra.s32 v28, $0x1F  }
0x75: {  	v8 =	vand.u32 $0xFFFFFF00, v28;
	v9 =	vand.u32 $0x7FFFFF00, v29  }
0x76: {  	v8 =	vxor.u32 v8, v9  }
0x77: {  	v8 =	vor.u32 s22, v8  }
0x78: {  	[tilespmem:s23+$0x20] =	vst v8  }
0x79: {  	v30 =	vld [tilespmem:s1+$0xD0];
	_ =	sdelay $0x4  }
0x7a: {  	v31 =	vshra.s32 v30, $0x1F  }
0x7b: {  	v9 =	vand.u32 $0xFFFFFF00, v30;
	v10 =	vand.u32 $0x7FFFFF00, v31  }
0x7c: {  	vm4 =	vgt.s32 v2, v3;
	v9 =	vxor.u32 v9, v10  }
0x7d: {  	v2 =	vsel vm4, v2, v3;
	v9 =	vor.u32 s4, v9  }
0x7e: {  	vm5 =	vgt.s32 v4, v5;
	vm6 =	vgt.s32 v6, v7;
	vm7 =	vgt.s32 v8, v9  }
0x7f: {  	v3 =	vsel vm5, v4, v5;
	v32 =	vsel vm6, v6, v7;
	v33 =	vsel vm7, v8, v9  }
0x80: {  	vm0 =	vgt.s32 v2, v3;
	vm1 =	vgt.s32 v32, v33  }
0x81: {  	v2 =	vsel vm0, v2, v3;
	v3 =	vsel vm1, v32, v33  }
0x82: {  	vm0 =	vgt.s32 v2, v3  }
0x83: {  	[tilespmem:s23+$0x30] =	vst v9;
	v2 =	vsel vm0, v2, v3  }
0x84: {  	[tilespmem:s30+$0x0] =	vst v2  }
0x85: {  	v2 =	vld [tilespmem:s1+$0xFFFFFF20];
	_ =	sdelay $0x4  }
0x86: {  	v3 =	vshra.s32 v2, $0x1F  }
0x87: {  	v2 =	vand.u32 $0xFFFFFF00, v2;
	v3 =	vand.u32 $0x7FFFFF00, v3  }
0x88: {  	v2 =	vxor.u32 v2, v3  }
0x89: {  	v2 =	vor.u32 s28, v2  }
0x8a: {  	[tilespmem:s9+$0xFFFFFFC0] =	vst v2  }
0x8b: {  	v3 =	vld [tilespmem:s1+$0xFFFFFF60];
	_ =	sdelay $0x4  }
0x8c: {  	v34 =	vshra.s32 v3, $0x1F  }
0x8d: {  	v3 =	vand.u32 $0xFFFFFF00, v3;
	v4 =	vand.u32 $0x7FFFFF00, v34  }
0x8e: {  	v3 =	vxor.u32 v3, v4  }
0x8f: {  	v3 =	vor.u32 s7, v3  }
0x90: {  	[tilespmem:s9+$0xFFFFFFD0] =	vst v3  }
0x91: {  	v35 =	vld [tilespmem:s1+$0xFFFFFFA0];
	_ =	sdelay $0x4  }
0x92: {  	v36 =	vshra.s32 v35, $0x1F  }
0x93: {  	v4 =	vand.u32 $0xFFFFFF00, v35;
	v5 =	vand.u32 $0x7FFFFF00, v36  }
0x94: {  	v4 =	vxor.u32 v4, v5  }
0x95: {  	v4 =	vor.u32 s8, v4  }
0x96: {  	[tilespmem:s9+$0xFFFFFFE0] =	vst v4  }
0x97: {  	v37 =	vld [tilespmem:s1+$0xFFFFFFE0];
	_ =	sdelay $0x4  }
0x98: {  	v38 =	vshra.s32 v37, $0x1F  }
0x99: {  	v5 =	vand.u32 $0xFFFFFF00, v37;
	v6 =	vand.u32 $0x7FFFFF00, v38  }
0x9a: {  	v5 =	vxor.u32 v5, v6  }
0x9b: {  	v5 =	vor.u32 s5, v5  }
0x9c: {  	[tilespmem:s9+$0xFFFFFFF0] =	vst v5  }
0x9d: {  	v39 =	vld [tilespmem:s1+$0x20];
	_ =	sdelay $0x4  }
0x9e: {  	v40 =	vshra.s32 v39, $0x1F  }
0x9f: {  	v6 =	vand.u32 $0xFFFFFF00, v39;
	v7 =	vand.u32 $0x7FFFFF00, v40  }
0xa0: {  	v6 =	vxor.u32 v6, v7  }
0xa1: {  	v6 =	vor.u32 s20, v6  }
0xa2: {  	[tilespmem:s9+$0x0] =	vst v6  }
0xa3: {  	v41 =	vld [tilespmem:s1+$0x60];
	_ =	sdelay $0x4  }
0xa4: {  	v42 =	vshra.s32 v41, $0x1F  }
0xa5: {  	v7 =	vand.u32 $0xFFFFFF00, v41;
	v8 =	vand.u32 $0x7FFFFF00, v42  }
0xa6: {  	v7 =	vxor.u32 v7, v8  }
0xa7: {  	v7 =	vor.u32 s10, v7  }
0xa8: {  	[tilespmem:s9+$0x10] =	vst v7  }
0xa9: {  	v43 =	vld [tilespmem:s1+$0xA0];
	_ =	sdelay $0x4  }
0xaa: {  	v44 =	vshra.s32 v43, $0x1F  }
0xab: {  	v8 =	vand.u32 $0xFFFFFF00, v43;
	v9 =	vand.u32 $0x7FFFFF00, v44  }
0xac: {  	v8 =	vxor.u32 v8, v9  }
0xad: {  	v8 =	vor.u32 s22, v8  }
0xae: {  	[tilespmem:s9+$0x20] =	vst v8  }
0xaf: {  	v45 =	vld [tilespmem:s1+$0xE0];
	_ =	sdelay $0x4  }
0xb0: {  	v46 =	vshra.s32 v45, $0x1F  }
0xb1: {  	v9 =	vand.u32 $0xFFFFFF00, v45;
	v10 =	vand.u32 $0x7FFFFF00, v46  }
0xb2: {  	vm8 =	vgt.s32 v2, v3;
	v9 =	vxor.u32 v9, v10  }
0xb3: {  	v2 =	vsel vm8, v2, v3;
	v9 =	vor.u32 s4, v9  }
0xb4: {  	vm9 =	vgt.s32 v4, v5;
	vm10 =	vgt.s32 v6, v7;
	vm11 =	vgt.s32 v8, v9  }
0xb5: {  	v3 =	vsel vm9, v4, v5;
	v47 =	vsel vm10, v6, v7;
	v48 =	vsel vm11, v8, v9  }
0xb6: {  	vm0 =	vgt.s32 v2, v3;
	vm1 =	vgt.s32 v47, v48  }
0xb7: {  	v2 =	vsel vm0, v2, v3;
	v3 =	vsel vm1, v47, v48  }
0xb8: {  	vm0 =	vgt.s32 v2, v3  }
0xb9: {  	[tilespmem:s9+$0x30] =	vst v9;
	v2 =	vsel vm0, v2, v3  }
0xba: {  	[tilespmem:s31+$0x0] =	vst v2  }
0xbb: {  	v2 =	vld [tilespmem:s1+$0xFFFFFF30];
	_ =	sdelay $0x4  }
0xbc: {  	v3 =	vshra.s32 v2, $0x1F  }
0xbd: {  	v2 =	vand.u32 $0xFFFFFF00, v2;
	v3 =	vand.u32 $0x7FFFFF00, v3  }
0xbe: {  	v2 =	vxor.u32 v2, v3  }
0xbf: {  	v2 =	vor.u32 s28, v2  }
0xc0: {  	[tilespmem:s6+$0xFFFFFFC0] =	vst v2  }
0xc1: {  	v3 =	vld [tilespmem:s1+$0xFFFFFF70];
	_ =	sdelay $0x4  }
0xc2: {  	v49 =	vshra.s32 v3, $0x1F  }
0xc3: {  	v3 =	vand.u32 $0xFFFFFF00, v3;
	v4 =	vand.u32 $0x7FFFFF00, v49  }
0xc4: {  	v3 =	vxor.u32 v3, v4  }
0xc5: {  	v3 =	vor.u32 s7, v3  }
0xc6: {  	[tilespmem:s6+$0xFFFFFFD0] =	vst v3  }
0xc7: {  	v50 =	vld [tilespmem:s1+$0xFFFFFFB0];
	_ =	sdelay $0x4  }
0xc8: {  	v51 =	vshra.s32 v50, $0x1F  }
0xc9: {  	v4 =	vand.u32 $0xFFFFFF00, v50;
	v5 =	vand.u32 $0x7FFFFF00, v51  }
0xca: {  	v4 =	vxor.u32 v4, v5  }
0xcb: {  	v4 =	vor.u32 s8, v4  }
0xcc: {  	[tilespmem:s6+$0xFFFFFFE0] =	vst v4  }
0xcd: {  	v52 =	vld [tilespmem:s1+$0xFFFFFFF0];
	_ =	sdelay $0x4  }
0xce: {  	v53 =	vshra.s32 v52, $0x1F  }
0xcf: {  	v5 =	vand.u32 $0xFFFFFF00, v52;
	v6 =	vand.u32 $0x7FFFFF00, v53  }
0xd0: {  	v5 =	vxor.u32 v5, v6  }
0xd1: {  	v5 =	vor.u32 s5, v5  }
0xd2: {  	[tilespmem:s6+$0xFFFFFFF0] =	vst v5  }
0xd3: {  	v54 =	vld [tilespmem:s1+$0x30];
	_ =	sdelay $0x4  }
0xd4: {  	v55 =	vshra.s32 v54, $0x1F  }
0xd5: {  	v6 =	vand.u32 $0xFFFFFF00, v54;
	v7 =	vand.u32 $0x7FFFFF00, v55  }
0xd6: {  	v6 =	vxor.u32 v6, v7  }
0xd7: {  	v6 =	vor.u32 s20, v6  }
0xd8: {  	[tilespmem:s6+$0x0] =	vst v6  }
0xd9: {  	v56 =	vld [tilespmem:s1+$0x70];
	_ =	sdelay $0x4  }
0xda: {  	v57 =	vshra.s32 v56, $0x1F  }
0xdb: {  	v7 =	vand.u32 $0xFFFFFF00, v56;
	v8 =	vand.u32 $0x7FFFFF00, v57  }
0xdc: {  	v7 =	vxor.u32 v7, v8  }
0xdd: {  	v7 =	vor.u32 s10, v7  }
0xde: {  	[tilespmem:s6+$0x10] =	vst v7  }
0xdf: {  	v58 =	vld [tilespmem:s1+$0xB0];
	_ =	sdelay $0x4  }
0xe0: {  	v59 =	vshra.s32 v58, $0x1F  }
0xe1: {  	v8 =	vand.u32 $0xFFFFFF00, v58;
	v9 =	vand.u32 $0x7FFFFF00, v59  }
0xe2: {  	v8 =	vxor.u32 v8, v9  }
0xe3: {  	v8 =	vor.u32 s22, v8  }
0xe4: {  	[tilespmem:s6+$0x20] =	vst v8  }
0xe5: {  	v60 =	vld [tilespmem:s1+$0xF0];
	_ =	sdelay $0x4  }
0xe6: {  	v61 =	vshra.s32 v60, $0x1F  }
0xe7: {  	v9 =	vand.u32 $0xFFFFFF00, v60;
	v10 =	vand.u32 $0x7FFFFF00, v61  }
0xe8: {  	vm12 =	vgt.s32 v2, v3;
	v9 =	vxor.u32 v9, v10  }
0xe9: {  	v2 =	vsel vm12, v2, v3;
	v9 =	vor.u32 s4, v9  }
0xea: {  	vm13 =	vgt.s32 v4, v5;
	vm14 =	vgt.s32 v6, v7;
	vm15 =	vgt.s32 v8, v9  }
0xeb: {  	p0 =	sne.s32 s28, $0x3F;
	v3 =	vsel vm13, v4, v5;
	v62 =	vsel vm14, v6, v7;
	v63 =	vsel vm15, v8, v9  }
.Ltmp0:
0xec: {  	vm0 =	vgt.s32 v2, v3;
	vm1 =	vgt.s32 v62, v63;
	(pc) =	sbr.rel @p0 .LBB2_3-.Ltmp0, $4  }
0xed: {  	s2 =	sadd.s32 $0x80, s2;
	v2 =	vsel vm0, v2, v3;
	v3 =	vsel vm1, v62, v63  }
0xee: {  	s29 =	sadd.s32 $0x10, s29;
	s23 =	sadd.s32 $0x80, s23;
	s30 =	sadd.s32 $0x10, s30;
	vm0 =	vgt.s32 v2, v3  }
0xef: {  	s9 =	sadd.s32 $0x80, s9;
	s31 =	sadd.s32 $0x10, s31;
	s28 =	sadd.s32 $0xFFFFFFF8, s28;
	[tilespmem:s6+$0x30] =	vst v9;
	v2 =	vsel vm0, v2, v3  }
0xf0: {  	s1 =	sadd.s32 $0x200, s1;
	s6 =	sadd.s32 $0x80, s6;
	[tilespmem:s0+$0x0] =	vst v2;
	s0 =	sadd.s32 $0x10, s0  }
0xf1: {  	v2 =	vld [tilespmem:$0xA280]  }
0xf2: {  	v3 =	vld [tilespmem:$0xA290]  }
0xf3: {  	v4 =	vld [tilespmem:$0xA2A0]  }
0xf4: {  	v5 =	vld [tilespmem:$0xA2B0]  }
0xf5: {  	v6 =	vld [tilespmem:$0xA2C0]  }
0xf6: {  	v7 =	vld [tilespmem:$0xA2D0]  }
0xf7: {  	v8 =	vld [tilespmem:$0xA2E0]  }
0xf8: {  	v9 =	vld [tilespmem:$0xA2F0]  }
0xf9: {  	v10 =	vld [tilespmem:$0xA300]  }
0xfa: {  	v11 =	vld [tilespmem:$0xA310]  }
0xfb: {  	v12 =	vld [tilespmem:$0xA320]  }
0xfc: {  	v13 =	vld [tilespmem:$0xA330]  }
0xfd: {  	v14 =	vld [tilespmem:$0xA340]  }
0xfe: {  	v15 =	vld [tilespmem:$0xA350]  }
0xff: {  	v16 =	vld [tilespmem:$0xA360]  }
0x100: {  	v17 =	vld [tilespmem:$0xA370]  }
0x101: {  	v18 =	vld [tilespmem:$0xA380]  }
0x102: {  	v19 =	vld [tilespmem:$0xA390]  }
0x103: {  	v20 =	vld [tilespmem:$0xA3A0]  }
0x104: {  	v21 =	vld [tilespmem:$0xA3B0]  }
0x105: {  	v22 =	vld [tilespmem:$0xA3C0]  }
0x106: {  	v23 =	vld [tilespmem:$0xA3D0]  }
0x107: {  	v24 =	vld [tilespmem:$0xA3E0]  }
0x108: {  	v25 =	vld [tilespmem:$0xA3F0]  }
0x109: {  	v26 =	vld [tilespmem:$0xA480]  }
0x10a: {  	v27 =	vld [tilespmem:$0xA490]  }
0x10b: {  	v28 =	vld [tilespmem:$0xA4A0]  }
0x10c: {  	v29 =	vld [tilespmem:$0xA4B0]  }
0x10d: {  	v30 =	vld [tilespmem:$0xA4C0]  }
0x10e: {  	v31 =	vld [tilespmem:$0xA4D0]  }
0x10f: {  	v32 =	vld [tilespmem:$0xA4E0]  }
0x110: {  	v33 =	vld [tilespmem:$0xA4F0]  }
0x111: {  	v34 =	vld [tilespmem:$0xA500]  }
0x112: {  	v35 =	vld [tilespmem:$0xA510]  }
0x113: {  	v36 =	vld [tilespmem:$0xA520]  }
0x114: {  	v37 =	vld [tilespmem:$0xA530]  }
0x115: {  	v38 =	vld [tilespmem:$0xA540]  }
0x116: {  	v39 =	vld [tilespmem:$0xA550]  }
0x117: {  	v40 =	vld [tilespmem:$0xA560]  }
0x118: {  	v41 =	vld [tilespmem:$0xA570]  }
0x119: {  	v42 =	vld [tilespmem:$0xA580]  }
0x11a: {  	v43 =	vld [tilespmem:$0xA590]  }
0x11b: {  	v44 =	vld [tilespmem:$0xA5A0]  }
0x11c: {  	v45 =	vld [tilespmem:$0xA5B0]  }
0x11d: {  	v46 =	vld [tilespmem:$0xA5C0]  }
0x11e: {  	v47 =	vld [tilespmem:$0xA5D0]  }
0x11f: {  	v48 =	vld [tilespmem:$0xA5E0]  }
0x120: {  	v49 =	vld [tilespmem:$0xA5F0]  }
0x121: {  	v50 =	vld [tilespmem:$0xA680]  }
0x122: {  	v51 =	vld [tilespmem:$0xA690]  }
0x123: {  	v52 =	vld [tilespmem:$0xA6A0];
	vm0 =	vgt.s32 v2, v3;
	vm1 =	vgt.s32 v4, v5;
	vm2 =	vgt.s32 v6, v7  }
0x124: {  	v53 =	vld [tilespmem:$0xA6E0];
	vm15 =	vgt.s32 v8, v9;
	vm4 =	vgt.s32 v10, v11;
	vm5 =	vgt.s32 v12, v13  }
0x125: {  	v54 =	vld [tilespmem:$0xA720];
	vm6 =	vgt.s32 v14, v15;
	vm7 =	vgt.s32 v16, v17;
	vm10 =	vgt.s32 v18, v19  }
0x126: {  	v57 =	vld [tilespmem:$0xA740];
	vm11 =	vgt.s32 v20, v21;
	vm12 =	vgt.s32 v22, v23;
	vm13 =	vgt.s32 v24, v25  }
0x127: {  	v55 =	vld [tilespmem:$0xA910];
	vm14 =	vgt.s32 v26, v27;
	v2 =	vsel vm0, v2, v3;
	v3 =	vsel vm1, v4, v5  }
0x128: {  	v56 =	vld [tilespmem:$0xA920];
	v61 =	vsel vm2, v6, v7;
	v62 =	vsel vm15, v8, v9;
	v9 =	vsel vm5, v12, v13  }
0x129: {  	v5 =	vld [tilespmem:$0xA6B0];
	v58 =	vsel vm11, v20, v21;
	v12 =	vsel vm13, v24, v25;
	vm15 =	vgt.s32 v28, v29  }
0x12a: {  	v6 =	vld [tilespmem:$0xA6C0];
	vm5 =	vgt.s32 v32, v33;
	vm11 =	vgt.s32 v40, v41;
	vm13 =	vgt.s32 v44, v45  }
0x12b: {  	v8 =	vld [tilespmem:$0xA6D0];
	vm1 =	vgt.s32 v2, v3;
	vm8 =	vgt.s32 v61, v62;
	v13 =	vsel vm15, v28, v29  }
0x12c: {  	v20 =	vld [tilespmem:$0xA770];
	vm15 =	vgt.s32 v48, v49;
	v2 =	vsel vm1, v2, v3;
	v3 =	vsel vm4, v10, v11  }
0x12d: {  	v21 =	vld [tilespmem:$0xA780];
	v10 =	vsel vm6, v14, v15;
	v11 =	vsel vm7, v16, v17;
	v4 =	vsel vm8, v61, v62  }
0x12e: {  	v24 =	vld [tilespmem:$0xA7A0];
	vm4 =	vgt.s32 v30, v31;
	vm8 =	vgt.s32 v34, v35;
	v61 =	vsel vm11, v40, v41  }
0x12f: {  	v25 =	vld [tilespmem:$0xA7C0];
	v40 =	vsel vm13, v44, v45;
	vm9 =	vgt.s32 v3, v9;
	vm2 =	vgt.s32 v10, v11  }
0x130: {  	v15 =	vld [tilespmem:$0xA6F0];
	vm0 =	vgt.s32 v2, v4;
	v14 =	vsel vm4, v30, v31;
	v3 =	vsel vm9, v3, v9  }
0x131: {  	v16 =	vld [tilespmem:$0xA700];
	v63 =	vsel vm2, v10, v11;
	v9 =	vsel vm0, v2, v4;
	v2 =	vsel vm10, v18, v19  }
0x132: {  	v17 =	vld [tilespmem:$0xA710];
	v11 =	vsel vm12, v22, v23;
	v22 =	vsel vm5, v32, v33;
	vm9 =	vgt.s32 v36, v37  }
0x133: {  	v62 =	vld [tilespmem:$0xA7F0];
	vm10 =	vgt.s32 v38, v39;
	vm12 =	vgt.s32 v42, v43;
	vm1 =	vgt.s32 v3, v63  }
0x134: {  	v44 =	vld [tilespmem:$0xA8A0];
	vm0 =	vgt.s32 v2, v58;
	vm2 =	vgt.s32 v14, v22;
	v10 =	vsel vm1, v3, v63  }
0x135: {  	v18 =	vld [tilespmem:$0xA750];
	vm1 =	vgt.s32 v11, v12;
	v2 =	vsel vm0, v2, v58;
	v60 =	vsel vm2, v14, v22  }
0x136: {  	v19 =	vld [tilespmem:$0xA760];
	v14 =	vsel vm10, v38, v39;
	vm10 =	vgt.s32 v6, v8;
	v59 =	vsel vm1, v11, v12  }
0x137: {  	v23 =	vld [tilespmem:$0xA790];
	v12 =	vsel vm14, v26, v27;
	vm14 =	vgt.s32 v46, v47;
	vm4 =	vgt.s32 v14, v61  }
0x138: {  	v3 =	vld [tilespmem:$0xA730];
	v6 =	vsel vm10, v6, v8;
	vm11 =	vgt.s32 v53, v15;
	vm6 =	vgt.s32 v2, v59  }
0x139: {  	v22 =	vld [tilespmem:$0xA7B0];
	vm7 =	vgt.s32 v12, v13;
	v41 =	vsel vm14, v46, v47;
	v14 =	vsel vm4, v14, v61  }
0x13a: {  	v63 =	vld [tilespmem:$0xA880];
	v15 =	vsel vm11, v53, v15;
	v11 =	vsel vm6, v2, v59;
	v2 =	vsel vm7, v12, v13  }
0x13b: {  	v58 =	vld [tilespmem:$0xA970];
	v12 =	vsel vm8, v34, v35;
	v13 =	vsel vm9, v36, v37;
	vm8 =	vgt.s32 v50, v51  }
0x13c: {  	v26 =	vld [tilespmem:$0xA7D0];
	vm9 =	vgt.s32 v52, v5;
	vm14 =	vgt.s32 v57, v18;
	vm4 =	vgt.s32 v6, v15  }
0x13d: {  	v27 =	vld [tilespmem:$0xA7E0];
	vm1 =	vgt.s32 v12, v13;
	vm6 =	vgt.s32 v2, v60;
	v51 =	vsel vm8, v50, v51  }
0x13e: {  	v8 =	vld [tilespmem:$0xA8F0];
	v5 =	vsel vm9, v52, v5;
	v4 =	vsel vm14, v57, v18;
	v6 =	vsel vm4, v6, v15  }
0x13f: {  	[tilespmem:$0xA410] =	vst v0;
	v47 =	vld [tilespmem:$0xA8B0];
	v13 =	vsel vm1, v12, v13;
	v12 =	vsel vm12, v42, v43;
	v42 =	vsel vm15, v48, v49  }
0x140: {  	[tilespmem:$0xA420] =	vst v0;
	v59 =	vld [tilespmem:$0xA980];
	vm1 =	vgt.s32 v51, v5;
	vm12 =	vgt.s32 v16, v17;
	vm13 =	vgt.s32 v54, v3  }
0x141: {  	[tilespmem:$0xA430] =	vst v0;
	v52 =	vld [tilespmem:$0xA900];
	vm15 =	vgt.s32 v19, v20;
	vm5 =	vgt.s32 v12, v40;
	vm2 =	vgt.s32 v41, v42  }
0x142: {  	[tilespmem:$0xA440] =	vst v0;
	v18 =	vld [tilespmem:$0xA930];
	vm7 =	vgt.s32 v13, v14;
	v5 =	vsel vm1, v51, v5;
	v16 =	vsel vm12, v16, v17  }
0x143: {  	[tilespmem:$0xA450] =	vst v0;
	v57 =	vld [tilespmem:$0xA960];
	v3 =	vsel vm13, v54, v3;
	v17 =	vsel vm15, v19, v20;
	vm8 =	vgt.s32 v25, v26  }
0x144: {  	[tilespmem:$0xA460] =	vst v0;
	v43 =	vld [tilespmem:$0xA890];
	vm9 =	vgt.s32 v27, v62;
	v45 =	vsel vm5, v12, v40;
	v46 =	vsel vm2, v41, v42  }
0x145: {  	[tilespmem:$0xA470] =	vst v0;
	v48 =	vld [tilespmem:$0xA8C0];
	v12 =	vsel vm6, v2, v60;
	v13 =	vsel vm7, v13, v14;
	vm5 =	vgt.s32 v16, v3  }
0x146: {  	[tilespmem:$0xA610] =	vst v0;
	v49 =	vld [tilespmem:$0xA8E0];
	vm0 =	vgt.s32 v5, v6;
	vm6 =	vgt.s32 v21, v23;
	vm7 =	vgt.s32 v24, v22  }
0x147: {  	[tilespmem:$0xA620] =	vst v0;
	v19 =	vld [tilespmem:$0xA940];
	vm11 =	vgt.s32 v44, v47;
	vm2 =	vgt.s32 v45, v46;
	v3 =	vsel vm5, v16, v3  }
0x148: {  	[tilespmem:$0xA630] =	vst v0;
	v20 =	vld [tilespmem:$0xA950];
	v15 =	vsel vm0, v5, v6;
	v60 =	vsel vm7, v24, v22;
	v14 =	vsel vm2, v45, v46  }
0x149: {  	[tilespmem:$0xA640] =	vst v0;
	v2 =	vld [tilespmem:$0xA8D0];
	vm2 =	vgt.s32 v4, v17;
	vm4 =	vgt.s32 v52, v55;
	vm5 =	vgt.s32 v56, v18  }
0x14a: {  	[tilespmem:$0xA650] =	vst v0;
	v22 =	vld [tilespmem:$0xA990];
	vm7 =	vgt.s32 v57, v58;
	v4 =	vsel vm2, v4, v17;
	v17 =	vsel vm8, v25, v26  }
0x14b: {  	[tilespmem:$0xA660] =	vst v0;
	v24 =	vld [tilespmem:$0xA9B0];
	vm10 =	vgt.s32 v63, v43;
	vm13 =	vgt.s32 v49, v8;
	v26 =	vsel vm11, v44, v47  }
0x14c: {  	[tilespmem:$0xA670] =	vst v0;
	v25 =	vld [tilespmem:$0xA9C0];
	v18 =	vsel vm5, v56, v18;
	vm1 =	vgt.s32 v3, v4;
	v7 =	vsel vm13, v49, v8  }
0x14d: {  	[tilespmem:$0xA810] =	vst v0;
	v8 =	vld [tilespmem:$0xA9D0];
	v16 =	vsel vm1, v3, v4;
	v3 =	vsel vm6, v21, v23;
	v21 =	vsel vm9, v27, v62  }
0x14e: {  	[tilespmem:$0xA820] =	vst v0;
	v23 =	vld [tilespmem:$0xA9A0];
	vm12 =	vgt.s32 v48, v2;
	vm6 =	vgt.s32 v19, v20;
	v4 =	vsel vm7, v57, v58  }
0x14f: {  	[tilespmem:$0xA830] =	vst v0;
	v27 =	vld [tilespmem:$0xA9E0];
	vm0 =	vgt.s32 v3, v60;
	vm1 =	vgt.s32 v17, v21;
	v2 =	vsel vm12, v48, v2  }
0x150: {  	[tilespmem:$0xA840] =	vst v0;
	v62 =	vld [tilespmem:$0xA9F0];
	v20 =	vsel vm6, v19, v20;
	vm8 =	vgt.s32 v59, v22;
	v3 =	vsel vm0, v3, v60  }
0x151: {  	[tilespmem:$0xA850] =	vst v0;
	v61 =	vsel vm1, v17, v21;
	v21 =	vsel vm10, v63, v43;
	vm2 =	vgt.s32 v2, v7  }
0x152: {  	[tilespmem:$0xA860] =	vst v0;
	v63 =	vsel vm4, v52, v55;
	v5 =	vsel vm8, v59, v22;
	vm14 =	vgt.s32 v3, v61  }
0x153: {  	[tilespmem:$0xA870] =	vst v0;
	vm15 =	vgt.s32 v21, v26;
	v2 =	vsel vm2, v2, v7;
	vm1 =	vgt.s32 v63, v18  }
0x154: {  	[tilespmem:$0xAA10] =	vst v0;
	v17 =	vsel vm14, v3, v61;
	v3 =	vsel vm15, v21, v26;
	v7 =	vsel vm1, v63, v18  }
0x155: {  	[tilespmem:$0xAA20] =	vst v0;
	vm10 =	vgt.s32 v25, v8;
	vm9 =	vgt.s32 v23, v24;
	vm11 =	vgt.s32 v27, v62  }
0x156: {  	[tilespmem:$0xAA30] =	vst v0;
	v18 =	vld [tilespmem:$0xA400];
	v8 =	vsel vm10, v25, v8;
	v21 =	vsel vm9, v23, v24;
	v6 =	vsel vm11, v27, v62  }
0x157: {  	[tilespmem:$0xAA40] =	vst v0;
	vm12 =	vgt.s32 v20, v4;
	vm13 =	vgt.s32 v5, v21;
	vm2 =	vgt.s32 v8, v6  }
0x158: {  	[tilespmem:$0xAA50] =	vst v0;
	v19 =	vld [tilespmem:$0xA600];
	v4 =	vsel vm12, v20, v4;
	v5 =	vsel vm13, v5, v21;
	v6 =	vsel vm2, v8, v6  }
0x159: {  	[tilespmem:$0xAA60] =	vst v0;
	v20 =	vld [tilespmem:$0xA800];
	vm14 =	vgt.s32 v3, v2;
	vm15 =	vgt.s32 v7, v4;
	vm2 =	vgt.s32 v5, v6  }
0x15a: {  	[tilespmem:$0xAA70] =	vst v0;
	s28 =	simm.s32 $0x0;
	v22 =	vsel vm15, v7, v4;
	v24 =	vld [tilespmem:$0xAA00];
	v21 =	vsel vm14, v3, v2;
	v23 =	vsel vm2, v5, v6  }
.LBB2_5:
0x15b: {  	vm0 =	vgt.s32 v9, v10;
	vm1 =	vgt.s32 v11, v18  }
0x15c: {  	v2 =	vsel vm0, v9, v10;
	v3 =	vsel vm1, v11, v18  }
0x15d: {  	vm0 =	vgt.s32 v2, v3  }
0x15e: {  	v25 =	vsel vm0, v2, v3  }
0x15f: {  	v26 =	vandn.u32 $0xFF, v25  }
0x160: {  	v2 =	vshll.u32 v26, $0x6  }
0x161: {  	v2 =	vor.u32 v1, v2;
	_ =	sdelay $0x4  }
0x162: {  	v27 =	vshrl.u32 v26, $0x3;
	v5 =	vld.idx.msk [tilespmem:v2+s3+$0x0], $0xffff;
	v2 =	vshll.u32 v26, $0x4  }
0x163: {  	v28 =	vshll.u32 v27, $0x7;
	v6 =	vor.u32 v1, v2  }
0x164: {  	v7 =	vor.u32 v1, v28;
	v2 =	vor.u32 $0x10, v1  }
0x165: {  	v3 =	vor.u32 $0x20, v1;
	v8 =	vor.u32 v2, v28  }
0x166: {  	s0 =	sshra.s32 s28, $0x2;
	v4 =	vor.u32 $0x30, v1;
	v29 =	vor.u32 v3, v28  }
0x167: {  	v30 =	vor.u32 v4, v28;
	[tilespmem:s0+$0x6400] =	vst v5;
	v5 =	vor.u32 $0x40, v1  }
0x168: {  	[tilespmem:v6+s12+$0x0] =	vst.idx.msk $0xffff, v0;
	v31 =	vor.u32 v5, v28;
	v6 =	vor.u32 $0x50, v1  }
0x169: {  	v32 =	vld.idx.msk [tilespmem:v7+s12+$0x0], $0xffff;
	v33 =	vor.u32 v6, v28;
	v7 =	vor.u32 $0x60, v1  }
0x16a: {  	v34 =	vld.idx.msk [tilespmem:v8+s12+$0x0], $0xffff;
	v8 =	vor.u32 $0x70, v1;
	v35 =	vor.u32 v7, v28  }
0x16b: {  	v29 =	vld.idx.msk [tilespmem:v29+s12+$0x0], $0xffff;
	v28 =	vor.u32 v8, v28  }
0x16c: {  	v30 =	vld.idx.msk [tilespmem:v30+s12+$0x0], $0xffff  }
0x16d: {  	v31 =	vld.idx.msk [tilespmem:v31+s12+$0x0], $0xffff  }
0x16e: {  	v33 =	vld.idx.msk [tilespmem:v33+s12+$0x0], $0xffff  }
0x16f: {  	vm13 =	vgt.s32 v12, v13;
	vm14 =	vgt.s32 v14, v19;
	v35 =	vld.idx.msk [tilespmem:v35+s12+$0x0], $0xffff  }
0x170: {  	v42 =	vsel vm13, v12, v13;
	v25 =	vxor.u32 $0xFFFFFFFF, v25;
	v27 =	vshll.u32 v27, $0x4;
	v28 =	vld.idx.msk [tilespmem:v28+s12+$0x0], $0xffff  }
0x171: {  	v43 =	vsel vm14, v14, v19;
	v25 =	vshll.u32 v25, $0x1;
	v27 =	vor.u32 v1, v27  }
0x172: {  	vm1 =	vgt.s32 v42, v43;
	v25 =	vand.u32 $0x180, v25;
	v27 =	vand.u32 $0x7F, v27  }
0x173: {  	v36 =	vsel vm1, v42, v43;
	v25 =	vor.u32 v25, v27  }
0x174: {  	v26 =	vshrl.u32 v26, $0x6;
	vm8 =	vgt.s32 v32, v34;
	vm9 =	vgt.s32 v29, v30  }
0x175: {  	v32 =	vsel vm8, v32, v34;
	vm10 =	vgt.s32 v31, v33;
	vm11 =	vgt.s32 v35, v28  }
0x176: {  	v29 =	vsel vm9, v29, v30;
	v41 =	vsel vm10, v31, v33;
	v28 =	vsel vm11, v35, v28  }
0x177: {  	v27 =	vshll.u32 v26, $0x7;
	vm12 =	vgt.s32 v32, v29;
	vm15 =	vgt.s32 v41, v28  }
0x178: {  	v44 =	vor.u32 v1, v27;
	v29 =	vsel vm12, v32, v29;
	v28 =	vsel vm15, v41, v28  }
0x179: {  	v37 =	vandn.u32 $0xFF, v36;
	v45 =	vor.u32 v2, v27;
	vm0 =	vgt.s32 v29, v28  }
0x17a: {  	v48 =	vshll.u32 v37, $0x6;
	v46 =	vor.u32 v3, v27;
	v28 =	vsel vm0, v29, v28  }
0x17b: {  	[tilespmem:v25+s13+$0x0] =	vst.idx.msk $0xffff, v28;
	v25 =	vor.u32 v2, v48  }
0x17c: {  	v47 =	vor.u32 v4, v27  }
0x17d: {  	v49 =	vor.u32 v5, v27;
	v28 =	vld.idx.msk [tilespmem:v44+s13+$0x0], $0xffff  }
0x17e: {  	v50 =	vor.u32 v6, v27;
	v29 =	vld.idx.msk [tilespmem:v45+s13+$0x0], $0xffff  }
0x17f: {  	v51 =	vor.u32 v7, v27;
	v27 =	vor.u32 v8, v27;
	v30 =	vld.idx.msk [tilespmem:v46+s13+$0x0], $0xffff  }
0x180: {  	v38 =	vshll.u32 v37, $0x4;
	v39 =	vshrl.u32 v37, $0x3;
	v25 =	vld.idx.msk [tilespmem:v25+s3+$0x0], $0xffff  }
0x181: {  	v38 =	vor.u32 v1, v38;
	v40 =	vshll.u32 v39, $0x7;
	v32 =	vld.idx.msk [tilespmem:v47+s13+$0x0], $0xffff  }
0x182: {  	v41 =	vor.u32 v1, v40;
	v31 =	vld.idx.msk [tilespmem:v49+s13+$0x0], $0xffff  }
0x183: {  	v42 =	vor.u32 v2, v40;
	v33 =	vld.idx.msk [tilespmem:v50+s13+$0x0], $0xffff  }
0x184: {  	v35 =	vld.idx.msk [tilespmem:v27+s13+$0x0], $0xffff;
	v27 =	vor.u32 v3, v40  }
0x185: {  	v52 =	vor.u32 v5, v40;
	v34 =	vld.idx.msk [tilespmem:v51+s13+$0x0], $0xffff;
	[tilespmem:s0+$0x6410] =	vst v25  }
0x186: {  	v43 =	vor.u32 v6, v40;
	[tilespmem:v38+s14+$0x0] =	vst.idx.msk $0xffff, v0  }
0x187: {  	v44 =	vor.u32 v7, v40;
	v41 =	vld.idx.msk [tilespmem:v41+s14+$0x0], $0xffff  }
0x188: {  	v25 =	vor.u32 v4, v40;
	v42 =	vld.idx.msk [tilespmem:v42+s14+$0x0], $0xffff  }
0x189: {  	v40 =	vor.u32 v8, v40;
	v27 =	vld.idx.msk [tilespmem:v27+s14+$0x0], $0xffff  }
0x18a: {  	v38 =	vld.idx.msk [tilespmem:v52+s14+$0x0], $0xffff  }
0x18b: {  	v43 =	vld.idx.msk [tilespmem:v43+s14+$0x0], $0xffff  }
0x18c: {  	v36 =	vxor.u32 $0xFFFFFFFF, v36;
	v44 =	vld.idx.msk [tilespmem:v44+s14+$0x0], $0xffff  }
0x18d: {  	v36 =	vshll.u32 v36, $0x1;
	v45 =	vld.idx.msk [tilespmem:v25+s14+$0x0], $0xffff  }
0x18e: {  	v39 =	vshll.u32 v39, $0x4;
	v36 =	vand.u32 $0x180, v36;
	vm9 =	vgt.s32 v15, v16;
	v40 =	vld.idx.msk [tilespmem:v40+s14+$0x0], $0xffff  }
0x18f: {  	v53 =	vor.u32 v1, v39;
	v58 =	vsel vm9, v15, v16;
	vm10 =	vgt.s32 v17, v20  }
0x190: {  	v59 =	vsel vm10, v17, v20;
	v25 =	vshrl.u32 v37, $0x6;
	v37 =	vand.u32 $0x7F, v53  }
0x191: {  	vm1 =	vgt.s32 v58, v59;
	v36 =	vor.u32 v36, v37  }
0x192: {  	v55 =	vshll.u32 v25, $0x7;
	vm4 =	vgt.s32 v41, v42;
	vm6 =	vgt.s32 v38, v43  }
0x193: {  	v54 =	vsel vm4, v41, v42;
	vm5 =	vgt.s32 v27, v45;
	vm7 =	vgt.s32 v44, v40  }
0x194: {  	v38 =	vsel vm6, v38, v43;
	v27 =	vsel vm5, v27, v45;
	v40 =	vsel vm7, v44, v40  }
0x195: {  	v60 =	vor.u32 v1, v55;
	vm8 =	vgt.s32 v54, v27;
	vm11 =	vgt.s32 v38, v40  }
0x196: {  	v43 =	vsel vm1, v58, v59;
	v27 =	vsel vm8, v54, v27;
	v38 =	vsel vm11, v38, v40  }
0x197: {  	v61 =	vor.u32 v2, v55;
	v63 =	vandn.u32 $0xFF, v43;
	vm0 =	vgt.s32 v27, v38  }
0x198: {  	v62 =	vor.u32 v3, v55;
	v57 =	vshll.u32 v63, $0x6;
	v27 =	vsel vm0, v27, v38  }
0x199: {  	[tilespmem:v36+s15+$0x0] =	vst.idx.msk $0xffff, v27;
	v27 =	vor.u32 v3, v57  }
0x19a: {  	v56 =	vor.u32 v4, v55  }
0x19b: {  	v58 =	vor.u32 v5, v55;
	v42 =	vld.idx.msk [tilespmem:v60+s15+$0x0], $0xffff  }
0x19c: {  	v59 =	vor.u32 v6, v55;
	v45 =	vld.idx.msk [tilespmem:v61+s15+$0x0], $0xffff  }
0x19d: {  	v46 =	vor.u32 v7, v55;
	v37 =	vld.idx.msk [tilespmem:v62+s15+$0x0], $0xffff  }
0x19e: {  	v39 =	vor.u32 v8, v55;
	v47 =	vshll.u32 v63, $0x4;
	v48 =	vshrl.u32 v63, $0x3;
	v27 =	vld.idx.msk [tilespmem:v27+s3+$0x0], $0xffff  }
0x19f: {  	v47 =	vor.u32 v1, v47;
	v49 =	vshll.u32 v48, $0x7;
	v40 =	vld.idx.msk [tilespmem:v56+s15+$0x0], $0xffff  }
0x1a0: {  	v50 =	vor.u32 v1, v49;
	v38 =	vld.idx.msk [tilespmem:v58+s15+$0x0], $0xffff  }
0x1a1: {  	v41 =	vld.idx.msk [tilespmem:v59+s15+$0x0], $0xffff;
	v60 =	vor.u32 v2, v49  }
0x1a2: {  	v51 =	vor.u32 v3, v49;
	v36 =	vld.idx.msk [tilespmem:v46+s15+$0x0], $0xffff  }
0x1a3: {  	v39 =	vld.idx.msk [tilespmem:v39+s15+$0x0], $0xffff;
	v61 =	vor.u32 v5, v49;
	[tilespmem:s0+$0x6420] =	vst v27  }
0x1a4: {  	v52 =	vor.u32 v6, v49;
	[tilespmem:v47+s16+$0x0] =	vst.idx.msk $0xffff, v0  }
0x1a5: {  	v53 =	vor.u32 v7, v49;
	v50 =	vld.idx.msk [tilespmem:v50+s16+$0x0], $0xffff  }
0x1a6: {  	v27 =	vor.u32 v4, v49;
	v46 =	vld.idx.msk [tilespmem:v60+s16+$0x0], $0xffff  }
0x1a7: {  	v49 =	vor.u32 v8, v49;
	v51 =	vld.idx.msk [tilespmem:v51+s16+$0x0], $0xffff  }
0x1a8: {  	v47 =	vld.idx.msk [tilespmem:v61+s16+$0x0], $0xffff  }
0x1a9: {  	v52 =	vld.idx.msk [tilespmem:v52+s16+$0x0], $0xffff  }
0x1aa: {  	v53 =	vld.idx.msk [tilespmem:v53+s16+$0x0], $0xffff  }
0x1ab: {  	vm6 =	vgt.s32 v23, v24;
	v43 =	vxor.u32 $0xFFFFFFFF, v43;
	v48 =	vshll.u32 v48, $0x4;
	v54 =	vld.idx.msk [tilespmem:v27+s16+$0x0], $0xffff  }
0x1ac: {  	v55 =	vsel vm6, v23, v24;
	v43 =	vshll.u32 v43, $0x1;
	v62 =	vor.u32 v1, v48;
	v49 =	vld.idx.msk [tilespmem:v49+s16+$0x0], $0xffff  }
0x1ad: {  	v43 =	vand.u32 $0x180, v43;
	v44 =	vand.u32 $0x7F, v62;
	v27 =	vshrl.u32 v63, $0x6  }
0x1ae: {  	vm5 =	vgt.s32 v21, v22;
	v43 =	vor.u32 v43, v44;
	v44 =	vshll.u32 v27, $0x7  }
0x1af: {  	vm12 =	vgt.s32 v50, v46;
	vm14 =	vgt.s32 v47, v52;
	v56 =	vor.u32 v1, v44  }
0x1b0: {  	v57 =	vor.u32 v2, v44;
	v46 =	vsel vm12, v50, v46;
	vm13 =	vgt.s32 v51, v54  }
0x1b1: {  	vm15 =	vgt.s32 v53, v49;
	v63 =	vsel vm13, v51, v54;
	v54 =	vsel vm5, v21, v22  }
0x1b2: {  	v47 =	vsel vm14, v47, v52;
	v49 =	vsel vm15, v53, v49;
	vm1 =	vgt.s32 v54, v55  }
0x1b3: {  	vm4 =	vgt.s32 v46, v63;
	vm7 =	vgt.s32 v47, v49;
	v48 =	vsel vm1, v54, v55  }
0x1b4: {  	v46 =	vsel vm4, v46, v63;
	v47 =	vsel vm7, v47, v49;
	v52 =	vandn.u32 $0xFF, v48  }
0x1b5: {  	v58 =	vor.u32 v3, v44;
	vm0 =	vgt.s32 v46, v47;
	v60 =	vshll.u32 v52, $0x6  }
0x1b6: {  	v46 =	vsel vm0, v46, v47;
	v61 =	vor.u32 v4, v60  }
0x1b7: {  	v59 =	vor.u32 v4, v44;
	[tilespmem:v43+s17+$0x0] =	vst.idx.msk $0xffff, v46  }
0x1b8: {  	v62 =	vor.u32 v5, v44;
	v46 =	vld.idx.msk [tilespmem:v56+s17+$0x0], $0xffff  }
0x1b9: {  	v63 =	vor.u32 v6, v44;
	v49 =	vld.idx.msk [tilespmem:v57+s17+$0x0], $0xffff  }
0x1ba: {  	v60 =	vor.u32 v7, v44;
	v50 =	vld.idx.msk [tilespmem:v58+s17+$0x0], $0xffff  }
0x1bb: {  	v55 =	vshll.u32 v52, $0x4;
	v44 =	vor.u32 v8, v44;
	v56 =	vshrl.u32 v52, $0x3;
	v43 =	vld.idx.msk [tilespmem:v61+s3+$0x0], $0xffff  }
0x1bc: {  	v55 =	vor.u32 v1, v55;
	v47 =	vld.idx.msk [tilespmem:v59+s17+$0x0], $0xffff;
	v57 =	vshll.u32 v56, $0x7  }
0x1bd: {  	v51 =	vld.idx.msk [tilespmem:v62+s17+$0x0], $0xffff;
	v58 =	vor.u32 v1, v57  }
0x1be: {  	v53 =	vld.idx.msk [tilespmem:v63+s17+$0x0], $0xffff;
	v59 =	vor.u32 v2, v57  }
0x1bf: {  	vm9 =	vgt.s32 v30, v32;
	vm10 =	vgt.s32 v31, v33;
	v54 =	vld.idx.msk [tilespmem:v60+s17+$0x0], $0xffff;
	v60 =	vor.u32 v3, v57  }
0x1c0: {  	v31 =	vsel vm10, v31, v33;
	v44 =	vld.idx.msk [tilespmem:v44+s17+$0x0], $0xffff;
	v61 =	vor.u32 v4, v57;
	[tilespmem:s0+$0x6430] =	vst v43  }
0x1c1: {  	vm2 =	veq.s32 v26, $0x3;
	v62 =	vsel vm9, v30, v32;
	v32 =	vor.u32 v6, v57;
	[tilespmem:v55+s18+$0x0] =	vst.idx.msk $0xffff, v0  }
0x1c2: {  	vm8 =	vgt.s32 v28, v29;
	vm11 =	vgt.s32 v34, v35;
	v55 =	vor.u32 v5, v57;
	v30 =	vld.idx.msk [tilespmem:v58+s18+$0x0], $0xffff  }
0x1c3: {  	v28 =	vsel vm8, v28, v29;
	v63 =	vsel vm11, v34, v35;
	v58 =	vld.idx.msk [tilespmem:v59+s18+$0x0], $0xffff;
	v59 =	vor.u32 v7, v57  }
0x1c4: {  	vm12 =	vgt.s32 v28, v62;
	vm1 =	vgt.s32 v31, v63;
	v34 =	vld.idx.msk [tilespmem:v60+s18+$0x0], $0xffff;
	v60 =	vor.u32 v8, v57  }
0x1c5: {  	vm14 =	veq.s32 v26, $0x1;
	v28 =	vsel vm12, v28, v62;
	v43 =	vld.idx.msk [tilespmem:v61+s18+$0x0], $0xffff;
	v61 =	vsel vm1, v31, v63  }
0x1c6: {  	vm13 =	veq.s32 v26, $0x0;
	vm4 =	vgt.s32 v42, v45;
	v32 =	vld.idx.msk [tilespmem:v32+s18+$0x0], $0xffff;
	vm0 =	vgt.s32 v28, v61  }
0x1c7: {  	vm15 =	veq.s32 v26, $0x2;
	v26 =	vsel vm4, v42, v45;
	v28 =	vsel vm0, v28, v61;
	v62 =	vld.idx.msk [tilespmem:v55+s18+$0x0], $0xffff  }
0x1c8: {  	vm11 =	vgt.s32 v37, v40;
	vm4 =	vgt.s32 v46, v49;
	v9 =	vsel vm13, v28, v9;
	v63 =	vld.idx.msk [tilespmem:v59+s18+$0x0], $0xffff  }
0x1c9: {  	v10 =	vsel vm14, v28, v10;
	v11 =	vsel vm15, v28, v11;
	v18 =	vsel vm2, v28, v18;
	v55 =	vld.idx.msk [tilespmem:v60+s18+$0x0], $0xffff  }
0x1ca: {  	vm13 =	vgt.s32 v38, v41;
	vm5 =	vgt.s32 v30, v58;
	vm6 =	vgt.s32 v34, v43  }
0x1cb: {  	v59 =	vxor.u32 $0xFFFFFFFF, v48;
	v60 =	vshll.u32 v56, $0x4;
	v57 =	vsel vm5, v30, v58  }
0x1cc: {  	v58 =	vsel vm6, v34, v43;
	v61 =	vor.u32 v1, v60;
	vm7 =	vgt.s32 v62, v32  }
0x1cd: {  	v34 =	vshrl.u32 v52, $0x6;
	v31 =	vsel vm7, v62, v32;
	v32 =	vshll.u32 v59, $0x1  }
0x1ce: {  	v33 =	vand.u32 $0x7F, v61;
	vm8 =	vgt.s32 v63, v55;
	v32 =	vand.u32 $0x180, v32  }
0x1cf: {  	v62 =	vshll.u32 v34, $0x7;
	v29 =	vsel vm8, v63, v55;
	v32 =	vor.u32 v32, v33  }
0x1d0: {  	vm9 =	vgt.s32 v57, v58;
	v63 =	vor.u32 v1, v62;
	vm10 =	vgt.s32 v31, v29  }
0x1d1: {  	v28 =	vsel vm9, v57, v58;
	v42 =	vor.u32 v2, v62;
	v29 =	vsel vm10, v31, v29  }
0x1d2: {  	vm14 =	vgt.s32 v36, v39;
	v45 =	vor.u32 v3, v62;
	vm12 =	vgt.s32 v28, v29  }
0x1d3: {  	v38 =	vsel vm13, v38, v41;
	v48 =	vor.u32 v4, v62;
	v28 =	vsel vm12, v28, v29  }
0x1d4: {  	v36 =	vsel vm14, v36, v39;
	vm13 =	veq.s32 v25, $0x3;
	v52 =	vor.u32 v5, v62;
	[tilespmem:v32+s19+$0x0] =	vst.idx.msk $0xffff, v28  }
0x1d5: {  	vm0 =	vgt.s32 v38, v36;
	v43 =	vsel vm11, v37, v40;
	v55 =	vor.u32 v6, v62;
	v30 =	vld.idx.msk [tilespmem:v63+s19+$0x0], $0xffff  }
0x1d6: {  	v36 =	vsel vm0, v38, v36;
	vm5 =	vgt.s32 v50, v47;
	v56 =	vor.u32 v7, v62;
	v31 =	vld.idx.msk [tilespmem:v42+s19+$0x0], $0xffff  }
0x1d7: {  	vm6 =	vgt.s32 v51, v53;
	vm11 =	veq.s32 v25, $0x1;
	v33 =	vor.u32 v8, v62;
	v37 =	vld.idx.msk [tilespmem:v45+s19+$0x0], $0xffff  }
0x1d8: {  	vm15 =	vgt.s32 v26, v43;
	v57 =	vsel vm4, v46, v49;
	v58 =	vsel vm5, v50, v47;
	v29 =	vld.idx.msk [tilespmem:v48+s19+$0x0], $0xffff  }
0x1d9: {  	v26 =	vsel vm15, v26, v43;
	vm9 =	vgt.s32 v57, v58;
	vm7 =	vgt.s32 v54, v44;
	v28 =	vld.idx.msk [tilespmem:v52+s19+$0x0], $0xffff  }
0x1da: {  	v59 =	vsel vm6, v51, v53;
	v61 =	vsel vm9, v57, v58;
	v60 =	vsel vm7, v54, v44;
	v32 =	vld.idx.msk [tilespmem:v55+s19+$0x0], $0xffff  }
0x1db: {  	vm9 =	veq.s32 v27, $0x1;
	vm8 =	vgt.s32 v26, v36;
	vm1 =	vgt.s32 v59, v60;
	v35 =	vld.idx.msk [tilespmem:v56+s19+$0x0], $0xffff  }
0x1dc: {  	vm7 =	veq.s32 v27, $0x0;
	v26 =	vsel vm8, v26, v36;
	v62 =	vsel vm1, v59, v60;
	v33 =	vld.idx.msk [tilespmem:v33+s19+$0x0], $0xffff  }
0x1dd: {  	vm10 =	veq.s32 v25, $0x0;
	v13 =	vsel vm11, v26, v13;
	v19 =	vsel vm13, v26, v19  }
0x1de: {  	vm11 =	veq.s32 v27, $0x3;
	vm13 =	veq.s32 v34, $0x1;
	v12 =	vsel vm10, v26, v12  }
0x1df: {  	vm14 =	vgt.s32 v61, v62;
	vm10 =	veq.s32 v27, $0x2;
	vm12 =	veq.s32 v25, $0x2  }
0x1e0: {  	v14 =	vsel vm12, v26, v14;
	vm15 =	vgt.s32 v30, v31;
	vm4 =	vgt.s32 v37, v29  }
0x1e1: {  	vm5 =	vgt.s32 v28, v32;
	vm6 =	vgt.s32 v35, v33;
	v26 =	vsel vm15, v30, v31  }
0x1e2: {  	v29 =	vsel vm4, v37, v29;
	v28 =	vsel vm5, v28, v32;
	v63 =	vsel vm6, v35, v33  }
0x1e3: {  	p0 =	sne.s32 s28, $0x3100;
	v25 =	vsel vm14, v61, v62;
	vm8 =	vgt.s32 v26, v29;
	vm1 =	vgt.s32 v28, v63  }
.Ltmp1:
0x1e4: {  	vm14 =	veq.s32 v34, $0x2;
	v26 =	vsel vm8, v26, v29;
	v28 =	vsel vm1, v28, v63;
	(pc) =	sbr.rel @p0 .LBB2_5-.Ltmp1, $4  }
0x1e5: {  	v15 =	vsel vm7, v25, v15;
	v16 =	vsel vm9, v25, v16;
	vm1 =	vgt.s32 v26, v28  }
0x1e6: {  	vm12 =	veq.s32 v34, $0x0;
	v17 =	vsel vm10, v25, v17;
	v26 =	vsel vm1, v26, v28  }
0x1e7: {  	v20 =	vsel vm11, v25, v20;
	vm15 =	veq.s32 v34, $0x3;
	v21 =	vsel vm12, v26, v21  }
0x1e8: {  	s28 =	sadd.s32 $0x100, s28;
	v22 =	vsel vm13, v26, v22;
	v23 =	vsel vm14, v26, v23;
	v24 =	vsel vm15, v26, v24  }
0x1e9: {  	s0 =	rddreg [dreg:$0x4]  }
0x1ea: {  	s0 =	sadd.s32 s0, s26  }
0x1eb: {  	s0 =	smul.u32 $0x190, s0  }
0x1ec: {  	s31 =	smov.u32 s21  }
0x1ed: {  	s23 =	simm.s32 $0x3;
	s0 =	sadd.s32 s21, s0;
	s21 =	simm.s32 $0x6400  }
0x1ee: {  	[hbm4b:s0+s3] =	stream.linear.scatter [tilespmem:s21], [sflag:$0x3], $0xC80, $0x38;
	[tilespmem:$0xAA80] =	vst v63  }
0x1ef: {  	p0 =	seq.s32 s24, $0xF;
	s1 =	simm.s32 $0x2;
	_ =	swait.ge [sflag:s23], $0xC80  }
0x1f0: {  	s28 =	simm.s32 $0xA280;
	s29 =	simm.s32 $0xA480;
	[sflag:s23] =	ssyncset.done $0x0  }
0x1f1: {  	s30 =	simm.s32 $0xA680;
	s0 =	rddreg [dreg:$0x7];
	[sflag:s23] =	ssyncadd.s32 $0xFFFFF380  }
0x1f2: {  	s6 =	simm.s32 $0x9640;
	s0 =	sadd.s32 @!p0 s26, s0;
	_ =	swait.ge [sflag:s1], $0x3200  }
0x1f3: {  	s9 =	simm.s32 $0x89C0;
	s0 =	smul.u32 @!p0 $0x640, s0;
	[sflag:s1] =	ssyncset.done $0x0  }
0x1f4: {  	s2 =	simm.s32 $0x70C0;
	[sflag:s1] =	ssyncadd.s32 $0xFFFFCE00;
	s1 =	rddreg [dreg:$0x3]  }
0x1f5: {  	s26 =	simm.s32 $0xFF;
	s0 =	sadd.s32 @!p0 s1, s0;
	s1 =	simm.s32 @!p0 $0x0  }
0x1f6: {  	[tilespmem:s1], [sflag:$0x1] =	stream.linear.gather @!p0 [hbm4b:s0+s1], $0x3200, $0x38;
	[tilespmem:$0xAA80] =	vst v63  }
0x1f7: {  	s23 =	simm.s32 $0x7D40;
	s0 =	simm.s32 $0xA880;
	s1 =	simm.s32 $0x3300  }
.LBB2_7:
0x1f8: {  	v9 =	vld [tilespmem:s1+$0xFFFFFF00];
	_ =	sdelay $0x4  }
0x1f9: {  	v10 =	vshra.s32 v9, $0x1F  }
0x1fa: {  	v9 =	vand.u32 $0xFFFFFF00, v9;
	v10 =	vand.u32 $0x7FFFFF00, v10  }
0x1fb: {  	v9 =	vxor.u32 v9, v10  }
0x1fc: {  	v9 =	vor.u32 s26, v9  }
0x1fd: {  	[tilespmem:s2+$0xFFFFFFC0] =	vst v9  }
0x1fe: {  	v10 =	vld [tilespmem:s1+$0xFFFFFF40];
	_ =	sdelay $0x4  }
0x1ff: {  	v11 =	vshra.s32 v10, $0x1F  }
0x200: {  	v10 =	vand.u32 $0xFFFFFF00, v10;
	v11 =	vand.u32 $0x7FFFFF00, v11  }
0x201: {  	s7 =	sadd.s32 $0xFFFFFFFF, s26;
	v10 =	vxor.u32 v10, v11  }
0x202: {  	v10 =	vor.u32 s7, v10  }
0x203: {  	[tilespmem:s2+$0xFFFFFFD0] =	vst v10  }
0x204: {  	v11 =	vld [tilespmem:s1+$0xFFFFFF80];
	_ =	sdelay $0x4  }
0x205: {  	v12 =	vshra.s32 v11, $0x1F  }
0x206: {  	v11 =	vand.u32 $0xFFFFFF00, v11;
	v12 =	vand.u32 $0x7FFFFF00, v12  }
0x207: {  	s8 =	sadd.s32 $0xFFFFFFFE, s26;
	v11 =	vxor.u32 v11, v12  }
0x208: {  	v11 =	vor.u32 s8, v11  }
0x209: {  	[tilespmem:s2+$0xFFFFFFE0] =	vst v11  }
0x20a: {  	v22 =	vld [tilespmem:s1+$0xFFFFFFC0];
	_ =	sdelay $0x4  }
0x20b: {  	v13 =	vshra.s32 v22, $0x1F  }
0x20c: {  	v12 =	vand.u32 $0xFFFFFF00, v22;
	v13 =	vand.u32 $0x7FFFFF00, v13  }
0x20d: {  	s5 =	sadd.s32 $0xFFFFFFFD, s26;
	v12 =	vxor.u32 v12, v13  }
0x20e: {  	v12 =	vor.u32 s5, v12  }
0x20f: {  	[tilespmem:s2+$0xFFFFFFF0] =	vst v12  }
0x210: {  	v23 =	vld [tilespmem:s1+$0x0];
	_ =	sdelay $0x4  }
0x211: {  	v14 =	vshra.s32 v23, $0x1F  }
0x212: {  	v13 =	vand.u32 $0xFFFFFF00, v23;
	v14 =	vand.u32 $0x7FFFFF00, v14  }
0x213: {  	s20 =	sadd.s32 $0xFFFFFFFC, s26;
	v13 =	vxor.u32 v13, v14  }
0x214: {  	v13 =	vor.u32 s20, v13  }
0x215: {  	[tilespmem:s2+$0x0] =	vst v13  }
0x216: {  	v24 =	vld [tilespmem:s1+$0x40];
	_ =	sdelay $0x4  }
0x217: {  	v15 =	vshra.s32 v24, $0x1F  }
0x218: {  	v14 =	vand.u32 $0xFFFFFF00, v24;
	v15 =	vand.u32 $0x7FFFFF00, v15  }
0x219: {  	s10 =	sadd.s32 $0xFFFFFFFB, s26;
	v14 =	vxor.u32 v14, v15  }
0x21a: {  	v14 =	vor.u32 s10, v14  }
0x21b: {  	[tilespmem:s2+$0x10] =	vst v14  }
0x21c: {  	v25 =	vld [tilespmem:s1+$0x80];
	_ =	sdelay $0x4  }
0x21d: {  	v16 =	vshra.s32 v25, $0x1F  }
0x21e: {  	v15 =	vand.u32 $0xFFFFFF00, v25;
	v16 =	vand.u32 $0x7FFFFF00, v16  }
0x21f: {  	s4 =	sadd.s32 $0xFFFFFFFA, s26;
	v15 =	vxor.u32 v15, v16  }
0x220: {  	v15 =	vor.u32 s4, v15  }
0x221: {  	[tilespmem:s2+$0x20] =	vst v15  }
0x222: {  	v26 =	vld [tilespmem:s1+$0xC0];
	_ =	sdelay $0x4  }
0x223: {  	v17 =	vshra.s32 v26, $0x1F  }
0x224: {  	v16 =	vand.u32 $0xFFFFFF00, v26;
	v17 =	vand.u32 $0x7FFFFF00, v17  }
0x225: {  	s22 =	sadd.s32 $0xFFFFFFF9, s26;
	vm0 =	vgt.s32 v9, v10;
	v16 =	vxor.u32 v16, v17  }
0x226: {  	v9 =	vsel vm0, v9, v10;
	v16 =	vor.u32 s22, v16  }
0x227: {  	vm15 =	vgt.s32 v11, v12;
	vm1 =	vgt.s32 v13, v14;
	vm2 =	vgt.s32 v15, v16  }
0x228: {  	v10 =	vsel vm15, v11, v12;
	v11 =	vsel vm1, v13, v14;
	v27 =	vsel vm2, v15, v16  }
0x229: {  	vm0 =	vgt.s32 v9, v10;
	vm1 =	vgt.s32 v11, v27  }
0x22a: {  	v9 =	vsel vm0, v9, v10;
	v10 =	vsel vm1, v11, v27  }
0x22b: {  	vm0 =	vgt.s32 v9, v10  }
0x22c: {  	[tilespmem:s2+$0x30] =	vst v16;
	v9 =	vsel vm0, v9, v10  }
0x22d: {  	[tilespmem:s28+$0x0] =	vst v9  }
0x22e: {  	v9 =	vld [tilespmem:s1+$0xFFFFFF10];
	_ =	sdelay $0x4  }
0x22f: {  	v10 =	vshra.s32 v9, $0x1F  }
0x230: {  	v9 =	vand.u32 $0xFFFFFF00, v9;
	v10 =	vand.u32 $0x7FFFFF00, v10  }
0x231: {  	v9 =	vxor.u32 v9, v10  }
0x232: {  	v9 =	vor.u32 s26, v9  }
0x233: {  	[tilespmem:s23+$0xFFFFFFC0] =	vst v9  }
0x234: {  	v10 =	vld [tilespmem:s1+$0xFFFFFF50];
	_ =	sdelay $0x4  }
0x235: {  	v11 =	vshra.s32 v10, $0x1F  }
0x236: {  	v10 =	vand.u32 $0xFFFFFF00, v10;
	v11 =	vand.u32 $0x7FFFFF00, v11  }
0x237: {  	v10 =	vxor.u32 v10, v11  }
0x238: {  	v10 =	vor.u32 s7, v10  }
0x239: {  	[tilespmem:s23+$0xFFFFFFD0] =	vst v10  }
0x23a: {  	v11 =	vld [tilespmem:s1+$0xFFFFFF90];
	_ =	sdelay $0x4  }
0x23b: {  	v28 =	vshra.s32 v11, $0x1F  }
0x23c: {  	v11 =	vand.u32 $0xFFFFFF00, v11;
	v12 =	vand.u32 $0x7FFFFF00, v28  }
0x23d: {  	v11 =	vxor.u32 v11, v12  }
0x23e: {  	v11 =	vor.u32 s8, v11  }
0x23f: {  	[tilespmem:s23+$0xFFFFFFE0] =	vst v11  }
0x240: {  	v29 =	vld [tilespmem:s1+$0xFFFFFFD0];
	_ =	sdelay $0x4  }
0x241: {  	v30 =	vshra.s32 v29, $0x1F  }
0x242: {  	v12 =	vand.u32 $0xFFFFFF00, v29;
	v13 =	vand.u32 $0x7FFFFF00, v30  }
0x243: {  	v12 =	vxor.u32 v12, v13  }
0x244: {  	v12 =	vor.u32 s5, v12  }
0x245: {  	[tilespmem:s23+$0xFFFFFFF0] =	vst v12  }
0x246: {  	v31 =	vld [tilespmem:s1+$0x10];
	_ =	sdelay $0x4  }
0x247: {  	v32 =	vshra.s32 v31, $0x1F  }
0x248: {  	v13 =	vand.u32 $0xFFFFFF00, v31;
	v14 =	vand.u32 $0x7FFFFF00, v32  }
0x249: {  	v13 =	vxor.u32 v13, v14  }
0x24a: {  	v13 =	vor.u32 s20, v13  }
0x24b: {  	[tilespmem:s23+$0x0] =	vst v13  }
0x24c: {  	v33 =	vld [tilespmem:s1+$0x50];
	_ =	sdelay $0x4  }
0x24d: {  	v34 =	vshra.s32 v33, $0x1F  }
0x24e: {  	v14 =	vand.u32 $0xFFFFFF00, v33;
	v15 =	vand.u32 $0x7FFFFF00, v34  }
0x24f: {  	v14 =	vxor.u32 v14, v15  }
0x250: {  	v14 =	vor.u32 s10, v14  }
0x251: {  	[tilespmem:s23+$0x10] =	vst v14  }
0x252: {  	v35 =	vld [tilespmem:s1+$0x90];
	_ =	sdelay $0x4  }
0x253: {  	v36 =	vshra.s32 v35, $0x1F  }
0x254: {  	v15 =	vand.u32 $0xFFFFFF00, v35;
	v16 =	vand.u32 $0x7FFFFF00, v36  }
0x255: {  	v15 =	vxor.u32 v15, v16  }
0x256: {  	v15 =	vor.u32 s4, v15  }
0x257: {  	[tilespmem:s23+$0x20] =	vst v15  }
0x258: {  	v37 =	vld [tilespmem:s1+$0xD0];
	_ =	sdelay $0x4  }
0x259: {  	v38 =	vshra.s32 v37, $0x1F  }
0x25a: {  	v16 =	vand.u32 $0xFFFFFF00, v37;
	v17 =	vand.u32 $0x7FFFFF00, v38  }
0x25b: {  	vm4 =	vgt.s32 v9, v10;
	v16 =	vxor.u32 v16, v17  }
0x25c: {  	v9 =	vsel vm4, v9, v10;
	v16 =	vor.u32 s22, v16  }
0x25d: {  	vm5 =	vgt.s32 v11, v12;
	vm6 =	vgt.s32 v13, v14;
	vm7 =	vgt.s32 v15, v16  }
0x25e: {  	v10 =	vsel vm5, v11, v12;
	v11 =	vsel vm6, v13, v14;
	v39 =	vsel vm7, v15, v16  }
0x25f: {  	vm0 =	vgt.s32 v9, v10;
	vm1 =	vgt.s32 v11, v39  }
0x260: {  	v9 =	vsel vm0, v9, v10;
	v10 =	vsel vm1, v11, v39  }
0x261: {  	vm0 =	vgt.s32 v9, v10  }
0x262: {  	[tilespmem:s23+$0x30] =	vst v16;
	v9 =	vsel vm0, v9, v10  }
0x263: {  	[tilespmem:s29+$0x0] =	vst v9  }
0x264: {  	v9 =	vld [tilespmem:s1+$0xFFFFFF20];
	_ =	sdelay $0x4  }
0x265: {  	v10 =	vshra.s32 v9, $0x1F  }
0x266: {  	v9 =	vand.u32 $0xFFFFFF00, v9;
	v10 =	vand.u32 $0x7FFFFF00, v10  }
0x267: {  	v9 =	vxor.u32 v9, v10  }
0x268: {  	v9 =	vor.u32 s26, v9  }
0x269: {  	[tilespmem:s9+$0xFFFFFFC0] =	vst v9  }
0x26a: {  	v10 =	vld [tilespmem:s1+$0xFFFFFF60];
	_ =	sdelay $0x4  }
0x26b: {  	v11 =	vshra.s32 v10, $0x1F  }
0x26c: {  	v10 =	vand.u32 $0xFFFFFF00, v10;
	v11 =	vand.u32 $0x7FFFFF00, v11  }
0x26d: {  	v10 =	vxor.u32 v10, v11  }
0x26e: {  	v10 =	vor.u32 s7, v10  }
0x26f: {  	[tilespmem:s9+$0xFFFFFFD0] =	vst v10  }
0x270: {  	v11 =	vld [tilespmem:s1+$0xFFFFFFA0];
	_ =	sdelay $0x4  }
0x271: {  	v40 =	vshra.s32 v11, $0x1F  }
0x272: {  	v11 =	vand.u32 $0xFFFFFF00, v11;
	v12 =	vand.u32 $0x7FFFFF00, v40  }
0x273: {  	v11 =	vxor.u32 v11, v12  }
0x274: {  	v11 =	vor.u32 s8, v11  }
0x275: {  	[tilespmem:s9+$0xFFFFFFE0] =	vst v11  }
0x276: {  	v41 =	vld [tilespmem:s1+$0xFFFFFFE0];
	_ =	sdelay $0x4  }
0x277: {  	v42 =	vshra.s32 v41, $0x1F  }
0x278: {  	v12 =	vand.u32 $0xFFFFFF00, v41;
	v13 =	vand.u32 $0x7FFFFF00, v42  }
0x279: {  	v12 =	vxor.u32 v12, v13  }
0x27a: {  	v12 =	vor.u32 s5, v12  }
0x27b: {  	[tilespmem:s9+$0xFFFFFFF0] =	vst v12  }
0x27c: {  	v43 =	vld [tilespmem:s1+$0x20];
	_ =	sdelay $0x4  }
0x27d: {  	v44 =	vshra.s32 v43, $0x1F  }
0x27e: {  	v13 =	vand.u32 $0xFFFFFF00, v43;
	v14 =	vand.u32 $0x7FFFFF00, v44  }
0x27f: {  	v13 =	vxor.u32 v13, v14  }
0x280: {  	v13 =	vor.u32 s20, v13  }
0x281: {  	[tilespmem:s9+$0x0] =	vst v13  }
0x282: {  	v45 =	vld [tilespmem:s1+$0x60];
	_ =	sdelay $0x4  }
0x283: {  	v46 =	vshra.s32 v45, $0x1F  }
0x284: {  	v14 =	vand.u32 $0xFFFFFF00, v45;
	v15 =	vand.u32 $0x7FFFFF00, v46  }
0x285: {  	v14 =	vxor.u32 v14, v15  }
0x286: {  	v14 =	vor.u32 s10, v14  }
0x287: {  	[tilespmem:s9+$0x10] =	vst v14  }
0x288: {  	v47 =	vld [tilespmem:s1+$0xA0];
	_ =	sdelay $0x4  }
0x289: {  	v48 =	vshra.s32 v47, $0x1F  }
0x28a: {  	v15 =	vand.u32 $0xFFFFFF00, v47;
	v16 =	vand.u32 $0x7FFFFF00, v48  }
0x28b: {  	v15 =	vxor.u32 v15, v16  }
0x28c: {  	v15 =	vor.u32 s4, v15  }
0x28d: {  	[tilespmem:s9+$0x20] =	vst v15  }
0x28e: {  	v49 =	vld [tilespmem:s1+$0xE0];
	_ =	sdelay $0x4  }
0x28f: {  	v50 =	vshra.s32 v49, $0x1F  }
0x290: {  	v16 =	vand.u32 $0xFFFFFF00, v49;
	v17 =	vand.u32 $0x7FFFFF00, v50  }
0x291: {  	vm8 =	vgt.s32 v9, v10;
	v16 =	vxor.u32 v16, v17  }
0x292: {  	v9 =	vsel vm8, v9, v10;
	v16 =	vor.u32 s22, v16  }
0x293: {  	vm9 =	vgt.s32 v11, v12;
	vm10 =	vgt.s32 v13, v14;
	vm11 =	vgt.s32 v15, v16  }
0x294: {  	v10 =	vsel vm9, v11, v12;
	v11 =	vsel vm10, v13, v14;
	v51 =	vsel vm11, v15, v16  }
0x295: {  	vm0 =	vgt.s32 v9, v10;
	vm1 =	vgt.s32 v11, v51  }
0x296: {  	v9 =	vsel vm0, v9, v10;
	v10 =	vsel vm1, v11, v51  }
0x297: {  	vm0 =	vgt.s32 v9, v10  }
0x298: {  	[tilespmem:s9+$0x30] =	vst v16;
	v9 =	vsel vm0, v9, v10  }
0x299: {  	[tilespmem:s30+$0x0] =	vst v9  }
0x29a: {  	v9 =	vld [tilespmem:s1+$0xFFFFFF30];
	_ =	sdelay $0x4  }
0x29b: {  	v10 =	vshra.s32 v9, $0x1F  }
0x29c: {  	v9 =	vand.u32 $0xFFFFFF00, v9;
	v10 =	vand.u32 $0x7FFFFF00, v10  }
0x29d: {  	v9 =	vxor.u32 v9, v10  }
0x29e: {  	v9 =	vor.u32 s26, v9  }
0x29f: {  	[tilespmem:s6+$0xFFFFFFC0] =	vst v9  }
0x2a0: {  	v10 =	vld [tilespmem:s1+$0xFFFFFF70];
	_ =	sdelay $0x4  }
0x2a1: {  	v11 =	vshra.s32 v10, $0x1F  }
0x2a2: {  	v10 =	vand.u32 $0xFFFFFF00, v10;
	v11 =	vand.u32 $0x7FFFFF00, v11  }
0x2a3: {  	v10 =	vxor.u32 v10, v11  }
0x2a4: {  	v10 =	vor.u32 s7, v10  }
0x2a5: {  	[tilespmem:s6+$0xFFFFFFD0] =	vst v10  }
0x2a6: {  	v11 =	vld [tilespmem:s1+$0xFFFFFFB0];
	_ =	sdelay $0x4  }
0x2a7: {  	v52 =	vshra.s32 v11, $0x1F  }
0x2a8: {  	v11 =	vand.u32 $0xFFFFFF00, v11;
	v12 =	vand.u32 $0x7FFFFF00, v52  }
0x2a9: {  	v11 =	vxor.u32 v11, v12  }
0x2aa: {  	v11 =	vor.u32 s8, v11  }
0x2ab: {  	[tilespmem:s6+$0xFFFFFFE0] =	vst v11  }
0x2ac: {  	v53 =	vld [tilespmem:s1+$0xFFFFFFF0];
	_ =	sdelay $0x4  }
0x2ad: {  	v54 =	vshra.s32 v53, $0x1F  }
0x2ae: {  	v12 =	vand.u32 $0xFFFFFF00, v53;
	v13 =	vand.u32 $0x7FFFFF00, v54  }
0x2af: {  	v12 =	vxor.u32 v12, v13  }
0x2b0: {  	v12 =	vor.u32 s5, v12  }
0x2b1: {  	[tilespmem:s6+$0xFFFFFFF0] =	vst v12  }
0x2b2: {  	v55 =	vld [tilespmem:s1+$0x30];
	_ =	sdelay $0x4  }
0x2b3: {  	v56 =	vshra.s32 v55, $0x1F  }
0x2b4: {  	v13 =	vand.u32 $0xFFFFFF00, v55;
	v14 =	vand.u32 $0x7FFFFF00, v56  }
0x2b5: {  	v13 =	vxor.u32 v13, v14  }
0x2b6: {  	v13 =	vor.u32 s20, v13  }
0x2b7: {  	[tilespmem:s6+$0x0] =	vst v13  }
0x2b8: {  	v57 =	vld [tilespmem:s1+$0x70];
	_ =	sdelay $0x4  }
0x2b9: {  	v58 =	vshra.s32 v57, $0x1F  }
0x2ba: {  	v14 =	vand.u32 $0xFFFFFF00, v57;
	v15 =	vand.u32 $0x7FFFFF00, v58  }
0x2bb: {  	v14 =	vxor.u32 v14, v15  }
0x2bc: {  	v14 =	vor.u32 s10, v14  }
0x2bd: {  	[tilespmem:s6+$0x10] =	vst v14  }
0x2be: {  	v59 =	vld [tilespmem:s1+$0xB0];
	_ =	sdelay $0x4  }
0x2bf: {  	v60 =	vshra.s32 v59, $0x1F  }
0x2c0: {  	v15 =	vand.u32 $0xFFFFFF00, v59;
	v16 =	vand.u32 $0x7FFFFF00, v60  }
0x2c1: {  	v15 =	vxor.u32 v15, v16  }
0x2c2: {  	v15 =	vor.u32 s4, v15  }
0x2c3: {  	[tilespmem:s6+$0x20] =	vst v15  }
0x2c4: {  	v61 =	vld [tilespmem:s1+$0xF0];
	_ =	sdelay $0x4  }
0x2c5: {  	v62 =	vshra.s32 v61, $0x1F  }
0x2c6: {  	v16 =	vand.u32 $0xFFFFFF00, v61;
	v17 =	vand.u32 $0x7FFFFF00, v62  }
0x2c7: {  	vm12 =	vgt.s32 v9, v10;
	v16 =	vxor.u32 v16, v17  }
0x2c8: {  	v9 =	vsel vm12, v9, v10;
	v16 =	vor.u32 s22, v16  }
0x2c9: {  	vm13 =	vgt.s32 v11, v12;
	vm14 =	vgt.s32 v13, v14;
	vm15 =	vgt.s32 v15, v16  }
0x2ca: {  	p0 =	sne.s32 s26, $0x3F;
	v10 =	vsel vm13, v11, v12;
	v11 =	vsel vm14, v13, v14;
	v63 =	vsel vm15, v15, v16  }
.Ltmp2:
0x2cb: {  	vm0 =	vgt.s32 v9, v10;
	vm1 =	vgt.s32 v11, v63;
	(pc) =	sbr.rel @p0 .LBB2_7-.Ltmp2, $4  }
0x2cc: {  	s2 =	sadd.s32 $0x80, s2;
	v9 =	vsel vm0, v9, v10;
	v10 =	vsel vm1, v11, v63  }
0x2cd: {  	s28 =	sadd.s32 $0x10, s28;
	s23 =	sadd.s32 $0x80, s23;
	s29 =	sadd.s32 $0x10, s29;
	vm0 =	vgt.s32 v9, v10  }
0x2ce: {  	s9 =	sadd.s32 $0x80, s9;
	s30 =	sadd.s32 $0x10, s30;
	s26 =	sadd.s32 $0xFFFFFFF8, s26;
	[tilespmem:s6+$0x30] =	vst v16;
	v9 =	vsel vm0, v9, v10  }
0x2cf: {  	s1 =	sadd.s32 $0x200, s1;
	s6 =	sadd.s32 $0x80, s6;
	[tilespmem:s0+$0x0] =	vst v9;
	s0 =	sadd.s32 $0x10, s0  }
0x2d0: {  	v9 =	vld [tilespmem:$0xA280]  }
0x2d1: {  	v10 =	vld [tilespmem:$0xA290]  }
0x2d2: {  	v11 =	vld [tilespmem:$0xA2A0]  }
0x2d3: {  	v12 =	vld [tilespmem:$0xA2B0]  }
0x2d4: {  	v13 =	vld [tilespmem:$0xA2C0]  }
0x2d5: {  	v14 =	vld [tilespmem:$0xA2D0]  }
0x2d6: {  	v15 =	vld [tilespmem:$0xA2E0]  }
0x2d7: {  	v16 =	vld [tilespmem:$0xA2F0]  }
0x2d8: {  	v17 =	vld [tilespmem:$0xA300]  }
0x2d9: {  	v18 =	vld [tilespmem:$0xA310]  }
0x2da: {  	v19 =	vld [tilespmem:$0xA320]  }
0x2db: {  	v20 =	vld [tilespmem:$0xA330]  }
0x2dc: {  	v21 =	vld [tilespmem:$0xA340]  }
0x2dd: {  	v22 =	vld [tilespmem:$0xA350]  }
0x2de: {  	v23 =	vld [tilespmem:$0xA360]  }
0x2df: {  	v24 =	vld [tilespmem:$0xA370]  }
0x2e0: {  	v25 =	vld [tilespmem:$0xA380]  }
0x2e1: {  	v26 =	vld [tilespmem:$0xA390]  }
0x2e2: {  	v27 =	vld [tilespmem:$0xA3A0]  }
0x2e3: {  	v28 =	vld [tilespmem:$0xA3B0]  }
0x2e4: {  	v29 =	vld [tilespmem:$0xA3C0]  }
0x2e5: {  	v30 =	vld [tilespmem:$0xA3D0]  }
0x2e6: {  	v31 =	vld [tilespmem:$0xA3E0]  }
0x2e7: {  	v32 =	vld [tilespmem:$0xA3F0]  }
0x2e8: {  	v33 =	vld [tilespmem:$0xA480]  }
0x2e9: {  	v34 =	vld [tilespmem:$0xA490]  }
0x2ea: {  	v35 =	vld [tilespmem:$0xA4A0]  }
0x2eb: {  	v36 =	vld [tilespmem:$0xA4B0]  }
0x2ec: {  	v37 =	vld [tilespmem:$0xA4C0]  }
0x2ed: {  	v38 =	vld [tilespmem:$0xA4D0]  }
0x2ee: {  	v39 =	vld [tilespmem:$0xA4E0]  }
0x2ef: {  	v40 =	vld [tilespmem:$0xA4F0]  }
0x2f0: {  	v41 =	vld [tilespmem:$0xA500]  }
0x2f1: {  	v42 =	vld [tilespmem:$0xA510]  }
0x2f2: {  	v43 =	vld [tilespmem:$0xA520]  }
0x2f3: {  	v44 =	vld [tilespmem:$0xA530]  }
0x2f4: {  	v45 =	vld [tilespmem:$0xA540]  }
0x2f5: {  	v46 =	vld [tilespmem:$0xA550]  }
0x2f6: {  	v47 =	vld [tilespmem:$0xA560]  }
0x2f7: {  	v48 =	vld [tilespmem:$0xA570]  }
0x2f8: {  	v49 =	vld [tilespmem:$0xA580]  }
0x2f9: {  	v50 =	vld [tilespmem:$0xA590]  }
0x2fa: {  	v51 =	vld [tilespmem:$0xA5A0]  }
0x2fb: {  	v52 =	vld [tilespmem:$0xA5B0]  }
0x2fc: {  	v53 =	vld [tilespmem:$0xA5C0]  }
0x2fd: {  	v54 =	vld [tilespmem:$0xA5D0]  }
0x2fe: {  	v55 =	vld [tilespmem:$0xA5E0]  }
0x2ff: {  	v56 =	vld [tilespmem:$0xA5F0]  }
0x300: {  	v57 =	vld [tilespmem:$0xA680]  }
0x301: {  	v58 =	vld [tilespmem:$0xA690]  }
0x302: {  	v59 =	vld [tilespmem:$0xA6A0];
	vm0 =	vgt.s32 v9, v10;
	vm1 =	vgt.s32 v11, v12;
	vm2 =	vgt.s32 v13, v14  }
0x303: {  	v60 =	vld [tilespmem:$0xA6B0];
	vm15 =	vgt.s32 v15, v16;
	vm4 =	vgt.s32 v17, v18;
	vm5 =	vgt.s32 v19, v20  }
0x304: {  	v61 =	vld [tilespmem:$0xA6C0];
	vm6 =	vgt.s32 v21, v22;
	vm7 =	vgt.s32 v23, v24;
	vm10 =	vgt.s32 v25, v26  }
0x305: {  	v62 =	vld [tilespmem:$0xA8B0];
	vm11 =	vgt.s32 v27, v28;
	vm12 =	vgt.s32 v29, v30;
	vm13 =	vgt.s32 v31, v32  }
0x306: {  	v63 =	vld [tilespmem:$0xA8C0];
	vm14 =	vgt.s32 v33, v34;
	v9 =	vsel vm0, v9, v10;
	v10 =	vsel vm1, v11, v12  }
0x307: {  	v11 =	vsel vm2, v13, v14;
	v12 =	vsel vm15, v15, v16;
	v15 =	vld [tilespmem:$0xA6D0];
	v13 =	vsel vm5, v19, v20  }
0x308: {  	v16 =	vld [tilespmem:$0xA6E0];
	v14 =	vsel vm6, v21, v22;
	vm15 =	vgt.s32 v35, v36;
	vm5 =	vgt.s32 v39, v40  }
0x309: {  	v19 =	vld [tilespmem:$0xA700];
	vm1 =	vgt.s32 v9, v10;
	vm8 =	vgt.s32 v11, v12;
	v40 =	vsel vm5, v39, v40  }
0x30a: {  	v20 =	vld [tilespmem:$0xA720];
	v9 =	vsel vm1, v9, v10;
	v10 =	vsel vm4, v17, v18;
	v17 =	vsel vm7, v23, v24  }
0x30b: {  	v21 =	vld [tilespmem:$0xA730];
	v11 =	vsel vm8, v11, v12;
	vm4 =	vgt.s32 v37, v38;
	vm8 =	vgt.s32 v41, v42  }
0x30c: {  	v22 =	vld [tilespmem:$0xA740];
	vm9 =	vgt.s32 v10, v13;
	vm2 =	vgt.s32 v14, v17;
	vm0 =	vgt.s32 v9, v11  }
0x30d: {  	v18 =	vld [tilespmem:$0xA6F0];
	v10 =	vsel vm9, v10, v13;
	v12 =	vsel vm2, v14, v17;
	v9 =	vsel vm0, v9, v11  }
0x30e: {  	v23 =	vld [tilespmem:$0xA750];
	v11 =	vsel vm10, v25, v26;
	v13 =	vsel vm12, v29, v30;
	v14 =	vsel vm13, v31, v32  }
0x30f: {  	v24 =	vld [tilespmem:$0xA760];
	vm9 =	vgt.s32 v43, v44;
	vm10 =	vgt.s32 v45, v46;
	vm12 =	vgt.s32 v49, v50  }
0x310: {  	v17 =	vld [tilespmem:$0xA710];
	vm13 =	vgt.s32 v51, v52;
	vm1 =	vgt.s32 v10, v12;
	v44 =	vsel vm9, v43, v44  }
0x311: {  	v25 =	vld [tilespmem:$0xA770];
	v46 =	vsel vm10, v45, v46;
	v50 =	vsel vm12, v49, v50;
	v52 =	vsel vm13, v51, v52  }
0x312: {  	v26 =	vld [tilespmem:$0xA780];
	vm9 =	vgt.s32 v59, v60;
	vm10 =	vgt.s32 v61, v15;
	vm13 =	vgt.s32 v20, v21  }
0x313: {  	v29 =	vld [tilespmem:$0xA790];
	v10 =	vsel vm1, v10, v12;
	v12 =	vsel vm11, v27, v28;
	vm1 =	vgt.s32 v13, v14  }
0x314: {  	v30 =	vld [tilespmem:$0xA7A0];
	v27 =	vsel vm4, v37, v38;
	vm11 =	vgt.s32 v47, v48;
	vm5 =	vgt.s32 v50, v52  }
0x315: {  	v49 =	vld [tilespmem:$0xA8E0];
	v51 =	vsel vm9, v59, v60;
	v15 =	vsel vm10, v61, v15;
	v20 =	vsel vm13, v20, v21  }
0x316: {  	v28 =	vld [tilespmem:$0xA7C0];
	vm0 =	vgt.s32 v11, v12;
	vm2 =	vgt.s32 v27, v40;
	v48 =	vsel vm11, v47, v48  }
0x317: {  	v37 =	vld [tilespmem:$0xA880];
	v31 =	vsel vm5, v50, v52;
	vm11 =	vgt.s32 v16, v18;
	v11 =	vsel vm0, v11, v12  }
0x318: {  	v59 =	vld [tilespmem:$0xA9D0];
	v12 =	vsel vm1, v13, v14;
	v13 =	vsel vm14, v33, v34;
	v14 =	vsel vm15, v35, v36  }
0x319: {  	v60 =	vld [tilespmem:$0xA9E0];
	vm14 =	vgt.s32 v53, v54;
	vm15 =	vgt.s32 v55, v56;
	vm4 =	vgt.s32 v46, v48  }
0x31a: {  	v61 =	vld [tilespmem:$0xA9F0];
	v16 =	vsel vm11, v16, v18;
	vm6 =	vgt.s32 v11, v12;
	vm7 =	vgt.s32 v13, v14  }
0x31b: {  	v52 =	vld [tilespmem:$0xA8F0];
	v54 =	vsel vm14, v53, v54;
	v55 =	vsel vm15, v55, v56;
	v32 =	vsel vm4, v46, v48  }
0x31c: {  	v33 =	vld [tilespmem:$0xA7D0];
	vm12 =	vgt.s32 v19, v17;
	vm14 =	vgt.s32 v22, v23;
	vm15 =	vgt.s32 v24, v25  }
0x31d: {  	v34 =	vld [tilespmem:$0xA7E0];
	vm4 =	vgt.s32 v15, v16;
	v11 =	vsel vm6, v11, v12;
	v12 =	vsel vm7, v13, v14  }
0x31e: {  	[tilespmem:$0xA410] =	vst v0;
	v36 =	vld [tilespmem:$0xA7F0];
	v13 =	vsel vm2, v27, v40;
	v14 =	vsel vm8, v41, v42;
	vm2 =	vgt.s32 v54, v55  }
0x31f: {  	[tilespmem:$0xA420] =	vst v0;
	v48 =	vld [tilespmem:$0xA8D0];
	vm8 =	vgt.s32 v57, v58;
	v17 =	vsel vm12, v19, v17;
	v21 =	vsel vm14, v22, v23  }
0x320: {  	[tilespmem:$0xA430] =	vst v0;
	v53 =	vld [tilespmem:$0xA900];
	v22 =	vsel vm15, v24, v25;
	v15 =	vsel vm4, v15, v16;
	vm1 =	vgt.s32 v14, v44  }
0x321: {  	[tilespmem:$0xA440] =	vst v0;
	v27 =	vld [tilespmem:$0xA7B0];
	v56 =	vsel vm2, v54, v55;
	vm6 =	vgt.s32 v12, v13;
	v50 =	vsel vm8, v57, v58  }
0x322: {  	[tilespmem:$0xA450] =	vst v0;
	v41 =	vld [tilespmem:$0xA890];
	vm5 =	vgt.s32 v17, v20;
	v14 =	vsel vm1, v14, v44;
	vm2 =	vgt.s32 v31, v56  }
0x323: {  	[tilespmem:$0xA460] =	vst v0;
	v42 =	vld [tilespmem:$0xA8A0];
	v12 =	vsel vm6, v12, v13;
	vm1 =	vgt.s32 v50, v51;
	v16 =	vsel vm5, v17, v20  }
0x324: {  	[tilespmem:$0xA470] =	vst v0;
	v19 =	vld [tilespmem:$0xA910];
	vm6 =	vgt.s32 v26, v29;
	vm13 =	vgt.s32 v49, v52;
	vm7 =	vgt.s32 v14, v32  }
0x325: {  	[tilespmem:$0xA610] =	vst v0;
	v23 =	vld [tilespmem:$0xA930];
	v18 =	vsel vm1, v50, v51;
	vm8 =	vgt.s32 v28, v33;
	vm9 =	vgt.s32 v34, v36  }
0x326: {  	[tilespmem:$0xA620] =	vst v0;
	v24 =	vld [tilespmem:$0xA940];
	v13 =	vsel vm7, v14, v32;
	v14 =	vsel vm2, v31, v56;
	vm2 =	vgt.s32 v21, v22  }
0x327: {  	[tilespmem:$0xA630] =	vst v0;
	v54 =	vld [tilespmem:$0xA920];
	vm0 =	vgt.s32 v18, v15;
	vm12 =	vgt.s32 v63, v48;
	v32 =	vsel vm13, v49, v52  }
0x328: {  	[tilespmem:$0xA640] =	vst v0;
	v55 =	vld [tilespmem:$0xA990];
	v17 =	vsel vm2, v21, v22;
	v15 =	vsel vm0, v18, v15;
	vm7 =	vgt.s32 v30, v27  }
0x329: {  	[tilespmem:$0xA650] =	vst v0;
	v20 =	vld [tilespmem:$0xA950];
	vm10 =	vgt.s32 v37, v41;
	vm11 =	vgt.s32 v42, v62;
	v31 =	vsel vm12, v63, v48  }
0x32a: {  	[tilespmem:$0xA660] =	vst v0;
	v57 =	vld [tilespmem:$0xA9C0];
	vm4 =	vgt.s32 v53, v19;
	vm1 =	vgt.s32 v16, v17;
	v25 =	vsel vm7, v30, v27  }
0x32b: {  	[tilespmem:$0xA670] =	vst v0;
	v21 =	vld [tilespmem:$0xA960];
	v27 =	vsel vm9, v34, v36;
	v58 =	vsel vm11, v42, v62;
	vm2 =	vgt.s32 v31, v32  }
0x32c: {  	[tilespmem:$0xA810] =	vst v0;
	v18 =	vld [tilespmem:$0xA970];
	vm5 =	vgt.s32 v54, v23;
	v19 =	vsel vm4, v53, v19;
	vm11 =	vgt.s32 v60, v61  }
0x32d: {  	[tilespmem:$0xA820] =	vst v0;
	v22 =	vld [tilespmem:$0xA980];
	v16 =	vsel vm1, v16, v17;
	v17 =	vsel vm6, v26, v29;
	v26 =	vsel vm8, v28, v33  }
0x32e: {  	[tilespmem:$0xA830] =	vst v0;
	v56 =	vld [tilespmem:$0xA9A0];
	vm6 =	vgt.s32 v24, v20;
	vm0 =	vgt.s32 v17, v25;
	vm1 =	vgt.s32 v26, v27  }
0x32f: {  	[tilespmem:$0xA840] =	vst v0;
	v23 =	vsel vm5, v54, v23;
	v17 =	vsel vm0, v17, v25;
	v25 =	vsel vm1, v26, v27;
	v27 =	vld [tilespmem:$0xA9B0]  }
0x330: {  	[tilespmem:$0xA850] =	vst v0;
	v62 =	vsel vm11, v60, v61;
	v20 =	vsel vm6, v24, v20;
	v26 =	vsel vm10, v37, v41  }
0x331: {  	[tilespmem:$0xA860] =	vst v0;
	vm1 =	vgt.s32 v19, v23;
	vm10 =	vgt.s32 v57, v59;
	vm14 =	vgt.s32 v17, v25  }
0x332: {  	[tilespmem:$0xA870] =	vst v0;
	vm15 =	vgt.s32 v26, v58;
	vm7 =	vgt.s32 v21, v18;
	vm8 =	vgt.s32 v22, v55  }
0x333: {  	[tilespmem:$0xAA10] =	vst v0;
	v23 =	vsel vm1, v19, v23;
	v17 =	vsel vm14, v17, v25;
	v25 =	vsel vm15, v26, v58  }
0x334: {  	[tilespmem:$0xAA20] =	vst v0;
	v26 =	vsel vm2, v31, v32;
	v21 =	vsel vm7, v21, v18;
	vm9 =	vgt.s32 v56, v27  }
0x335: {  	[tilespmem:$0xAA30] =	vst v0;
	v22 =	vsel vm8, v22, v55;
	v18 =	vld [tilespmem:$0xA400];
	v24 =	vsel vm9, v56, v27;
	v27 =	vsel vm10, v57, v59  }
0x336: {  	[tilespmem:$0xAA40] =	vst v0;
	vm12 =	vgt.s32 v20, v21;
	vm13 =	vgt.s32 v22, v24;
	vm2 =	vgt.s32 v27, v62  }
0x337: {  	[tilespmem:$0xAA50] =	vst v0;
	v19 =	vld [tilespmem:$0xA600];
	v63 =	vsel vm12, v20, v21;
	v24 =	vsel vm13, v22, v24;
	v27 =	vsel vm2, v27, v62  }
0x338: {  	[tilespmem:$0xAA60] =	vst v0;
	vm14 =	vgt.s32 v25, v26;
	v20 =	vld [tilespmem:$0xA800];
	vm15 =	vgt.s32 v23, v63;
	vm2 =	vgt.s32 v24, v27  }
0x339: {  	[tilespmem:$0xAA70] =	vst v0;
	s26 =	simm.s32 $0x0;
	v21 =	vsel vm14, v25, v26;
	v22 =	vsel vm15, v23, v63;
	v23 =	vsel vm2, v24, v27;
	v24 =	vld [tilespmem:$0xAA00]  }
.LBB2_9:
0x33a: {  	vm0 =	vgt.s32 v9, v10;
	vm1 =	vgt.s32 v11, v18  }
0x33b: {  	v25 =	vsel vm0, v9, v10;
	v26 =	vsel vm1, v11, v18  }
0x33c: {  	vm0 =	vgt.s32 v25, v26  }
0x33d: {  	v25 =	vsel vm0, v25, v26  }
0x33e: {  	v26 =	vandn.u32 $0xFF, v25  }
0x33f: {  	v27 =	vshll.u32 v26, $0x6  }
0x340: {  	v27 =	vor.u32 v1, v27;
	_ =	sdelay $0x4  }
0x341: {  	v28 =	vshll.u32 v26, $0x4;
	v29 =	vshrl.u32 v26, $0x3;
	v27 =	vld.idx.msk [tilespmem:v27+s11+$0x0], $0xffff  }
0x342: {  	v28 =	vor.u32 v1, v28;
	v30 =	vshll.u32 v29, $0x7  }
0x343: {  	v31 =	vor.u32 v1, v30  }
0x344: {  	v32 =	vor.u32 v2, v30  }
0x345: {  	s0 =	sshra.s32 s26, $0x2;
	v33 =	vor.u32 v3, v30  }
0x346: {  	v40 =	vor.u32 v5, v30;
	[tilespmem:s0+$0x6400] =	vst v27  }
0x347: {  	v34 =	vor.u32 v6, v30;
	[tilespmem:v28+s12+$0x0] =	vst.idx.msk $0xffff, v0  }
0x348: {  	v35 =	vor.u32 v7, v30;
	v31 =	vld.idx.msk [tilespmem:v31+s12+$0x0], $0xffff  }
0x349: {  	v27 =	vor.u32 v4, v30;
	v32 =	vld.idx.msk [tilespmem:v32+s12+$0x0], $0xffff  }
0x34a: {  	v30 =	vor.u32 v8, v30;
	v33 =	vld.idx.msk [tilespmem:v33+s12+$0x0], $0xffff  }
0x34b: {  	v28 =	vld.idx.msk [tilespmem:v40+s12+$0x0], $0xffff  }
0x34c: {  	v34 =	vld.idx.msk [tilespmem:v34+s12+$0x0], $0xffff  }
0x34d: {  	v35 =	vld.idx.msk [tilespmem:v35+s12+$0x0], $0xffff  }
0x34e: {  	vm13 =	vgt.s32 v12, v13;
	vm14 =	vgt.s32 v14, v19;
	v27 =	vld.idx.msk [tilespmem:v27+s12+$0x0], $0xffff  }
0x34f: {  	v42 =	vsel vm13, v12, v13;
	v43 =	vsel vm14, v14, v19;
	v30 =	vld.idx.msk [tilespmem:v30+s12+$0x0], $0xffff  }
0x350: {  	vm1 =	vgt.s32 v42, v43;
	v25 =	vxor.u32 $0xFFFFFFFF, v25;
	v29 =	vshll.u32 v29, $0x4  }
0x351: {  	v36 =	vsel vm1, v42, v43;
	v25 =	vshll.u32 v25, $0x1;
	v29 =	vor.u32 v1, v29  }
0x352: {  	v26 =	vshrl.u32 v26, $0x6;
	v25 =	vand.u32 $0x180, v25;
	v29 =	vand.u32 $0x7F, v29  }
0x353: {  	v25 =	vor.u32 v25, v29;
	vm8 =	vgt.s32 v31, v32;
	vm10 =	vgt.s32 v28, v34  }
0x354: {  	v31 =	vsel vm8, v31, v32;
	vm9 =	vgt.s32 v33, v27;
	vm11 =	vgt.s32 v35, v30  }
0x355: {  	v28 =	vsel vm10, v28, v34;
	v27 =	vsel vm9, v33, v27;
	v30 =	vsel vm11, v35, v30  }
0x356: {  	v41 =	vshll.u32 v26, $0x7;
	vm12 =	vgt.s32 v31, v27;
	vm15 =	vgt.s32 v28, v30  }
0x357: {  	v44 =	vor.u32 v1, v41;
	v27 =	vsel vm12, v31, v27;
	v28 =	vsel vm15, v28, v30  }
0x358: {  	v37 =	vandn.u32 $0xFF, v36;
	v45 =	vor.u32 v2, v41;
	vm0 =	vgt.s32 v27, v28  }
0x359: {  	v48 =	vshll.u32 v37, $0x6;
	v46 =	vor.u32 v3, v41;
	v27 =	vsel vm0, v27, v28  }
0x35a: {  	[tilespmem:v25+s13+$0x0] =	vst.idx.msk $0xffff, v27;
	v25 =	vor.u32 v2, v48  }
0x35b: {  	v27 =	vor.u32 v5, v41  }
0x35c: {  	v47 =	vor.u32 v4, v41;
	v28 =	vld.idx.msk [tilespmem:v44+s13+$0x0], $0xffff  }
0x35d: {  	v49 =	vor.u32 v6, v41;
	v29 =	vld.idx.msk [tilespmem:v45+s13+$0x0], $0xffff  }
0x35e: {  	v50 =	vor.u32 v7, v41;
	v30 =	vld.idx.msk [tilespmem:v46+s13+$0x0], $0xffff  }
0x35f: {  	v51 =	vshll.u32 v37, $0x4;
	v39 =	vshrl.u32 v37, $0x3;
	v38 =	vor.u32 v8, v41;
	v25 =	vld.idx.msk [tilespmem:v25+s11+$0x0], $0xffff  }
0x360: {  	v40 =	vshll.u32 v39, $0x7;
	v31 =	vld.idx.msk [tilespmem:v27+s13+$0x0], $0xffff;
	v27 =	vor.u32 v1, v51  }
0x361: {  	v41 =	vor.u32 v1, v40;
	v32 =	vld.idx.msk [tilespmem:v47+s13+$0x0], $0xffff  }
0x362: {  	v42 =	vor.u32 v2, v40;
	v33 =	vld.idx.msk [tilespmem:v49+s13+$0x0], $0xffff  }
0x363: {  	v52 =	vor.u32 v3, v40;
	v34 =	vld.idx.msk [tilespmem:v50+s13+$0x0], $0xffff  }
0x364: {  	v43 =	vor.u32 v6, v40;
	v35 =	vld.idx.msk [tilespmem:v38+s13+$0x0], $0xffff;
	[tilespmem:s0+$0x6410] =	vst v25  }
0x365: {  	v44 =	vor.u32 v7, v40;
	[tilespmem:v27+s14+$0x0] =	vst.idx.msk $0xffff, v0  }
0x366: {  	v25 =	vor.u32 v4, v40;
	v41 =	vld.idx.msk [tilespmem:v41+s14+$0x0], $0xffff  }
0x367: {  	v27 =	vor.u32 v5, v40;
	v42 =	vld.idx.msk [tilespmem:v42+s14+$0x0], $0xffff  }
0x368: {  	v40 =	vor.u32 v8, v40;
	v38 =	vld.idx.msk [tilespmem:v52+s14+$0x0], $0xffff  }
0x369: {  	v43 =	vld.idx.msk [tilespmem:v43+s14+$0x0], $0xffff  }
0x36a: {  	v44 =	vld.idx.msk [tilespmem:v44+s14+$0x0], $0xffff  }
0x36b: {  	v45 =	vld.idx.msk [tilespmem:v25+s14+$0x0], $0xffff  }
0x36c: {  	v36 =	vxor.u32 $0xFFFFFFFF, v36;
	v27 =	vld.idx.msk [tilespmem:v27+s14+$0x0], $0xffff  }
0x36d: {  	v36 =	vshll.u32 v36, $0x1;
	vm10 =	vgt.s32 v17, v20;
	vm9 =	vgt.s32 v15, v16;
	v40 =	vld.idx.msk [tilespmem:v40+s14+$0x0], $0xffff  }
0x36e: {  	v39 =	vshll.u32 v39, $0x4;
	v59 =	vsel vm10, v17, v20;
	v58 =	vsel vm9, v15, v16  }
0x36f: {  	v36 =	vand.u32 $0x180, v36;
	v53 =	vor.u32 v1, v39;
	vm1 =	vgt.s32 v58, v59  }
0x370: {  	v25 =	vshrl.u32 v37, $0x6;
	v37 =	vand.u32 $0x7F, v53;
	vm4 =	vgt.s32 v41, v42  }
0x371: {  	v36 =	vor.u32 v36, v37;
	v55 =	vshll.u32 v25, $0x7;
	v54 =	vsel vm4, v41, v42  }
0x372: {  	vm5 =	vgt.s32 v38, v45;
	vm6 =	vgt.s32 v27, v43;
	vm7 =	vgt.s32 v44, v40  }
0x373: {  	v38 =	vsel vm5, v38, v45;
	v27 =	vsel vm6, v27, v43;
	v40 =	vsel vm7, v44, v40  }
0x374: {  	v60 =	vor.u32 v1, v55;
	vm8 =	vgt.s32 v54, v38;
	vm11 =	vgt.s32 v27, v40  }
0x375: {  	v43 =	vsel vm1, v58, v59;
	v38 =	vsel vm8, v54, v38;
	v27 =	vsel vm11, v27, v40  }
0x376: {  	v61 =	vor.u32 v2, v55;
	v63 =	vandn.u32 $0xFF, v43;
	vm0 =	vgt.s32 v38, v27  }
0x377: {  	v62 =	vor.u32 v3, v55;
	v57 =	vshll.u32 v63, $0x6;
	v27 =	vsel vm0, v38, v27  }
0x378: {  	[tilespmem:v36+s15+$0x0] =	vst.idx.msk $0xffff, v27;
	v27 =	vor.u32 v3, v57  }
0x379: {  	v56 =	vor.u32 v4, v55  }
0x37a: {  	v58 =	vor.u32 v5, v55;
	v42 =	vld.idx.msk [tilespmem:v60+s15+$0x0], $0xffff  }
0x37b: {  	v59 =	vor.u32 v6, v55;
	v45 =	vld.idx.msk [tilespmem:v61+s15+$0x0], $0xffff  }
0x37c: {  	v46 =	vor.u32 v7, v55;
	v37 =	vld.idx.msk [tilespmem:v62+s15+$0x0], $0xffff  }
0x37d: {  	v39 =	vor.u32 v8, v55;
	v47 =	vshll.u32 v63, $0x4;
	v48 =	vshrl.u32 v63, $0x3;
	v27 =	vld.idx.msk [tilespmem:v27+s11+$0x0], $0xffff  }
0x37e: {  	v47 =	vor.u32 v1, v47;
	v49 =	vshll.u32 v48, $0x7;
	v40 =	vld.idx.msk [tilespmem:v56+s15+$0x0], $0xffff  }
0x37f: {  	v50 =	vor.u32 v1, v49;
	v38 =	vld.idx.msk [tilespmem:v58+s15+$0x0], $0xffff  }
0x380: {  	v41 =	vld.idx.msk [tilespmem:v59+s15+$0x0], $0xffff;
	v60 =	vor.u32 v2, v49  }
0x381: {  	v51 =	vor.u32 v3, v49;
	v36 =	vld.idx.msk [tilespmem:v46+s15+$0x0], $0xffff  }
0x382: {  	v39 =	vld.idx.msk [tilespmem:v39+s15+$0x0], $0xffff;
	v61 =	vor.u32 v5, v49;
	[tilespmem:s0+$0x6420] =	vst v27  }
0x383: {  	v52 =	vor.u32 v6, v49;
	[tilespmem:v47+s16+$0x0] =	vst.idx.msk $0xffff, v0  }
0x384: {  	v53 =	vor.u32 v7, v49;
	v50 =	vld.idx.msk [tilespmem:v50+s16+$0x0], $0xffff  }
0x385: {  	v27 =	vor.u32 v4, v49;
	v46 =	vld.idx.msk [tilespmem:v60+s16+$0x0], $0xffff  }
0x386: {  	v49 =	vor.u32 v8, v49;
	v51 =	vld.idx.msk [tilespmem:v51+s16+$0x0], $0xffff  }
0x387: {  	v47 =	vld.idx.msk [tilespmem:v61+s16+$0x0], $0xffff  }
0x388: {  	v52 =	vld.idx.msk [tilespmem:v52+s16+$0x0], $0xffff  }
0x389: {  	v53 =	vld.idx.msk [tilespmem:v53+s16+$0x0], $0xffff  }
0x38a: {  	vm5 =	vgt.s32 v21, v22;
	v43 =	vxor.u32 $0xFFFFFFFF, v43;
	v48 =	vshll.u32 v48, $0x4;
	v54 =	vld.idx.msk [tilespmem:v27+s16+$0x0], $0xffff  }
0x38b: {  	vm6 =	vgt.s32 v23, v24;
	v43 =	vshll.u32 v43, $0x1;
	v62 =	vor.u32 v1, v48;
	v49 =	vld.idx.msk [tilespmem:v49+s16+$0x0], $0xffff  }
0x38c: {  	v43 =	vand.u32 $0x180, v43;
	v44 =	vand.u32 $0x7F, v62;
	v27 =	vshrl.u32 v63, $0x6  }
0x38d: {  	v55 =	vsel vm6, v23, v24;
	v43 =	vor.u32 v43, v44;
	v44 =	vshll.u32 v27, $0x7  }
0x38e: {  	vm12 =	vgt.s32 v50, v46;
	vm14 =	vgt.s32 v47, v52;
	v56 =	vor.u32 v1, v44  }
0x38f: {  	v57 =	vor.u32 v2, v44;
	v46 =	vsel vm12, v50, v46;
	vm13 =	vgt.s32 v51, v54  }
0x390: {  	vm15 =	vgt.s32 v53, v49;
	v63 =	vsel vm13, v51, v54;
	v54 =	vsel vm5, v21, v22  }
0x391: {  	v47 =	vsel vm14, v47, v52;
	v49 =	vsel vm15, v53, v49;
	vm1 =	vgt.s32 v54, v55  }
0x392: {  	vm4 =	vgt.s32 v46, v63;
	vm7 =	vgt.s32 v47, v49;
	v48 =	vsel vm1, v54, v55  }
0x393: {  	v46 =	vsel vm4, v46, v63;
	v47 =	vsel vm7, v47, v49;
	v52 =	vandn.u32 $0xFF, v48  }
0x394: {  	v58 =	vor.u32 v3, v44;
	vm0 =	vgt.s32 v46, v47;
	v60 =	vshll.u32 v52, $0x6  }
0x395: {  	v46 =	vsel vm0, v46, v47;
	v61 =	vor.u32 v4, v60  }
0x396: {  	v59 =	vor.u32 v4, v44;
	[tilespmem:v43+s17+$0x0] =	vst.idx.msk $0xffff, v46  }
0x397: {  	v62 =	vor.u32 v5, v44;
	v46 =	vld.idx.msk [tilespmem:v56+s17+$0x0], $0xffff  }
0x398: {  	v63 =	vor.u32 v6, v44;
	v49 =	vld.idx.msk [tilespmem:v57+s17+$0x0], $0xffff  }
0x399: {  	v60 =	vor.u32 v7, v44;
	v50 =	vld.idx.msk [tilespmem:v58+s17+$0x0], $0xffff  }
0x39a: {  	v55 =	vshll.u32 v52, $0x4;
	v44 =	vor.u32 v8, v44;
	v56 =	vshrl.u32 v52, $0x3;
	v43 =	vld.idx.msk [tilespmem:v61+s11+$0x0], $0xffff  }
0x39b: {  	v55 =	vor.u32 v1, v55;
	v47 =	vld.idx.msk [tilespmem:v59+s17+$0x0], $0xffff;
	v57 =	vshll.u32 v56, $0x7  }
0x39c: {  	v51 =	vld.idx.msk [tilespmem:v62+s17+$0x0], $0xffff;
	v58 =	vor.u32 v1, v57  }
0x39d: {  	v53 =	vld.idx.msk [tilespmem:v63+s17+$0x0], $0xffff;
	v59 =	vor.u32 v2, v57  }
0x39e: {  	vm9 =	vgt.s32 v30, v32;
	vm10 =	vgt.s32 v31, v33;
	v54 =	vld.idx.msk [tilespmem:v60+s17+$0x0], $0xffff;
	v60 =	vor.u32 v3, v57  }
0x39f: {  	v31 =	vsel vm10, v31, v33;
	v44 =	vld.idx.msk [tilespmem:v44+s17+$0x0], $0xffff;
	v61 =	vor.u32 v4, v57;
	[tilespmem:s0+$0x6430] =	vst v43  }
0x3a0: {  	vm2 =	veq.s32 v26, $0x3;
	v62 =	vsel vm9, v30, v32;
	v32 =	vor.u32 v6, v57;
	[tilespmem:v55+s18+$0x0] =	vst.idx.msk $0xffff, v0  }
0x3a1: {  	vm8 =	vgt.s32 v28, v29;
	vm11 =	vgt.s32 v34, v35;
	v55 =	vor.u32 v5, v57;
	v30 =	vld.idx.msk [tilespmem:v58+s18+$0x0], $0xffff  }
0x3a2: {  	v28 =	vsel vm8, v28, v29;
	v63 =	vsel vm11, v34, v35;
	v58 =	vld.idx.msk [tilespmem:v59+s18+$0x0], $0xffff;
	v59 =	vor.u32 v7, v57  }
0x3a3: {  	vm12 =	vgt.s32 v28, v62;
	vm1 =	vgt.s32 v31, v63;
	v34 =	vld.idx.msk [tilespmem:v60+s18+$0x0], $0xffff;
	v60 =	vor.u32 v8, v57  }
0x3a4: {  	vm14 =	veq.s32 v26, $0x1;
	v28 =	vsel vm12, v28, v62;
	v43 =	vld.idx.msk [tilespmem:v61+s18+$0x0], $0xffff;
	v61 =	vsel vm1, v31, v63  }
0x3a5: {  	vm13 =	veq.s32 v26, $0x0;
	vm4 =	vgt.s32 v42, v45;
	v32 =	vld.idx.msk [tilespmem:v32+s18+$0x0], $0xffff;
	vm0 =	vgt.s32 v28, v61  }
0x3a6: {  	vm15 =	veq.s32 v26, $0x2;
	v26 =	vsel vm4, v42, v45;
	v28 =	vsel vm0, v28, v61;
	v62 =	vld.idx.msk [tilespmem:v55+s18+$0x0], $0xffff  }
0x3a7: {  	vm11 =	vgt.s32 v37, v40;
	vm4 =	vgt.s32 v46, v49;
	v9 =	vsel vm13, v28, v9;
	v63 =	vld.idx.msk [tilespmem:v59+s18+$0x0], $0xffff  }
0x3a8: {  	v10 =	vsel vm14, v28, v10;
	v11 =	vsel vm15, v28, v11;
	v18 =	vsel vm2, v28, v18;
	v55 =	vld.idx.msk [tilespmem:v60+s18+$0x0], $0xffff  }
0x3a9: {  	vm13 =	vgt.s32 v38, v41;
	vm5 =	vgt.s32 v30, v58;
	vm6 =	vgt.s32 v34, v43  }
0x3aa: {  	v59 =	vxor.u32 $0xFFFFFFFF, v48;
	v60 =	vshll.u32 v56, $0x4;
	v57 =	vsel vm5, v30, v58  }
0x3ab: {  	v58 =	vsel vm6, v34, v43;
	v61 =	vor.u32 v1, v60;
	vm7 =	vgt.s32 v62, v32  }
0x3ac: {  	v34 =	vshrl.u32 v52, $0x6;
	v31 =	vsel vm7, v62, v32;
	v32 =	vshll.u32 v59, $0x1  }
0x3ad: {  	v33 =	vand.u32 $0x7F, v61;
	vm8 =	vgt.s32 v63, v55;
	v32 =	vand.u32 $0x180, v32  }
0x3ae: {  	v62 =	vshll.u32 v34, $0x7;
	v29 =	vsel vm8, v63, v55;
	v32 =	vor.u32 v32, v33  }
0x3af: {  	vm9 =	vgt.s32 v57, v58;
	v63 =	vor.u32 v1, v62;
	vm10 =	vgt.s32 v31, v29  }
0x3b0: {  	v28 =	vsel vm9, v57, v58;
	v42 =	vor.u32 v2, v62;
	v29 =	vsel vm10, v31, v29  }
0x3b1: {  	vm14 =	vgt.s32 v36, v39;
	v45 =	vor.u32 v3, v62;
	vm12 =	vgt.s32 v28, v29  }
0x3b2: {  	v38 =	vsel vm13, v38, v41;
	v48 =	vor.u32 v4, v62;
	v28 =	vsel vm12, v28, v29  }
0x3b3: {  	v36 =	vsel vm14, v36, v39;
	vm13 =	veq.s32 v25, $0x3;
	v52 =	vor.u32 v5, v62;
	[tilespmem:v32+s19+$0x0] =	vst.idx.msk $0xffff, v28  }
0x3b4: {  	vm0 =	vgt.s32 v38, v36;
	v43 =	vsel vm11, v37, v40;
	v55 =	vor.u32 v6, v62;
	v30 =	vld.idx.msk [tilespmem:v63+s19+$0x0], $0xffff  }
0x3b5: {  	v36 =	vsel vm0, v38, v36;
	vm5 =	vgt.s32 v50, v47;
	v56 =	vor.u32 v7, v62;
	v31 =	vld.idx.msk [tilespmem:v42+s19+$0x0], $0xffff  }
0x3b6: {  	vm6 =	vgt.s32 v51, v53;
	vm11 =	veq.s32 v25, $0x1;
	v33 =	vor.u32 v8, v62;
	v37 =	vld.idx.msk [tilespmem:v45+s19+$0x0], $0xffff  }
0x3b7: {  	vm15 =	vgt.s32 v26, v43;
	v57 =	vsel vm4, v46, v49;
	v58 =	vsel vm5, v50, v47;
	v29 =	vld.idx.msk [tilespmem:v48+s19+$0x0], $0xffff  }
0x3b8: {  	v26 =	vsel vm15, v26, v43;
	vm9 =	vgt.s32 v57, v58;
	vm7 =	vgt.s32 v54, v44;
	v28 =	vld.idx.msk [tilespmem:v52+s19+$0x0], $0xffff  }
0x3b9: {  	v59 =	vsel vm6, v51, v53;
	v61 =	vsel vm9, v57, v58;
	v60 =	vsel vm7, v54, v44;
	v32 =	vld.idx.msk [tilespmem:v55+s19+$0x0], $0xffff  }
0x3ba: {  	vm9 =	veq.s32 v27, $0x1;
	vm8 =	vgt.s32 v26, v36;
	vm1 =	vgt.s32 v59, v60;
	v35 =	vld.idx.msk [tilespmem:v56+s19+$0x0], $0xffff  }
0x3bb: {  	vm7 =	veq.s32 v27, $0x0;
	v26 =	vsel vm8, v26, v36;
	v62 =	vsel vm1, v59, v60;
	v33 =	vld.idx.msk [tilespmem:v33+s19+$0x0], $0xffff  }
0x3bc: {  	vm10 =	veq.s32 v25, $0x0;
	v13 =	vsel vm11, v26, v13;
	v19 =	vsel vm13, v26, v19  }
0x3bd: {  	vm11 =	veq.s32 v27, $0x3;
	vm13 =	veq.s32 v34, $0x1;
	v12 =	vsel vm10, v26, v12  }
0x3be: {  	vm14 =	vgt.s32 v61, v62;
	vm10 =	veq.s32 v27, $0x2;
	vm12 =	veq.s32 v25, $0x2  }
0x3bf: {  	v14 =	vsel vm12, v26, v14;
	vm15 =	vgt.s32 v30, v31;
	vm4 =	vgt.s32 v37, v29  }
0x3c0: {  	vm5 =	vgt.s32 v28, v32;
	vm6 =	vgt.s32 v35, v33;
	v26 =	vsel vm15, v30, v31  }
0x3c1: {  	v29 =	vsel vm4, v37, v29;
	v28 =	vsel vm5, v28, v32;
	v63 =	vsel vm6, v35, v33  }
0x3c2: {  	p0 =	sne.s32 s26, $0x3100;
	v25 =	vsel vm14, v61, v62;
	vm8 =	vgt.s32 v26, v29;
	vm1 =	vgt.s32 v28, v63  }
.Ltmp3:
0x3c3: {  	vm14 =	veq.s32 v34, $0x2;
	v26 =	vsel vm8, v26, v29;
	v28 =	vsel vm1, v28, v63;
	(pc) =	sbr.rel @p0 .LBB2_9-.Ltmp3, $4  }
0x3c4: {  	v15 =	vsel vm7, v25, v15;
	v16 =	vsel vm9, v25, v16;
	vm1 =	vgt.s32 v26, v28  }
0x3c5: {  	vm12 =	veq.s32 v34, $0x0;
	v17 =	vsel vm10, v25, v17;
	v26 =	vsel vm1, v26, v28  }
0x3c6: {  	v20 =	vsel vm11, v25, v20;
	vm15 =	veq.s32 v34, $0x3;
	v21 =	vsel vm12, v26, v21  }
0x3c7: {  	s26 =	sadd.s32 $0x100, s26;
	v22 =	vsel vm13, v26, v22;
	v23 =	vsel vm14, v26, v23;
	v24 =	vsel vm15, v26, v24  }
0x3c8: {  	s0 =	smul.u32 $0x190, s25;
	s24 =	sadd.s32 $0x1, s24  }
0x3c9: {  	p0 =	sne.s32 s24, $0x10  }
.Ltmp4:
0x3ca: {  	s30 =	simm.s32 $0x3;
	s0 =	sadd.s32 s31, s0;
	(pc) =	sbr.rel @p0 .LBB2_2-.Ltmp4, $4  }
0x3cb: {  	[hbm4b:s0+s3] =	stream.linear.scatter [tilespmem:s21], [sflag:$0x3], $0xC80, $0x38;
	[tilespmem:$0xAA80] =	vst v63  }
0x3cc: {  	_ =	swait.ge [sflag:s30], $0xC80  }
0x3cd: {  	[sflag:s30] =	ssyncset.done $0x0  }
0x3ce: {  	[sflag:s30] =	ssyncadd.s32 $0xFFFFF380  }
0x3cf: {  	s1 =	rddreg [dreg:$0x9]  }
0x3d0: {  	s0 =	rddreg [dreg:$0x8];
	s1 =	sadd.s32 $0x1, s1  }
0x3d1: {  	p0 =	sne.s32 s1, s0  }
.Ltmp5:
0x3d2: {  	_ = 	snop;
	(pc) =	sbr.rel @p0 .LBB2_1-.Ltmp5, $1  }
0x3d3: {  	_ =	sdelay $0x3  }
0x3d4: {  	_ =	sfence.sel $0x180000  }
0x3d5: {  	[bflag:$0x0] =	sbarrier.arrive $0xFFFF  }
0x3d6: {  	_ =	strace $0x90000047  }
0x3d7: {  	s0 =	stileid.u32;
	[bflag:$0x2] =	sbarrier.arrive $0xFFFF  }
0x3d8: {  	p0 =	sne.s32 s0, $0x0;
	s0 =	rddreg [dreg:$0x2]  }
0x3d9: {  	s0 =	sadd.s32 @!p0 $0x100000, s0  }
0x3da: {  	[sflag:s0] =	ssyncadd.tile.s32 @!p0 $0x1;
	_ =	shalt  }
.Lfunc_end2:
_tile_overlayer_lowered:
.L_overlay_start_2:
0x3db: {  	(tag) =	ssettag $0x2  }
0x3dc: {  	s0 =	rddreg [dreg:$0x0];
	s2 =	stileid.u32  }
0x3dd: {  	s1 =	rddreg [dreg:$0x1];
	p0 =	sne.s32 s2, $0x0  }
0x3de: {  	s3 =	rddreg [dreg:$0x2];
	[bflag:$0x3] =	sbarrier.arrive $0xFFFF;
	s2 =	simm.s32 @!p0 $0x1C03  }
0x3df: {  	[timem:s3], [sflag:s2] =	dma.local @!p0 [hbm:s0], s1  }
0x3e0: {  	s0 =	simm.s32 @!p0 $0x3  }
0x3e1: {  	_ =	swait.ge @!p0 [sflag:s0], s1  }
0x3e2: {  	s1 =	ssub.s32 @!p0 $0x0, s1;
	[sflag:s0] =	ssyncset.done @!p0 $0x0  }
0x3e3: {  	[sflag:s0] =	ssyncadd.s32 @!p0 s1  }
0x3e4: {  	[bflag:$0x3] =	sbarrier.arrive $0xFFFF  }
0x3e5: {  	_ =	shalt  }

</sc_bundles>
